<compile_context>
chip_gen: v7x
topology: tpu7x:2x2x1
jax: 0.10.2.dev20260603
libtpu: 0.0.44.dev20260713+nightly
codegen_flags: <defaults>
</compile_context>

<pallas_src>
import jax
import jax.numpy as jnp
from jax import lax
from jax.experimental import pallas as pl
from jax.experimental.pallas import tpu as pltpu
from jax.experimental.pallas import tpu_sc as plsc

B = 64
DIM = 8192
MAX_VAL = 32
NC = 2
NS = 16
NW = NC * NS
ROWS_PER_W = B // NW
E = 512
CW = E * MAX_VAL
N_CHUNKS = DIM // E
GROUPS = E // 16
NBUF = 4


def _body(x_hbm, g_hbm, u_hbm, w_hbm, out_hbm,
          gbuf0, gbuf1, gbuf2, gbuf3, rowbuf, xbuf, wbuf, ubuf,
          sem0, sem1, sem2, sem3):
    wid = lax.axis_index("s") * NC + lax.axis_index("c")
    pltpu.sync_copy(w_hbm, wbuf)
    pltpu.sync_copy(u_hbm, ubuf)
    iota = lax.iota(jnp.int32, 16)
    pcs = [iota * MAX_VAL + ((iota + k) & (MAX_VAL - 1)) for k in range(MAX_VAL)]

    def compute_chunk(gbuf, ci):
        def group_body(gi, _):
            gslice = gbuf.at[pl.ds(gi * 16 * MAX_VAL, 16 * MAX_VAL)]
            best = plsc.load_gather(gslice, [pcs[0]])
            bpc = pcs[0]
            for k in range(1, MAX_VAL):
                dk = plsc.load_gather(gslice, [pcs[k]])
                take = (dk > best) | ((dk == best) & (pcs[k] < bpc))
                bpc = jnp.where(take, pcs[k], bpc)
                best = jnp.maximum(dk, best)
            cand = (bpc & (MAX_VAL - 1)).astype(jnp.float32)
            rowbuf[pl.ds(ci * E + gi * 16, 16)] = cand
            return 0

        lax.fori_loop(0, GROUPS, group_body, 0)

    gbufs = [gbuf0, gbuf1, gbuf2, gbuf3]
    sems = [sem0, sem1, sem2, sem3]

    for r in range(ROWS_PER_W):
        b = wid * ROWS_PER_W + r
        for j in range(NBUF):
            pltpu.async_copy(g_hbm.at[b, pl.ds(j * CW, CW)], gbufs[j], sems[j])

        def super_body(sp, _, b=b):
            for j in range(NBUF):
                ci = sp * NBUF + j
                pltpu.make_async_copy(
                    g_hbm.at[b, pl.ds(0, CW)], gbufs[j], sems[j]).wait()
                compute_chunk(gbufs[j], ci)

                @pl.when(ci + NBUF < N_CHUNKS)
                def _(ci=ci, j=j):
                    pltpu.async_copy(
                        g_hbm.at[b, pl.ds((ci + NBUF) * CW, CW)],
                        gbufs[j], sems[j])

            return 0

        lax.fori_loop(0, N_CHUNKS // NBUF, super_body, 0)

        pltpu.sync_copy(x_hbm.at[b], xbuf)

        def dot_body(j, accv):
            nv = rowbuf[pl.ds(j * 16, 16)]
            xv = xbuf[pl.ds(j * 16, 16)]
            wv = wbuf[pl.ds(j * 16, 16)]
            return accv + (nv - xv) * wv

        accv = lax.fori_loop(0, DIM // 16, dot_body,
                             jnp.zeros((16,), jnp.float32))
        diff = jnp.sum(accv)
        la = jnp.exp(jnp.full((16,), diff))
        ub = plsc.load_gather(ubuf, [jnp.full((16,), b, jnp.int32)])
        accept = la > ub

        def blend_body(j, _):
            nv = rowbuf[pl.ds(j * 16, 16)]
            xv = xbuf[pl.ds(j * 16, 16)]
            rowbuf[pl.ds(j * 16, 16)] = jnp.where(accept, nv, xv)
            return 0

        lax.fori_loop(0, DIM // 16, blend_body, 0)
        pltpu.sync_copy(rowbuf, out_hbm.at[b])


@jax.jit
def kernel(x, g, u, w):
    g2 = g.reshape(B, DIM * MAX_VAL)
    mesh = plsc.VectorSubcoreMesh(core_axis_name="c", subcore_axis_name="s",
                                  num_cores=NC, num_subcores=NS)
    run = pl.kernel(
        _body,
        out_type=jax.ShapeDtypeStruct((B, DIM), jnp.float32),
        mesh=mesh,
        compiler_params=pltpu.CompilerParams(needs_layout_passes=False),
        scratch_types=(
            [pltpu.VMEM((CW,), jnp.float32)] * NBUF
            + [
                pltpu.VMEM((DIM,), jnp.float32),
                pltpu.VMEM((DIM,), jnp.float32),
                pltpu.VMEM((DIM,), jnp.float32),
                pltpu.VMEM((B,), jnp.float32),
            ]
            + [pltpu.SemaphoreType.DMA] * NBUF
        ),
    )
    return run(x, g2, u, w)

# --- scband reference (transcript-rebuilt; emitter-appended) ---
"""Pipeline reference for scband-rand-walk-ord-22548578304145 (READ-ONLY COPY).

The authoritative reference and input builder live on the scoring server;
editing this copy changes nothing except your own understanding.
"""

import jax, jax.numpy as jnp
import numpy as np

B = 64
DIM = 8192
MAX_VAL = 32


def setup_inputs(seed: int = 0) -> dict:
    key = jax.random.key(seed)
    k1, k2, k3, k4 = jax.random.split(key, 4)
    # x holds ordinal/categorical states in [0, MAX_VAL) stored as float (matches torch usage)
    x = jax.random.randint(k1, (B, DIM), 0, MAX_VAL).astype(jnp.float32)
    # uniform noise used to draw the categorical proposal via Gumbel-argmax
    g = jax.random.uniform(k2, (B, DIM, MAX_VAL), dtype=jnp.float32)
    # per-chain acceptance uniforms (torch.rand_like(la))
    u = jax.random.uniform(k3, (B,), dtype=jnp.float32)
    # surrogate energy model weight: model(x) = x @ w (the torch module takes an
    # opaque `model` callable; a linear energy is the standalone stand-in)
    w = jax.random.normal(k4, (DIM,), dtype=jnp.float32) * 0.01
    return {"x": x, "g": g, "u": u, "w": w}


def reference(x, g, u, w):
    # cat_dist = Categorical(logits=zeros((B, dim, max_val))); new_coords = cat_dist.sample()
    # uniform-logits categorical sample realized via Gumbel-argmax over the
    # materialized [B, dim, max_val] logits tensor (faithful to the torch alloc).
    logits = jnp.zeros((x.shape[0], DIM, MAX_VAL), dtype=jnp.float32)
    eps = 1e-10
    gumbel = -jnp.log(-jnp.log(g + eps) + eps)
    new_coords = jnp.argmax(logits + gumbel, axis=-1).astype(jnp.float32)
    # la: acceptance ratio from the (surrogate) model energies
    la = jnp.exp(new_coords @ w - x @ w)
    # a = (la > torch.rand_like(la)).float()
    a = (la > u).astype(jnp.float32)
    # x = new_coords * a[:, None] + x * (1. - a[:, None])
    x_new = new_coords * a[:, None] + x * (1.0 - a[:, None])
    return x_new

if __name__ == "__main__":
    import jax
    _d = setup_inputs()
    print(jax.jit(kernel)(*tuple(_d.values())))

</pallas_src>

<mosaic_0001>
#map = affine_map<(d0, d1) -> (0, 0)>
#map1 = affine_map<(d0, d1) -> (0)>
module attributes {stable_mosaic.version = 14 : i64} {
  func.func @_body(%arg0: i32, %arg1: i32, %arg2: memref<64x8192xf32, #tpu.memory_space<hbm>>, %arg3: memref<64x262144xf32, #tpu.memory_space<hbm>>, %arg4: memref<64xf32, #tpu.memory_space<hbm>>, %arg5: memref<8192xf32, #tpu.memory_space<hbm>>, %arg6: memref<64x8192xf32, #tpu.memory_space<hbm>>, %arg7: memref<16384xf32, #tpu.memory_space<vmem>>, %arg8: memref<16384xf32, #tpu.memory_space<vmem>>, %arg9: memref<16384xf32, #tpu.memory_space<vmem>>, %arg10: memref<16384xf32, #tpu.memory_space<vmem>>, %arg11: memref<8192xf32, #tpu.memory_space<vmem>>, %arg12: memref<8192xf32, #tpu.memory_space<vmem>>, %arg13: memref<8192xf32, #tpu.memory_space<vmem>>, %arg14: memref<64xf32, #tpu.memory_space<vmem>>, %arg15: memref<!tpu.dma_semaphore, #tpu.memory_space<semaphore_mem>>, %arg16: memref<!tpu.dma_semaphore, #tpu.memory_space<semaphore_mem>>, %arg17: memref<!tpu.dma_semaphore, #tpu.memory_space<semaphore_mem>>, %arg18: memref<!tpu.dma_semaphore, #tpu.memory_space<semaphore_mem>>) attributes {dimension_semantics = [#tpu.dimension_semantics<core_parallel>, #tpu.dimension_semantics<subcore_parallel>], iteration_bounds = array<i64: 2, 16>, scalar_prefetch = 0 : i64, scratch_operands = 12 : i64, tpu.core_type = #tpu.core_type<sc_vector_subcore>, window_params = [{transform_indices = #map}, {transform_indices = #map}, {transform_indices = #map1}, {transform_indices = #map1}, {transform_indices = #map}]} {
    %mul3A = arith.constant 2 : i32
    %mul3A_0 = arith.muli %arg1, %mul3A : i32
    %add3A = arith.addi %mul3A_0, %arg0 : i32
    "tpu.region"() ({
      %run_scoped3A = tpu.sem_alloc : memref<!tpu.dma_semaphore, #tpu.memory_space<semaphore_mem>>
      tpu.enqueue_dma source(%arg5 : memref<8192xf32, #tpu.memory_space<hbm>>) target(%arg13 : memref<8192xf32, #tpu.memory_space<vmem>>) target_semaphore(%run_scoped3A : memref<!tpu.dma_semaphore, #tpu.memory_space<semaphore_mem>>)
      tpu.wait_dma2 semaphore(%run_scoped3A : memref<!tpu.dma_semaphore, #tpu.memory_space<semaphore_mem>>) src(%arg5 : memref<8192xf32, #tpu.memory_space<hbm>>) dst(%arg13 : memref<8192xf32, #tpu.memory_space<vmem>>)
      tpu.yield
    }) : () -> ()
    "tpu.region"() ({
      %run_scoped3A = tpu.sem_alloc : memref<!tpu.dma_semaphore, #tpu.memory_space<semaphore_mem>>
      tpu.enqueue_dma source(%arg4 : memref<64xf32, #tpu.memory_space<hbm>>) target(%arg14 : memref<64xf32, #tpu.memory_space<vmem>>) target_semaphore(%run_scoped3A : memref<!tpu.dma_semaphore, #tpu.memory_space<semaphore_mem>>)
      tpu.wait_dma2 semaphore(%run_scoped3A : memref<!tpu.dma_semaphore, #tpu.memory_space<semaphore_mem>>) src(%arg4 : memref<64xf32, #tpu.memory_space<hbm>>) dst(%arg14 : memref<64xf32, #tpu.memory_space<vmem>>)
      tpu.yield
    }) : () -> ()
    %iota3A = tpu.iota {dimensions = array<i32: 0>} : vector<16xi32>
    %mul3A_1 = arith.constant 32 : i32
    %mul3A_2 = vector.broadcast %mul3A_1 : i32 to vector<16xi32>
    %mul3A_3 = arith.muli %iota3A, %mul3A_2 : vector<16xi32>
    %add3A_4 = arith.constant 0 : i32
    %add3A_5 = vector.broadcast %add3A_4 : i32 to vector<16xi32>
    %add3A_6 = arith.addi %iota3A, %add3A_5 : vector<16xi32>
    %and3A = arith.constant 31 : i32
    %and3A_7 = vector.broadcast %and3A : i32 to vector<16xi32>
    %and3A_8 = arith.andi %add3A_6, %and3A_7 : vector<16xi32>
    %add3A_9 = arith.addi %mul3A_3, %and3A_8 : vector<16xi32>
    %mul3A_10 = arith.constant 32 : i32
    %mul3A_11 = vector.broadcast %mul3A_10 : i32 to vector<16xi32>
    %mul3A_12 = arith.muli %iota3A, %mul3A_11 : vector<16xi32>
    %add3A_13 = arith.constant 1 : i32
    %add3A_14 = vector.broadcast %add3A_13 : i32 to vector<16xi32>
    %add3A_15 = arith.addi %iota3A, %add3A_14 : vector<16xi32>
    %and3A_16 = arith.constant 31 : i32
    %and3A_17 = vector.broadcast %and3A_16 : i32 to vector<16xi32>
    %and3A_18 = arith.andi %add3A_15, %and3A_17 : vector<16xi32>
    %add3A_19 = arith.addi %mul3A_12, %and3A_18 : vector<16xi32>
    %mul3A_20 = arith.constant 32 : i32
    %mul3A_21 = vector.broadcast %mul3A_20 : i32 to vector<16xi32>
    %mul3A_22 = arith.muli %iota3A, %mul3A_21 : vector<16xi32>
    %add3A_23 = arith.constant 2 : i32
    %add3A_24 = vector.broadcast %add3A_23 : i32 to vector<16xi32>
    %add3A_25 = arith.addi %iota3A, %add3A_24 : vector<16xi32>
    %and3A_26 = arith.constant 31 : i32
    %and3A_27 = vector.broadcast %and3A_26 : i32 to vector<16xi32>
    %and3A_28 = arith.andi %add3A_25, %and3A_27 : vector<16xi32>
    %add3A_29 = arith.addi %mul3A_22, %and3A_28 : vector<16xi32>
    %mul3A_30 = arith.constant 32 : i32
    %mul3A_31 = vector.broadcast %mul3A_30 : i32 to vector<16xi32>
    %mul3A_32 = arith.muli %iota3A, %mul3A_31 : vector<16xi32>
    %add3A_33 = arith.constant 3 : i32
    %add3A_34 = vector.broadcast %add3A_33 : i32 to vector<16xi32>
    %add3A_35 = arith.addi %iota3A, %add3A_34 : vector<16xi32>
    %and3A_36 = arith.constant 31 : i32
    %and3A_37 = vector.broadcast %and3A_36 : i32 to vector<16xi32>
    %and3A_38 = arith.andi %add3A_35, %and3A_37 : vector<16xi32>
    %add3A_39 = arith.addi %mul3A_32, %and3A_38 : vector<16xi32>
    %mul3A_40 = arith.constant 32 : i32
    %mul3A_41 = vector.broadcast %mul3A_40 : i32 to vector<16xi32>
    %mul3A_42 = arith.muli %iota3A, %mul3A_41 : vector<16xi32>
    %add3A_43 = arith.constant 4 : i32
    %add3A_44 = vector.broadcast %add3A_43 : i32 to vector<16xi32>
    %add3A_45 = arith.addi %iota3A, %add3A_44 : vector<16xi32>
    %and3A_46 = arith.constant 31 : i32
    %and3A_47 = vector.broadcast %and3A_46 : i32 to vector<16xi32>
    %and3A_48 = arith.andi %add3A_45, %and3A_47 : vector<16xi32>
    %add3A_49 = arith.addi %mul3A_42, %and3A_48 : vector<16xi32>
    %mul3A_50 = arith.constant 32 : i32
    %mul3A_51 = vector.broadcast %mul3A_50 : i32 to vector<16xi32>
    %mul3A_52 = arith.muli %iota3A, %mul3A_51 : vector<16xi32>
    %add3A_53 = arith.constant 5 : i32
    %add3A_54 = vector.broadcast %add3A_53 : i32 to vector<16xi32>
    %add3A_55 = arith.addi %iota3A, %add3A_54 : vector<16xi32>
    %and3A_56 = arith.constant 31 : i32
    %and3A_57 = vector.broadcast %and3A_56 : i32 to vector<16xi32>
    %and3A_58 = arith.andi %add3A_55, %and3A_57 : vector<16xi32>
    %add3A_59 = arith.addi %mul3A_52, %and3A_58 : vector<16xi32>
    %mul3A_60 = arith.constant 32 : i32
    %mul3A_61 = vector.broadcast %mul3A_60 : i32 to vector<16xi32>
    %mul3A_62 = arith.muli %iota3A, %mul3A_61 : vector<16xi32>
    %add3A_63 = arith.constant 6 : i32
    %add3A_64 = vector.broadcast %add3A_63 : i32 to vector<16xi32>
    %add3A_65 = arith.addi %iota3A, %add3A_64 : vector<16xi32>
    %and3A_66 = arith.constant 31 : i32
    %and3A_67 = vector.broadcast %and3A_66 : i32 to vector<16xi32>
    %and3A_68 = arith.andi %add3A_65, %and3A_67 : vector<16xi32>
    %add3A_69 = arith.addi %mul3A_62, %and3A_68 : vector<16xi32>
    %mul3A_70 = arith.constant 32 : i32
    %mul3A_71 = vector.broadcast %mul3A_70 : i32 to vector<16xi32>
    %mul3A_72 = arith.muli %iota3A, %mul3A_71 : vector<16xi32>
    %add3A_73 = arith.constant 7 : i32
    %add3A_74 = vector.broadcast %add3A_73 : i32 to vector<16xi32>
    %add3A_75 = arith.addi %iota3A, %add3A_74 : vector<16xi32>
    %and3A_76 = arith.constant 31 : i32
    %and3A_77 = vector.broadcast %and3A_76 : i32 to vector<16xi32>
    %and3A_78 = arith.andi %add3A_75, %and3A_77 : vector<16xi32>
    %add3A_79 = arith.addi %mul3A_72, %and3A_78 : vector<16xi32>
    %mul3A_80 = arith.constant 32 : i32
    %mul3A_81 = vector.broadcast %mul3A_80 : i32 to vector<16xi32>
    %mul3A_82 = arith.muli %iota3A, %mul3A_81 : vector<16xi32>
    %add3A_83 = arith.constant 8 : i32
    %add3A_84 = vector.broadcast %add3A_83 : i32 to vector<16xi32>
    %add3A_85 = arith.addi %iota3A, %add3A_84 : vector<16xi32>
    %and3A_86 = arith.constant 31 : i32
    %and3A_87 = vector.broadcast %and3A_86 : i32 to vector<16xi32>
    %and3A_88 = arith.andi %add3A_85, %and3A_87 : vector<16xi32>
    %add3A_89 = arith.addi %mul3A_82, %and3A_88 : vector<16xi32>
    %mul3A_90 = arith.constant 32 : i32
    %mul3A_91 = vector.broadcast %mul3A_90 : i32 to vector<16xi32>
    %mul3A_92 = arith.muli %iota3A, %mul3A_91 : vector<16xi32>
    %add3A_93 = arith.constant 9 : i32
    %add3A_94 = vector.broadcast %add3A_93 : i32 to vector<16xi32>
    %add3A_95 = arith.addi %iota3A, %add3A_94 : vector<16xi32>
    %and3A_96 = arith.constant 31 : i32
    %and3A_97 = vector.broadcast %and3A_96 : i32 to vector<16xi32>
    %and3A_98 = arith.andi %add3A_95, %and3A_97 : vector<16xi32>
    %add3A_99 = arith.addi %mul3A_92, %and3A_98 : vector<16xi32>
    %mul3A_100 = arith.constant 32 : i32
    %mul3A_101 = vector.broadcast %mul3A_100 : i32 to vector<16xi32>
    %mul3A_102 = arith.muli %iota3A, %mul3A_101 : vector<16xi32>
    %add3A_103 = arith.constant 10 : i32
    %add3A_104 = vector.broadcast %add3A_103 : i32 to vector<16xi32>
    %add3A_105 = arith.addi %iota3A, %add3A_104 : vector<16xi32>
    %and3A_106 = arith.constant 31 : i32
    %and3A_107 = vector.broadcast %and3A_106 : i32 to vector<16xi32>
    %and3A_108 = arith.andi %add3A_105, %and3A_107 : vector<16xi32>
    %add3A_109 = arith.addi %mul3A_102, %and3A_108 : vector<16xi32>
    %mul3A_110 = arith.constant 32 : i32
    %mul3A_111 = vector.broadcast %mul3A_110 : i32 to vector<16xi32>
    %mul3A_112 = arith.muli %iota3A, %mul3A_111 : vector<16xi32>
    %add3A_113 = arith.constant 11 : i32
    %add3A_114 = vector.broadcast %add3A_113 : i32 to vector<16xi32>
    %add3A_115 = arith.addi %iota3A, %add3A_114 : vector<16xi32>
    %and3A_116 = arith.constant 31 : i32
    %and3A_117 = vector.broadcast %and3A_116 : i32 to vector<16xi32>
    %and3A_118 = arith.andi %add3A_115, %and3A_117 : vector<16xi32>
    %add3A_119 = arith.addi %mul3A_112, %and3A_118 : vector<16xi32>
    %mul3A_120 = arith.constant 32 : i32
    %mul3A_121 = vector.broadcast %mul3A_120 : i32 to vector<16xi32>
    %mul3A_122 = arith.muli %iota3A, %mul3A_121 : vector<16xi32>
    %add3A_123 = arith.constant 12 : i32
    %add3A_124 = vector.broadcast %add3A_123 : i32 to vector<16xi32>
    %add3A_125 = arith.addi %iota3A, %add3A_124 : vector<16xi32>
    %and3A_126 = arith.constant 31 : i32
    %and3A_127 = vector.broadcast %and3A_126 : i32 to vector<16xi32>
    %and3A_128 = arith.andi %add3A_125, %and3A_127 : vector<16xi32>
    %add3A_129 = arith.addi %mul3A_122, %and3A_128 : vector<16xi32>
    %mul3A_130 = arith.constant 32 : i32
    %mul3A_131 = vector.broadcast %mul3A_130 : i32 to vector<16xi32>
    %mul3A_132 = arith.muli %iota3A, %mul3A_131 : vector<16xi32>
    %add3A_133 = arith.constant 13 : i32
    %add3A_134 = vector.broadcast %add3A_133 : i32 to vector<16xi32>
    %add3A_135 = arith.addi %iota3A, %add3A_134 : vector<16xi32>
    %and3A_136 = arith.constant 31 : i32
    %and3A_137 = vector.broadcast %and3A_136 : i32 to vector<16xi32>
    %and3A_138 = arith.andi %add3A_135, %and3A_137 : vector<16xi32>
    %add3A_139 = arith.addi %mul3A_132, %and3A_138 : vector<16xi32>
    %mul3A_140 = arith.constant 32 : i32
    %mul3A_141 = vector.broadcast %mul3A_140 : i32 to vector<16xi32>
    %mul3A_142 = arith.muli %iota3A, %mul3A_141 : vector<16xi32>
    %add3A_143 = arith.constant 14 : i32
    %add3A_144 = vector.broadcast %add3A_143 : i32 to vector<16xi32>
    %add3A_145 = arith.addi %iota3A, %add3A_144 : vector<16xi32>
    %and3A_146 = arith.constant 31 : i32
    %and3A_147 = vector.broadcast %and3A_146 : i32 to vector<16xi32>
    %and3A_148 = arith.andi %add3A_145, %and3A_147 : vector<16xi32>
    %add3A_149 = arith.addi %mul3A_142, %and3A_148 : vector<16xi32>
    %mul3A_150 = arith.constant 32 : i32
    %mul3A_151 = vector.broadcast %mul3A_150 : i32 to vector<16xi32>
    %mul3A_152 = arith.muli %iota3A, %mul3A_151 : vector<16xi32>
    %add3A_153 = arith.constant 15 : i32
    %add3A_154 = vector.broadcast %add3A_153 : i32 to vector<16xi32>
    %add3A_155 = arith.addi %iota3A, %add3A_154 : vector<16xi32>
    %and3A_156 = arith.constant 31 : i32
    %and3A_157 = vector.broadcast %and3A_156 : i32 to vector<16xi32>
    %and3A_158 = arith.andi %add3A_155, %and3A_157 : vector<16xi32>
    %add3A_159 = arith.addi %mul3A_152, %and3A_158 : vector<16xi32>
    %mul3A_160 = arith.constant 32 : i32
    %mul3A_161 = vector.broadcast %mul3A_160 : i32 to vector<16xi32>
    %mul3A_162 = arith.muli %iota3A, %mul3A_161 : vector<16xi32>
    %add3A_163 = arith.constant 16 : i32
    %add3A_164 = vector.broadcast %add3A_163 : i32 to vector<16xi32>
    %add3A_165 = arith.addi %iota3A, %add3A_164 : vector<16xi32>
    %and3A_166 = arith.constant 31 : i32
    %and3A_167 = vector.broadcast %and3A_166 : i32 to vector<16xi32>
    %and3A_168 = arith.andi %add3A_165, %and3A_167 : vector<16xi32>
    %add3A_169 = arith.addi %mul3A_162, %and3A_168 : vector<16xi32>
    %mul3A_170 = arith.constant 32 : i32
    %mul3A_171 = vector.broadcast %mul3A_170 : i32 to vector<16xi32>
    %mul3A_172 = arith.muli %iota3A, %mul3A_171 : vector<16xi32>
    %add3A_173 = arith.constant 17 : i32
    %add3A_174 = vector.broadcast %add3A_173 : i32 to vector<16xi32>
    %add3A_175 = arith.addi %iota3A, %add3A_174 : vector<16xi32>
    %and3A_176 = arith.constant 31 : i32
    %and3A_177 = vector.broadcast %and3A_176 : i32 to vector<16xi32>
    %and3A_178 = arith.andi %add3A_175, %and3A_177 : vector<16xi32>
    %add3A_179 = arith.addi %mul3A_172, %and3A_178 : vector<16xi32>
    %mul3A_180 = arith.constant 32 : i32
    %mul3A_181 = vector.broadcast %mul3A_180 : i32 to vector<16xi32>
    %mul3A_182 = arith.muli %iota3A, %mul3A_181 : vector<16xi32>
    %add3A_183 = arith.constant 18 : i32
    %add3A_184 = vector.broadcast %add3A_183 : i32 to vector<16xi32>
    %add3A_185 = arith.addi %iota3A, %add3A_184 : vector<16xi32>
    %and3A_186 = arith.constant 31 : i32
    %and3A_187 = vector.broadcast %and3A_186 : i32 to vector<16xi32>
    %and3A_188 = arith.andi %add3A_185, %and3A_187 : vector<16xi32>
    %add3A_189 = arith.addi %mul3A_182, %and3A_188 : vector<16xi32>
    %mul3A_190 = arith.constant 32 : i32
    %mul3A_191 = vector.broadcast %mul3A_190 : i32 to vector<16xi32>
    %mul3A_192 = arith.muli %iota3A, %mul3A_191 : vector<16xi32>
    %add3A_193 = arith.constant 19 : i32
    %add3A_194 = vector.broadcast %add3A_193 : i32 to vector<16xi32>
    %add3A_195 = arith.addi %iota3A, %add3A_194 : vector<16xi32>
    %and3A_196 = arith.constant 31 : i32
    %and3A_197 = vector.broadcast %and3A_196 : i32 to vector<16xi32>
    %and3A_198 = arith.andi %add3A_195, %and3A_197 : vector<16xi32>
    %add3A_199 = arith.addi %mul3A_192, %and3A_198 : vector<16xi32>
    %mul3A_200 = arith.constant 32 : i32
    %mul3A_201 = vector.broadcast %mul3A_200 : i32 to vector<16xi32>
    %mul3A_202 = arith.muli %iota3A, %mul3A_201 : vector<16xi32>
    %add3A_203 = arith.constant 20 : i32
    %add3A_204 = vector.broadcast %add3A_203 : i32 to vector<16xi32>
    %add3A_205 = arith.addi %iota3A, %add3A_204 : vector<16xi32>
    %and3A_206 = arith.constant 31 : i32
    %and3A_207 = vector.broadcast %and3A_206 : i32 to vector<16xi32>
    %and3A_208 = arith.andi %add3A_205, %and3A_207 : vector<16xi32>
    %add3A_209 = arith.addi %mul3A_202, %and3A_208 : vector<16xi32>
    %mul3A_210 = arith.constant 32 : i32
    %mul3A_211 = vector.broadcast %mul3A_210 : i32 to vector<16xi32>
    %mul3A_212 = arith.muli %iota3A, %mul3A_211 : vector<16xi32>
    %add3A_213 = arith.constant 21 : i32
    %add3A_214 = vector.broadcast %add3A_213 : i32 to vector<16xi32>
    %add3A_215 = arith.addi %iota3A, %add3A_214 : vector<16xi32>
    %and3A_216 = arith.constant 31 : i32
    %and3A_217 = vector.broadcast %and3A_216 : i32 to vector<16xi32>
    %and3A_218 = arith.andi %add3A_215, %and3A_217 : vector<16xi32>
    %add3A_219 = arith.addi %mul3A_212, %and3A_218 : vector<16xi32>
    %mul3A_220 = arith.constant 32 : i32
    %mul3A_221 = vector.broadcast %mul3A_220 : i32 to vector<16xi32>
    %mul3A_222 = arith.muli %iota3A, %mul3A_221 : vector<16xi32>
    %add3A_223 = arith.constant 22 : i32
    %add3A_224 = vector.broadcast %add3A_223 : i32 to vector<16xi32>
    %add3A_225 = arith.addi %iota3A, %add3A_224 : vector<16xi32>
    %and3A_226 = arith.constant 31 : i32
    %and3A_227 = vector.broadcast %and3A_226 : i32 to vector<16xi32>
    %and3A_228 = arith.andi %add3A_225, %and3A_227 : vector<16xi32>
    %add3A_229 = arith.addi %mul3A_222, %and3A_228 : vector<16xi32>
    %mul3A_230 = arith.constant 32 : i32
    %mul3A_231 = vector.broadcast %mul3A_230 : i32 to vector<16xi32>
    %mul3A_232 = arith.muli %iota3A, %mul3A_231 : vector<16xi32>
    %add3A_233 = arith.constant 23 : i32
    %add3A_234 = vector.broadcast %add3A_233 : i32 to vector<16xi32>
    %add3A_235 = arith.addi %iota3A, %add3A_234 : vector<16xi32>
    %and3A_236 = arith.constant 31 : i32
    %and3A_237 = vector.broadcast %and3A_236 : i32 to vector<16xi32>
    %and3A_238 = arith.andi %add3A_235, %and3A_237 : vector<16xi32>
    %add3A_239 = arith.addi %mul3A_232, %and3A_238 : vector<16xi32>
    %mul3A_240 = arith.constant 32 : i32
    %mul3A_241 = vector.broadcast %mul3A_240 : i32 to vector<16xi32>
    %mul3A_242 = arith.muli %iota3A, %mul3A_241 : vector<16xi32>
    %add3A_243 = arith.constant 24 : i32
    %add3A_244 = vector.broadcast %add3A_243 : i32 to vector<16xi32>
    %add3A_245 = arith.addi %iota3A, %add3A_244 : vector<16xi32>
    %and3A_246 = arith.constant 31 : i32
    %and3A_247 = vector.broadcast %and3A_246 : i32 to vector<16xi32>
    %and3A_248 = arith.andi %add3A_245, %and3A_247 : vector<16xi32>
    %add3A_249 = arith.addi %mul3A_242, %and3A_248 : vector<16xi32>
    %mul3A_250 = arith.constant 32 : i32
    %mul3A_251 = vector.broadcast %mul3A_250 : i32 to vector<16xi32>
    %mul3A_252 = arith.muli %iota3A, %mul3A_251 : vector<16xi32>
    %add3A_253 = arith.constant 25 : i32
    %add3A_254 = vector.broadcast %add3A_253 : i32 to vector<16xi32>
    %add3A_255 = arith.addi %iota3A, %add3A_254 : vector<16xi32>
    %and3A_256 = arith.constant 31 : i32
    %and3A_257 = vector.broadcast %and3A_256 : i32 to vector<16xi32>
    %and3A_258 = arith.andi %add3A_255, %and3A_257 : vector<16xi32>
    %add3A_259 = arith.addi %mul3A_252, %and3A_258 : vector<16xi32>
    %mul3A_260 = arith.constant 32 : i32
    %mul3A_261 = vector.broadcast %mul3A_260 : i32 to vector<16xi32>
    %mul3A_262 = arith.muli %iota3A, %mul3A_261 : vector<16xi32>
    %add3A_263 = arith.constant 26 : i32
    %add3A_264 = vector.broadcast %add3A_263 : i32 to vector<16xi32>
    %add3A_265 = arith.addi %iota3A, %add3A_264 : vector<16xi32>
    %and3A_266 = arith.constant 31 : i32
    %and3A_267 = vector.broadcast %and3A_266 : i32 to vector<16xi32>
    %and3A_268 = arith.andi %add3A_265, %and3A_267 : vector<16xi32>
    %add3A_269 = arith.addi %mul3A_262, %and3A_268 : vector<16xi32>
    %mul3A_270 = arith.constant 32 : i32
    %mul3A_271 = vector.broadcast %mul3A_270 : i32 to vector<16xi32>
    %mul3A_272 = arith.muli %iota3A, %mul3A_271 : vector<16xi32>
    %add3A_273 = arith.constant 27 : i32
    %add3A_274 = vector.broadcast %add3A_273 : i32 to vector<16xi32>
    %add3A_275 = arith.addi %iota3A, %add3A_274 : vector<16xi32>
    %and3A_276 = arith.constant 31 : i32
    %and3A_277 = vector.broadcast %and3A_276 : i32 to vector<16xi32>
    %and3A_278 = arith.andi %add3A_275, %and3A_277 : vector<16xi32>
    %add3A_279 = arith.addi %mul3A_272, %and3A_278 : vector<16xi32>
    %mul3A_280 = arith.constant 32 : i32
    %mul3A_281 = vector.broadcast %mul3A_280 : i32 to vector<16xi32>
    %mul3A_282 = arith.muli %iota3A, %mul3A_281 : vector<16xi32>
    %add3A_283 = arith.constant 28 : i32
    %add3A_284 = vector.broadcast %add3A_283 : i32 to vector<16xi32>
    %add3A_285 = arith.addi %iota3A, %add3A_284 : vector<16xi32>
    %and3A_286 = arith.constant 31 : i32
    %and3A_287 = vector.broadcast %and3A_286 : i32 to vector<16xi32>
    %and3A_288 = arith.andi %add3A_285, %and3A_287 : vector<16xi32>
    %add3A_289 = arith.addi %mul3A_282, %and3A_288 : vector<16xi32>
    %mul3A_290 = arith.constant 32 : i32
    %mul3A_291 = vector.broadcast %mul3A_290 : i32 to vector<16xi32>
    %mul3A_292 = arith.muli %iota3A, %mul3A_291 : vector<16xi32>
    %add3A_293 = arith.constant 29 : i32
    %add3A_294 = vector.broadcast %add3A_293 : i32 to vector<16xi32>
    %add3A_295 = arith.addi %iota3A, %add3A_294 : vector<16xi32>
    %and3A_296 = arith.constant 31 : i32
    %and3A_297 = vector.broadcast %and3A_296 : i32 to vector<16xi32>
    %and3A_298 = arith.andi %add3A_295, %and3A_297 : vector<16xi32>
    %add3A_299 = arith.addi %mul3A_292, %and3A_298 : vector<16xi32>
    %mul3A_300 = arith.constant 32 : i32
    %mul3A_301 = vector.broadcast %mul3A_300 : i32 to vector<16xi32>
    %mul3A_302 = arith.muli %iota3A, %mul3A_301 : vector<16xi32>
    %add3A_303 = arith.constant 30 : i32
    %add3A_304 = vector.broadcast %add3A_303 : i32 to vector<16xi32>
    %add3A_305 = arith.addi %iota3A, %add3A_304 : vector<16xi32>
    %and3A_306 = arith.constant 31 : i32
    %and3A_307 = vector.broadcast %and3A_306 : i32 to vector<16xi32>
    %and3A_308 = arith.andi %add3A_305, %and3A_307 : vector<16xi32>
    %add3A_309 = arith.addi %mul3A_302, %and3A_308 : vector<16xi32>
    %mul3A_310 = arith.constant 32 : i32
    %mul3A_311 = vector.broadcast %mul3A_310 : i32 to vector<16xi32>
    %mul3A_312 = arith.muli %iota3A, %mul3A_311 : vector<16xi32>
    %add3A_313 = arith.constant 31 : i32
    %add3A_314 = vector.broadcast %add3A_313 : i32 to vector<16xi32>
    %add3A_315 = arith.addi %iota3A, %add3A_314 : vector<16xi32>
    %and3A_316 = arith.constant 31 : i32
    %and3A_317 = vector.broadcast %and3A_316 : i32 to vector<16xi32>
    %and3A_318 = arith.andi %add3A_315, %and3A_317 : vector<16xi32>
    %add3A_319 = arith.addi %mul3A_312, %and3A_318 : vector<16xi32>
    %mul3A_320 = arith.constant 2 : i32
    %mul3A_321 = arith.muli %add3A, %mul3A_320 : i32
    %add3A_322 = arith.constant 0 : i32
    %add3A_323 = arith.addi %mul3A_321, %add3A_322 : i32
    %dma_start3A = arith.constant 0 : i32
    %dma_start3A_324 = tpu.memref_slice %arg3[%add3A_323, %dma_start3A] : memref<64x262144xf32, #tpu.memory_space<hbm>> -> memref<1x16384xf32, #tpu.memory_space<hbm>>
    %dma_start3A_325 = tpu.memref_squeeze %dma_start3A_324 : memref<1x16384xf32, #tpu.memory_space<hbm>> -> memref<16384xf32, #tpu.memory_space<hbm>>
    %dma_start3A_326 = arith.constant 0 : i32
    %dma_start3A_327 = tpu.memref_slice %arg3[%add3A_323, %dma_start3A_326] : memref<64x262144xf32, #tpu.memory_space<hbm>> -> memref<1x16384xf32, #tpu.memory_space<hbm>>
    %dma_start3A_328 = tpu.memref_squeeze %dma_start3A_327 : memref<1x16384xf32, #tpu.memory_space<hbm>> -> memref<16384xf32, #tpu.memory_space<hbm>>
    tpu.enqueue_dma source(%dma_start3A_328 : memref<16384xf32, #tpu.memory_space<hbm>>) target(%arg7 : memref<16384xf32, #tpu.memory_space<vmem>>) target_semaphore(%arg15 : memref<!tpu.dma_semaphore, #tpu.memory_space<semaphore_mem>>)
    %dma_start3A_329 = arith.constant 16384 : i32
    %dma_start3A_330 = tpu.memref_slice %arg3[%add3A_323, %dma_start3A_329] : memref<64x262144xf32, #tpu.memory_space<hbm>> -> memref<1x16384xf32, #tpu.memory_space<hbm>>
    %dma_start3A_331 = tpu.memref_squeeze %dma_start3A_330 : memref<1x16384xf32, #tpu.memory_space<hbm>> -> memref<16384xf32, #tpu.memory_space<hbm>>
    %dma_start3A_332 = arith.constant 16384 : i32
    %dma_start3A_333 = tpu.memref_slice %arg3[%add3A_323, %dma_start3A_332] : memref<64x262144xf32, #tpu.memory_space<hbm>> -> memref<1x16384xf32, #tpu.memory_space<hbm>>
    %dma_start3A_334 = tpu.memref_squeeze %dma_start3A_333 : memref<1x16384xf32, #tpu.memory_space<hbm>> -> memref<16384xf32, #tpu.memory_space<hbm>>
    tpu.enqueue_dma source(%dma_start3A_334 : memref<16384xf32, #tpu.memory_space<hbm>>) target(%arg8 : memref<16384xf32, #tpu.memory_space<vmem>>) target_semaphore(%arg16 : memref<!tpu.dma_semaphore, #tpu.memory_space<semaphore_mem>>)
    %dma_start3A_335 = arith.constant 32768 : i32
    %dma_start3A_336 = tpu.memref_slice %arg3[%add3A_323, %dma_start3A_335] : memref<64x262144xf32, #tpu.memory_space<hbm>> -> memref<1x16384xf32, #tpu.memory_space<hbm>>
    %dma_start3A_337 = tpu.memref_squeeze %dma_start3A_336 : memref<1x16384xf32, #tpu.memory_space<hbm>> -> memref<16384xf32, #tpu.memory_space<hbm>>
    %dma_start3A_338 = arith.constant 32768 : i32
    %dma_start3A_339 = tpu.memref_slice %arg3[%add3A_323, %dma_start3A_338] : memref<64x262144xf32, #tpu.memory_space<hbm>> -> memref<1x16384xf32, #tpu.memory_space<hbm>>
    %dma_start3A_340 = tpu.memref_squeeze %dma_start3A_339 : memref<1x16384xf32, #tpu.memory_space<hbm>> -> memref<16384xf32, #tpu.memory_space<hbm>>
    tpu.enqueue_dma source(%dma_start3A_340 : memref<16384xf32, #tpu.memory_space<hbm>>) target(%arg9 : memref<16384xf32, #tpu.memory_space<vmem>>) target_semaphore(%arg17 : memref<!tpu.dma_semaphore, #tpu.memory_space<semaphore_mem>>)
    %dma_start3A_341 = arith.constant 49152 : i32
    %dma_start3A_342 = tpu.memref_slice %arg3[%add3A_323, %dma_start3A_341] : memref<64x262144xf32, #tpu.memory_space<hbm>> -> memref<1x16384xf32, #tpu.memory_space<hbm>>
    %dma_start3A_343 = tpu.memref_squeeze %dma_start3A_342 : memref<1x16384xf32, #tpu.memory_space<hbm>> -> memref<16384xf32, #tpu.memory_space<hbm>>
    %dma_start3A_344 = arith.constant 49152 : i32
    %dma_start3A_345 = tpu.memref_slice %arg3[%add3A_323, %dma_start3A_344] : memref<64x262144xf32, #tpu.memory_space<hbm>> -> memref<1x16384xf32, #tpu.memory_space<hbm>>
    %dma_start3A_346 = tpu.memref_squeeze %dma_start3A_345 : memref<1x16384xf32, #tpu.memory_space<hbm>> -> memref<16384xf32, #tpu.memory_space<hbm>>
    tpu.enqueue_dma source(%dma_start3A_346 : memref<16384xf32, #tpu.memory_space<hbm>>) target(%arg10 : memref<16384xf32, #tpu.memory_space<vmem>>) target_semaphore(%arg18 : memref<!tpu.dma_semaphore, #tpu.memory_space<semaphore_mem>>)
    %scan3A = arith.constant 0 : i32
    %scan3A_347 = arith.constant 0 : i32
    %scan3A_348 = arith.constant 4 : i32
    %scan3A_349 = arith.addi %scan3A_347, %scan3A_348 : i32
    %scan3A_350 = arith.constant 1 : i32
    %scan3A_351 = scf.for %scan3A_431 = %scan3A_347 to %scan3A_349 step %scan3A_350 iter_args(%scan3A_432 = %scan3A) -> (i32)  : i32 {
      %mul3A_433 = arith.constant 4 : i32
      %mul3A_434 = arith.muli %scan3A_431, %mul3A_433 : i32
      %add3A_435 = arith.constant 0 : i32
      %add3A_436 = arith.addi %mul3A_434, %add3A_435 : i32
      %dma_wait3A = arith.constant 0 : i32
      %dma_wait3A_437 = tpu.memref_slice %arg3[%add3A_323, %dma_wait3A] : memref<64x262144xf32, #tpu.memory_space<hbm>> -> memref<1x16384xf32, #tpu.memory_space<hbm>>
      %dma_wait3A_438 = tpu.memref_squeeze %dma_wait3A_437 : memref<1x16384xf32, #tpu.memory_space<hbm>> -> memref<16384xf32, #tpu.memory_space<hbm>>
      %dma_wait3A_439 = arith.constant 0 : i32
      %dma_wait3A_440 = tpu.memref_slice %arg3[%add3A_323, %dma_wait3A_439] : memref<64x262144xf32, #tpu.memory_space<hbm>> -> memref<1x16384xf32, #tpu.memory_space<hbm>>
      %dma_wait3A_441 = tpu.memref_squeeze %dma_wait3A_440 : memref<1x16384xf32, #tpu.memory_space<hbm>> -> memref<16384xf32, #tpu.memory_space<hbm>>
      tpu.wait_dma2 semaphore(%arg15 : memref<!tpu.dma_semaphore, #tpu.memory_space<semaphore_mem>>) src(%dma_wait3A_441 : memref<16384xf32, #tpu.memory_space<hbm>>) dst(%arg7 : memref<16384xf32, #tpu.memory_space<vmem>>)
      %scan3A_442 = arith.constant 0 : i32
      %scan3A_443 = arith.constant 0 : i32
      %scan3A_444 = arith.constant 32 : i32
      %scan3A_445 = arith.addi %scan3A_443, %scan3A_444 : i32
      %scan3A_446 = arith.constant 1 : i32
      %scan3A_447 = scf.for %scan3A_526 = %scan3A_443 to %scan3A_445 step %scan3A_446 iter_args(%scan3A_527 = %scan3A_442) -> (i32)  : i32 {
        %mul3A_528 = arith.constant 16 : i32
        %mul3A_529 = arith.muli %scan3A_526, %mul3A_528 : i32
        %mul3A_530 = arith.constant 32 : i32
        %mul3A_531 = arith.muli %mul3A_529, %mul3A_530 : i32
        %gather3A_532 = tpu.memref_slice %arg7[%mul3A_531] : memref<16384xf32, #tpu.memory_space<vmem>> -> memref<512xf32, #tpu.memory_space<vmem>>
        %gather3A_533 = tpu.vector_load_idx %gather3A_532[%add3A_9] : memref<512xf32, #tpu.memory_space<vmem>>[vector<16xi32>], vector<16xf32>,
        %gather3A_534 = tpu.memref_slice %arg7[%mul3A_531] : memref<16384xf32, #tpu.memory_space<vmem>> -> memref<512xf32, #tpu.memory_space<vmem>>
        %gather3A_535 = tpu.vector_load_idx %gather3A_534[%add3A_19] : memref<512xf32, #tpu.memory_space<vmem>>[vector<16xi32>], vector<16xf32>,
        %gt3A_536 = arith.cmpf ogt, %gather3A_535, %gather3A_533 : vector<16xf32>
        %eq3A = arith.cmpf oeq, %gather3A_535, %gather3A_533 : vector<16xf32>
        %lt3A_537 = arith.cmpi slt, %add3A_19, %add3A_9 : vector<16xi32>
        %and3A_538 = arith.andi %eq3A, %lt3A_537 : vector<16xi1>
        %or3A = arith.ori %gt3A_536, %and3A_538 : vector<16xi1>
        %select_n3A = arith.select %or3A, %add3A_19, %add3A_9 : vector<16xi1>, vector<16xi32>
        %max3A = arith.maximumf %gather3A_535, %gather3A_533 : vector<16xf32>
        %gather3A_539 = tpu.memref_slice %arg7[%mul3A_531] : memref<16384xf32, #tpu.memory_space<vmem>> -> memref<512xf32, #tpu.memory_space<vmem>>
        %gather3A_540 = tpu.vector_load_idx %gather3A_539[%add3A_29] : memref<512xf32, #tpu.memory_space<vmem>>[vector<16xi32>], vector<16xf32>,
        %gt3A_541 = arith.cmpf ogt, %gather3A_540, %max3A : vector<16xf32>
        %eq3A_542 = arith.cmpf oeq, %gather3A_540, %max3A : vector<16xf32>
        %lt3A_543 = arith.cmpi slt, %add3A_29, %select_n3A : vector<16xi32>
        %and3A_544 = arith.andi %eq3A_542, %lt3A_543 : vector<16xi1>
        %or3A_545 = arith.ori %gt3A_541, %and3A_544 : vector<16xi1>
        %select_n3A_546 = arith.select %or3A_545, %add3A_29, %select_n3A : vector<16xi1>, vector<16xi32>
        %max3A_547 = arith.maximumf %gather3A_540, %max3A : vector<16xf32>
        %gather3A_548 = tpu.memref_slice %arg7[%mul3A_531] : memref<16384xf32, #tpu.memory_space<vmem>> -> memref<512xf32, #tpu.memory_space<vmem>>
        %gather3A_549 = tpu.vector_load_idx %gather3A_548[%add3A_39] : memref<512xf32, #tpu.memory_space<vmem>>[vector<16xi32>], vector<16xf32>,
        %gt3A_550 = arith.cmpf ogt, %gather3A_549, %max3A_547 : vector<16xf32>
        %eq3A_551 = arith.cmpf oeq, %gather3A_549, %max3A_547 : vector<16xf32>
        %lt3A_552 = arith.cmpi slt, %add3A_39, %select_n3A_546 : vector<16xi32>
        %and3A_553 = arith.andi %eq3A_551, %lt3A_552 : vector<16xi1>
        %or3A_554 = arith.ori %gt3A_550, %and3A_553 : vector<16xi1>
        %select_n3A_555 = arith.select %or3A_554, %add3A_39, %select_n3A_546 : vector<16xi1>, vector<16xi32>
        %max3A_556 = arith.maximumf %gather3A_549, %max3A_547 : vector<16xf32>
        %gather3A_557 = tpu.memref_slice %arg7[%mul3A_531] : memref<16384xf32, #tpu.memory_space<vmem>> -> memref<512xf32, #tpu.memory_space<vmem>>
        %gather3A_558 = tpu.vector_load_idx %gather3A_557[%add3A_49] : memref<512xf32, #tpu.memory_space<vmem>>[vector<16xi32>], vector<16xf32>,
        %gt3A_559 = arith.cmpf ogt, %gather3A_558, %max3A_556 : vector<16xf32>
        %eq3A_560 = arith.cmpf oeq, %gather3A_558, %max3A_556 : vector<16xf32>
        %lt3A_561 = arith.cmpi slt, %add3A_49, %select_n3A_555 : vector<16xi32>
        %and3A_562 = arith.andi %eq3A_560, %lt3A_561 : vector<16xi1>
        %or3A_563 = arith.ori %gt3A_559, %and3A_562 : vector<16xi1>
        %select_n3A_564 = arith.select %or3A_563, %add3A_49, %select_n3A_555 : vector<16xi1>, vector<16xi32>
        %max3A_565 = arith.maximumf %gather3A_558, %max3A_556 : vector<16xf32>
        %gather3A_566 = tpu.memref_slice %arg7[%mul3A_531] : memref<16384xf32, #tpu.memory_space<vmem>> -> memref<512xf32, #tpu.memory_space<vmem>>
        %gather3A_567 = tpu.vector_load_idx %gather3A_566[%add3A_59] : memref<512xf32, #tpu.memory_space<vmem>>[vector<16xi32>], vector<16xf32>,
        %gt3A_568 = arith.cmpf ogt, %gather3A_567, %max3A_565 : vector<16xf32>
        %eq3A_569 = arith.cmpf oeq, %gather3A_567, %max3A_565 : vector<16xf32>
        %lt3A_570 = arith.cmpi slt, %add3A_59, %select_n3A_564 : vector<16xi32>
        %and3A_571 = arith.andi %eq3A_569, %lt3A_570 : vector<16xi1>
        %or3A_572 = arith.ori %gt3A_568, %and3A_571 : vector<16xi1>
        %select_n3A_573 = arith.select %or3A_572, %add3A_59, %select_n3A_564 : vector<16xi1>, vector<16xi32>
        %max3A_574 = arith.maximumf %gather3A_567, %max3A_565 : vector<16xf32>
        %gather3A_575 = tpu.memref_slice %arg7[%mul3A_531] : memref<16384xf32, #tpu.memory_space<vmem>> -> memref<512xf32, #tpu.memory_space<vmem>>
        %gather3A_576 = tpu.vector_load_idx %gather3A_575[%add3A_69] : memref<512xf32, #tpu.memory_space<vmem>>[vector<16xi32>], vector<16xf32>,
        %gt3A_577 = arith.cmpf ogt, %gather3A_576, %max3A_574 : vector<16xf32>
        %eq3A_578 = arith.cmpf oeq, %gather3A_576, %max3A_574 : vector<16xf32>
        %lt3A_579 = arith.cmpi slt, %add3A_69, %select_n3A_573 : vector<16xi32>
        %and3A_580 = arith.andi %eq3A_578, %lt3A_579 : vector<16xi1>
        %or3A_581 = arith.ori %gt3A_577, %and3A_580 : vector<16xi1>
        %select_n3A_582 = arith.select %or3A_581, %add3A_69, %select_n3A_573 : vector<16xi1>, vector<16xi32>
        %max3A_583 = arith.maximumf %gather3A_576, %max3A_574 : vector<16xf32>
        %gather3A_584 = tpu.memref_slice %arg7[%mul3A_531] : memref<16384xf32, #tpu.memory_space<vmem>> -> memref<512xf32, #tpu.memory_space<vmem>>
        %gather3A_585 = tpu.vector_load_idx %gather3A_584[%add3A_79] : memref<512xf32, #tpu.memory_space<vmem>>[vector<16xi32>], vector<16xf32>,
        %gt3A_586 = arith.cmpf ogt, %gather3A_585, %max3A_583 : vector<16xf32>
        %eq3A_587 = arith.cmpf oeq, %gather3A_585, %max3A_583 : vector<16xf32>
        %lt3A_588 = arith.cmpi slt, %add3A_79, %select_n3A_582 : vector<16xi32>
        %and3A_589 = arith.andi %eq3A_587, %lt3A_588 : vector<16xi1>
        %or3A_590 = arith.ori %gt3A_586, %and3A_589 : vector<16xi1>
        %select_n3A_591 = arith.select %or3A_590, %add3A_79, %select_n3A_582 : vector<16xi1>, vector<16xi32>
        %max3A_592 = arith.maximumf %gather3A_585, %max3A_583 : vector<16xf32>
        %gather3A_593 = tpu.memref_slice %arg7[%mul3A_531] : memref<16384xf32, #tpu.memory_space<vmem>> -> memref<512xf32, #tpu.memory_space<vmem>>
        %gather3A_594 = tpu.vector_load_idx %gather3A_593[%add3A_89] : memref<512xf32, #tpu.memory_space<vmem>>[vector<16xi32>], vector<16xf32>,
        %gt3A_595 = arith.cmpf ogt, %gather3A_594, %max3A_592 : vector<16xf32>
        %eq3A_596 = arith.cmpf oeq, %gather3A_594, %max3A_592 : vector<16xf32>
        %lt3A_597 = arith.cmpi slt, %add3A_89, %select_n3A_591 : vector<16xi32>
        %and3A_598 = arith.andi %eq3A_596, %lt3A_597 : vector<16xi1>
        %or3A_599 = arith.ori %gt3A_595, %and3A_598 : vector<16xi1>
        %select_n3A_600 = arith.select %or3A_599, %add3A_89, %select_n3A_591 : vector<16xi1>, vector<16xi32>
        %max3A_601 = arith.maximumf %gather3A_594, %max3A_592 : vector<16xf32>
        %gather3A_602 = tpu.memref_slice %arg7[%mul3A_531] : memref<16384xf32, #tpu.memory_space<vmem>> -> memref<512xf32, #tpu.memory_space<vmem>>
        %gather3A_603 = tpu.vector_load_idx %gather3A_602[%add3A_99] : memref<512xf32, #tpu.memory_space<vmem>>[vector<16xi32>], vector<16xf32>,
        %gt3A_604 = arith.cmpf ogt, %gather3A_603, %max3A_601 : vector<16xf32>
        %eq3A_605 = arith.cmpf oeq, %gather3A_603, %max3A_601 : vector<16xf32>
        %lt3A_606 = arith.cmpi slt, %add3A_99, %select_n3A_600 : vector<16xi32>
        %and3A_607 = arith.andi %eq3A_605, %lt3A_606 : vector<16xi1>
        %or3A_608 = arith.ori %gt3A_604, %and3A_607 : vector<16xi1>
        %select_n3A_609 = arith.select %or3A_608, %add3A_99, %select_n3A_600 : vector<16xi1>, vector<16xi32>
        %max3A_610 = arith.maximumf %gather3A_603, %max3A_601 : vector<16xf32>
        %gather3A_611 = tpu.memref_slice %arg7[%mul3A_531] : memref<16384xf32, #tpu.memory_space<vmem>> -> memref<512xf32, #tpu.memory_space<vmem>>
        %gather3A_612 = tpu.vector_load_idx %gather3A_611[%add3A_109] : memref<512xf32, #tpu.memory_space<vmem>>[vector<16xi32>], vector<16xf32>,
        %gt3A_613 = arith.cmpf ogt, %gather3A_612, %max3A_610 : vector<16xf32>
        %eq3A_614 = arith.cmpf oeq, %gather3A_612, %max3A_610 : vector<16xf32>
        %lt3A_615 = arith.cmpi slt, %add3A_109, %select_n3A_609 : vector<16xi32>
        %and3A_616 = arith.andi %eq3A_614, %lt3A_615 : vector<16xi1>
        %or3A_617 = arith.ori %gt3A_613, %and3A_616 : vector<16xi1>
        %select_n3A_618 = arith.select %or3A_617, %add3A_109, %select_n3A_609 : vector<16xi1>, vector<16xi32>
        %max3A_619 = arith.maximumf %gather3A_612, %max3A_610 : vector<16xf32>
        %gather3A_620 = tpu.memref_slice %arg7[%mul3A_531] : memref<16384xf32, #tpu.memory_space<vmem>> -> memref<512xf32, #tpu.memory_space<vmem>>
        %gather3A_621 = tpu.vector_load_idx %gather3A_620[%add3A_119] : memref<512xf32, #tpu.memory_space<vmem>>[vector<16xi32>], vector<16xf32>,
        %gt3A_622 = arith.cmpf ogt, %gather3A_621, %max3A_619 : vector<16xf32>
        %eq3A_623 = arith.cmpf oeq, %gather3A_621, %max3A_619 : vector<16xf32>
        %lt3A_624 = arith.cmpi slt, %add3A_119, %select_n3A_618 : vector<16xi32>
        %and3A_625 = arith.andi %eq3A_623, %lt3A_624 : vector<16xi1>
        %or3A_626 = arith.ori %gt3A_622, %and3A_625 : vector<16xi1>
        %select_n3A_627 = arith.select %or3A_626, %add3A_119, %select_n3A_618 : vector<16xi1>, vector<16xi32>
        %max3A_628 = arith.maximumf %gather3A_621, %max3A_619 : vector<16xf32>
        %gather3A_629 = tpu.memref_slice %arg7[%mul3A_531] : memref<16384xf32, #tpu.memory_space<vmem>> -> memref<512xf32, #tpu.memory_space<vmem>>
        %gather3A_630 = tpu.vector_load_idx %gather3A_629[%add3A_129] : memref<512xf32, #tpu.memory_space<vmem>>[vector<16xi32>], vector<16xf32>,
        %gt3A_631 = arith.cmpf ogt, %gather3A_630, %max3A_628 : vector<16xf32>
        %eq3A_632 = arith.cmpf oeq, %gather3A_630, %max3A_628 : vector<16xf32>
        %lt3A_633 = arith.cmpi slt, %add3A_129, %select_n3A_627 : vector<16xi32>
        %and3A_634 = arith.andi %eq3A_632, %lt3A_633 : vector<16xi1>
        %or3A_635 = arith.ori %gt3A_631, %and3A_634 : vector<16xi1>
        %select_n3A_636 = arith.select %or3A_635, %add3A_129, %select_n3A_627 : vector<16xi1>, vector<16xi32>
        %max3A_637 = arith.maximumf %gather3A_630, %max3A_628 : vector<16xf32>
        %gather3A_638 = tpu.memref_slice %arg7[%mul3A_531] : memref<16384xf32, #tpu.memory_space<vmem>> -> memref<512xf32, #tpu.memory_space<vmem>>
        %gather3A_639 = tpu.vector_load_idx %gather3A_638[%add3A_139] : memref<512xf32, #tpu.memory_space<vmem>>[vector<16xi32>], vector<16xf32>,
        %gt3A_640 = arith.cmpf ogt, %gather3A_639, %max3A_637 : vector<16xf32>
        %eq3A_641 = arith.cmpf oeq, %gather3A_639, %max3A_637 : vector<16xf32>
        %lt3A_642 = arith.cmpi slt, %add3A_139, %select_n3A_636 : vector<16xi32>
        %and3A_643 = arith.andi %eq3A_641, %lt3A_642 : vector<16xi1>
        %or3A_644 = arith.ori %gt3A_640, %and3A_643 : vector<16xi1>
        %select_n3A_645 = arith.select %or3A_644, %add3A_139, %select_n3A_636 : vector<16xi1>, vector<16xi32>
        %max3A_646 = arith.maximumf %gather3A_639, %max3A_637 : vector<16xf32>
        %gather3A_647 = tpu.memref_slice %arg7[%mul3A_531] : memref<16384xf32, #tpu.memory_space<vmem>> -> memref<512xf32, #tpu.memory_space<vmem>>
        %gather3A_648 = tpu.vector_load_idx %gather3A_647[%add3A_149] : memref<512xf32, #tpu.memory_space<vmem>>[vector<16xi32>], vector<16xf32>,
        %gt3A_649 = arith.cmpf ogt, %gather3A_648, %max3A_646 : vector<16xf32>
        %eq3A_650 = arith.cmpf oeq, %gather3A_648, %max3A_646 : vector<16xf32>
        %lt3A_651 = arith.cmpi slt, %add3A_149, %select_n3A_645 : vector<16xi32>
        %and3A_652 = arith.andi %eq3A_650, %lt3A_651 : vector<16xi1>
        %or3A_653 = arith.ori %gt3A_649, %and3A_652 : vector<16xi1>
        %select_n3A_654 = arith.select %or3A_653, %add3A_149, %select_n3A_645 : vector<16xi1>, vector<16xi32>
        %max3A_655 = arith.maximumf %gather3A_648, %max3A_646 : vector<16xf32>
        %gather3A_656 = tpu.memref_slice %arg7[%mul3A_531] : memref<16384xf32, #tpu.memory_space<vmem>> -> memref<512xf32, #tpu.memory_space<vmem>>
        %gather3A_657 = tpu.vector_load_idx %gather3A_656[%add3A_159] : memref<512xf32, #tpu.memory_space<vmem>>[vector<16xi32>], vector<16xf32>,
        %gt3A_658 = arith.cmpf ogt, %gather3A_657, %max3A_655 : vector<16xf32>
        %eq3A_659 = arith.cmpf oeq, %gather3A_657, %max3A_655 : vector<16xf32>
        %lt3A_660 = arith.cmpi slt, %add3A_159, %select_n3A_654 : vector<16xi32>
        %and3A_661 = arith.andi %eq3A_659, %lt3A_660 : vector<16xi1>
        %or3A_662 = arith.ori %gt3A_658, %and3A_661 : vector<16xi1>
        %select_n3A_663 = arith.select %or3A_662, %add3A_159, %select_n3A_654 : vector<16xi1>, vector<16xi32>
        %max3A_664 = arith.maximumf %gather3A_657, %max3A_655 : vector<16xf32>
        %gather3A_665 = tpu.memref_slice %arg7[%mul3A_531] : memref<16384xf32, #tpu.memory_space<vmem>> -> memref<512xf32, #tpu.memory_space<vmem>>
        %gather3A_666 = tpu.vector_load_idx %gather3A_665[%add3A_169] : memref<512xf32, #tpu.memory_space<vmem>>[vector<16xi32>], vector<16xf32>,
        %gt3A_667 = arith.cmpf ogt, %gather3A_666, %max3A_664 : vector<16xf32>
        %eq3A_668 = arith.cmpf oeq, %gather3A_666, %max3A_664 : vector<16xf32>
        %lt3A_669 = arith.cmpi slt, %add3A_169, %select_n3A_663 : vector<16xi32>
        %and3A_670 = arith.andi %eq3A_668, %lt3A_669 : vector<16xi1>
        %or3A_671 = arith.ori %gt3A_667, %and3A_670 : vector<16xi1>
        %select_n3A_672 = arith.select %or3A_671, %add3A_169, %select_n3A_663 : vector<16xi1>, vector<16xi32>
        %max3A_673 = arith.maximumf %gather3A_666, %max3A_664 : vector<16xf32>
        %gather3A_674 = tpu.memref_slice %arg7[%mul3A_531] : memref<16384xf32, #tpu.memory_space<vmem>> -> memref<512xf32, #tpu.memory_space<vmem>>
        %gather3A_675 = tpu.vector_load_idx %gather3A_674[%add3A_179] : memref<512xf32, #tpu.memory_space<vmem>>[vector<16xi32>], vector<16xf32>,
        %gt3A_676 = arith.cmpf ogt, %gather3A_675, %max3A_673 : vector<16xf32>
        %eq3A_677 = arith.cmpf oeq, %gather3A_675, %max3A_673 : vector<16xf32>
        %lt3A_678 = arith.cmpi slt, %add3A_179, %select_n3A_672 : vector<16xi32>
        %and3A_679 = arith.andi %eq3A_677, %lt3A_678 : vector<16xi1>
        %or3A_680 = arith.ori %gt3A_676, %and3A_679 : vector<16xi1>
        %select_n3A_681 = arith.select %or3A_680, %add3A_179, %select_n3A_672 : vector<16xi1>, vector<16xi32>
        %max3A_682 = arith.maximumf %gather3A_675, %max3A_673 : vector<16xf32>
        %gather3A_683 = tpu.memref_slice %arg7[%mul3A_531] : memref<16384xf32, #tpu.memory_space<vmem>> -> memref<512xf32, #tpu.memory_space<vmem>>
        %gather3A_684 = tpu.vector_load_idx %gather3A_683[%add3A_189] : memref<512xf32, #tpu.memory_space<vmem>>[vector<16xi32>], vector<16xf32>,
        %gt3A_685 = arith.cmpf ogt, %gather3A_684, %max3A_682 : vector<16xf32>
        %eq3A_686 = arith.cmpf oeq, %gather3A_684, %max3A_682 : vector<16xf32>
        %lt3A_687 = arith.cmpi slt, %add3A_189, %select_n3A_681 : vector<16xi32>
        %and3A_688 = arith.andi %eq3A_686, %lt3A_687 : vector<16xi1>
        %or3A_689 = arith.ori %gt3A_685, %and3A_688 : vector<16xi1>
        %select_n3A_690 = arith.select %or3A_689, %add3A_189, %select_n3A_681 : vector<16xi1>, vector<16xi32>
        %max3A_691 = arith.maximumf %gather3A_684, %max3A_682 : vector<16xf32>
        %gather3A_692 = tpu.memref_slice %arg7[%mul3A_531] : memref<16384xf32, #tpu.memory_space<vmem>> -> memref<512xf32, #tpu.memory_space<vmem>>
        %gather3A_693 = tpu.vector_load_idx %gather3A_692[%add3A_199] : memref<512xf32, #tpu.memory_space<vmem>>[vector<16xi32>], vector<16xf32>,
        %gt3A_694 = arith.cmpf ogt, %gather3A_693, %max3A_691 : vector<16xf32>
        %eq3A_695 = arith.cmpf oeq, %gather3A_693, %max3A_691 : vector<16xf32>
        %lt3A_696 = arith.cmpi slt, %add3A_199, %select_n3A_690 : vector<16xi32>
        %and3A_697 = arith.andi %eq3A_695, %lt3A_696 : vector<16xi1>
        %or3A_698 = arith.ori %gt3A_694, %and3A_697 : vector<16xi1>
        %select_n3A_699 = arith.select %or3A_698, %add3A_199, %select_n3A_690 : vector<16xi1>, vector<16xi32>
        %max3A_700 = arith.maximumf %gather3A_693, %max3A_691 : vector<16xf32>
        %gather3A_701 = tpu.memref_slice %arg7[%mul3A_531] : memref<16384xf32, #tpu.memory_space<vmem>> -> memref<512xf32, #tpu.memory_space<vmem>>
        %gather3A_702 = tpu.vector_load_idx %gather3A_701[%add3A_209] : memref<512xf32, #tpu.memory_space<vmem>>[vector<16xi32>], vector<16xf32>,
        %gt3A_703 = arith.cmpf ogt, %gather3A_702, %max3A_700 : vector<16xf32>
        %eq3A_704 = arith.cmpf oeq, %gather3A_702, %max3A_700 : vector<16xf32>
        %lt3A_705 = arith.cmpi slt, %add3A_209, %select_n3A_699 : vector<16xi32>
        %and3A_706 = arith.andi %eq3A_704, %lt3A_705 : vector<16xi1>
        %or3A_707 = arith.ori %gt3A_703, %and3A_706 : vector<16xi1>
        %select_n3A_708 = arith.select %or3A_707, %add3A_209, %select_n3A_699 : vector<16xi1>, vector<16xi32>
        %max3A_709 = arith.maximumf %gather3A_702, %max3A_700 : vector<16xf32>
        %gather3A_710 = tpu.memref_slice %arg7[%mul3A_531] : memref<16384xf32, #tpu.memory_space<vmem>> -> memref<512xf32, #tpu.memory_space<vmem>>
        %gather3A_711 = tpu.vector_load_idx %gather3A_710[%add3A_219] : memref<512xf32, #tpu.memory_space<vmem>>[vector<16xi32>], vector<16xf32>,
        %gt3A_712 = arith.cmpf ogt, %gather3A_711, %max3A_709 : vector<16xf32>
        %eq3A_713 = arith.cmpf oeq, %gather3A_711, %max3A_709 : vector<16xf32>
        %lt3A_714 = arith.cmpi slt, %add3A_219, %select_n3A_708 : vector<16xi32>
        %and3A_715 = arith.andi %eq3A_713, %lt3A_714 : vector<16xi1>
        %or3A_716 = arith.ori %gt3A_712, %and3A_715 : vector<16xi1>
        %select_n3A_717 = arith.select %or3A_716, %add3A_219, %select_n3A_708 : vector<16xi1>, vector<16xi32>
        %max3A_718 = arith.maximumf %gather3A_711, %max3A_709 : vector<16xf32>
        %gather3A_719 = tpu.memref_slice %arg7[%mul3A_531] : memref<16384xf32, #tpu.memory_space<vmem>> -> memref<512xf32, #tpu.memory_space<vmem>>
        %gather3A_720 = tpu.vector_load_idx %gather3A_719[%add3A_229] : memref<512xf32, #tpu.memory_space<vmem>>[vector<16xi32>], vector<16xf32>,
        %gt3A_721 = arith.cmpf ogt, %gather3A_720, %max3A_718 : vector<16xf32>
        %eq3A_722 = arith.cmpf oeq, %gather3A_720, %max3A_718 : vector<16xf32>
        %lt3A_723 = arith.cmpi slt, %add3A_229, %select_n3A_717 : vector<16xi32>
        %and3A_724 = arith.andi %eq3A_722, %lt3A_723 : vector<16xi1>
        %or3A_725 = arith.ori %gt3A_721, %and3A_724 : vector<16xi1>
        %select_n3A_726 = arith.select %or3A_725, %add3A_229, %select_n3A_717 : vector<16xi1>, vector<16xi32>
        %max3A_727 = arith.maximumf %gather3A_720, %max3A_718 : vector<16xf32>
        %gather3A_728 = tpu.memref_slice %arg7[%mul3A_531] : memref<16384xf32, #tpu.memory_space<vmem>> -> memref<512xf32, #tpu.memory_space<vmem>>
        %gather3A_729 = tpu.vector_load_idx %gather3A_728[%add3A_239] : memref<512xf32, #tpu.memory_space<vmem>>[vector<16xi32>], vector<16xf32>,
        %gt3A_730 = arith.cmpf ogt, %gather3A_729, %max3A_727 : vector<16xf32>
        %eq3A_731 = arith.cmpf oeq, %gather3A_729, %max3A_727 : vector<16xf32>
        %lt3A_732 = arith.cmpi slt, %add3A_239, %select_n3A_726 : vector<16xi32>
        %and3A_733 = arith.andi %eq3A_731, %lt3A_732 : vector<16xi1>
        %or3A_734 = arith.ori %gt3A_730, %and3A_733 : vector<16xi1>
        %select_n3A_735 = arith.select %or3A_734, %add3A_239, %select_n3A_726 : vector<16xi1>, vector<16xi32>
        %max3A_736 = arith.maximumf %gather3A_729, %max3A_727 : vector<16xf32>
        %gather3A_737 = tpu.memref_slice %arg7[%mul3A_531] : memref<16384xf32, #tpu.memory_space<vmem>> -> memref<512xf32, #tpu.memory_space<vmem>>
        %gather3A_738 = tpu.vector_load_idx %gather3A_737[%add3A_249] : memref<512xf32, #tpu.memory_space<vmem>>[vector<16xi32>], vector<16xf32>,
        %gt3A_739 = arith.cmpf ogt, %gather3A_738, %max3A_736 : vector<16xf32>
        %eq3A_740 = arith.cmpf oeq, %gather3A_738, %max3A_736 : vector<16xf32>
        %lt3A_741 = arith.cmpi slt, %add3A_249, %select_n3A_735 : vector<16xi32>
        %and3A_742 = arith.andi %eq3A_740, %lt3A_741 : vector<16xi1>
        %or3A_743 = arith.ori %gt3A_739, %and3A_742 : vector<16xi1>
        %select_n3A_744 = arith.select %or3A_743, %add3A_249, %select_n3A_735 : vector<16xi1>, vector<16xi32>
        %max3A_745 = arith.maximumf %gather3A_738, %max3A_736 : vector<16xf32>
        %gather3A_746 = tpu.memref_slice %arg7[%mul3A_531] : memref<16384xf32, #tpu.memory_space<vmem>> -> memref<512xf32, #tpu.memory_space<vmem>>
        %gather3A_747 = tpu.vector_load_idx %gather3A_746[%add3A_259] : memref<512xf32, #tpu.memory_space<vmem>>[vector<16xi32>], vector<16xf32>,
        %gt3A_748 = arith.cmpf ogt, %gather3A_747, %max3A_745 : vector<16xf32>
        %eq3A_749 = arith.cmpf oeq, %gather3A_747, %max3A_745 : vector<16xf32>
        %lt3A_750 = arith.cmpi slt, %add3A_259, %select_n3A_744 : vector<16xi32>
        %and3A_751 = arith.andi %eq3A_749, %lt3A_750 : vector<16xi1>
        %or3A_752 = arith.ori %gt3A_748, %and3A_751 : vector<16xi1>
        %select_n3A_753 = arith.select %or3A_752, %add3A_259, %select_n3A_744 : vector<16xi1>, vector<16xi32>
        %max3A_754 = arith.maximumf %gather3A_747, %max3A_745 : vector<16xf32>
        %gather3A_755 = tpu.memref_slice %arg7[%mul3A_531] : memref<16384xf32, #tpu.memory_space<vmem>> -> memref<512xf32, #tpu.memory_space<vmem>>
        %gather3A_756 = tpu.vector_load_idx %gather3A_755[%add3A_269] : memref<512xf32, #tpu.memory_space<vmem>>[vector<16xi32>], vector<16xf32>,
        %gt3A_757 = arith.cmpf ogt, %gather3A_756, %max3A_754 : vector<16xf32>
        %eq3A_758 = arith.cmpf oeq, %gather3A_756, %max3A_754 : vector<16xf32>
        %lt3A_759 = arith.cmpi slt, %add3A_269, %select_n3A_753 : vector<16xi32>
        %and3A_760 = arith.andi %eq3A_758, %lt3A_759 : vector<16xi1>
        %or3A_761 = arith.ori %gt3A_757, %and3A_760 : vector<16xi1>
        %select_n3A_762 = arith.select %or3A_761, %add3A_269, %select_n3A_753 : vector<16xi1>, vector<16xi32>
        %max3A_763 = arith.maximumf %gather3A_756, %max3A_754 : vector<16xf32>
        %gather3A_764 = tpu.memref_slice %arg7[%mul3A_531] : memref<16384xf32, #tpu.memory_space<vmem>> -> memref<512xf32, #tpu.memory_space<vmem>>
        %gather3A_765 = tpu.vector_load_idx %gather3A_764[%add3A_279] : memref<512xf32, #tpu.memory_space<vmem>>[vector<16xi32>], vector<16xf32>,
        %gt3A_766 = arith.cmpf ogt, %gather3A_765, %max3A_763 : vector<16xf32>
        %eq3A_767 = arith.cmpf oeq, %gather3A_765, %max3A_763 : vector<16xf32>
        %lt3A_768 = arith.cmpi slt, %add3A_279, %select_n3A_762 : vector<16xi32>
        %and3A_769 = arith.andi %eq3A_767, %lt3A_768 : vector<16xi1>
        %or3A_770 = arith.ori %gt3A_766, %and3A_769 : vector<16xi1>
        %select_n3A_771 = arith.select %or3A_770, %add3A_279, %select_n3A_762 : vector<16xi1>, vector<16xi32>
        %max3A_772 = arith.maximumf %gather3A_765, %max3A_763 : vector<16xf32>
        %gather3A_773 = tpu.memref_slice %arg7[%mul3A_531] : memref<16384xf32, #tpu.memory_space<vmem>> -> memref<512xf32, #tpu.memory_space<vmem>>
        %gather3A_774 = tpu.vector_load_idx %gather3A_773[%add3A_289] : memref<512xf32, #tpu.memory_space<vmem>>[vector<16xi32>], vector<16xf32>,
        %gt3A_775 = arith.cmpf ogt, %gather3A_774, %max3A_772 : vector<16xf32>
        %eq3A_776 = arith.cmpf oeq, %gather3A_774, %max3A_772 : vector<16xf32>
        %lt3A_777 = arith.cmpi slt, %add3A_289, %select_n3A_771 : vector<16xi32>
        %and3A_778 = arith.andi %eq3A_776, %lt3A_777 : vector<16xi1>
        %or3A_779 = arith.ori %gt3A_775, %and3A_778 : vector<16xi1>
        %select_n3A_780 = arith.select %or3A_779, %add3A_289, %select_n3A_771 : vector<16xi1>, vector<16xi32>
        %max3A_781 = arith.maximumf %gather3A_774, %max3A_772 : vector<16xf32>
        %gather3A_782 = tpu.memref_slice %arg7[%mul3A_531] : memref<16384xf32, #tpu.memory_space<vmem>> -> memref<512xf32, #tpu.memory_space<vmem>>
        %gather3A_783 = tpu.vector_load_idx %gather3A_782[%add3A_299] : memref<512xf32, #tpu.memory_space<vmem>>[vector<16xi32>], vector<16xf32>,
        %gt3A_784 = arith.cmpf ogt, %gather3A_783, %max3A_781 : vector<16xf32>
        %eq3A_785 = arith.cmpf oeq, %gather3A_783, %max3A_781 : vector<16xf32>
        %lt3A_786 = arith.cmpi slt, %add3A_299, %select_n3A_780 : vector<16xi32>
        %and3A_787 = arith.andi %eq3A_785, %lt3A_786 : vector<16xi1>
        %or3A_788 = arith.ori %gt3A_784, %and3A_787 : vector<16xi1>
        %select_n3A_789 = arith.select %or3A_788, %add3A_299, %select_n3A_780 : vector<16xi1>, vector<16xi32>
        %max3A_790 = arith.maximumf %gather3A_783, %max3A_781 : vector<16xf32>
        %gather3A_791 = tpu.memref_slice %arg7[%mul3A_531] : memref<16384xf32, #tpu.memory_space<vmem>> -> memref<512xf32, #tpu.memory_space<vmem>>
        %gather3A_792 = tpu.vector_load_idx %gather3A_791[%add3A_309] : memref<512xf32, #tpu.memory_space<vmem>>[vector<16xi32>], vector<16xf32>,
        %gt3A_793 = arith.cmpf ogt, %gather3A_792, %max3A_790 : vector<16xf32>
        %eq3A_794 = arith.cmpf oeq, %gather3A_792, %max3A_790 : vector<16xf32>
        %lt3A_795 = arith.cmpi slt, %add3A_309, %select_n3A_789 : vector<16xi32>
        %and3A_796 = arith.andi %eq3A_794, %lt3A_795 : vector<16xi1>
        %or3A_797 = arith.ori %gt3A_793, %and3A_796 : vector<16xi1>
        %select_n3A_798 = arith.select %or3A_797, %add3A_309, %select_n3A_789 : vector<16xi1>, vector<16xi32>
        %max3A_799 = arith.maximumf %gather3A_792, %max3A_790 : vector<16xf32>
        %gather3A_800 = tpu.memref_slice %arg7[%mul3A_531] : memref<16384xf32, #tpu.memory_space<vmem>> -> memref<512xf32, #tpu.memory_space<vmem>>
        %gather3A_801 = tpu.vector_load_idx %gather3A_800[%add3A_319] : memref<512xf32, #tpu.memory_space<vmem>>[vector<16xi32>], vector<16xf32>,
        %gt3A_802 = arith.cmpf ogt, %gather3A_801, %max3A_799 : vector<16xf32>
        %eq3A_803 = arith.cmpf oeq, %gather3A_801, %max3A_799 : vector<16xf32>
        %lt3A_804 = arith.cmpi slt, %add3A_319, %select_n3A_798 : vector<16xi32>
        %and3A_805 = arith.andi %eq3A_803, %lt3A_804 : vector<16xi1>
        %or3A_806 = arith.ori %gt3A_802, %and3A_805 : vector<16xi1>
        %select_n3A_807 = arith.select %or3A_806, %add3A_319, %select_n3A_798 : vector<16xi1>, vector<16xi32>
        %max3A_808 = arith.maximumf %gather3A_801, %max3A_799 : vector<16xf32>
        %and3A_809 = arith.constant 31 : i32
        %and3A_810 = vector.broadcast %and3A_809 : i32 to vector<16xi32>
        %and3A_811 = arith.andi %select_n3A_807, %and3A_810 : vector<16xi32>
        %convert_element_type3A_812 = arith.sitofp %and3A_811 : vector<16xi32> to vector<16xf32>
        %mul3A_813 = arith.constant 512 : i32
        %mul3A_814 = arith.muli %add3A_436, %mul3A_813 : i32
        %mul3A_815 = arith.constant 16 : i32
        %mul3A_816 = arith.muli %scan3A_526, %mul3A_815 : i32
        %add3A_817 = arith.addi %mul3A_814, %mul3A_816 : i32
        %swap3A = arith.index_cast %add3A_817 : i32 to index
        %swap3A_818 = tpu.vector_load %arg11[%swap3A] {strides = array<i32>} : memref<8192xf32, #tpu.memory_space<vmem>>, vector<16xf32>,
        tpu.vector_store %arg11[%swap3A], %convert_element_type3A_812 {strides = array<i32>} : memref<8192xf32, #tpu.memory_space<vmem>>, vector<16xf32>,
        %scan3A_819 = arith.constant 0 : i32
        scf.yield %scan3A_819 : i32
      }
      %scan3A_448 = arith.constant 32 : i32
      %add3A_449 = arith.constant 4 : i32
      %add3A_450 = arith.addi %add3A_436, %add3A_449 : i32
      %lt3A = arith.constant 16 : i32
      %lt3A_451 = arith.cmpi slt, %add3A_450, %lt3A : i32
      %convert_element_type3A = arith.extui %lt3A_451 : i1 to i32
      %cond3A = arith.constant 0 : i32
      %cond3A_452 = arith.cmpi ne, %convert_element_type3A, %cond3A : i32
      scf.if %cond3A_452 {
        %add3A_526 = arith.constant 4 : i32
        %add3A_527 = arith.addi %add3A_436, %add3A_526 : i32
        %mul3A_528 = arith.constant 16384 : i32
        %mul3A_529 = arith.muli %add3A_527, %mul3A_528 : i32
        %dma_start3A_530 = tpu.memref_slice %arg3[%add3A_323, %mul3A_529] : memref<64x262144xf32, #tpu.memory_space<hbm>> -> memref<1x16384xf32, #tpu.memory_space<hbm>>
        %dma_start3A_531 = tpu.memref_squeeze %dma_start3A_530 : memref<1x16384xf32, #tpu.memory_space<hbm>> -> memref<16384xf32, #tpu.memory_space<hbm>>
        %dma_start3A_532 = tpu.memref_slice %arg3[%add3A_323, %mul3A_529] : memref<64x262144xf32, #tpu.memory_space<hbm>> -> memref<1x16384xf32, #tpu.memory_space<hbm>>
        %dma_start3A_533 = tpu.memref_squeeze %dma_start3A_532 : memref<1x16384xf32, #tpu.memory_space<hbm>> -> memref<16384xf32, #tpu.memory_space<hbm>>
        tpu.enqueue_dma source(%dma_start3A_533 : memref<16384xf32, #tpu.memory_space<hbm>>) target(%arg7 : memref<16384xf32, #tpu.memory_space<vmem>>) target_semaphore(%arg15 : memref<!tpu.dma_semaphore, #tpu.memory_space<semaphore_mem>>)
      } else {
      }
      %mul3A_453 = arith.constant 4 : i32
      %mul3A_454 = arith.muli %scan3A_431, %mul3A_453 : i32
      %add3A_455 = arith.constant 1 : i32
      %add3A_456 = arith.addi %mul3A_454, %add3A_455 : i32
      %dma_wait3A_457 = arith.constant 0 : i32
      %dma_wait3A_458 = tpu.memref_slice %arg3[%add3A_323, %dma_wait3A_457] : memref<64x262144xf32, #tpu.memory_space<hbm>> -> memref<1x16384xf32, #tpu.memory_space<hbm>>
      %dma_wait3A_459 = tpu.memref_squeeze %dma_wait3A_458 : memref<1x16384xf32, #tpu.memory_space<hbm>> -> memref<16384xf32, #tpu.memory_space<hbm>>
      %dma_wait3A_460 = arith.constant 0 : i32
      %dma_wait3A_461 = tpu.memref_slice %arg3[%add3A_323, %dma_wait3A_460] : memref<64x262144xf32, #tpu.memory_space<hbm>> -> memref<1x16384xf32, #tpu.memory_space<hbm>>
      %dma_wait3A_462 = tpu.memref_squeeze %dma_wait3A_461 : memref<1x16384xf32, #tpu.memory_space<hbm>> -> memref<16384xf32, #tpu.memory_space<hbm>>
      tpu.wait_dma2 semaphore(%arg16 : memref<!tpu.dma_semaphore, #tpu.memory_space<semaphore_mem>>) src(%dma_wait3A_462 : memref<16384xf32, #tpu.memory_space<hbm>>) dst(%arg8 : memref<16384xf32, #tpu.memory_space<vmem>>)
      %scan3A_463 = arith.constant 0 : i32
      %scan3A_464 = arith.constant 0 : i32
      %scan3A_465 = arith.constant 32 : i32
      %scan3A_466 = arith.addi %scan3A_464, %scan3A_465 : i32
      %scan3A_467 = arith.constant 1 : i32
      %scan3A_468 = scf.for %scan3A_526 = %scan3A_464 to %scan3A_466 step %scan3A_467 iter_args(%scan3A_527 = %scan3A_463) -> (i32)  : i32 {
        %mul3A_528 = arith.constant 16 : i32
        %mul3A_529 = arith.muli %scan3A_526, %mul3A_528 : i32
        %mul3A_530 = arith.constant 32 : i32
        %mul3A_531 = arith.muli %mul3A_529, %mul3A_530 : i32
        %gather3A_532 = tpu.memref_slice %arg8[%mul3A_531] : memref<16384xf32, #tpu.memory_space<vmem>> -> memref<512xf32, #tpu.memory_space<vmem>>
        %gather3A_533 = tpu.vector_load_idx %gather3A_532[%add3A_9] : memref<512xf32, #tpu.memory_space<vmem>>[vector<16xi32>], vector<16xf32>,
        %gather3A_534 = tpu.memref_slice %arg8[%mul3A_531] : memref<16384xf32, #tpu.memory_space<vmem>> -> memref<512xf32, #tpu.memory_space<vmem>>
        %gather3A_535 = tpu.vector_load_idx %gather3A_534[%add3A_19] : memref<512xf32, #tpu.memory_space<vmem>>[vector<16xi32>], vector<16xf32>,
        %gt3A_536 = arith.cmpf ogt, %gather3A_535, %gather3A_533 : vector<16xf32>
        %eq3A = arith.cmpf oeq, %gather3A_535, %gather3A_533 : vector<16xf32>
        %lt3A_537 = arith.cmpi slt, %add3A_19, %add3A_9 : vector<16xi32>
        %and3A_538 = arith.andi %eq3A, %lt3A_537 : vector<16xi1>
        %or3A = arith.ori %gt3A_536, %and3A_538 : vector<16xi1>
        %select_n3A = arith.select %or3A, %add3A_19, %add3A_9 : vector<16xi1>, vector<16xi32>
        %max3A = arith.maximumf %gather3A_535, %gather3A_533 : vector<16xf32>
        %gather3A_539 = tpu.memref_slice %arg8[%mul3A_531] : memref<16384xf32, #tpu.memory_space<vmem>> -> memref<512xf32, #tpu.memory_space<vmem>>
        %gather3A_540 = tpu.vector_load_idx %gather3A_539[%add3A_29] : memref<512xf32, #tpu.memory_space<vmem>>[vector<16xi32>], vector<16xf32>,
        %gt3A_541 = arith.cmpf ogt, %gather3A_540, %max3A : vector<16xf32>
        %eq3A_542 = arith.cmpf oeq, %gather3A_540, %max3A : vector<16xf32>
        %lt3A_543 = arith.cmpi slt, %add3A_29, %select_n3A : vector<16xi32>
        %and3A_544 = arith.andi %eq3A_542, %lt3A_543 : vector<16xi1>
        %or3A_545 = arith.ori %gt3A_541, %and3A_544 : vector<16xi1>
        %select_n3A_546 = arith.select %or3A_545, %add3A_29, %select_n3A : vector<16xi1>, vector<16xi32>
        %max3A_547 = arith.maximumf %gather3A_540, %max3A : vector<16xf32>
        %gather3A_548 = tpu.memref_slice %arg8[%mul3A_531] : memref<16384xf32, #tpu.memory_space<vmem>> -> memref<512xf32, #tpu.memory_space<vmem>>
        %gather3A_549 = tpu.vector_load_idx %gather3A_548[%add3A_39] : memref<512xf32, #tpu.memory_space<vmem>>[vector<16xi32>], vector<16xf32>,
        %gt3A_550 = arith.cmpf ogt, %gather3A_549, %max3A_547 : vector<16xf32>
        %eq3A_551 = arith.cmpf oeq, %gather3A_549, %max3A_547 : vector<16xf32>
        %lt3A_552 = arith.cmpi slt, %add3A_39, %select_n3A_546 : vector<16xi32>
        %and3A_553 = arith.andi %eq3A_551, %lt3A_552 : vector<16xi1>
        %or3A_554 = arith.ori %gt3A_550, %and3A_553 : vector<16xi1>
        %select_n3A_555 = arith.select %or3A_554, %add3A_39, %select_n3A_546 : vector<16xi1>, vector<16xi32>
        %max3A_556 = arith.maximumf %gather3A_549, %max3A_547 : vector<16xf32>
        %gather3A_557 = tpu.memref_slice %arg8[%mul3A_531] : memref<16384xf32, #tpu.memory_space<vmem>> -> memref<512xf32, #tpu.memory_space<vmem>>
        %gather3A_558 = tpu.vector_load_idx %gather3A_557[%add3A_49] : memref<512xf32, #tpu.memory_space<vmem>>[vector<16xi32>], vector<16xf32>,
        %gt3A_559 = arith.cmpf ogt, %gather3A_558, %max3A_556 : vector<16xf32>
        %eq3A_560 = arith.cmpf oeq, %gather3A_558, %max3A_556 : vector<16xf32>
        %lt3A_561 = arith.cmpi slt, %add3A_49, %select_n3A_555 : vector<16xi32>
        %and3A_562 = arith.andi %eq3A_560, %lt3A_561 : vector<16xi1>
        %or3A_563 = arith.ori %gt3A_559, %and3A_562 : vector<16xi1>
        %select_n3A_564 = arith.select %or3A_563, %add3A_49, %select_n3A_555 : vector<16xi1>, vector<16xi32>
        %max3A_565 = arith.maximumf %gather3A_558, %max3A_556 : vector<16xf32>
        %gather3A_566 = tpu.memref_slice %arg8[%mul3A_531] : memref<16384xf32, #tpu.memory_space<vmem>> -> memref<512xf32, #tpu.memory_space<vmem>>
        %gather3A_567 = tpu.vector_load_idx %gather3A_566[%add3A_59] : memref<512xf32, #tpu.memory_space<vmem>>[vector<16xi32>], vector<16xf32>,
        %gt3A_568 = arith.cmpf ogt, %gather3A_567, %max3A_565 : vector<16xf32>
        %eq3A_569 = arith.cmpf oeq, %gather3A_567, %max3A_565 : vector<16xf32>
        %lt3A_570 = arith.cmpi slt, %add3A_59, %select_n3A_564 : vector<16xi32>
        %and3A_571 = arith.andi %eq3A_569, %lt3A_570 : vector<16xi1>
        %or3A_572 = arith.ori %gt3A_568, %and3A_571 : vector<16xi1>
        %select_n3A_573 = arith.select %or3A_572, %add3A_59, %select_n3A_564 : vector<16xi1>, vector<16xi32>
        %max3A_574 = arith.maximumf %gather3A_567, %max3A_565 : vector<16xf32>
        %gather3A_575 = tpu.memref_slice %arg8[%mul3A_531] : memref<16384xf32, #tpu.memory_space<vmem>> -> memref<512xf32, #tpu.memory_space<vmem>>
        %gather3A_576 = tpu.vector_load_idx %gather3A_575[%add3A_69] : memref<512xf32, #tpu.memory_space<vmem>>[vector<16xi32>], vector<16xf32>,
        %gt3A_577 = arith.cmpf ogt, %gather3A_576, %max3A_574 : vector<16xf32>
        %eq3A_578 = arith.cmpf oeq, %gather3A_576, %max3A_574 : vector<16xf32>
        %lt3A_579 = arith.cmpi slt, %add3A_69, %select_n3A_573 : vector<16xi32>
        %and3A_580 = arith.andi %eq3A_578, %lt3A_579 : vector<16xi1>
        %or3A_581 = arith.ori %gt3A_577, %and3A_580 : vector<16xi1>
        %select_n3A_582 = arith.select %or3A_581, %add3A_69, %select_n3A_573 : vector<16xi1>, vector<16xi32>
        %max3A_583 = arith.maximumf %gather3A_576, %max3A_574 : vector<16xf32>
        %gather3A_584 = tpu.memref_slice %arg8[%mul3A_531] : memref<16384xf32, #tpu.memory_space<vmem>> -> memref<512xf32, #tpu.memory_space<vmem>>
        %gather3A_585 = tpu.vector_load_idx %gather3A_584[%add3A_79] : memref<512xf32, #tpu.memory_space<vmem>>[vector<16xi32>], vector<16xf32>,
        %gt3A_586 = arith.cmpf ogt, %gather3A_585, %max3A_583 : vector<16xf32>
        %eq3A_587 = arith.cmpf oeq, %gather3A_585, %max3A_583 : vector<16xf32>
        %lt3A_588 = arith.cmpi slt, %add3A_79, %select_n3A_582 : vector<16xi32>
        %and3A_589 = arith.andi %eq3A_587, %lt3A_588 : vector<16xi1>
        %or3A_590 = arith.ori %gt3A_586, %and3A_589 : vector<16xi1>
        %select_n3A_591 = arith.select %or3A_590, %add3A_79, %select_n3A_582 : vector<16xi1>, vector<16xi32>
        %max3A_592 = arith.maximumf %gather3A_585, %max3A_583 : vector<16xf32>
        %gather3A_593 = tpu.memref_slice %arg8[%mul3A_531] : memref<16384xf32, #tpu.memory_space<vmem>> -> memref<512xf32, #tpu.memory_space<vmem>>
        %gather3A_594 = tpu.vector_load_idx %gather3A_593[%add3A_89] : memref<512xf32, #tpu.memory_space<vmem>>[vector<16xi32>], vector<16xf32>,
        %gt3A_595 = arith.cmpf ogt, %gather3A_594, %max3A_592 : vector<16xf32>
        %eq3A_596 = arith.cmpf oeq, %gather3A_594, %max3A_592 : vector<16xf32>
        %lt3A_597 = arith.cmpi slt, %add3A_89, %select_n3A_591 : vector<16xi32>
        %and3A_598 = arith.andi %eq3A_596, %lt3A_597 : vector<16xi1>
        %or3A_599 = arith.ori %gt3A_595, %and3A_598 : vector<16xi1>
        %select_n3A_600 = arith.select %or3A_599, %add3A_89, %select_n3A_591 : vector<16xi1>, vector<16xi32>
        %max3A_601 = arith.maximumf %gather3A_594, %max3A_592 : vector<16xf32>
        %gather3A_602 = tpu.memref_slice %arg8[%mul3A_531] : memref<16384xf32, #tpu.memory_space<vmem>> -> memref<512xf32, #tpu.memory_space<vmem>>
        %gather3A_603 = tpu.vector_load_idx %gather3A_602[%add3A_99] : memref<512xf32, #tpu.memory_space<vmem>>[vector<16xi32>], vector<16xf32>,
        %gt3A_604 = arith.cmpf ogt, %gather3A_603, %max3A_601 : vector<16xf32>
        %eq3A_605 = arith.cmpf oeq, %gather3A_603, %max3A_601 : vector<16xf32>
        %lt3A_606 = arith.cmpi slt, %add3A_99, %select_n3A_600 : vector<16xi32>
        %and3A_607 = arith.andi %eq3A_605, %lt3A_606 : vector<16xi1>
        %or3A_608 = arith.ori %gt3A_604, %and3A_607 : vector<16xi1>
        %select_n3A_609 = arith.select %or3A_608, %add3A_99, %select_n3A_600 : vector<16xi1>, vector<16xi32>
        %max3A_610 = arith.maximumf %gather3A_603, %max3A_601 : vector<16xf32>
        %gather3A_611 = tpu.memref_slice %arg8[%mul3A_531] : memref<16384xf32, #tpu.memory_space<vmem>> -> memref<512xf32, #tpu.memory_space<vmem>>
        %gather3A_612 = tpu.vector_load_idx %gather3A_611[%add3A_109] : memref<512xf32, #tpu.memory_space<vmem>>[vector<16xi32>], vector<16xf32>,
        %gt3A_613 = arith.cmpf ogt, %gather3A_612, %max3A_610 : vector<16xf32>
        %eq3A_614 = arith.cmpf oeq, %gather3A_612, %max3A_610 : vector<16xf32>
        %lt3A_615 = arith.cmpi slt, %add3A_109, %select_n3A_609 : vector<16xi32>
        %and3A_616 = arith.andi %eq3A_614, %lt3A_615 : vector<16xi1>
        %or3A_617 = arith.ori %gt3A_613, %and3A_616 : vector<16xi1>
        %select_n3A_618 = arith.select %or3A_617, %add3A_109, %select_n3A_609 : vector<16xi1>, vector<16xi32>
        %max3A_619 = arith.maximumf %gather3A_612, %max3A_610 : vector<16xf32>
        %gather3A_620 = tpu.memref_slice %arg8[%mul3A_531] : memref<16384xf32, #tpu.memory_space<vmem>> -> memref<512xf32, #tpu.memory_space<vmem>>
        %gather3A_621 = tpu.vector_load_idx %gather3A_620[%add3A_119] : memref<512xf32, #tpu.memory_space<vmem>>[vector<16xi32>], vector<16xf32>,
        %gt3A_622 = arith.cmpf ogt, %gather3A_621, %max3A_619 : vector<16xf32>
        %eq3A_623 = arith.cmpf oeq, %gather3A_621, %max3A_619 : vector<16xf32>
        %lt3A_624 = arith.cmpi slt, %add3A_119, %select_n3A_618 : vector<16xi32>
        %and3A_625 = arith.andi %eq3A_623, %lt3A_624 : vector<16xi1>
        %or3A_626 = arith.ori %gt3A_622, %and3A_625 : vector<16xi1>
        %select_n3A_627 = arith.select %or3A_626, %add3A_119, %select_n3A_618 : vector<16xi1>, vector<16xi32>
        %max3A_628 = arith.maximumf %gather3A_621, %max3A_619 : vector<16xf32>
        %gather3A_629 = tpu.memref_slice %arg8[%mul3A_531] : memref<16384xf32, #tpu.memory_space<vmem>> -> memref<512xf32, #tpu.memory_space<vmem>>
        %gather3A_630 = tpu.vector_load_idx %gather3A_629[%add3A_129] : memref<512xf32, #tpu.memory_space<vmem>>[vector<16xi32>], vector<16xf32>,
        %gt3A_631 = arith.cmpf ogt, %gather3A_630, %max3A_628 : vector<16xf32>
        %eq3A_632 = arith.cmpf oeq, %gather3A_630, %max3A_628 : vector<16xf32>
        %lt3A_633 = arith.cmpi slt, %add3A_129, %select_n3A_627 : vector<16xi32>
        %and3A_634 = arith.andi %eq3A_632, %lt3A_633 : vector<16xi1>
        %or3A_635 = arith.ori %gt3A_631, %and3A_634 : vector<16xi1>
        %select_n3A_636 = arith.select %or3A_635, %add3A_129, %select_n3A_627 : vector<16xi1>, vector<16xi32>
        %max3A_637 = arith.maximumf %gather3A_630, %max3A_628 : vector<16xf32>
        %gather3A_638 = tpu.memref_slice %arg8[%mul3A_531] : memref<16384xf32, #tpu.memory_space<vmem>> -> memref<512xf32, #tpu.memory_space<vmem>>
        %gather3A_639 = tpu.vector_load_idx %gather3A_638[%add3A_139] : memref<512xf32, #tpu.memory_space<vmem>>[vector<16xi32>], vector<16xf32>,
        %gt3A_640 = arith.cmpf ogt, %gather3A_639, %max3A_637 : vector<16xf32>
        %eq3A_641 = arith.cmpf oeq, %gather3A_639, %max3A_637 : vector<16xf32>
        %lt3A_642 = arith.cmpi slt, %add3A_139, %select_n3A_636 : vector<16xi32>
        %and3A_643 = arith.andi %eq3A_641, %lt3A_642 : vector<16xi1>
        %or3A_644 = arith.ori %gt3A_640, %and3A_643 : vector<16xi1>
        %select_n3A_645 = arith.select %or3A_644, %add3A_139, %select_n3A_636 : vector<16xi1>, vector<16xi32>
        %max3A_646 = arith.maximumf %gather3A_639, %max3A_637 : vector<16xf32>
        %gather3A_647 = tpu.memref_slice %arg8[%mul3A_531] : memref<16384xf32, #tpu.memory_space<vmem>> -> memref<512xf32, #tpu.memory_space<vmem>>
        %gather3A_648 = tpu.vector_load_idx %gather3A_647[%add3A_149] : memref<512xf32, #tpu.memory_space<vmem>>[vector<16xi32>], vector<16xf32>,
        %gt3A_649 = arith.cmpf ogt, %gather3A_648, %max3A_646 : vector<16xf32>
        %eq3A_650 = arith.cmpf oeq, %gather3A_648, %max3A_646 : vector<16xf32>
        %lt3A_651 = arith.cmpi slt, %add3A_149, %select_n3A_645 : vector<16xi32>
        %and3A_652 = arith.andi %eq3A_650, %lt3A_651 : vector<16xi1>
        %or3A_653 = arith.ori %gt3A_649, %and3A_652 : vector<16xi1>
        %select_n3A_654 = arith.select %or3A_653, %add3A_149, %select_n3A_645 : vector<16xi1>, vector<16xi32>
        %max3A_655 = arith.maximumf %gather3A_648, %max3A_646 : vector<16xf32>
        %gather3A_656 = tpu.memref_slice %arg8[%mul3A_531] : memref<16384xf32, #tpu.memory_space<vmem>> -> memref<512xf32, #tpu.memory_space<vmem>>
        %gather3A_657 = tpu.vector_load_idx %gather3A_656[%add3A_159] : memref<512xf32, #tpu.memory_space<vmem>>[vector<16xi32>], vector<16xf32>,
        %gt3A_658 = arith.cmpf ogt, %gather3A_657, %max3A_655 : vector<16xf32>
        %eq3A_659 = arith.cmpf oeq, %gather3A_657, %max3A_655 : vector<16xf32>
        %lt3A_660 = arith.cmpi slt, %add3A_159, %select_n3A_654 : vector<16xi32>
        %and3A_661 = arith.andi %eq3A_659, %lt3A_660 : vector<16xi1>
        %or3A_662 = arith.ori %gt3A_658, %and3A_661 : vector<16xi1>
        %select_n3A_663 = arith.select %or3A_662, %add3A_159, %select_n3A_654 : vector<16xi1>, vector<16xi32>
        %max3A_664 = arith.maximumf %gather3A_657, %max3A_655 : vector<16xf32>
        %gather3A_665 = tpu.memref_slice %arg8[%mul3A_531] : memref<16384xf32, #tpu.memory_space<vmem>> -> memref<512xf32, #tpu.memory_space<vmem>>
        %gather3A_666 = tpu.vector_load_idx %gather3A_665[%add3A_169] : memref<512xf32, #tpu.memory_space<vmem>>[vector<16xi32>], vector<16xf32>,
        %gt3A_667 = arith.cmpf ogt, %gather3A_666, %max3A_664 : vector<16xf32>
        %eq3A_668 = arith.cmpf oeq, %gather3A_666, %max3A_664 : vector<16xf32>
        %lt3A_669 = arith.cmpi slt, %add3A_169, %select_n3A_663 : vector<16xi32>
        %and3A_670 = arith.andi %eq3A_668, %lt3A_669 : vector<16xi1>
        %or3A_671 = arith.ori %gt3A_667, %and3A_670 : vector<16xi1>
        %select_n3A_672 = arith.select %or3A_671, %add3A_169, %select_n3A_663 : vector<16xi1>, vector<16xi32>
        %max3A_673 = arith.maximumf %gather3A_666, %max3A_664 : vector<16xf32>
        %gather3A_674 = tpu.memref_slice %arg8[%mul3A_531] : memref<16384xf32, #tpu.memory_space<vmem>> -> memref<512xf32, #tpu.memory_space<vmem>>
        %gather3A_675 = tpu.vector_load_idx %gather3A_674[%add3A_179] : memref<512xf32, #tpu.memory_space<vmem>>[vector<16xi32>], vector<16xf32>,
        %gt3A_676 = arith.cmpf ogt, %gather3A_675, %max3A_673 : vector<16xf32>
        %eq3A_677 = arith.cmpf oeq, %gather3A_675, %max3A_673 : vector<16xf32>
        %lt3A_678 = arith.cmpi slt, %add3A_179, %select_n3A_672 : vector<16xi32>
        %and3A_679 = arith.andi %eq3A_677, %lt3A_678 : vector<16xi1>
        %or3A_680 = arith.ori %gt3A_676, %and3A_679 : vector<16xi1>
        %select_n3A_681 = arith.select %or3A_680, %add3A_179, %select_n3A_672 : vector<16xi1>, vector<16xi32>
        %max3A_682 = arith.maximumf %gather3A_675, %max3A_673 : vector<16xf32>
        %gather3A_683 = tpu.memref_slice %arg8[%mul3A_531] : memref<16384xf32, #tpu.memory_space<vmem>> -> memref<512xf32, #tpu.memory_space<vmem>>
        %gather3A_684 = tpu.vector_load_idx %gather3A_683[%add3A_189] : memref<512xf32, #tpu.memory_space<vmem>>[vector<16xi32>], vector<16xf32>,
        %gt3A_685 = arith.cmpf ogt, %gather3A_684, %max3A_682 : vector<16xf32>
        %eq3A_686 = arith.cmpf oeq, %gather3A_684, %max3A_682 : vector<16xf32>
        %lt3A_687 = arith.cmpi slt, %add3A_189, %select_n3A_681 : vector<16xi32>
        %and3A_688 = arith.andi %eq3A_686, %lt3A_687 : vector<16xi1>
        %or3A_689 = arith.ori %gt3A_685, %and3A_688 : vector<16xi1>
        %select_n3A_690 = arith.select %or3A_689, %add3A_189, %select_n3A_681 : vector<16xi1>, vector<16xi32>
        %max3A_691 = arith.maximumf %gather3A_684, %max3A_682 : vector<16xf32>
        %gather3A_692 = tpu.memref_slice %arg8[%mul3A_531] : memref<16384xf32, #tpu.memory_space<vmem>> -> memref<512xf32, #tpu.memory_space<vmem>>
        %gather3A_693 = tpu.vector_load_idx %gather3A_692[%add3A_199] : memref<512xf32, #tpu.memory_space<vmem>>[vector<16xi32>], vector<16xf32>,
        %gt3A_694 = arith.cmpf ogt, %gather3A_693, %max3A_691 : vector<16xf32>
        %eq3A_695 = arith.cmpf oeq, %gather3A_693, %max3A_691 : vector<16xf32>
        %lt3A_696 = arith.cmpi slt, %add3A_199, %select_n3A_690 : vector<16xi32>
        %and3A_697 = arith.andi %eq3A_695, %lt3A_696 : vector<16xi1>
        %or3A_698 = arith.ori %gt3A_694, %and3A_697 : vector<16xi1>
        %select_n3A_699 = arith.select %or3A_698, %add3A_199, %select_n3A_690 : vector<16xi1>, vector<16xi32>
        %max3A_700 = arith.maximumf %gather3A_693, %max3A_691 : vector<16xf32>
        %gather3A_701 = tpu.memref_slice %arg8[%mul3A_531] : memref<16384xf32, #tpu.memory_space<vmem>> -> memref<512xf32, #tpu.memory_space<vmem>>
        %gather3A_702 = tpu.vector_load_idx %gather3A_701[%add3A_209] : memref<512xf32, #tpu.memory_space<vmem>>[vector<16xi32>], vector<16xf32>,
        %gt3A_703 = arith.cmpf ogt, %gather3A_702, %max3A_700 : vector<16xf32>
        %eq3A_704 = arith.cmpf oeq, %gather3A_702, %max3A_700 : vector<16xf32>
        %lt3A_705 = arith.cmpi slt, %add3A_209, %select_n3A_699 : vector<16xi32>
        %and3A_706 = arith.andi %eq3A_704, %lt3A_705 : vector<16xi1>
        %or3A_707 = arith.ori %gt3A_703, %and3A_706 : vector<16xi1>
        %select_n3A_708 = arith.select %or3A_707, %add3A_209, %select_n3A_699 : vector<16xi1>, vector<16xi32>
        %max3A_709 = arith.maximumf %gather3A_702, %max3A_700 : vector<16xf32>
        %gather3A_710 = tpu.memref_slice %arg8[%mul3A_531] : memref<16384xf32, #tpu.memory_space<vmem>> -> memref<512xf32, #tpu.memory_space<vmem>>
        %gather3A_711 = tpu.vector_load_idx %gather3A_710[%add3A_219] : memref<512xf32, #tpu.memory_space<vmem>>[vector<16xi32>], vector<16xf32>,
        %gt3A_712 = arith.cmpf ogt, %gather3A_711, %max3A_709 : vector<16xf32>
        %eq3A_713 = arith.cmpf oeq, %gather3A_711, %max3A_709 : vector<16xf32>
        %lt3A_714 = arith.cmpi slt, %add3A_219, %select_n3A_708 : vector<16xi32>
        %and3A_715 = arith.andi %eq3A_713, %lt3A_714 : vector<16xi1>
        %or3A_716 = arith.ori %gt3A_712, %and3A_715 : vector<16xi1>
        %select_n3A_717 = arith.select %or3A_716, %add3A_219, %select_n3A_708 : vector<16xi1>, vector<16xi32>
        %max3A_718 = arith.maximumf %gather3A_711, %max3A_709 : vector<16xf32>
        %gather3A_719 = tpu.memref_slice %arg8[%mul3A_531] : memref<16384xf32, #tpu.memory_space<vmem>> -> memref<512xf32, #tpu.memory_space<vmem>>
        %gather3A_720 = tpu.vector_load_idx %gather3A_719[%add3A_229] : memref<512xf32, #tpu.memory_space<vmem>>[vector<16xi32>], vector<16xf32>,
        %gt3A_721 = arith.cmpf ogt, %gather3A_720, %max3A_718 : vector<16xf32>
        %eq3A_722 = arith.cmpf oeq, %gather3A_720, %max3A_718 : vector<16xf32>
        %lt3A_723 = arith.cmpi slt, %add3A_229, %select_n3A_717 : vector<16xi32>
        %and3A_724 = arith.andi %eq3A_722, %lt3A_723 : vector<16xi1>
        %or3A_725 = arith.ori %gt3A_721, %and3A_724 : vector<16xi1>
        %select_n3A_726 = arith.select %or3A_725, %add3A_229, %select_n3A_717 : vector<16xi1>, vector<16xi32>
        %max3A_727 = arith.maximumf %gather3A_720, %max3A_718 : vector<16xf32>
        %gather3A_728 = tpu.memref_slice %arg8[%mul3A_531] : memref<16384xf32, #tpu.memory_space<vmem>> -> memref<512xf32, #tpu.memory_space<vmem>>
        %gather3A_729 = tpu.vector_load_idx %gather3A_728[%add3A_239] : memref<512xf32, #tpu.memory_space<vmem>>[vector<16xi32>], vector<16xf32>,
        %gt3A_730 = arith.cmpf ogt, %gather3A_729, %max3A_727 : vector<16xf32>
        %eq3A_731 = arith.cmpf oeq, %gather3A_729, %max3A_727 : vector<16xf32>
        %lt3A_732 = arith.cmpi slt, %add3A_239, %select_n3A_726 : vector<16xi32>
        %and3A_733 = arith.andi %eq3A_731, %lt3A_732 : vector<16xi1>
        %or3A_734 = arith.ori %gt3A_730, %and3A_733 : vector<16xi1>
        %select_n3A_735 = arith.select %or3A_734, %add3A_239, %select_n3A_726 : vector<16xi1>, vector<16xi32>
        %max3A_736 = arith.maximumf %gather3A_729, %max3A_727 : vector<16xf32>
        %gather3A_737 = tpu.memref_slice %arg8[%mul3A_531] : memref<16384xf32, #tpu.memory_space<vmem>> -> memref<512xf32, #tpu.memory_space<vmem>>
        %gather3A_738 = tpu.vector_load_idx %gather3A_737[%add3A_249] : memref<512xf32, #tpu.memory_space<vmem>>[vector<16xi32>], vector<16xf32>,
        %gt3A_739 = arith.cmpf ogt, %gather3A_738, %max3A_736 : vector<16xf32>
        %eq3A_740 = arith.cmpf oeq, %gather3A_738, %max3A_736 : vector<16xf32>
        %lt3A_741 = arith.cmpi slt, %add3A_249, %select_n3A_735 : vector<16xi32>
        %and3A_742 = arith.andi %eq3A_740, %lt3A_741 : vector<16xi1>
        %or3A_743 = arith.ori %gt3A_739, %and3A_742 : vector<16xi1>
        %select_n3A_744 = arith.select %or3A_743, %add3A_249, %select_n3A_735 : vector<16xi1>, vector<16xi32>
        %max3A_745 = arith.maximumf %gather3A_738, %max3A_736 : vector<16xf32>
        %gather3A_746 = tpu.memref_slice %arg8[%mul3A_531] : memref<16384xf32, #tpu.memory_space<vmem>> -> memref<512xf32, #tpu.memory_space<vmem>>
        %gather3A_747 = tpu.vector_load_idx %gather3A_746[%add3A_259] : memref<512xf32, #tpu.memory_space<vmem>>[vector<16xi32>], vector<16xf32>,
        %gt3A_748 = arith.cmpf ogt, %gather3A_747, %max3A_745 : vector<16xf32>
        %eq3A_749 = arith.cmpf oeq, %gather3A_747, %max3A_745 : vector<16xf32>
        %lt3A_750 = arith.cmpi slt, %add3A_259, %select_n3A_744 : vector<16xi32>
        %and3A_751 = arith.andi %eq3A_749, %lt3A_750 : vector<16xi1>
        %or3A_752 = arith.ori %gt3A_748, %and3A_751 : vector<16xi1>
        %select_n3A_753 = arith.select %or3A_752, %add3A_259, %select_n3A_744 : vector<16xi1>, vector<16xi32>
        %max3A_754 = arith.maximumf %gather3A_747, %max3A_745 : vector<16xf32>
        %gather3A_755 = tpu.memref_slice %arg8[%mul3A_531] : memref<16384xf32, #tpu.memory_space<vmem>> -> memref<512xf32, #tpu.memory_space<vmem>>
        %gather3A_756 = tpu.vector_load_idx %gather3A_755[%add3A_269] : memref<512xf32, #tpu.memory_space<vmem>>[vector<16xi32>], vector<16xf32>,
        %gt3A_757 = arith.cmpf ogt, %gather3A_756, %max3A_754 : vector<16xf32>
        %eq3A_758 = arith.cmpf oeq, %gather3A_756, %max3A_754 : vector<16xf32>
        %lt3A_759 = arith.cmpi slt, %add3A_269, %select_n3A_753 : vector<16xi32>
        %and3A_760 = arith.andi %eq3A_758, %lt3A_759 : vector<16xi1>
        %or3A_761 = arith.ori %gt3A_757, %and3A_760 : vector<16xi1>
        %select_n3A_762 = arith.select %or3A_761, %add3A_269, %select_n3A_753 : vector<16xi1>, vector<16xi32>
        %max3A_763 = arith.maximumf %gather3A_756, %max3A_754 : vector<16xf32>
        %gather3A_764 = tpu.memref_slice %arg8[%mul3A_531] : memref<16384xf32, #tpu.memory_space<vmem>> -> memref<512xf32, #tpu.memory_space<vmem>>
        %gather3A_765 = tpu.vector_load_idx %gather3A_764[%add3A_279] : memref<512xf32, #tpu.memory_space<vmem>>[vector<16xi32>], vector<16xf32>,
        %gt3A_766 = arith.cmpf ogt, %gather3A_765, %max3A_763 : vector<16xf32>
        %eq3A_767 = arith.cmpf oeq, %gather3A_765, %max3A_763 : vector<16xf32>
        %lt3A_768 = arith.cmpi slt, %add3A_279, %select_n3A_762 : vector<16xi32>
        %and3A_769 = arith.andi %eq3A_767, %lt3A_768 : vector<16xi1>
        %or3A_770 = arith.ori %gt3A_766, %and3A_769 : vector<16xi1>
        %select_n3A_771 = arith.select %or3A_770, %add3A_279, %select_n3A_762 : vector<16xi1>, vector<16xi32>
        %max3A_772 = arith.maximumf %gather3A_765, %max3A_763 : vector<16xf32>
        %gather3A_773 = tpu.memref_slice %arg8[%mul3A_531] : memref<16384xf32, #tpu.memory_space<vmem>> -> memref<512xf32, #tpu.memory_space<vmem>>
        %gather3A_774 = tpu.vector_load_idx %gather3A_773[%add3A_289] : memref<512xf32, #tpu.memory_space<vmem>>[vector<16xi32>], vector<16xf32>,
        %gt3A_775 = arith.cmpf ogt, %gather3A_774, %max3A_772 : vector<16xf32>
        %eq3A_776 = arith.cmpf oeq, %gather3A_774, %max3A_772 : vector<16xf32>
        %lt3A_777 = arith.cmpi slt, %add3A_289, %select_n3A_771 : vector<16xi32>
        %and3A_778 = arith.andi %eq3A_776, %lt3A_777 : vector<16xi1>
        %or3A_779 = arith.ori %gt3A_775, %and3A_778 : vector<16xi1>
        %select_n3A_780 = arith.select %or3A_779, %add3A_289, %select_n3A_771 : vector<16xi1>, vector<16xi32>
        %max3A_781 = arith.maximumf %gather3A_774, %max3A_772 : vector<16xf32>
        %gather3A_782 = tpu.memref_slice %arg8[%mul3A_531] : memref<16384xf32, #tpu.memory_space<vmem>> -> memref<512xf32, #tpu.memory_space<vmem>>
        %gather3A_783 = tpu.vector_load_idx %gather3A_782[%add3A_299] : memref<512xf32, #tpu.memory_space<vmem>>[vector<16xi32>], vector<16xf32>,
        %gt3A_784 = arith.cmpf ogt, %gather3A_783, %max3A_781 : vector<16xf32>
        %eq3A_785 = arith.cmpf oeq, %gather3A_783, %max3A_781 : vector<16xf32>
        %lt3A_786 = arith.cmpi slt, %add3A_299, %select_n3A_780 : vector<16xi32>
        %and3A_787 = arith.andi %eq3A_785, %lt3A_786 : vector<16xi1>
        %or3A_788 = arith.ori %gt3A_784, %and3A_787 : vector<16xi1>
        %select_n3A_789 = arith.select %or3A_788, %add3A_299, %select_n3A_780 : vector<16xi1>, vector<16xi32>
        %max3A_790 = arith.maximumf %gather3A_783, %max3A_781 : vector<16xf32>
        %gather3A_791 = tpu.memref_slice %arg8[%mul3A_531] : memref<16384xf32, #tpu.memory_space<vmem>> -> memref<512xf32, #tpu.memory_space<vmem>>
        %gather3A_792 = tpu.vector_load_idx %gather3A_791[%add3A_309] : memref<512xf32, #tpu.memory_space<vmem>>[vector<16xi32>], vector<16xf32>,
        %gt3A_793 = arith.cmpf ogt, %gather3A_792, %max3A_790 : vector<16xf32>
        %eq3A_794 = arith.cmpf oeq, %gather3A_792, %max3A_790 : vector<16xf32>
        %lt3A_795 = arith.cmpi slt, %add3A_309, %select_n3A_789 : vector<16xi32>
        %and3A_796 = arith.andi %eq3A_794, %lt3A_795 : vector<16xi1>
        %or3A_797 = arith.ori %gt3A_793, %and3A_796 : vector<16xi1>
        %select_n3A_798 = arith.select %or3A_797, %add3A_309, %select_n3A_789 : vector<16xi1>, vector<16xi32>
        %max3A_799 = arith.maximumf %gather3A_792, %max3A_790 : vector<16xf32>
        %gather3A_800 = tpu.memref_slice %arg8[%mul3A_531] : memref<16384xf32, #tpu.memory_space<vmem>> -> memref<512xf32, #tpu.memory_space<vmem>>
        %gather3A_801 = tpu.vector_load_idx %gather3A_800[%add3A_319] : memref<512xf32, #tpu.memory_space<vmem>>[vector<16xi32>], vector<16xf32>,
        %gt3A_802 = arith.cmpf ogt, %gather3A_801, %max3A_799 : vector<16xf32>
        %eq3A_803 = arith.cmpf oeq, %gather3A_801, %max3A_799 : vector<16xf32>
        %lt3A_804 = arith.cmpi slt, %add3A_319, %select_n3A_798 : vector<16xi32>
        %and3A_805 = arith.andi %eq3A_803, %lt3A_804 : vector<16xi1>
        %or3A_806 = arith.ori %gt3A_802, %and3A_805 : vector<16xi1>
        %select_n3A_807 = arith.select %or3A_806, %add3A_319, %select_n3A_798 : vector<16xi1>, vector<16xi32>
        %max3A_808 = arith.maximumf %gather3A_801, %max3A_799 : vector<16xf32>
        %and3A_809 = arith.constant 31 : i32
        %and3A_810 = vector.broadcast %and3A_809 : i32 to vector<16xi32>
        %and3A_811 = arith.andi %select_n3A_807, %and3A_810 : vector<16xi32>
        %convert_element_type3A_812 = arith.sitofp %and3A_811 : vector<16xi32> to vector<16xf32>
        %mul3A_813 = arith.constant 512 : i32
        %mul3A_814 = arith.muli %add3A_456, %mul3A_813 : i32
        %mul3A_815 = arith.constant 16 : i32
        %mul3A_816 = arith.muli %scan3A_526, %mul3A_815 : i32
        %add3A_817 = arith.addi %mul3A_814, %mul3A_816 : i32
        %swap3A = arith.index_cast %add3A_817 : i32 to index
        %swap3A_818 = tpu.vector_load %arg11[%swap3A] {strides = array<i32>} : memref<8192xf32, #tpu.memory_space<vmem>>, vector<16xf32>,
        tpu.vector_store %arg11[%swap3A], %convert_element_type3A_812 {strides = array<i32>} : memref<8192xf32, #tpu.memory_space<vmem>>, vector<16xf32>,
        %scan3A_819 = arith.constant 0 : i32
        scf.yield %scan3A_819 : i32
      }
      %scan3A_469 = arith.constant 32 : i32
      %add3A_470 = arith.constant 4 : i32
      %add3A_471 = arith.addi %add3A_456, %add3A_470 : i32
      %lt3A_472 = arith.constant 16 : i32
      %lt3A_473 = arith.cmpi slt, %add3A_471, %lt3A_472 : i32
      %convert_element_type3A_474 = arith.extui %lt3A_473 : i1 to i32
      %cond3A_475 = arith.constant 0 : i32
      %cond3A_476 = arith.cmpi ne, %convert_element_type3A_474, %cond3A_475 : i32
      scf.if %cond3A_476 {
        %add3A_526 = arith.constant 4 : i32
        %add3A_527 = arith.addi %add3A_456, %add3A_526 : i32
        %mul3A_528 = arith.constant 16384 : i32
        %mul3A_529 = arith.muli %add3A_527, %mul3A_528 : i32
        %dma_start3A_530 = tpu.memref_slice %arg3[%add3A_323, %mul3A_529] : memref<64x262144xf32, #tpu.memory_space<hbm>> -> memref<1x16384xf32, #tpu.memory_space<hbm>>
        %dma_start3A_531 = tpu.memref_squeeze %dma_start3A_530 : memref<1x16384xf32, #tpu.memory_space<hbm>> -> memref<16384xf32, #tpu.memory_space<hbm>>
        %dma_start3A_532 = tpu.memref_slice %arg3[%add3A_323, %mul3A_529] : memref<64x262144xf32, #tpu.memory_space<hbm>> -> memref<1x16384xf32, #tpu.memory_space<hbm>>
        %dma_start3A_533 = tpu.memref_squeeze %dma_start3A_532 : memref<1x16384xf32, #tpu.memory_space<hbm>> -> memref<16384xf32, #tpu.memory_space<hbm>>
        tpu.enqueue_dma source(%dma_start3A_533 : memref<16384xf32, #tpu.memory_space<hbm>>) target(%arg8 : memref<16384xf32, #tpu.memory_space<vmem>>) target_semaphore(%arg16 : memref<!tpu.dma_semaphore, #tpu.memory_space<semaphore_mem>>)
      } else {
      }
      %mul3A_477 = arith.constant 4 : i32
      %mul3A_478 = arith.muli %scan3A_431, %mul3A_477 : i32
      %add3A_479 = arith.constant 2 : i32
      %add3A_480 = arith.addi %mul3A_478, %add3A_479 : i32
      %dma_wait3A_481 = arith.constant 0 : i32
      %dma_wait3A_482 = tpu.memref_slice %arg3[%add3A_323, %dma_wait3A_481] : memref<64x262144xf32, #tpu.memory_space<hbm>> -> memref<1x16384xf32, #tpu.memory_space<hbm>>
      %dma_wait3A_483 = tpu.memref_squeeze %dma_wait3A_482 : memref<1x16384xf32, #tpu.memory_space<hbm>> -> memref<16384xf32, #tpu.memory_space<hbm>>
      %dma_wait3A_484 = arith.constant 0 : i32
      %dma_wait3A_485 = tpu.memref_slice %arg3[%add3A_323, %dma_wait3A_484] : memref<64x262144xf32, #tpu.memory_space<hbm>> -> memref<1x16384xf32, #tpu.memory_space<hbm>>
      %dma_wait3A_486 = tpu.memref_squeeze %dma_wait3A_485 : memref<1x16384xf32, #tpu.memory_space<hbm>> -> memref<16384xf32, #tpu.memory_space<hbm>>
      tpu.wait_dma2 semaphore(%arg17 : memref<!tpu.dma_semaphore, #tpu.memory_space<semaphore_mem>>) src(%dma_wait3A_486 : memref<16384xf32, #tpu.memory_space<hbm>>) dst(%arg9 : memref<16384xf32, #tpu.memory_space<vmem>>)
      %scan3A_487 = arith.constant 0 : i32
      %scan3A_488 = arith.constant 0 : i32
      %scan3A_489 = arith.constant 32 : i32
      %scan3A_490 = arith.addi %scan3A_488, %scan3A_489 : i32
      %scan3A_491 = arith.constant 1 : i32
      %scan3A_492 = scf.for %scan3A_526 = %scan3A_488 to %scan3A_490 step %scan3A_491 iter_args(%scan3A_527 = %scan3A_487) -> (i32)  : i32 {
        %mul3A_528 = arith.constant 16 : i32
        %mul3A_529 = arith.muli %scan3A_526, %mul3A_528 : i32
        %mul3A_530 = arith.constant 32 : i32
        %mul3A_531 = arith.muli %mul3A_529, %mul3A_530 : i32
        %gather3A_532 = tpu.memref_slice %arg9[%mul3A_531] : memref<16384xf32, #tpu.memory_space<vmem>> -> memref<512xf32, #tpu.memory_space<vmem>>
        %gather3A_533 = tpu.vector_load_idx %gather3A_532[%add3A_9] : memref<512xf32, #tpu.memory_space<vmem>>[vector<16xi32>], vector<16xf32>,
        %gather3A_534 = tpu.memref_slice %arg9[%mul3A_531] : memref<16384xf32, #tpu.memory_space<vmem>> -> memref<512xf32, #tpu.memory_space<vmem>>
        %gather3A_535 = tpu.vector_load_idx %gather3A_534[%add3A_19] : memref<512xf32, #tpu.memory_space<vmem>>[vector<16xi32>], vector<16xf32>,
        %gt3A_536 = arith.cmpf ogt, %gather3A_535, %gather3A_533 : vector<16xf32>
        %eq3A = arith.cmpf oeq, %gather3A_535, %gather3A_533 : vector<16xf32>
        %lt3A_537 = arith.cmpi slt, %add3A_19, %add3A_9 : vector<16xi32>
        %and3A_538 = arith.andi %eq3A, %lt3A_537 : vector<16xi1>
        %or3A = arith.ori %gt3A_536, %and3A_538 : vector<16xi1>
        %select_n3A = arith.select %or3A, %add3A_19, %add3A_9 : vector<16xi1>, vector<16xi32>
        %max3A = arith.maximumf %gather3A_535, %gather3A_533 : vector<16xf32>
        %gather3A_539 = tpu.memref_slice %arg9[%mul3A_531] : memref<16384xf32, #tpu.memory_space<vmem>> -> memref<512xf32, #tpu.memory_space<vmem>>
        %gather3A_540 = tpu.vector_load_idx %gather3A_539[%add3A_29] : memref<512xf32, #tpu.memory_space<vmem>>[vector<16xi32>], vector<16xf32>,
        %gt3A_541 = arith.cmpf ogt, %gather3A_540, %max3A : vector<16xf32>
        %eq3A_542 = arith.cmpf oeq, %gather3A_540, %max3A : vector<16xf32>
        %lt3A_543 = arith.cmpi slt, %add3A_29, %select_n3A : vector<16xi32>
        %and3A_544 = arith.andi %eq3A_542, %lt3A_543 : vector<16xi1>
        %or3A_545 = arith.ori %gt3A_541, %and3A_544 : vector<16xi1>
        %select_n3A_546 = arith.select %or3A_545, %add3A_29, %select_n3A : vector<16xi1>, vector<16xi32>
        %max3A_547 = arith.maximumf %gather3A_540, %max3A : vector<16xf32>
        %gather3A_548 = tpu.memref_slice %arg9[%mul3A_531] : memref<16384xf32, #tpu.memory_space<vmem>> -> memref<512xf32, #tpu.memory_space<vmem>>
        %gather3A_549 = tpu.vector_load_idx %gather3A_548[%add3A_39] : memref<512xf32, #tpu.memory_space<vmem>>[vector<16xi32>], vector<16xf32>,
        %gt3A_550 = arith.cmpf ogt, %gather3A_549, %max3A_547 : vector<16xf32>
        %eq3A_551 = arith.cmpf oeq, %gather3A_549, %max3A_547 : vector<16xf32>
        %lt3A_552 = arith.cmpi slt, %add3A_39, %select_n3A_546 : vector<16xi32>
        %and3A_553 = arith.andi %eq3A_551, %lt3A_552 : vector<16xi1>
        %or3A_554 = arith.ori %gt3A_550, %and3A_553 : vector<16xi1>
        %select_n3A_555 = arith.select %or3A_554, %add3A_39, %select_n3A_546 : vector<16xi1>, vector<16xi32>
        %max3A_556 = arith.maximumf %gather3A_549, %max3A_547 : vector<16xf32>
        %gather3A_557 = tpu.memref_slice %arg9[%mul3A_531] : memref<16384xf32, #tpu.memory_space<vmem>> -> memref<512xf32, #tpu.memory_space<vmem>>
        %gather3A_558 = tpu.vector_load_idx %gather3A_557[%add3A_49] : memref<512xf32, #tpu.memory_space<vmem>>[vector<16xi32>], vector<16xf32>,
        %gt3A_559 = arith.cmpf ogt, %gather3A_558, %max3A_556 : vector<16xf32>
        %eq3A_560 = arith.cmpf oeq, %gather3A_558, %max3A_556 : vector<16xf32>
        %lt3A_561 = arith.cmpi slt, %add3A_49, %select_n3A_555 : vector<16xi32>
        %and3A_562 = arith.andi %eq3A_560, %lt3A_561 : vector<16xi1>
        %or3A_563 = arith.ori %gt3A_559, %and3A_562 : vector<16xi1>
        %select_n3A_564 = arith.select %or3A_563, %add3A_49, %select_n3A_555 : vector<16xi1>, vector<16xi32>
        %max3A_565 = arith.maximumf %gather3A_558, %max3A_556 : vector<16xf32>
        %gather3A_566 = tpu.memref_slice %arg9[%mul3A_531] : memref<16384xf32, #tpu.memory_space<vmem>> -> memref<512xf32, #tpu.memory_space<vmem>>
        %gather3A_567 = tpu.vector_load_idx %gather3A_566[%add3A_59] : memref<512xf32, #tpu.memory_space<vmem>>[vector<16xi32>], vector<16xf32>,
        %gt3A_568 = arith.cmpf ogt, %gather3A_567, %max3A_565 : vector<16xf32>
        %eq3A_569 = arith.cmpf oeq, %gather3A_567, %max3A_565 : vector<16xf32>
        %lt3A_570 = arith.cmpi slt, %add3A_59, %select_n3A_564 : vector<16xi32>
        %and3A_571 = arith.andi %eq3A_569, %lt3A_570 : vector<16xi1>
        %or3A_572 = arith.ori %gt3A_568, %and3A_571 : vector<16xi1>
        %select_n3A_573 = arith.select %or3A_572, %add3A_59, %select_n3A_564 : vector<16xi1>, vector<16xi32>
        %max3A_574 = arith.maximumf %gather3A_567, %max3A_565 : vector<16xf32>
        %gather3A_575 = tpu.memref_slice %arg9[%mul3A_531] : memref<16384xf32, #tpu.memory_space<vmem>> -> memref<512xf32, #tpu.memory_space<vmem>>
        %gather3A_576 = tpu.vector_load_idx %gather3A_575[%add3A_69] : memref<512xf32, #tpu.memory_space<vmem>>[vector<16xi32>], vector<16xf32>,
        %gt3A_577 = arith.cmpf ogt, %gather3A_576, %max3A_574 : vector<16xf32>
        %eq3A_578 = arith.cmpf oeq, %gather3A_576, %max3A_574 : vector<16xf32>
        %lt3A_579 = arith.cmpi slt, %add3A_69, %select_n3A_573 : vector<16xi32>
        %and3A_580 = arith.andi %eq3A_578, %lt3A_579 : vector<16xi1>
        %or3A_581 = arith.ori %gt3A_577, %and3A_580 : vector<16xi1>
        %select_n3A_582 = arith.select %or3A_581, %add3A_69, %select_n3A_573 : vector<16xi1>, vector<16xi32>
        %max3A_583 = arith.maximumf %gather3A_576, %max3A_574 : vector<16xf32>
        %gather3A_584 = tpu.memref_slice %arg9[%mul3A_531] : memref<16384xf32, #tpu.memory_space<vmem>> -> memref<512xf32, #tpu.memory_space<vmem>>
        %gather3A_585 = tpu.vector_load_idx %gather3A_584[%add3A_79] : memref<512xf32, #tpu.memory_space<vmem>>[vector<16xi32>], vector<16xf32>,
        %gt3A_586 = arith.cmpf ogt, %gather3A_585, %max3A_583 : vector<16xf32>
        %eq3A_587 = arith.cmpf oeq, %gather3A_585, %max3A_583 : vector<16xf32>
        %lt3A_588 = arith.cmpi slt, %add3A_79, %select_n3A_582 : vector<16xi32>
        %and3A_589 = arith.andi %eq3A_587, %lt3A_588 : vector<16xi1>
        %or3A_590 = arith.ori %gt3A_586, %and3A_589 : vector<16xi1>
        %select_n3A_591 = arith.select %or3A_590, %add3A_79, %select_n3A_582 : vector<16xi1>, vector<16xi32>
        %max3A_592 = arith.maximumf %gather3A_585, %max3A_583 : vector<16xf32>
        %gather3A_593 = tpu.memref_slice %arg9[%mul3A_531] : memref<16384xf32, #tpu.memory_space<vmem>> -> memref<512xf32, #tpu.memory_space<vmem>>
        %gather3A_594 = tpu.vector_load_idx %gather3A_593[%add3A_89] : memref<512xf32, #tpu.memory_space<vmem>>[vector<16xi32>], vector<16xf32>,
        %gt3A_595 = arith.cmpf ogt, %gather3A_594, %max3A_592 : vector<16xf32>
        %eq3A_596 = arith.cmpf oeq, %gather3A_594, %max3A_592 : vector<16xf32>
        %lt3A_597 = arith.cmpi slt, %add3A_89, %select_n3A_591 : vector<16xi32>
        %and3A_598 = arith.andi %eq3A_596, %lt3A_597 : vector<16xi1>
        %or3A_599 = arith.ori %gt3A_595, %and3A_598 : vector<16xi1>
        %select_n3A_600 = arith.select %or3A_599, %add3A_89, %select_n3A_591 : vector<16xi1>, vector<16xi32>
        %max3A_601 = arith.maximumf %gather3A_594, %max3A_592 : vector<16xf32>
        %gather3A_602 = tpu.memref_slice %arg9[%mul3A_531] : memref<16384xf32, #tpu.memory_space<vmem>> -> memref<512xf32, #tpu.memory_space<vmem>>
        %gather3A_603 = tpu.vector_load_idx %gather3A_602[%add3A_99] : memref<512xf32, #tpu.memory_space<vmem>>[vector<16xi32>], vector<16xf32>,
        %gt3A_604 = arith.cmpf ogt, %gather3A_603, %max3A_601 : vector<16xf32>
        %eq3A_605 = arith.cmpf oeq, %gather3A_603, %max3A_601 : vector<16xf32>
        %lt3A_606 = arith.cmpi slt, %add3A_99, %select_n3A_600 : vector<16xi32>
        %and3A_607 = arith.andi %eq3A_605, %lt3A_606 : vector<16xi1>
        %or3A_608 = arith.ori %gt3A_604, %and3A_607 : vector<16xi1>
        %select_n3A_609 = arith.select %or3A_608, %add3A_99, %select_n3A_600 : vector<16xi1>, vector<16xi32>
        %max3A_610 = arith.maximumf %gather3A_603, %max3A_601 : vector<16xf32>
        %gather3A_611 = tpu.memref_slice %arg9[%mul3A_531] : memref<16384xf32, #tpu.memory_space<vmem>> -> memref<512xf32, #tpu.memory_space<vmem>>
        %gather3A_612 = tpu.vector_load_idx %gather3A_611[%add3A_109] : memref<512xf32, #tpu.memory_space<vmem>>[vector<16xi32>], vector<16xf32>,
        %gt3A_613 = arith.cmpf ogt, %gather3A_612, %max3A_610 : vector<16xf32>
        %eq3A_614 = arith.cmpf oeq, %gather3A_612, %max3A_610 : vector<16xf32>
        %lt3A_615 = arith.cmpi slt, %add3A_109, %select_n3A_609 : vector<16xi32>
        %and3A_616 = arith.andi %eq3A_614, %lt3A_615 : vector<16xi1>
        %or3A_617 = arith.ori %gt3A_613, %and3A_616 : vector<16xi1>
        %select_n3A_618 = arith.select %or3A_617, %add3A_109, %select_n3A_609 : vector<16xi1>, vector<16xi32>
        %max3A_619 = arith.maximumf %gather3A_612, %max3A_610 : vector<16xf32>
        %gather3A_620 = tpu.memref_slice %arg9[%mul3A_531] : memref<16384xf32, #tpu.memory_space<vmem>> -> memref<512xf32, #tpu.memory_space<vmem>>
        %gather3A_621 = tpu.vector_load_idx %gather3A_620[%add3A_119] : memref<512xf32, #tpu.memory_space<vmem>>[vector<16xi32>], vector<16xf32>,
        %gt3A_622 = arith.cmpf ogt, %gather3A_621, %max3A_619 : vector<16xf32>
        %eq3A_623 = arith.cmpf oeq, %gather3A_621, %max3A_619 : vector<16xf32>
        %lt3A_624 = arith.cmpi slt, %add3A_119, %select_n3A_618 : vector<16xi32>
        %and3A_625 = arith.andi %eq3A_623, %lt3A_624 : vector<16xi1>
        %or3A_626 = arith.ori %gt3A_622, %and3A_625 : vector<16xi1>
        %select_n3A_627 = arith.select %or3A_626, %add3A_119, %select_n3A_618 : vector<16xi1>, vector<16xi32>
        %max3A_628 = arith.maximumf %gather3A_621, %max3A_619 : vector<16xf32>
        %gather3A_629 = tpu.memref_slice %arg9[%mul3A_531] : memref<16384xf32, #tpu.memory_space<vmem>> -> memref<512xf32, #tpu.memory_space<vmem>>
        %gather3A_630 = tpu.vector_load_idx %gather3A_629[%add3A_129] : memref<512xf32, #tpu.memory_space<vmem>>[vector<16xi32>], vector<16xf32>,
        %gt3A_631 = arith.cmpf ogt, %gather3A_630, %max3A_628 : vector<16xf32>
        %eq3A_632 = arith.cmpf oeq, %gather3A_630, %max3A_628 : vector<16xf32>
        %lt3A_633 = arith.cmpi slt, %add3A_129, %select_n3A_627 : vector<16xi32>
        %and3A_634 = arith.andi %eq3A_632, %lt3A_633 : vector<16xi1>
        %or3A_635 = arith.ori %gt3A_631, %and3A_634 : vector<16xi1>
        %select_n3A_636 = arith.select %or3A_635, %add3A_129, %select_n3A_627 : vector<16xi1>, vector<16xi32>
        %max3A_637 = arith.maximumf %gather3A_630, %max3A_628 : vector<16xf32>
        %gather3A_638 = tpu.memref_slice %arg9[%mul3A_531] : memref<16384xf32, #tpu.memory_space<vmem>> -> memref<512xf32, #tpu.memory_space<vmem>>
        %gather3A_639 = tpu.vector_load_idx %gather3A_638[%add3A_139] : memref<512xf32, #tpu.memory_space<vmem>>[vector<16xi32>], vector<16xf32>,
        %gt3A_640 = arith.cmpf ogt, %gather3A_639, %max3A_637 : vector<16xf32>
        %eq3A_641 = arith.cmpf oeq, %gather3A_639, %max3A_637 : vector<16xf32>
        %lt3A_642 = arith.cmpi slt, %add3A_139, %select_n3A_636 : vector<16xi32>
        %and3A_643 = arith.andi %eq3A_641, %lt3A_642 : vector<16xi1>
        %or3A_644 = arith.ori %gt3A_640, %and3A_643 : vector<16xi1>
        %select_n3A_645 = arith.select %or3A_644, %add3A_139, %select_n3A_636 : vector<16xi1>, vector<16xi32>
        %max3A_646 = arith.maximumf %gather3A_639, %max3A_637 : vector<16xf32>
        %gather3A_647 = tpu.memref_slice %arg9[%mul3A_531] : memref<16384xf32, #tpu.memory_space<vmem>> -> memref<512xf32, #tpu.memory_space<vmem>>
        %gather3A_648 = tpu.vector_load_idx %gather3A_647[%add3A_149] : memref<512xf32, #tpu.memory_space<vmem>>[vector<16xi32>], vector<16xf32>,
        %gt3A_649 = arith.cmpf ogt, %gather3A_648, %max3A_646 : vector<16xf32>
        %eq3A_650 = arith.cmpf oeq, %gather3A_648, %max3A_646 : vector<16xf32>
        %lt3A_651 = arith.cmpi slt, %add3A_149, %select_n3A_645 : vector<16xi32>
        %and3A_652 = arith.andi %eq3A_650, %lt3A_651 : vector<16xi1>
        %or3A_653 = arith.ori %gt3A_649, %and3A_652 : vector<16xi1>
        %select_n3A_654 = arith.select %or3A_653, %add3A_149, %select_n3A_645 : vector<16xi1>, vector<16xi32>
        %max3A_655 = arith.maximumf %gather3A_648, %max3A_646 : vector<16xf32>
        %gather3A_656 = tpu.memref_slice %arg9[%mul3A_531] : memref<16384xf32, #tpu.memory_space<vmem>> -> memref<512xf32, #tpu.memory_space<vmem>>
        %gather3A_657 = tpu.vector_load_idx %gather3A_656[%add3A_159] : memref<512xf32, #tpu.memory_space<vmem>>[vector<16xi32>], vector<16xf32>,
        %gt3A_658 = arith.cmpf ogt, %gather3A_657, %max3A_655 : vector<16xf32>
        %eq3A_659 = arith.cmpf oeq, %gather3A_657, %max3A_655 : vector<16xf32>
        %lt3A_660 = arith.cmpi slt, %add3A_159, %select_n3A_654 : vector<16xi32>
        %and3A_661 = arith.andi %eq3A_659, %lt3A_660 : vector<16xi1>
        %or3A_662 = arith.ori %gt3A_658, %and3A_661 : vector<16xi1>
        %select_n3A_663 = arith.select %or3A_662, %add3A_159, %select_n3A_654 : vector<16xi1>, vector<16xi32>
        %max3A_664 = arith.maximumf %gather3A_657, %max3A_655 : vector<16xf32>
        %gather3A_665 = tpu.memref_slice %arg9[%mul3A_531] : memref<16384xf32, #tpu.memory_space<vmem>> -> memref<512xf32, #tpu.memory_space<vmem>>
        %gather3A_666 = tpu.vector_load_idx %gather3A_665[%add3A_169] : memref<512xf32, #tpu.memory_space<vmem>>[vector<16xi32>], vector<16xf32>,
        %gt3A_667 = arith.cmpf ogt, %gather3A_666, %max3A_664 : vector<16xf32>
        %eq3A_668 = arith.cmpf oeq, %gather3A_666, %max3A_664 : vector<16xf32>
        %lt3A_669 = arith.cmpi slt, %add3A_169, %select_n3A_663 : vector<16xi32>
        %and3A_670 = arith.andi %eq3A_668, %lt3A_669 : vector<16xi1>
        %or3A_671 = arith.ori %gt3A_667, %and3A_670 : vector<16xi1>
        %select_n3A_672 = arith.select %or3A_671, %add3A_169, %select_n3A_663 : vector<16xi1>, vector<16xi32>
        %max3A_673 = arith.maximumf %gather3A_666, %max3A_664 : vector<16xf32>
        %gather3A_674 = tpu.memref_slice %arg9[%mul3A_531] : memref<16384xf32, #tpu.memory_space<vmem>> -> memref<512xf32, #tpu.memory_space<vmem>>
        %gather3A_675 = tpu.vector_load_idx %gather3A_674[%add3A_179] : memref<512xf32, #tpu.memory_space<vmem>>[vector<16xi32>], vector<16xf32>,
        %gt3A_676 = arith.cmpf ogt, %gather3A_675, %max3A_673 : vector<16xf32>
        %eq3A_677 = arith.cmpf oeq, %gather3A_675, %max3A_673 : vector<16xf32>
        %lt3A_678 = arith.cmpi slt, %add3A_179, %select_n3A_672 : vector<16xi32>
        %and3A_679 = arith.andi %eq3A_677, %lt3A_678 : vector<16xi1>
        %or3A_680 = arith.ori %gt3A_676, %and3A_679 : vector<16xi1>
        %select_n3A_681 = arith.select %or3A_680, %add3A_179, %select_n3A_672 : vector<16xi1>, vector<16xi32>
        %max3A_682 = arith.maximumf %gather3A_675, %max3A_673 : vector<16xf32>
        %gather3A_683 = tpu.memref_slice %arg9[%mul3A_531] : memref<16384xf32, #tpu.memory_space<vmem>> -> memref<512xf32, #tpu.memory_space<vmem>>
        %gather3A_684 = tpu.vector_load_idx %gather3A_683[%add3A_189] : memref<512xf32, #tpu.memory_space<vmem>>[vector<16xi32>], vector<16xf32>,
        %gt3A_685 = arith.cmpf ogt, %gather3A_684, %max3A_682 : vector<16xf32>
        %eq3A_686 = arith.cmpf oeq, %gather3A_684, %max3A_682 : vector<16xf32>
        %lt3A_687 = arith.cmpi slt, %add3A_189, %select_n3A_681 : vector<16xi32>
        %and3A_688 = arith.andi %eq3A_686, %lt3A_687 : vector<16xi1>
        %or3A_689 = arith.ori %gt3A_685, %and3A_688 : vector<16xi1>
        %select_n3A_690 = arith.select %or3A_689, %add3A_189, %select_n3A_681 : vector<16xi1>, vector<16xi32>
        %max3A_691 = arith.maximumf %gather3A_684, %max3A_682 : vector<16xf32>
        %gather3A_692 = tpu.memref_slice %arg9[%mul3A_531] : memref<16384xf32, #tpu.memory_space<vmem>> -> memref<512xf32, #tpu.memory_space<vmem>>
        %gather3A_693 = tpu.vector_load_idx %gather3A_692[%add3A_199] : memref<512xf32, #tpu.memory_space<vmem>>[vector<16xi32>], vector<16xf32>,
        %gt3A_694 = arith.cmpf ogt, %gather3A_693, %max3A_691 : vector<16xf32>
        %eq3A_695 = arith.cmpf oeq, %gather3A_693, %max3A_691 : vector<16xf32>
        %lt3A_696 = arith.cmpi slt, %add3A_199, %select_n3A_690 : vector<16xi32>
        %and3A_697 = arith.andi %eq3A_695, %lt3A_696 : vector<16xi1>
        %or3A_698 = arith.ori %gt3A_694, %and3A_697 : vector<16xi1>
        %select_n3A_699 = arith.select %or3A_698, %add3A_199, %select_n3A_690 : vector<16xi1>, vector<16xi32>
        %max3A_700 = arith.maximumf %gather3A_693, %max3A_691 : vector<16xf32>
        %gather3A_701 = tpu.memref_slice %arg9[%mul3A_531] : memref<16384xf32, #tpu.memory_space<vmem>> -> memref<512xf32, #tpu.memory_space<vmem>>
        %gather3A_702 = tpu.vector_load_idx %gather3A_701[%add3A_209] : memref<512xf32, #tpu.memory_space<vmem>>[vector<16xi32>], vector<16xf32>,
        %gt3A_703 = arith.cmpf ogt, %gather3A_702, %max3A_700 : vector<16xf32>
        %eq3A_704 = arith.cmpf oeq, %gather3A_702, %max3A_700 : vector<16xf32>
        %lt3A_705 = arith.cmpi slt, %add3A_209, %select_n3A_699 : vector<16xi32>
        %and3A_706 = arith.andi %eq3A_704, %lt3A_705 : vector<16xi1>
        %or3A_707 = arith.ori %gt3A_703, %and3A_706 : vector<16xi1>
        %select_n3A_708 = arith.select %or3A_707, %add3A_209, %select_n3A_699 : vector<16xi1>, vector<16xi32>
        %max3A_709 = arith.maximumf %gather3A_702, %max3A_700 : vector<16xf32>
        %gather3A_710 = tpu.memref_slice %arg9[%mul3A_531] : memref<16384xf32, #tpu.memory_space<vmem>> -> memref<512xf32, #tpu.memory_space<vmem>>
        %gather3A_711 = tpu.vector_load_idx %gather3A_710[%add3A_219] : memref<512xf32, #tpu.memory_space<vmem>>[vector<16xi32>], vector<16xf32>,
        %gt3A_712 = arith.cmpf ogt, %gather3A_711, %max3A_709 : vector<16xf32>
        %eq3A_713 = arith.cmpf oeq, %gather3A_711, %max3A_709 : vector<16xf32>
        %lt3A_714 = arith.cmpi slt, %add3A_219, %select_n3A_708 : vector<16xi32>
        %and3A_715 = arith.andi %eq3A_713, %lt3A_714 : vector<16xi1>
        %or3A_716 = arith.ori %gt3A_712, %and3A_715 : vector<16xi1>
        %select_n3A_717 = arith.select %or3A_716, %add3A_219, %select_n3A_708 : vector<16xi1>, vector<16xi32>
        %max3A_718 = arith.maximumf %gather3A_711, %max3A_709 : vector<16xf32>
        %gather3A_719 = tpu.memref_slice %arg9[%mul3A_531] : memref<16384xf32, #tpu.memory_space<vmem>> -> memref<512xf32, #tpu.memory_space<vmem>>
        %gather3A_720 = tpu.vector_load_idx %gather3A_719[%add3A_229] : memref<512xf32, #tpu.memory_space<vmem>>[vector<16xi32>], vector<16xf32>,
        %gt3A_721 = arith.cmpf ogt, %gather3A_720, %max3A_718 : vector<16xf32>
        %eq3A_722 = arith.cmpf oeq, %gather3A_720, %max3A_718 : vector<16xf32>
        %lt3A_723 = arith.cmpi slt, %add3A_229, %select_n3A_717 : vector<16xi32>
        %and3A_724 = arith.andi %eq3A_722, %lt3A_723 : vector<16xi1>
        %or3A_725 = arith.ori %gt3A_721, %and3A_724 : vector<16xi1>
        %select_n3A_726 = arith.select %or3A_725, %add3A_229, %select_n3A_717 : vector<16xi1>, vector<16xi32>
        %max3A_727 = arith.maximumf %gather3A_720, %max3A_718 : vector<16xf32>
        %gather3A_728 = tpu.memref_slice %arg9[%mul3A_531] : memref<16384xf32, #tpu.memory_space<vmem>> -> memref<512xf32, #tpu.memory_space<vmem>>
        %gather3A_729 = tpu.vector_load_idx %gather3A_728[%add3A_239] : memref<512xf32, #tpu.memory_space<vmem>>[vector<16xi32>], vector<16xf32>,
        %gt3A_730 = arith.cmpf ogt, %gather3A_729, %max3A_727 : vector<16xf32>
        %eq3A_731 = arith.cmpf oeq, %gather3A_729, %max3A_727 : vector<16xf32>
        %lt3A_732 = arith.cmpi slt, %add3A_239, %select_n3A_726 : vector<16xi32>
        %and3A_733 = arith.andi %eq3A_731, %lt3A_732 : vector<16xi1>
        %or3A_734 = arith.ori %gt3A_730, %and3A_733 : vector<16xi1>
        %select_n3A_735 = arith.select %or3A_734, %add3A_239, %select_n3A_726 : vector<16xi1>, vector<16xi32>
        %max3A_736 = arith.maximumf %gather3A_729, %max3A_727 : vector<16xf32>
        %gather3A_737 = tpu.memref_slice %arg9[%mul3A_531] : memref<16384xf32, #tpu.memory_space<vmem>> -> memref<512xf32, #tpu.memory_space<vmem>>
        %gather3A_738 = tpu.vector_load_idx %gather3A_737[%add3A_249] : memref<512xf32, #tpu.memory_space<vmem>>[vector<16xi32>], vector<16xf32>,
        %gt3A_739 = arith.cmpf ogt, %gather3A_738, %max3A_736 : vector<16xf32>
        %eq3A_740 = arith.cmpf oeq, %gather3A_738, %max3A_736 : vector<16xf32>
        %lt3A_741 = arith.cmpi slt, %add3A_249, %select_n3A_735 : vector<16xi32>
        %and3A_742 = arith.andi %eq3A_740, %lt3A_741 : vector<16xi1>
        %or3A_743 = arith.ori %gt3A_739, %and3A_742 : vector<16xi1>
        %select_n3A_744 = arith.select %or3A_743, %add3A_249, %select_n3A_735 : vector<16xi1>, vector<16xi32>
        %max3A_745 = arith.maximumf %gather3A_738, %max3A_736 : vector<16xf32>
        %gather3A_746 = tpu.memref_slice %arg9[%mul3A_531] : memref<16384xf32, #tpu.memory_space<vmem>> -> memref<512xf32, #tpu.memory_space<vmem>>
        %gather3A_747 = tpu.vector_load_idx %gather3A_746[%add3A_259] : memref<512xf32, #tpu.memory_space<vmem>>[vector<16xi32>], vector<16xf32>,
        %gt3A_748 = arith.cmpf ogt, %gather3A_747, %max3A_745 : vector<16xf32>
        %eq3A_749 = arith.cmpf oeq, %gather3A_747, %max3A_745 : vector<16xf32>
        %lt3A_750 = arith.cmpi slt, %add3A_259, %select_n3A_744 : vector<16xi32>
        %and3A_751 = arith.andi %eq3A_749, %lt3A_750 : vector<16xi1>
        %or3A_752 = arith.ori %gt3A_748, %and3A_751 : vector<16xi1>
        %select_n3A_753 = arith.select %or3A_752, %add3A_259, %select_n3A_744 : vector<16xi1>, vector<16xi32>
        %max3A_754 = arith.maximumf %gather3A_747, %max3A_745 : vector<16xf32>
        %gather3A_755 = tpu.memref_slice %arg9[%mul3A_531] : memref<16384xf32, #tpu.memory_space<vmem>> -> memref<512xf32, #tpu.memory_space<vmem>>
        %gather3A_756 = tpu.vector_load_idx %gather3A_755[%add3A_269] : memref<512xf32, #tpu.memory_space<vmem>>[vector<16xi32>], vector<16xf32>,
        %gt3A_757 = arith.cmpf ogt, %gather3A_756, %max3A_754 : vector<16xf32>
        %eq3A_758 = arith.cmpf oeq, %gather3A_756, %max3A_754 : vector<16xf32>
        %lt3A_759 = arith.cmpi slt, %add3A_269, %select_n3A_753 : vector<16xi32>
        %and3A_760 = arith.andi %eq3A_758, %lt3A_759 : vector<16xi1>
        %or3A_761 = arith.ori %gt3A_757, %and3A_760 : vector<16xi1>
        %select_n3A_762 = arith.select %or3A_761, %add3A_269, %select_n3A_753 : vector<16xi1>, vector<16xi32>
        %max3A_763 = arith.maximumf %gather3A_756, %max3A_754 : vector<16xf32>
        %gather3A_764 = tpu.memref_slice %arg9[%mul3A_531] : memref<16384xf32, #tpu.memory_space<vmem>> -> memref<512xf32, #tpu.memory_space<vmem>>
        %gather3A_765 = tpu.vector_load_idx %gather3A_764[%add3A_279] : memref<512xf32, #tpu.memory_space<vmem>>[vector<16xi32>], vector<16xf32>,
        %gt3A_766 = arith.cmpf ogt, %gather3A_765, %max3A_763 : vector<16xf32>
        %eq3A_767 = arith.cmpf oeq, %gather3A_765, %max3A_763 : vector<16xf32>
        %lt3A_768 = arith.cmpi slt, %add3A_279, %select_n3A_762 : vector<16xi32>
        %and3A_769 = arith.andi %eq3A_767, %lt3A_768 : vector<16xi1>
        %or3A_770 = arith.ori %gt3A_766, %and3A_769 : vector<16xi1>
        %select_n3A_771 = arith.select %or3A_770, %add3A_279, %select_n3A_762 : vector<16xi1>, vector<16xi32>
        %max3A_772 = arith.maximumf %gather3A_765, %max3A_763 : vector<16xf32>
        %gather3A_773 = tpu.memref_slice %arg9[%mul3A_531] : memref<16384xf32, #tpu.memory_space<vmem>> -> memref<512xf32, #tpu.memory_space<vmem>>
        %gather3A_774 = tpu.vector_load_idx %gather3A_773[%add3A_289] : memref<512xf32, #tpu.memory_space<vmem>>[vector<16xi32>], vector<16xf32>,
        %gt3A_775 = arith.cmpf ogt, %gather3A_774, %max3A_772 : vector<16xf32>
        %eq3A_776 = arith.cmpf oeq, %gather3A_774, %max3A_772 : vector<16xf32>
        %lt3A_777 = arith.cmpi slt, %add3A_289, %select_n3A_771 : vector<16xi32>
        %and3A_778 = arith.andi %eq3A_776, %lt3A_777 : vector<16xi1>
        %or3A_779 = arith.ori %gt3A_775, %and3A_778 : vector<16xi1>
        %select_n3A_780 = arith.select %or3A_779, %add3A_289, %select_n3A_771 : vector<16xi1>, vector<16xi32>
        %max3A_781 = arith.maximumf %gather3A_774, %max3A_772 : vector<16xf32>
        %gather3A_782 = tpu.memref_slice %arg9[%mul3A_531] : memref<16384xf32, #tpu.memory_space<vmem>> -> memref<512xf32, #tpu.memory_space<vmem>>
        %gather3A_783 = tpu.vector_load_idx %gather3A_782[%add3A_299] : memref<512xf32, #tpu.memory_space<vmem>>[vector<16xi32>], vector<16xf32>,
        %gt3A_784 = arith.cmpf ogt, %gather3A_783, %max3A_781 : vector<16xf32>
        %eq3A_785 = arith.cmpf oeq, %gather3A_783, %max3A_781 : vector<16xf32>
        %lt3A_786 = arith.cmpi slt, %add3A_299, %select_n3A_780 : vector<16xi32>
        %and3A_787 = arith.andi %eq3A_785, %lt3A_786 : vector<16xi1>
        %or3A_788 = arith.ori %gt3A_784, %and3A_787 : vector<16xi1>
        %select_n3A_789 = arith.select %or3A_788, %add3A_299, %select_n3A_780 : vector<16xi1>, vector<16xi32>
        %max3A_790 = arith.maximumf %gather3A_783, %max3A_781 : vector<16xf32>
        %gather3A_791 = tpu.memref_slice %arg9[%mul3A_531] : memref<16384xf32, #tpu.memory_space<vmem>> -> memref<512xf32, #tpu.memory_space<vmem>>
        %gather3A_792 = tpu.vector_load_idx %gather3A_791[%add3A_309] : memref<512xf32, #tpu.memory_space<vmem>>[vector<16xi32>], vector<16xf32>,
        %gt3A_793 = arith.cmpf ogt, %gather3A_792, %max3A_790 : vector<16xf32>
        %eq3A_794 = arith.cmpf oeq, %gather3A_792, %max3A_790 : vector<16xf32>
        %lt3A_795 = arith.cmpi slt, %add3A_309, %select_n3A_789 : vector<16xi32>
        %and3A_796 = arith.andi %eq3A_794, %lt3A_795 : vector<16xi1>
        %or3A_797 = arith.ori %gt3A_793, %and3A_796 : vector<16xi1>
        %select_n3A_798 = arith.select %or3A_797, %add3A_309, %select_n3A_789 : vector<16xi1>, vector<16xi32>
        %max3A_799 = arith.maximumf %gather3A_792, %max3A_790 : vector<16xf32>
        %gather3A_800 = tpu.memref_slice %arg9[%mul3A_531] : memref<16384xf32, #tpu.memory_space<vmem>> -> memref<512xf32, #tpu.memory_space<vmem>>
        %gather3A_801 = tpu.vector_load_idx %gather3A_800[%add3A_319] : memref<512xf32, #tpu.memory_space<vmem>>[vector<16xi32>], vector<16xf32>,
        %gt3A_802 = arith.cmpf ogt, %gather3A_801, %max3A_799 : vector<16xf32>
        %eq3A_803 = arith.cmpf oeq, %gather3A_801, %max3A_799 : vector<16xf32>
        %lt3A_804 = arith.cmpi slt, %add3A_319, %select_n3A_798 : vector<16xi32>
        %and3A_805 = arith.andi %eq3A_803, %lt3A_804 : vector<16xi1>
        %or3A_806 = arith.ori %gt3A_802, %and3A_805 : vector<16xi1>
        %select_n3A_807 = arith.select %or3A_806, %add3A_319, %select_n3A_798 : vector<16xi1>, vector<16xi32>
        %max3A_808 = arith.maximumf %gather3A_801, %max3A_799 : vector<16xf32>
        %and3A_809 = arith.constant 31 : i32
        %and3A_810 = vector.broadcast %and3A_809 : i32 to vector<16xi32>
        %and3A_811 = arith.andi %select_n3A_807, %and3A_810 : vector<16xi32>
        %convert_element_type3A_812 = arith.sitofp %and3A_811 : vector<16xi32> to vector<16xf32>
        %mul3A_813 = arith.constant 512 : i32
        %mul3A_814 = arith.muli %add3A_480, %mul3A_813 : i32
        %mul3A_815 = arith.constant 16 : i32
        %mul3A_816 = arith.muli %scan3A_526, %mul3A_815 : i32
        %add3A_817 = arith.addi %mul3A_814, %mul3A_816 : i32
        %swap3A = arith.index_cast %add3A_817 : i32 to index
        %swap3A_818 = tpu.vector_load %arg11[%swap3A] {strides = array<i32>} : memref<8192xf32, #tpu.memory_space<vmem>>, vector<16xf32>,
        tpu.vector_store %arg11[%swap3A], %convert_element_type3A_812 {strides = array<i32>} : memref<8192xf32, #tpu.memory_space<vmem>>, vector<16xf32>,
        %scan3A_819 = arith.constant 0 : i32
        scf.yield %scan3A_819 : i32
      }
      %scan3A_493 = arith.constant 32 : i32
      %add3A_494 = arith.constant 4 : i32
      %add3A_495 = arith.addi %add3A_480, %add3A_494 : i32
      %lt3A_496 = arith.constant 16 : i32
      %lt3A_497 = arith.cmpi slt, %add3A_495, %lt3A_496 : i32
      %convert_element_type3A_498 = arith.extui %lt3A_497 : i1 to i32
      %cond3A_499 = arith.constant 0 : i32
      %cond3A_500 = arith.cmpi ne, %convert_element_type3A_498, %cond3A_499 : i32
      scf.if %cond3A_500 {
        %add3A_526 = arith.constant 4 : i32
        %add3A_527 = arith.addi %add3A_480, %add3A_526 : i32
        %mul3A_528 = arith.constant 16384 : i32
        %mul3A_529 = arith.muli %add3A_527, %mul3A_528 : i32
        %dma_start3A_530 = tpu.memref_slice %arg3[%add3A_323, %mul3A_529] : memref<64x262144xf32, #tpu.memory_space<hbm>> -> memref<1x16384xf32, #tpu.memory_space<hbm>>
        %dma_start3A_531 = tpu.memref_squeeze %dma_start3A_530 : memref<1x16384xf32, #tpu.memory_space<hbm>> -> memref<16384xf32, #tpu.memory_space<hbm>>
        %dma_start3A_532 = tpu.memref_slice %arg3[%add3A_323, %mul3A_529] : memref<64x262144xf32, #tpu.memory_space<hbm>> -> memref<1x16384xf32, #tpu.memory_space<hbm>>
        %dma_start3A_533 = tpu.memref_squeeze %dma_start3A_532 : memref<1x16384xf32, #tpu.memory_space<hbm>> -> memref<16384xf32, #tpu.memory_space<hbm>>
        tpu.enqueue_dma source(%dma_start3A_533 : memref<16384xf32, #tpu.memory_space<hbm>>) target(%arg9 : memref<16384xf32, #tpu.memory_space<vmem>>) target_semaphore(%arg17 : memref<!tpu.dma_semaphore, #tpu.memory_space<semaphore_mem>>)
      } else {
      }
      %mul3A_501 = arith.constant 4 : i32
      %mul3A_502 = arith.muli %scan3A_431, %mul3A_501 : i32
      %add3A_503 = arith.constant 3 : i32
      %add3A_504 = arith.addi %mul3A_502, %add3A_503 : i32
      %dma_wait3A_505 = arith.constant 0 : i32
      %dma_wait3A_506 = tpu.memref_slice %arg3[%add3A_323, %dma_wait3A_505] : memref<64x262144xf32, #tpu.memory_space<hbm>> -> memref<1x16384xf32, #tpu.memory_space<hbm>>
      %dma_wait3A_507 = tpu.memref_squeeze %dma_wait3A_506 : memref<1x16384xf32, #tpu.memory_space<hbm>> -> memref<16384xf32, #tpu.memory_space<hbm>>
      %dma_wait3A_508 = arith.constant 0 : i32
      %dma_wait3A_509 = tpu.memref_slice %arg3[%add3A_323, %dma_wait3A_508] : memref<64x262144xf32, #tpu.memory_space<hbm>> -> memref<1x16384xf32, #tpu.memory_space<hbm>>
      %dma_wait3A_510 = tpu.memref_squeeze %dma_wait3A_509 : memref<1x16384xf32, #tpu.memory_space<hbm>> -> memref<16384xf32, #tpu.memory_space<hbm>>
      tpu.wait_dma2 semaphore(%arg18 : memref<!tpu.dma_semaphore, #tpu.memory_space<semaphore_mem>>) src(%dma_wait3A_510 : memref<16384xf32, #tpu.memory_space<hbm>>) dst(%arg10 : memref<16384xf32, #tpu.memory_space<vmem>>)
      %scan3A_511 = arith.constant 0 : i32
      %scan3A_512 = arith.constant 0 : i32
      %scan3A_513 = arith.constant 32 : i32
      %scan3A_514 = arith.addi %scan3A_512, %scan3A_513 : i32
      %scan3A_515 = arith.constant 1 : i32
      %scan3A_516 = scf.for %scan3A_526 = %scan3A_512 to %scan3A_514 step %scan3A_515 iter_args(%scan3A_527 = %scan3A_511) -> (i32)  : i32 {
        %mul3A_528 = arith.constant 16 : i32
        %mul3A_529 = arith.muli %scan3A_526, %mul3A_528 : i32
        %mul3A_530 = arith.constant 32 : i32
        %mul3A_531 = arith.muli %mul3A_529, %mul3A_530 : i32
        %gather3A_532 = tpu.memref_slice %arg10[%mul3A_531] : memref<16384xf32, #tpu.memory_space<vmem>> -> memref<512xf32, #tpu.memory_space<vmem>>
        %gather3A_533 = tpu.vector_load_idx %gather3A_532[%add3A_9] : memref<512xf32, #tpu.memory_space<vmem>>[vector<16xi32>], vector<16xf32>,
        %gather3A_534 = tpu.memref_slice %arg10[%mul3A_531] : memref<16384xf32, #tpu.memory_space<vmem>> -> memref<512xf32, #tpu.memory_space<vmem>>
        %gather3A_535 = tpu.vector_load_idx %gather3A_534[%add3A_19] : memref<512xf32, #tpu.memory_space<vmem>>[vector<16xi32>], vector<16xf32>,
        %gt3A_536 = arith.cmpf ogt, %gather3A_535, %gather3A_533 : vector<16xf32>
        %eq3A = arith.cmpf oeq, %gather3A_535, %gather3A_533 : vector<16xf32>
        %lt3A_537 = arith.cmpi slt, %add3A_19, %add3A_9 : vector<16xi32>
        %and3A_538 = arith.andi %eq3A, %lt3A_537 : vector<16xi1>
        %or3A = arith.ori %gt3A_536, %and3A_538 : vector<16xi1>
        %select_n3A = arith.select %or3A, %add3A_19, %add3A_9 : vector<16xi1>, vector<16xi32>
        %max3A = arith.maximumf %gather3A_535, %gather3A_533 : vector<16xf32>
        %gather3A_539 = tpu.memref_slice %arg10[%mul3A_531] : memref<16384xf32, #tpu.memory_space<vmem>> -> memref<512xf32, #tpu.memory_space<vmem>>
        %gather3A_540 = tpu.vector_load_idx %gather3A_539[%add3A_29] : memref<512xf32, #tpu.memory_space<vmem>>[vector<16xi32>], vector<16xf32>,
        %gt3A_541 = arith.cmpf ogt, %gather3A_540, %max3A : vector<16xf32>
        %eq3A_542 = arith.cmpf oeq, %gather3A_540, %max3A : vector<16xf32>
        %lt3A_543 = arith.cmpi slt, %add3A_29, %select_n3A : vector<16xi32>
        %and3A_544 = arith.andi %eq3A_542, %lt3A_543 : vector<16xi1>
        %or3A_545 = arith.ori %gt3A_541, %and3A_544 : vector<16xi1>
        %select_n3A_546 = arith.select %or3A_545, %add3A_29, %select_n3A : vector<16xi1>, vector<16xi32>
        %max3A_547 = arith.maximumf %gather3A_540, %max3A : vector<16xf32>
        %gather3A_548 = tpu.memref_slice %arg10[%mul3A_531] : memref<16384xf32, #tpu.memory_space<vmem>> -> memref<512xf32, #tpu.memory_space<vmem>>
        %gather3A_549 = tpu.vector_load_idx %gather3A_548[%add3A_39] : memref<512xf32, #tpu.memory_space<vmem>>[vector<16xi32>], vector<16xf32>,
        %gt3A_550 = arith.cmpf ogt, %gather3A_549, %max3A_547 : vector<16xf32>
        %eq3A_551 = arith.cmpf oeq, %gather3A_549, %max3A_547 : vector<16xf32>
        %lt3A_552 = arith.cmpi slt, %add3A_39, %select_n3A_546 : vector<16xi32>
        %and3A_553 = arith.andi %eq3A_551, %lt3A_552 : vector<16xi1>
        %or3A_554 = arith.ori %gt3A_550, %and3A_553 : vector<16xi1>
        %select_n3A_555 = arith.select %or3A_554, %add3A_39, %select_n3A_546 : vector<16xi1>, vector<16xi32>
        %max3A_556 = arith.maximumf %gather3A_549, %max3A_547 : vector<16xf32>
        %gather3A_557 = tpu.memref_slice %arg10[%mul3A_531] : memref<16384xf32, #tpu.memory_space<vmem>> -> memref<512xf32, #tpu.memory_space<vmem>>
        %gather3A_558 = tpu.vector_load_idx %gather3A_557[%add3A_49] : memref<512xf32, #tpu.memory_space<vmem>>[vector<16xi32>], vector<16xf32>,
        %gt3A_559 = arith.cmpf ogt, %gather3A_558, %max3A_556 : vector<16xf32>
        %eq3A_560 = arith.cmpf oeq, %gather3A_558, %max3A_556 : vector<16xf32>
        %lt3A_561 = arith.cmpi slt, %add3A_49, %select_n3A_555 : vector<16xi32>
        %and3A_562 = arith.andi %eq3A_560, %lt3A_561 : vector<16xi1>
        %or3A_563 = arith.ori %gt3A_559, %and3A_562 : vector<16xi1>
        %select_n3A_564 = arith.select %or3A_563, %add3A_49, %select_n3A_555 : vector<16xi1>, vector<16xi32>
        %max3A_565 = arith.maximumf %gather3A_558, %max3A_556 : vector<16xf32>
        %gather3A_566 = tpu.memref_slice %arg10[%mul3A_531] : memref<16384xf32, #tpu.memory_space<vmem>> -> memref<512xf32, #tpu.memory_space<vmem>>
        %gather3A_567 = tpu.vector_load_idx %gather3A_566[%add3A_59] : memref<512xf32, #tpu.memory_space<vmem>>[vector<16xi32>], vector<16xf32>,
        %gt3A_568 = arith.cmpf ogt, %gather3A_567, %max3A_565 : vector<16xf32>
        %eq3A_569 = arith.cmpf oeq, %gather3A_567, %max3A_565 : vector<16xf32>
        %lt3A_570 = arith.cmpi slt, %add3A_59, %select_n3A_564 : vector<16xi32>
        %and3A_571 = arith.andi %eq3A_569, %lt3A_570 : vector<16xi1>
        %or3A_572 = arith.ori %gt3A_568, %and3A_571 : vector<16xi1>
        %select_n3A_573 = arith.select %or3A_572, %add3A_59, %select_n3A_564 : vector<16xi1>, vector<16xi32>
        %max3A_574 = arith.maximumf %gather3A_567, %max3A_565 : vector<16xf32>
        %gather3A_575 = tpu.memref_slice %arg10[%mul3A_531] : memref<16384xf32, #tpu.memory_space<vmem>> -> memref<512xf32, #tpu.memory_space<vmem>>
        %gather3A_576 = tpu.vector_load_idx %gather3A_575[%add3A_69] : memref<512xf32, #tpu.memory_space<vmem>>[vector<16xi32>], vector<16xf32>,
        %gt3A_577 = arith.cmpf ogt, %gather3A_576, %max3A_574 : vector<16xf32>
        %eq3A_578 = arith.cmpf oeq, %gather3A_576, %max3A_574 : vector<16xf32>
        %lt3A_579 = arith.cmpi slt, %add3A_69, %select_n3A_573 : vector<16xi32>
        %and3A_580 = arith.andi %eq3A_578, %lt3A_579 : vector<16xi1>
        %or3A_581 = arith.ori %gt3A_577, %and3A_580 : vector<16xi1>
        %select_n3A_582 = arith.select %or3A_581, %add3A_69, %select_n3A_573 : vector<16xi1>, vector<16xi32>
        %max3A_583 = arith.maximumf %gather3A_576, %max3A_574 : vector<16xf32>
        %gather3A_584 = tpu.memref_slice %arg10[%mul3A_531] : memref<16384xf32, #tpu.memory_space<vmem>> -> memref<512xf32, #tpu.memory_space<vmem>>
        %gather3A_585 = tpu.vector_load_idx %gather3A_584[%add3A_79] : memref<512xf32, #tpu.memory_space<vmem>>[vector<16xi32>], vector<16xf32>,
        %gt3A_586 = arith.cmpf ogt, %gather3A_585, %max3A_583 : vector<16xf32>
        %eq3A_587 = arith.cmpf oeq, %gather3A_585, %max3A_583 : vector<16xf32>
        %lt3A_588 = arith.cmpi slt, %add3A_79, %select_n3A_582 : vector<16xi32>
        %and3A_589 = arith.andi %eq3A_587, %lt3A_588 : vector<16xi1>
        %or3A_590 = arith.ori %gt3A_586, %and3A_589 : vector<16xi1>
        %select_n3A_591 = arith.select %or3A_590, %add3A_79, %select_n3A_582 : vector<16xi1>, vector<16xi32>
        %max3A_592 = arith.maximumf %gather3A_585, %max3A_583 : vector<16xf32>
        %gather3A_593 = tpu.memref_slice %arg10[%mul3A_531] : memref<16384xf32, #tpu.memory_space<vmem>> -> memref<512xf32, #tpu.memory_space<vmem>>
        %gather3A_594 = tpu.vector_load_idx %gather3A_593[%add3A_89] : memref<512xf32, #tpu.memory_space<vmem>>[vector<16xi32>], vector<16xf32>,
        %gt3A_595 = arith.cmpf ogt, %gather3A_594, %max3A_592 : vector<16xf32>
        %eq3A_596 = arith.cmpf oeq, %gather3A_594, %max3A_592 : vector<16xf32>
        %lt3A_597 = arith.cmpi slt, %add3A_89, %select_n3A_591 : vector<16xi32>
        %and3A_598 = arith.andi %eq3A_596, %lt3A_597 : vector<16xi1>
        %or3A_599 = arith.ori %gt3A_595, %and3A_598 : vector<16xi1>
        %select_n3A_600 = arith.select %or3A_599, %add3A_89, %select_n3A_591 : vector<16xi1>, vector<16xi32>
        %max3A_601 = arith.maximumf %gather3A_594, %max3A_592 : vector<16xf32>
        %gather3A_602 = tpu.memref_slice %arg10[%mul3A_531] : memref<16384xf32, #tpu.memory_space<vmem>> -> memref<512xf32, #tpu.memory_space<vmem>>
        %gather3A_603 = tpu.vector_load_idx %gather3A_602[%add3A_99] : memref<512xf32, #tpu.memory_space<vmem>>[vector<16xi32>], vector<16xf32>,
        %gt3A_604 = arith.cmpf ogt, %gather3A_603, %max3A_601 : vector<16xf32>
        %eq3A_605 = arith.cmpf oeq, %gather3A_603, %max3A_601 : vector<16xf32>
        %lt3A_606 = arith.cmpi slt, %add3A_99, %select_n3A_600 : vector<16xi32>
        %and3A_607 = arith.andi %eq3A_605, %lt3A_606 : vector<16xi1>
        %or3A_608 = arith.ori %gt3A_604, %and3A_607 : vector<16xi1>
        %select_n3A_609 = arith.select %or3A_608, %add3A_99, %select_n3A_600 : vector<16xi1>, vector<16xi32>
        %max3A_610 = arith.maximumf %gather3A_603, %max3A_601 : vector<16xf32>
        %gather3A_611 = tpu.memref_slice %arg10[%mul3A_531] : memref<16384xf32, #tpu.memory_space<vmem>> -> memref<512xf32, #tpu.memory_space<vmem>>
        %gather3A_612 = tpu.vector_load_idx %gather3A_611[%add3A_109] : memref<512xf32, #tpu.memory_space<vmem>>[vector<16xi32>], vector<16xf32>,
        %gt3A_613 = arith.cmpf ogt, %gather3A_612, %max3A_610 : vector<16xf32>
        %eq3A_614 = arith.cmpf oeq, %gather3A_612, %max3A_610 : vector<16xf32>
        %lt3A_615 = arith.cmpi slt, %add3A_109, %select_n3A_609 : vector<16xi32>
        %and3A_616 = arith.andi %eq3A_614, %lt3A_615 : vector<16xi1>
        %or3A_617 = arith.ori %gt3A_613, %and3A_616 : vector<16xi1>
        %select_n3A_618 = arith.select %or3A_617, %add3A_109, %select_n3A_609 : vector<16xi1>, vector<16xi32>
        %max3A_619 = arith.maximumf %gather3A_612, %max3A_610 : vector<16xf32>
        %gather3A_620 = tpu.memref_slice %arg10[%mul3A_531] : memref<16384xf32, #tpu.memory_space<vmem>> -> memref<512xf32, #tpu.memory_space<vmem>>
        %gather3A_621 = tpu.vector_load_idx %gather3A_620[%add3A_119] : memref<512xf32, #tpu.memory_space<vmem>>[vector<16xi32>], vector<16xf32>,
        %gt3A_622 = arith.cmpf ogt, %gather3A_621, %max3A_619 : vector<16xf32>
        %eq3A_623 = arith.cmpf oeq, %gather3A_621, %max3A_619 : vector<16xf32>
        %lt3A_624 = arith.cmpi slt, %add3A_119, %select_n3A_618 : vector<16xi32>
        %and3A_625 = arith.andi %eq3A_623, %lt3A_624 : vector<16xi1>
        %or3A_626 = arith.ori %gt3A_622, %and3A_625 : vector<16xi1>
        %select_n3A_627 = arith.select %or3A_626, %add3A_119, %select_n3A_618 : vector<16xi1>, vector<16xi32>
        %max3A_628 = arith.maximumf %gather3A_621, %max3A_619 : vector<16xf32>
        %gather3A_629 = tpu.memref_slice %arg10[%mul3A_531] : memref<16384xf32, #tpu.memory_space<vmem>> -> memref<512xf32, #tpu.memory_space<vmem>>
        %gather3A_630 = tpu.vector_load_idx %gather3A_629[%add3A_129] : memref<512xf32, #tpu.memory_space<vmem>>[vector<16xi32>], vector<16xf32>,
        %gt3A_631 = arith.cmpf ogt, %gather3A_630, %max3A_628 : vector<16xf32>
        %eq3A_632 = arith.cmpf oeq, %gather3A_630, %max3A_628 : vector<16xf32>
        %lt3A_633 = arith.cmpi slt, %add3A_129, %select_n3A_627 : vector<16xi32>
        %and3A_634 = arith.andi %eq3A_632, %lt3A_633 : vector<16xi1>
        %or3A_635 = arith.ori %gt3A_631, %and3A_634 : vector<16xi1>
        %select_n3A_636 = arith.select %or3A_635, %add3A_129, %select_n3A_627 : vector<16xi1>, vector<16xi32>
        %max3A_637 = arith.maximumf %gather3A_630, %max3A_628 : vector<16xf32>
        %gather3A_638 = tpu.memref_slice %arg10[%mul3A_531] : memref<16384xf32, #tpu.memory_space<vmem>> -> memref<512xf32, #tpu.memory_space<vmem>>
        %gather3A_639 = tpu.vector_load_idx %gather3A_638[%add3A_139] : memref<512xf32, #tpu.memory_space<vmem>>[vector<16xi32>], vector<16xf32>,
        %gt3A_640 = arith.cmpf ogt, %gather3A_639, %max3A_637 : vector<16xf32>
        %eq3A_641 = arith.cmpf oeq, %gather3A_639, %max3A_637 : vector<16xf32>
        %lt3A_642 = arith.cmpi slt, %add3A_139, %select_n3A_636 : vector<16xi32>
        %and3A_643 = arith.andi %eq3A_641, %lt3A_642 : vector<16xi1>
        %or3A_644 = arith.ori %gt3A_640, %and3A_643 : vector<16xi1>
        %select_n3A_645 = arith.select %or3A_644, %add3A_139, %select_n3A_636 : vector<16xi1>, vector<16xi32>
        %max3A_646 = arith.maximumf %gather3A_639, %max3A_637 : vector<16xf32>
        %gather3A_647 = tpu.memref_slice %arg10[%mul3A_531] : memref<16384xf32, #tpu.memory_space<vmem>> -> memref<512xf32, #tpu.memory_space<vmem>>
        %gather3A_648 = tpu.vector_load_idx %gather3A_647[%add3A_149] : memref<512xf32, #tpu.memory_space<vmem>>[vector<16xi32>], vector<16xf32>,
        %gt3A_649 = arith.cmpf ogt, %gather3A_648, %max3A_646 : vector<16xf32>
        %eq3A_650 = arith.cmpf oeq, %gather3A_648, %max3A_646 : vector<16xf32>
        %lt3A_651 = arith.cmpi slt, %add3A_149, %select_n3A_645 : vector<16xi32>
        %and3A_652 = arith.andi %eq3A_650, %lt3A_651 : vector<16xi1>
        %or3A_653 = arith.ori %gt3A_649, %and3A_652 : vector<16xi1>
        %select_n3A_654 = arith.select %or3A_653, %add3A_149, %select_n3A_645 : vector<16xi1>, vector<16xi32>
        %max3A_655 = arith.maximumf %gather3A_648, %max3A_646 : vector<16xf32>
        %gather3A_656 = tpu.memref_slice %arg10[%mul3A_531] : memref<16384xf32, #tpu.memory_space<vmem>> -> memref<512xf32, #tpu.memory_space<vmem>>
        %gather3A_657 = tpu.vector_load_idx %gather3A_656[%add3A_159] : memref<512xf32, #tpu.memory_space<vmem>>[vector<16xi32>], vector<16xf32>,
        %gt3A_658 = arith.cmpf ogt, %gather3A_657, %max3A_655 : vector<16xf32>
        %eq3A_659 = arith.cmpf oeq, %gather3A_657, %max3A_655 : vector<16xf32>
        %lt3A_660 = arith.cmpi slt, %add3A_159, %select_n3A_654 : vector<16xi32>
        %and3A_661 = arith.andi %eq3A_659, %lt3A_660 : vector<16xi1>
        %or3A_662 = arith.ori %gt3A_658, %and3A_661 : vector<16xi1>
        %select_n3A_663 = arith.select %or3A_662, %add3A_159, %select_n3A_654 : vector<16xi1>, vector<16xi32>
        %max3A_664 = arith.maximumf %gather3A_657, %max3A_655 : vector<16xf32>
        %gather3A_665 = tpu.memref_slice %arg10[%mul3A_531] : memref<16384xf32, #tpu.memory_space<vmem>> -> memref<512xf32, #tpu.memory_space<vmem>>
        %gather3A_666 = tpu.vector_load_idx %gather3A_665[%add3A_169] : memref<512xf32, #tpu.memory_space<vmem>>[vector<16xi32>], vector<16xf32>,
        %gt3A_667 = arith.cmpf ogt, %gather3A_666, %max3A_664 : vector<16xf32>
        %eq3A_668 = arith.cmpf oeq, %gather3A_666, %max3A_664 : vector<16xf32>
        %lt3A_669 = arith.cmpi slt, %add3A_169, %select_n3A_663 : vector<16xi32>
        %and3A_670 = arith.andi %eq3A_668, %lt3A_669 : vector<16xi1>
        %or3A_671 = arith.ori %gt3A_667, %and3A_670 : vector<16xi1>
        %select_n3A_672 = arith.select %or3A_671, %add3A_169, %select_n3A_663 : vector<16xi1>, vector<16xi32>
        %max3A_673 = arith.maximumf %gather3A_666, %max3A_664 : vector<16xf32>
        %gather3A_674 = tpu.memref_slice %arg10[%mul3A_531] : memref<16384xf32, #tpu.memory_space<vmem>> -> memref<512xf32, #tpu.memory_space<vmem>>
        %gather3A_675 = tpu.vector_load_idx %gather3A_674[%add3A_179] : memref<512xf32, #tpu.memory_space<vmem>>[vector<16xi32>], vector<16xf32>,
        %gt3A_676 = arith.cmpf ogt, %gather3A_675, %max3A_673 : vector<16xf32>
        %eq3A_677 = arith.cmpf oeq, %gather3A_675, %max3A_673 : vector<16xf32>
        %lt3A_678 = arith.cmpi slt, %add3A_179, %select_n3A_672 : vector<16xi32>
        %and3A_679 = arith.andi %eq3A_677, %lt3A_678 : vector<16xi1>
        %or3A_680 = arith.ori %gt3A_676, %and3A_679 : vector<16xi1>
        %select_n3A_681 = arith.select %or3A_680, %add3A_179, %select_n3A_672 : vector<16xi1>, vector<16xi32>
        %max3A_682 = arith.maximumf %gather3A_675, %max3A_673 : vector<16xf32>
        %gather3A_683 = tpu.memref_slice %arg10[%mul3A_531] : memref<16384xf32, #tpu.memory_space<vmem>> -> memref<512xf32, #tpu.memory_space<vmem>>
        %gather3A_684 = tpu.vector_load_idx %gather3A_683[%add3A_189] : memref<512xf32, #tpu.memory_space<vmem>>[vector<16xi32>], vector<16xf32>,
        %gt3A_685 = arith.cmpf ogt, %gather3A_684, %max3A_682 : vector<16xf32>
        %eq3A_686 = arith.cmpf oeq, %gather3A_684, %max3A_682 : vector<16xf32>
        %lt3A_687 = arith.cmpi slt, %add3A_189, %select_n3A_681 : vector<16xi32>
        %and3A_688 = arith.andi %eq3A_686, %lt3A_687 : vector<16xi1>
        %or3A_689 = arith.ori %gt3A_685, %and3A_688 : vector<16xi1>
        %select_n3A_690 = arith.select %or3A_689, %add3A_189, %select_n3A_681 : vector<16xi1>, vector<16xi32>
        %max3A_691 = arith.maximumf %gather3A_684, %max3A_682 : vector<16xf32>
        %gather3A_692 = tpu.memref_slice %arg10[%mul3A_531] : memref<16384xf32, #tpu.memory_space<vmem>> -> memref<512xf32, #tpu.memory_space<vmem>>
        %gather3A_693 = tpu.vector_load_idx %gather3A_692[%add3A_199] : memref<512xf32, #tpu.memory_space<vmem>>[vector<16xi32>], vector<16xf32>,
        %gt3A_694 = arith.cmpf ogt, %gather3A_693, %max3A_691 : vector<16xf32>
        %eq3A_695 = arith.cmpf oeq, %gather3A_693, %max3A_691 : vector<16xf32>
        %lt3A_696 = arith.cmpi slt, %add3A_199, %select_n3A_690 : vector<16xi32>
        %and3A_697 = arith.andi %eq3A_695, %lt3A_696 : vector<16xi1>
        %or3A_698 = arith.ori %gt3A_694, %and3A_697 : vector<16xi1>
        %select_n3A_699 = arith.select %or3A_698, %add3A_199, %select_n3A_690 : vector<16xi1>, vector<16xi32>
        %max3A_700 = arith.maximumf %gather3A_693, %max3A_691 : vector<16xf32>
        %gather3A_701 = tpu.memref_slice %arg10[%mul3A_531] : memref<16384xf32, #tpu.memory_space<vmem>> -> memref<512xf32, #tpu.memory_space<vmem>>
        %gather3A_702 = tpu.vector_load_idx %gather3A_701[%add3A_209] : memref<512xf32, #tpu.memory_space<vmem>>[vector<16xi32>], vector<16xf32>,
        %gt3A_703 = arith.cmpf ogt, %gather3A_702, %max3A_700 : vector<16xf32>
        %eq3A_704 = arith.cmpf oeq, %gather3A_702, %max3A_700 : vector<16xf32>
        %lt3A_705 = arith.cmpi slt, %add3A_209, %select_n3A_699 : vector<16xi32>
        %and3A_706 = arith.andi %eq3A_704, %lt3A_705 : vector<16xi1>
        %or3A_707 = arith.ori %gt3A_703, %and3A_706 : vector<16xi1>
        %select_n3A_708 = arith.select %or3A_707, %add3A_209, %select_n3A_699 : vector<16xi1>, vector<16xi32>
        %max3A_709 = arith.maximumf %gather3A_702, %max3A_700 : vector<16xf32>
        %gather3A_710 = tpu.memref_slice %arg10[%mul3A_531] : memref<16384xf32, #tpu.memory_space<vmem>> -> memref<512xf32, #tpu.memory_space<vmem>>
        %gather3A_711 = tpu.vector_load_idx %gather3A_710[%add3A_219] : memref<512xf32, #tpu.memory_space<vmem>>[vector<16xi32>], vector<16xf32>,
        %gt3A_712 = arith.cmpf ogt, %gather3A_711, %max3A_709 : vector<16xf32>
        %eq3A_713 = arith.cmpf oeq, %gather3A_711, %max3A_709 : vector<16xf32>
        %lt3A_714 = arith.cmpi slt, %add3A_219, %select_n3A_708 : vector<16xi32>
        %and3A_715 = arith.andi %eq3A_713, %lt3A_714 : vector<16xi1>
        %or3A_716 = arith.ori %gt3A_712, %and3A_715 : vector<16xi1>
        %select_n3A_717 = arith.select %or3A_716, %add3A_219, %select_n3A_708 : vector<16xi1>, vector<16xi32>
        %max3A_718 = arith.maximumf %gather3A_711, %max3A_709 : vector<16xf32>
        %gather3A_719 = tpu.memref_slice %arg10[%mul3A_531] : memref<16384xf32, #tpu.memory_space<vmem>> -> memref<512xf32, #tpu.memory_space<vmem>>
        %gather3A_720 = tpu.vector_load_idx %gather3A_719[%add3A_229] : memref<512xf32, #tpu.memory_space<vmem>>[vector<16xi32>], vector<16xf32>,
        %gt3A_721 = arith.cmpf ogt, %gather3A_720, %max3A_718 : vector<16xf32>
        %eq3A_722 = arith.cmpf oeq, %gather3A_720, %max3A_718 : vector<16xf32>
        %lt3A_723 = arith.cmpi slt, %add3A_229, %select_n3A_717 : vector<16xi32>
        %and3A_724 = arith.andi %eq3A_722, %lt3A_723 : vector<16xi1>
        %or3A_725 = arith.ori %gt3A_721, %and3A_724 : vector<16xi1>
        %select_n3A_726 = arith.select %or3A_725, %add3A_229, %select_n3A_717 : vector<16xi1>, vector<16xi32>
        %max3A_727 = arith.maximumf %gather3A_720, %max3A_718 : vector<16xf32>
        %gather3A_728 = tpu.memref_slice %arg10[%mul3A_531] : memref<16384xf32, #tpu.memory_space<vmem>> -> memref<512xf32, #tpu.memory_space<vmem>>
        %gather3A_729 = tpu.vector_load_idx %gather3A_728[%add3A_239] : memref<512xf32, #tpu.memory_space<vmem>>[vector<16xi32>], vector<16xf32>,
        %gt3A_730 = arith.cmpf ogt, %gather3A_729, %max3A_727 : vector<16xf32>
        %eq3A_731 = arith.cmpf oeq, %gather3A_729, %max3A_727 : vector<16xf32>
        %lt3A_732 = arith.cmpi slt, %add3A_239, %select_n3A_726 : vector<16xi32>
        %and3A_733 = arith.andi %eq3A_731, %lt3A_732 : vector<16xi1>
        %or3A_734 = arith.ori %gt3A_730, %and3A_733 : vector<16xi1>
        %select_n3A_735 = arith.select %or3A_734, %add3A_239, %select_n3A_726 : vector<16xi1>, vector<16xi32>
        %max3A_736 = arith.maximumf %gather3A_729, %max3A_727 : vector<16xf32>
        %gather3A_737 = tpu.memref_slice %arg10[%mul3A_531] : memref<16384xf32, #tpu.memory_space<vmem>> -> memref<512xf32, #tpu.memory_space<vmem>>
        %gather3A_738 = tpu.vector_load_idx %gather3A_737[%add3A_249] : memref<512xf32, #tpu.memory_space<vmem>>[vector<16xi32>], vector<16xf32>,
        %gt3A_739 = arith.cmpf ogt, %gather3A_738, %max3A_736 : vector<16xf32>
        %eq3A_740 = arith.cmpf oeq, %gather3A_738, %max3A_736 : vector<16xf32>
        %lt3A_741 = arith.cmpi slt, %add3A_249, %select_n3A_735 : vector<16xi32>
        %and3A_742 = arith.andi %eq3A_740, %lt3A_741 : vector<16xi1>
        %or3A_743 = arith.ori %gt3A_739, %and3A_742 : vector<16xi1>
        %select_n3A_744 = arith.select %or3A_743, %add3A_249, %select_n3A_735 : vector<16xi1>, vector<16xi32>
        %max3A_745 = arith.maximumf %gather3A_738, %max3A_736 : vector<16xf32>
        %gather3A_746 = tpu.memref_slice %arg10[%mul3A_531] : memref<16384xf32, #tpu.memory_space<vmem>> -> memref<512xf32, #tpu.memory_space<vmem>>
        %gather3A_747 = tpu.vector_load_idx %gather3A_746[%add3A_259] : memref<512xf32, #tpu.memory_space<vmem>>[vector<16xi32>], vector<16xf32>,
        %gt3A_748 = arith.cmpf ogt, %gather3A_747, %max3A_745 : vector<16xf32>
        %eq3A_749 = arith.cmpf oeq, %gather3A_747, %max3A_745 : vector<16xf32>
        %lt3A_750 = arith.cmpi slt, %add3A_259, %select_n3A_744 : vector<16xi32>
        %and3A_751 = arith.andi %eq3A_749, %lt3A_750 : vector<16xi1>
        %or3A_752 = arith.ori %gt3A_748, %and3A_751 : vector<16xi1>
        %select_n3A_753 = arith.select %or3A_752, %add3A_259, %select_n3A_744 : vector<16xi1>, vector<16xi32>
        %max3A_754 = arith.maximumf %gather3A_747, %max3A_745 : vector<16xf32>
        %gather3A_755 = tpu.memref_slice %arg10[%mul3A_531] : memref<16384xf32, #tpu.memory_space<vmem>> -> memref<512xf32, #tpu.memory_space<vmem>>
        %gather3A_756 = tpu.vector_load_idx %gather3A_755[%add3A_269] : memref<512xf32, #tpu.memory_space<vmem>>[vector<16xi32>], vector<16xf32>,
        %gt3A_757 = arith.cmpf ogt, %gather3A_756, %max3A_754 : vector<16xf32>
        %eq3A_758 = arith.cmpf oeq, %gather3A_756, %max3A_754 : vector<16xf32>
        %lt3A_759 = arith.cmpi slt, %add3A_269, %select_n3A_753 : vector<16xi32>
        %and3A_760 = arith.andi %eq3A_758, %lt3A_759 : vector<16xi1>
        %or3A_761 = arith.ori %gt3A_757, %and3A_760 : vector<16xi1>
        %select_n3A_762 = arith.select %or3A_761, %add3A_269, %select_n3A_753 : vector<16xi1>, vector<16xi32>
        %max3A_763 = arith.maximumf %gather3A_756, %max3A_754 : vector<16xf32>
        %gather3A_764 = tpu.memref_slice %arg10[%mul3A_531] : memref<16384xf32, #tpu.memory_space<vmem>> -> memref<512xf32, #tpu.memory_space<vmem>>
        %gather3A_765 = tpu.vector_load_idx %gather3A_764[%add3A_279] : memref<512xf32, #tpu.memory_space<vmem>>[vector<16xi32>], vector<16xf32>,
        %gt3A_766 = arith.cmpf ogt, %gather3A_765, %max3A_763 : vector<16xf32>
        %eq3A_767 = arith.cmpf oeq, %gather3A_765, %max3A_763 : vector<16xf32>
        %lt3A_768 = arith.cmpi slt, %add3A_279, %select_n3A_762 : vector<16xi32>
        %and3A_769 = arith.andi %eq3A_767, %lt3A_768 : vector<16xi1>
        %or3A_770 = arith.ori %gt3A_766, %and3A_769 : vector<16xi1>
        %select_n3A_771 = arith.select %or3A_770, %add3A_279, %select_n3A_762 : vector<16xi1>, vector<16xi32>
        %max3A_772 = arith.maximumf %gather3A_765, %max3A_763 : vector<16xf32>
        %gather3A_773 = tpu.memref_slice %arg10[%mul3A_531] : memref<16384xf32, #tpu.memory_space<vmem>> -> memref<512xf32, #tpu.memory_space<vmem>>
        %gather3A_774 = tpu.vector_load_idx %gather3A_773[%add3A_289] : memref<512xf32, #tpu.memory_space<vmem>>[vector<16xi32>], vector<16xf32>,
        %gt3A_775 = arith.cmpf ogt, %gather3A_774, %max3A_772 : vector<16xf32>
        %eq3A_776 = arith.cmpf oeq, %gather3A_774, %max3A_772 : vector<16xf32>
        %lt3A_777 = arith.cmpi slt, %add3A_289, %select_n3A_771 : vector<16xi32>
        %and3A_778 = arith.andi %eq3A_776, %lt3A_777 : vector<16xi1>
        %or3A_779 = arith.ori %gt3A_775, %and3A_778 : vector<16xi1>
        %select_n3A_780 = arith.select %or3A_779, %add3A_289, %select_n3A_771 : vector<16xi1>, vector<16xi32>
        %max3A_781 = arith.maximumf %gather3A_774, %max3A_772 : vector<16xf32>
        %gather3A_782 = tpu.memref_slice %arg10[%mul3A_531] : memref<16384xf32, #tpu.memory_space<vmem>> -> memref<512xf32, #tpu.memory_space<vmem>>
        %gather3A_783 = tpu.vector_load_idx %gather3A_782[%add3A_299] : memref<512xf32, #tpu.memory_space<vmem>>[vector<16xi32>], vector<16xf32>,
        %gt3A_784 = arith.cmpf ogt, %gather3A_783, %max3A_781 : vector<16xf32>
        %eq3A_785 = arith.cmpf oeq, %gather3A_783, %max3A_781 : vector<16xf32>
        %lt3A_786 = arith.cmpi slt, %add3A_299, %select_n3A_780 : vector<16xi32>
        %and3A_787 = arith.andi %eq3A_785, %lt3A_786 : vector<16xi1>
        %or3A_788 = arith.ori %gt3A_784, %and3A_787 : vector<16xi1>
        %select_n3A_789 = arith.select %or3A_788, %add3A_299, %select_n3A_780 : vector<16xi1>, vector<16xi32>
        %max3A_790 = arith.maximumf %gather3A_783, %max3A_781 : vector<16xf32>
        %gather3A_791 = tpu.memref_slice %arg10[%mul3A_531] : memref<16384xf32, #tpu.memory_space<vmem>> -> memref<512xf32, #tpu.memory_space<vmem>>
        %gather3A_792 = tpu.vector_load_idx %gather3A_791[%add3A_309] : memref<512xf32, #tpu.memory_space<vmem>>[vector<16xi32>], vector<16xf32>,
        %gt3A_793 = arith.cmpf ogt, %gather3A_792, %max3A_790 : vector<16xf32>
        %eq3A_794 = arith.cmpf oeq, %gather3A_792, %max3A_790 : vector<16xf32>
        %lt3A_795 = arith.cmpi slt, %add3A_309, %select_n3A_789 : vector<16xi32>
        %and3A_796 = arith.andi %eq3A_794, %lt3A_795 : vector<16xi1>
        %or3A_797 = arith.ori %gt3A_793, %and3A_796 : vector<16xi1>
        %select_n3A_798 = arith.select %or3A_797, %add3A_309, %select_n3A_789 : vector<16xi1>, vector<16xi32>
        %max3A_799 = arith.maximumf %gather3A_792, %max3A_790 : vector<16xf32>
        %gather3A_800 = tpu.memref_slice %arg10[%mul3A_531] : memref<16384xf32, #tpu.memory_space<vmem>> -> memref<512xf32, #tpu.memory_space<vmem>>
        %gather3A_801 = tpu.vector_load_idx %gather3A_800[%add3A_319] : memref<512xf32, #tpu.memory_space<vmem>>[vector<16xi32>], vector<16xf32>,
        %gt3A_802 = arith.cmpf ogt, %gather3A_801, %max3A_799 : vector<16xf32>
        %eq3A_803 = arith.cmpf oeq, %gather3A_801, %max3A_799 : vector<16xf32>
        %lt3A_804 = arith.cmpi slt, %add3A_319, %select_n3A_798 : vector<16xi32>
        %and3A_805 = arith.andi %eq3A_803, %lt3A_804 : vector<16xi1>
        %or3A_806 = arith.ori %gt3A_802, %and3A_805 : vector<16xi1>
        %select_n3A_807 = arith.select %or3A_806, %add3A_319, %select_n3A_798 : vector<16xi1>, vector<16xi32>
        %max3A_808 = arith.maximumf %gather3A_801, %max3A_799 : vector<16xf32>
        %and3A_809 = arith.constant 31 : i32
        %and3A_810 = vector.broadcast %and3A_809 : i32 to vector<16xi32>
        %and3A_811 = arith.andi %select_n3A_807, %and3A_810 : vector<16xi32>
        %convert_element_type3A_812 = arith.sitofp %and3A_811 : vector<16xi32> to vector<16xf32>
        %mul3A_813 = arith.constant 512 : i32
        %mul3A_814 = arith.muli %add3A_504, %mul3A_813 : i32
        %mul3A_815 = arith.constant 16 : i32
        %mul3A_816 = arith.muli %scan3A_526, %mul3A_815 : i32
        %add3A_817 = arith.addi %mul3A_814, %mul3A_816 : i32
        %swap3A = arith.index_cast %add3A_817 : i32 to index
        %swap3A_818 = tpu.vector_load %arg11[%swap3A] {strides = array<i32>} : memref<8192xf32, #tpu.memory_space<vmem>>, vector<16xf32>,
        tpu.vector_store %arg11[%swap3A], %convert_element_type3A_812 {strides = array<i32>} : memref<8192xf32, #tpu.memory_space<vmem>>, vector<16xf32>,
        %scan3A_819 = arith.constant 0 : i32
        scf.yield %scan3A_819 : i32
      }
      %scan3A_517 = arith.constant 32 : i32
      %add3A_518 = arith.constant 4 : i32
      %add3A_519 = arith.addi %add3A_504, %add3A_518 : i32
      %lt3A_520 = arith.constant 16 : i32
      %lt3A_521 = arith.cmpi slt, %add3A_519, %lt3A_520 : i32
      %convert_element_type3A_522 = arith.extui %lt3A_521 : i1 to i32
      %cond3A_523 = arith.constant 0 : i32
      %cond3A_524 = arith.cmpi ne, %convert_element_type3A_522, %cond3A_523 : i32
      scf.if %cond3A_524 {
        %add3A_526 = arith.constant 4 : i32
        %add3A_527 = arith.addi %add3A_504, %add3A_526 : i32
        %mul3A_528 = arith.constant 16384 : i32
        %mul3A_529 = arith.muli %add3A_527, %mul3A_528 : i32
        %dma_start3A_530 = tpu.memref_slice %arg3[%add3A_323, %mul3A_529] : memref<64x262144xf32, #tpu.memory_space<hbm>> -> memref<1x16384xf32, #tpu.memory_space<hbm>>
        %dma_start3A_531 = tpu.memref_squeeze %dma_start3A_530 : memref<1x16384xf32, #tpu.memory_space<hbm>> -> memref<16384xf32, #tpu.memory_space<hbm>>
        %dma_start3A_532 = tpu.memref_slice %arg3[%add3A_323, %mul3A_529] : memref<64x262144xf32, #tpu.memory_space<hbm>> -> memref<1x16384xf32, #tpu.memory_space<hbm>>
        %dma_start3A_533 = tpu.memref_squeeze %dma_start3A_532 : memref<1x16384xf32, #tpu.memory_space<hbm>> -> memref<16384xf32, #tpu.memory_space<hbm>>
        tpu.enqueue_dma source(%dma_start3A_533 : memref<16384xf32, #tpu.memory_space<hbm>>) target(%arg10 : memref<16384xf32, #tpu.memory_space<vmem>>) target_semaphore(%arg18 : memref<!tpu.dma_semaphore, #tpu.memory_space<semaphore_mem>>)
      } else {
      }
      %scan3A_525 = arith.constant 0 : i32
      scf.yield %scan3A_525 : i32
    }
    %scan3A_352 = arith.constant 4 : i32
    "tpu.region"() ({
      %run_scoped3A = tpu.sem_alloc : memref<!tpu.dma_semaphore, #tpu.memory_space<semaphore_mem>>
      %dma_start3A_431 = arith.constant 0 : i32
      %dma_start3A_432 = tpu.memref_slice %arg2[%add3A_323, %dma_start3A_431] : memref<64x8192xf32, #tpu.memory_space<hbm>> -> memref<1x8192xf32, #tpu.memory_space<hbm>>
      %dma_start3A_433 = tpu.memref_squeeze %dma_start3A_432 : memref<1x8192xf32, #tpu.memory_space<hbm>> -> memref<8192xf32, #tpu.memory_space<hbm>>
      %dma_start3A_434 = arith.constant 0 : i32
      %dma_start3A_435 = tpu.memref_slice %arg2[%add3A_323, %dma_start3A_434] : memref<64x8192xf32, #tpu.memory_space<hbm>> -> memref<1x8192xf32, #tpu.memory_space<hbm>>
      %dma_start3A_436 = tpu.memref_squeeze %dma_start3A_435 : memref<1x8192xf32, #tpu.memory_space<hbm>> -> memref<8192xf32, #tpu.memory_space<hbm>>
      tpu.enqueue_dma source(%dma_start3A_436 : memref<8192xf32, #tpu.memory_space<hbm>>) target(%arg12 : memref<8192xf32, #tpu.memory_space<vmem>>) target_semaphore(%run_scoped3A : memref<!tpu.dma_semaphore, #tpu.memory_space<semaphore_mem>>)
      %dma_wait3A = arith.constant 0 : i32
      %dma_wait3A_437 = tpu.memref_slice %arg2[%add3A_323, %dma_wait3A] : memref<64x8192xf32, #tpu.memory_space<hbm>> -> memref<1x8192xf32, #tpu.memory_space<hbm>>
      %dma_wait3A_438 = tpu.memref_squeeze %dma_wait3A_437 : memref<1x8192xf32, #tpu.memory_space<hbm>> -> memref<8192xf32, #tpu.memory_space<hbm>>
      %dma_wait3A_439 = arith.constant 0 : i32
      %dma_wait3A_440 = tpu.memref_slice %arg2[%add3A_323, %dma_wait3A_439] : memref<64x8192xf32, #tpu.memory_space<hbm>> -> memref<1x8192xf32, #tpu.memory_space<hbm>>
      %dma_wait3A_441 = tpu.memref_squeeze %dma_wait3A_440 : memref<1x8192xf32, #tpu.memory_space<hbm>> -> memref<8192xf32, #tpu.memory_space<hbm>>
      tpu.wait_dma2 semaphore(%run_scoped3A : memref<!tpu.dma_semaphore, #tpu.memory_space<semaphore_mem>>) src(%dma_wait3A_441 : memref<8192xf32, #tpu.memory_space<hbm>>) dst(%arg12 : memref<8192xf32, #tpu.memory_space<vmem>>)
      tpu.yield
    }) : () -> ()
    %broadcast_in_dim3A = arith.constant 0.000000e+00 : f32
    %broadcast_in_dim3A_353 = vector.broadcast %broadcast_in_dim3A : f32 to vector<16xf32>
    %scan3A_354 = arith.constant 0 : i32
    %scan3A_355 = arith.constant 512 : i32
    %scan3A_356 = arith.addi %scan3A_354, %scan3A_355 : i32
    %scan3A_357 = arith.constant 1 : i32
    %scan3A_358 = scf.for %scan3A_431 = %scan3A_354 to %scan3A_356 step %scan3A_357 iter_args(%scan3A_432 = %broadcast_in_dim3A_353) -> (vector<16xf32>)  : i32 {
      %mul3A_433 = arith.constant 16 : i32
      %mul3A_434 = arith.muli %scan3A_431, %mul3A_433 : i32
      %get3A = arith.index_cast %mul3A_434 : i32 to index
      %get3A_435 = tpu.vector_load %arg11[%get3A] {strides = array<i32>} : memref<8192xf32, #tpu.memory_space<vmem>>, vector<16xf32>,
      %mul3A_436 = arith.constant 16 : i32
      %mul3A_437 = arith.muli %scan3A_431, %mul3A_436 : i32
      %get3A_438 = arith.index_cast %mul3A_437 : i32 to index
      %get3A_439 = tpu.vector_load %arg12[%get3A_438] {strides = array<i32>} : memref<8192xf32, #tpu.memory_space<vmem>>, vector<16xf32>,
      %mul3A_440 = arith.constant 16 : i32
      %mul3A_441 = arith.muli %scan3A_431, %mul3A_440 : i32
      %get3A_442 = arith.index_cast %mul3A_441 : i32 to index
      %get3A_443 = tpu.vector_load %arg13[%get3A_442] {strides = array<i32>} : memref<8192xf32, #tpu.memory_space<vmem>>, vector<16xf32>,
      %sub3A = arith.subf %get3A_435, %get3A_439 : vector<16xf32>
      %mul3A_444 = arith.mulf %sub3A, %get3A_443 : vector<16xf32>
      %add3A_445 = arith.addf %scan3A_432, %mul3A_444 : vector<16xf32>
      scf.yield %add3A_445 : vector<16xf32>
    }
    %scan3A_359 = arith.constant 512 : i32
    %reduce_sum3A = arith.constant true
    %reduce_sum3A_360 = vector.broadcast %reduce_sum3A : i1 to vector<16xi1>
    %reduce_sum3A_361 = tpu.scan <sum>, %scan3A_358 masked %reduce_sum3A_360 : vector<16xf32>, vector<16xi1> -> vector<16xf32>
    %reduce_sum3A_362 = vector.extract %reduce_sum3A_361[15] : f32 from vector<16xf32>
    %broadcast_in_dim3A_363 = vector.broadcast %reduce_sum3A_362 : f32 to vector<16xf32>
    %exp3A = math.exp %broadcast_in_dim3A_363 : vector<16xf32>
    %broadcast_in_dim3A_364 = vector.broadcast %add3A_323 : i32 to vector<16xi32>
    %gather3A = tpu.vector_load_idx %arg14[%broadcast_in_dim3A_364] : memref<64xf32, #tpu.memory_space<vmem>>[vector<16xi32>], vector<16xf32>,
    %gt3A = arith.cmpf ogt, %exp3A, %gather3A : vector<16xf32>
    %scan3A_365 = arith.constant 0 : i32
    %scan3A_366 = arith.constant 0 : i32
    %scan3A_367 = arith.constant 512 : i32
    %scan3A_368 = arith.addi %scan3A_366, %scan3A_367 : i32
    %scan3A_369 = arith.constant 1 : i32
    %scan3A_370 = scf.for %scan3A_431 = %scan3A_366 to %scan3A_368 step %scan3A_369 iter_args(%scan3A_432 = %scan3A_365) -> (i32)  : i32 {
      %mul3A_433 = arith.constant 16 : i32
      %mul3A_434 = arith.muli %scan3A_431, %mul3A_433 : i32
      %get3A = arith.index_cast %mul3A_434 : i32 to index
      %get3A_435 = tpu.vector_load %arg11[%get3A] {strides = array<i32>} : memref<8192xf32, #tpu.memory_space<vmem>>, vector<16xf32>,
      %mul3A_436 = arith.constant 16 : i32
      %mul3A_437 = arith.muli %scan3A_431, %mul3A_436 : i32
      %get3A_438 = arith.index_cast %mul3A_437 : i32 to index
      %get3A_439 = tpu.vector_load %arg12[%get3A_438] {strides = array<i32>} : memref<8192xf32, #tpu.memory_space<vmem>>, vector<16xf32>,
      %select_n3A = arith.select %gt3A, %get3A_435, %get3A_439 : vector<16xi1>, vector<16xf32>
      %mul3A_440 = arith.constant 16 : i32
      %mul3A_441 = arith.muli %scan3A_431, %mul3A_440 : i32
      %swap3A = arith.index_cast %mul3A_441 : i32 to index
      %swap3A_442 = tpu.vector_load %arg11[%swap3A] {strides = array<i32>} : memref<8192xf32, #tpu.memory_space<vmem>>, vector<16xf32>,
      tpu.vector_store %arg11[%swap3A], %select_n3A {strides = array<i32>} : memref<8192xf32, #tpu.memory_space<vmem>>, vector<16xf32>,
      %scan3A_443 = arith.constant 0 : i32
      scf.yield %scan3A_443 : i32
    }
    %scan3A_371 = arith.constant 512 : i32
    "tpu.region"() ({
      %run_scoped3A = tpu.sem_alloc : memref<!tpu.dma_semaphore, #tpu.memory_space<semaphore_mem>>
      %dma_start3A_431 = arith.constant 0 : i32
      %dma_start3A_432 = tpu.memref_slice %arg6[%add3A_323, %dma_start3A_431] : memref<64x8192xf32, #tpu.memory_space<hbm>> -> memref<1x8192xf32, #tpu.memory_space<hbm>>
      %dma_start3A_433 = tpu.memref_squeeze %dma_start3A_432 : memref<1x8192xf32, #tpu.memory_space<hbm>> -> memref<8192xf32, #tpu.memory_space<hbm>>
      %dma_start3A_434 = arith.constant 0 : i32
      %dma_start3A_435 = tpu.memref_slice %arg6[%add3A_323, %dma_start3A_434] : memref<64x8192xf32, #tpu.memory_space<hbm>> -> memref<1x8192xf32, #tpu.memory_space<hbm>>
      %dma_start3A_436 = tpu.memref_squeeze %dma_start3A_435 : memref<1x8192xf32, #tpu.memory_space<hbm>> -> memref<8192xf32, #tpu.memory_space<hbm>>
      tpu.enqueue_dma source(%arg11 : memref<8192xf32, #tpu.memory_space<vmem>>) target(%dma_start3A_436 : memref<8192xf32, #tpu.memory_space<hbm>>) target_semaphore(%run_scoped3A : memref<!tpu.dma_semaphore, #tpu.memory_space<semaphore_mem>>)
      %dma_wait3A = arith.constant 0 : i32
      %dma_wait3A_437 = tpu.memref_slice %arg6[%add3A_323, %dma_wait3A] : memref<64x8192xf32, #tpu.memory_space<hbm>> -> memref<1x8192xf32, #tpu.memory_space<hbm>>
      %dma_wait3A_438 = tpu.memref_squeeze %dma_wait3A_437 : memref<1x8192xf32, #tpu.memory_space<hbm>> -> memref<8192xf32, #tpu.memory_space<hbm>>
      %dma_wait3A_439 = arith.constant 0 : i32
      %dma_wait3A_440 = tpu.memref_slice %arg6[%add3A_323, %dma_wait3A_439] : memref<64x8192xf32, #tpu.memory_space<hbm>> -> memref<1x8192xf32, #tpu.memory_space<hbm>>
      %dma_wait3A_441 = tpu.memref_squeeze %dma_wait3A_440 : memref<1x8192xf32, #tpu.memory_space<hbm>> -> memref<8192xf32, #tpu.memory_space<hbm>>
      tpu.wait_dma2 semaphore(%run_scoped3A : memref<!tpu.dma_semaphore, #tpu.memory_space<semaphore_mem>>) src(%arg11 : memref<8192xf32, #tpu.memory_space<vmem>>) dst(%dma_wait3A_441 : memref<8192xf32, #tpu.memory_space<hbm>>)
      tpu.yield
    }) : () -> ()
    %mul3A_372 = arith.constant 2 : i32
    %mul3A_373 = arith.muli %add3A, %mul3A_372 : i32
    %add3A_374 = arith.constant 1 : i32
    %add3A_375 = arith.addi %mul3A_373, %add3A_374 : i32
    %dma_start3A_376 = arith.constant 0 : i32
    %dma_start3A_377 = tpu.memref_slice %arg3[%add3A_375, %dma_start3A_376] : memref<64x262144xf32, #tpu.memory_space<hbm>> -> memref<1x16384xf32, #tpu.memory_space<hbm>>
    %dma_start3A_378 = tpu.memref_squeeze %dma_start3A_377 : memref<1x16384xf32, #tpu.memory_space<hbm>> -> memref<16384xf32, #tpu.memory_space<hbm>>
    %dma_start3A_379 = arith.constant 0 : i32
    %dma_start3A_380 = tpu.memref_slice %arg3[%add3A_375, %dma_start3A_379] : memref<64x262144xf32, #tpu.memory_space<hbm>> -> memref<1x16384xf32, #tpu.memory_space<hbm>>
    %dma_start3A_381 = tpu.memref_squeeze %dma_start3A_380 : memref<1x16384xf32, #tpu.memory_space<hbm>> -> memref<16384xf32, #tpu.memory_space<hbm>>
    tpu.enqueue_dma source(%dma_start3A_381 : memref<16384xf32, #tpu.memory_space<hbm>>) target(%arg7 : memref<16384xf32, #tpu.memory_space<vmem>>) target_semaphore(%arg15 : memref<!tpu.dma_semaphore, #tpu.memory_space<semaphore_mem>>)
    %dma_start3A_382 = arith.constant 16384 : i32
    %dma_start3A_383 = tpu.memref_slice %arg3[%add3A_375, %dma_start3A_382] : memref<64x262144xf32, #tpu.memory_space<hbm>> -> memref<1x16384xf32, #tpu.memory_space<hbm>>
    %dma_start3A_384 = tpu.memref_squeeze %dma_start3A_383 : memref<1x16384xf32, #tpu.memory_space<hbm>> -> memref<16384xf32, #tpu.memory_space<hbm>>
    %dma_start3A_385 = arith.constant 16384 : i32
    %dma_start3A_386 = tpu.memref_slice %arg3[%add3A_375, %dma_start3A_385] : memref<64x262144xf32, #tpu.memory_space<hbm>> -> memref<1x16384xf32, #tpu.memory_space<hbm>>
    %dma_start3A_387 = tpu.memref_squeeze %dma_start3A_386 : memref<1x16384xf32, #tpu.memory_space<hbm>> -> memref<16384xf32, #tpu.memory_space<hbm>>
    tpu.enqueue_dma source(%dma_start3A_387 : memref<16384xf32, #tpu.memory_space<hbm>>) target(%arg8 : memref<16384xf32, #tpu.memory_space<vmem>>) target_semaphore(%arg16 : memref<!tpu.dma_semaphore, #tpu.memory_space<semaphore_mem>>)
    %dma_start3A_388 = arith.constant 32768 : i32
    %dma_start3A_389 = tpu.memref_slice %arg3[%add3A_375, %dma_start3A_388] : memref<64x262144xf32, #tpu.memory_space<hbm>> -> memref<1x16384xf32, #tpu.memory_space<hbm>>
    %dma_start3A_390 = tpu.memref_squeeze %dma_start3A_389 : memref<1x16384xf32, #tpu.memory_space<hbm>> -> memref<16384xf32, #tpu.memory_space<hbm>>
    %dma_start3A_391 = arith.constant 32768 : i32
    %dma_start3A_392 = tpu.memref_slice %arg3[%add3A_375, %dma_start3A_391] : memref<64x262144xf32, #tpu.memory_space<hbm>> -> memref<1x16384xf32, #tpu.memory_space<hbm>>
    %dma_start3A_393 = tpu.memref_squeeze %dma_start3A_392 : memref<1x16384xf32, #tpu.memory_space<hbm>> -> memref<16384xf32, #tpu.memory_space<hbm>>
    tpu.enqueue_dma source(%dma_start3A_393 : memref<16384xf32, #tpu.memory_space<hbm>>) target(%arg9 : memref<16384xf32, #tpu.memory_space<vmem>>) target_semaphore(%arg17 : memref<!tpu.dma_semaphore, #tpu.memory_space<semaphore_mem>>)
    %dma_start3A_394 = arith.constant 49152 : i32
    %dma_start3A_395 = tpu.memref_slice %arg3[%add3A_375, %dma_start3A_394] : memref<64x262144xf32, #tpu.memory_space<hbm>> -> memref<1x16384xf32, #tpu.memory_space<hbm>>
    %dma_start3A_396 = tpu.memref_squeeze %dma_start3A_395 : memref<1x16384xf32, #tpu.memory_space<hbm>> -> memref<16384xf32, #tpu.memory_space<hbm>>
    %dma_start3A_397 = arith.constant 49152 : i32
    %dma_start3A_398 = tpu.memref_slice %arg3[%add3A_375, %dma_start3A_397] : memref<64x262144xf32, #tpu.memory_space<hbm>> -> memref<1x16384xf32, #tpu.memory_space<hbm>>
    %dma_start3A_399 = tpu.memref_squeeze %dma_start3A_398 : memref<1x16384xf32, #tpu.memory_space<hbm>> -> memref<16384xf32, #tpu.memory_space<hbm>>
    tpu.enqueue_dma source(%dma_start3A_399 : memref<16384xf32, #tpu.memory_space<hbm>>) target(%arg10 : memref<16384xf32, #tpu.memory_space<vmem>>) target_semaphore(%arg18 : memref<!tpu.dma_semaphore, #tpu.memory_space<semaphore_mem>>)
    %scan3A_400 = arith.constant 0 : i32
    %scan3A_401 = arith.constant 0 : i32
    %scan3A_402 = arith.constant 4 : i32
    %scan3A_403 = arith.addi %scan3A_401, %scan3A_402 : i32
    %scan3A_404 = arith.constant 1 : i32
    %scan3A_405 = scf.for %scan3A_431 = %scan3A_401 to %scan3A_403 step %scan3A_404 iter_args(%scan3A_432 = %scan3A_400) -> (i32)  : i32 {
      %mul3A_433 = arith.constant 4 : i32
      %mul3A_434 = arith.muli %scan3A_431, %mul3A_433 : i32
      %add3A_435 = arith.constant 0 : i32
      %add3A_436 = arith.addi %mul3A_434, %add3A_435 : i32
      %dma_wait3A = arith.constant 0 : i32
      %dma_wait3A_437 = tpu.memref_slice %arg3[%add3A_375, %dma_wait3A] : memref<64x262144xf32, #tpu.memory_space<hbm>> -> memref<1x16384xf32, #tpu.memory_space<hbm>>
      %dma_wait3A_438 = tpu.memref_squeeze %dma_wait3A_437 : memref<1x16384xf32, #tpu.memory_space<hbm>> -> memref<16384xf32, #tpu.memory_space<hbm>>
      %dma_wait3A_439 = arith.constant 0 : i32
      %dma_wait3A_440 = tpu.memref_slice %arg3[%add3A_375, %dma_wait3A_439] : memref<64x262144xf32, #tpu.memory_space<hbm>> -> memref<1x16384xf32, #tpu.memory_space<hbm>>
      %dma_wait3A_441 = tpu.memref_squeeze %dma_wait3A_440 : memref<1x16384xf32, #tpu.memory_space<hbm>> -> memref<16384xf32, #tpu.memory_space<hbm>>
      tpu.wait_dma2 semaphore(%arg15 : memref<!tpu.dma_semaphore, #tpu.memory_space<semaphore_mem>>) src(%dma_wait3A_441 : memref<16384xf32, #tpu.memory_space<hbm>>) dst(%arg7 : memref<16384xf32, #tpu.memory_space<vmem>>)
      %scan3A_442 = arith.constant 0 : i32
      %scan3A_443 = arith.constant 0 : i32
      %scan3A_444 = arith.constant 32 : i32
      %scan3A_445 = arith.addi %scan3A_443, %scan3A_444 : i32
      %scan3A_446 = arith.constant 1 : i32
      %scan3A_447 = scf.for %scan3A_526 = %scan3A_443 to %scan3A_445 step %scan3A_446 iter_args(%scan3A_527 = %scan3A_442) -> (i32)  : i32 {
        %mul3A_528 = arith.constant 16 : i32
        %mul3A_529 = arith.muli %scan3A_526, %mul3A_528 : i32
        %mul3A_530 = arith.constant 32 : i32
        %mul3A_531 = arith.muli %mul3A_529, %mul3A_530 : i32
        %gather3A_532 = tpu.memref_slice %arg7[%mul3A_531] : memref<16384xf32, #tpu.memory_space<vmem>> -> memref<512xf32, #tpu.memory_space<vmem>>
        %gather3A_533 = tpu.vector_load_idx %gather3A_532[%add3A_9] : memref<512xf32, #tpu.memory_space<vmem>>[vector<16xi32>], vector<16xf32>,
        %gather3A_534 = tpu.memref_slice %arg7[%mul3A_531] : memref<16384xf32, #tpu.memory_space<vmem>> -> memref<512xf32, #tpu.memory_space<vmem>>
        %gather3A_535 = tpu.vector_load_idx %gather3A_534[%add3A_19] : memref<512xf32, #tpu.memory_space<vmem>>[vector<16xi32>], vector<16xf32>,
        %gt3A_536 = arith.cmpf ogt, %gather3A_535, %gather3A_533 : vector<16xf32>
        %eq3A = arith.cmpf oeq, %gather3A_535, %gather3A_533 : vector<16xf32>
        %lt3A_537 = arith.cmpi slt, %add3A_19, %add3A_9 : vector<16xi32>
        %and3A_538 = arith.andi %eq3A, %lt3A_537 : vector<16xi1>
        %or3A = arith.ori %gt3A_536, %and3A_538 : vector<16xi1>
        %select_n3A = arith.select %or3A, %add3A_19, %add3A_9 : vector<16xi1>, vector<16xi32>
        %max3A = arith.maximumf %gather3A_535, %gather3A_533 : vector<16xf32>
        %gather3A_539 = tpu.memref_slice %arg7[%mul3A_531] : memref<16384xf32, #tpu.memory_space<vmem>> -> memref<512xf32, #tpu.memory_space<vmem>>
        %gather3A_540 = tpu.vector_load_idx %gather3A_539[%add3A_29] : memref<512xf32, #tpu.memory_space<vmem>>[vector<16xi32>], vector<16xf32>,
        %gt3A_541 = arith.cmpf ogt, %gather3A_540, %max3A : vector<16xf32>
        %eq3A_542 = arith.cmpf oeq, %gather3A_540, %max3A : vector<16xf32>
        %lt3A_543 = arith.cmpi slt, %add3A_29, %select_n3A : vector<16xi32>
        %and3A_544 = arith.andi %eq3A_542, %lt3A_543 : vector<16xi1>
        %or3A_545 = arith.ori %gt3A_541, %and3A_544 : vector<16xi1>
        %select_n3A_546 = arith.select %or3A_545, %add3A_29, %select_n3A : vector<16xi1>, vector<16xi32>
        %max3A_547 = arith.maximumf %gather3A_540, %max3A : vector<16xf32>
        %gather3A_548 = tpu.memref_slice %arg7[%mul3A_531] : memref<16384xf32, #tpu.memory_space<vmem>> -> memref<512xf32, #tpu.memory_space<vmem>>
        %gather3A_549 = tpu.vector_load_idx %gather3A_548[%add3A_39] : memref<512xf32, #tpu.memory_space<vmem>>[vector<16xi32>], vector<16xf32>,
        %gt3A_550 = arith.cmpf ogt, %gather3A_549, %max3A_547 : vector<16xf32>
        %eq3A_551 = arith.cmpf oeq, %gather3A_549, %max3A_547 : vector<16xf32>
        %lt3A_552 = arith.cmpi slt, %add3A_39, %select_n3A_546 : vector<16xi32>
        %and3A_553 = arith.andi %eq3A_551, %lt3A_552 : vector<16xi1>
        %or3A_554 = arith.ori %gt3A_550, %and3A_553 : vector<16xi1>
        %select_n3A_555 = arith.select %or3A_554, %add3A_39, %select_n3A_546 : vector<16xi1>, vector<16xi32>
        %max3A_556 = arith.maximumf %gather3A_549, %max3A_547 : vector<16xf32>
        %gather3A_557 = tpu.memref_slice %arg7[%mul3A_531] : memref<16384xf32, #tpu.memory_space<vmem>> -> memref<512xf32, #tpu.memory_space<vmem>>
        %gather3A_558 = tpu.vector_load_idx %gather3A_557[%add3A_49] : memref<512xf32, #tpu.memory_space<vmem>>[vector<16xi32>], vector<16xf32>,
        %gt3A_559 = arith.cmpf ogt, %gather3A_558, %max3A_556 : vector<16xf32>
        %eq3A_560 = arith.cmpf oeq, %gather3A_558, %max3A_556 : vector<16xf32>
        %lt3A_561 = arith.cmpi slt, %add3A_49, %select_n3A_555 : vector<16xi32>
        %and3A_562 = arith.andi %eq3A_560, %lt3A_561 : vector<16xi1>
        %or3A_563 = arith.ori %gt3A_559, %and3A_562 : vector<16xi1>
        %select_n3A_564 = arith.select %or3A_563, %add3A_49, %select_n3A_555 : vector<16xi1>, vector<16xi32>
        %max3A_565 = arith.maximumf %gather3A_558, %max3A_556 : vector<16xf32>
        %gather3A_566 = tpu.memref_slice %arg7[%mul3A_531] : memref<16384xf32, #tpu.memory_space<vmem>> -> memref<512xf32, #tpu.memory_space<vmem>>
        %gather3A_567 = tpu.vector_load_idx %gather3A_566[%add3A_59] : memref<512xf32, #tpu.memory_space<vmem>>[vector<16xi32>], vector<16xf32>,
        %gt3A_568 = arith.cmpf ogt, %gather3A_567, %max3A_565 : vector<16xf32>
        %eq3A_569 = arith.cmpf oeq, %gather3A_567, %max3A_565 : vector<16xf32>
        %lt3A_570 = arith.cmpi slt, %add3A_59, %select_n3A_564 : vector<16xi32>
        %and3A_571 = arith.andi %eq3A_569, %lt3A_570 : vector<16xi1>
        %or3A_572 = arith.ori %gt3A_568, %and3A_571 : vector<16xi1>
        %select_n3A_573 = arith.select %or3A_572, %add3A_59, %select_n3A_564 : vector<16xi1>, vector<16xi32>
        %max3A_574 = arith.maximumf %gather3A_567, %max3A_565 : vector<16xf32>
        %gather3A_575 = tpu.memref_slice %arg7[%mul3A_531] : memref<16384xf32, #tpu.memory_space<vmem>> -> memref<512xf32, #tpu.memory_space<vmem>>
        %gather3A_576 = tpu.vector_load_idx %gather3A_575[%add3A_69] : memref<512xf32, #tpu.memory_space<vmem>>[vector<16xi32>], vector<16xf32>,
        %gt3A_577 = arith.cmpf ogt, %gather3A_576, %max3A_574 : vector<16xf32>
        %eq3A_578 = arith.cmpf oeq, %gather3A_576, %max3A_574 : vector<16xf32>
        %lt3A_579 = arith.cmpi slt, %add3A_69, %select_n3A_573 : vector<16xi32>
        %and3A_580 = arith.andi %eq3A_578, %lt3A_579 : vector<16xi1>
        %or3A_581 = arith.ori %gt3A_577, %and3A_580 : vector<16xi1>
        %select_n3A_582 = arith.select %or3A_581, %add3A_69, %select_n3A_573 : vector<16xi1>, vector<16xi32>
        %max3A_583 = arith.maximumf %gather3A_576, %max3A_574 : vector<16xf32>
        %gather3A_584 = tpu.memref_slice %arg7[%mul3A_531] : memref<16384xf32, #tpu.memory_space<vmem>> -> memref<512xf32, #tpu.memory_space<vmem>>
        %gather3A_585 = tpu.vector_load_idx %gather3A_584[%add3A_79] : memref<512xf32, #tpu.memory_space<vmem>>[vector<16xi32>], vector<16xf32>,
        %gt3A_586 = arith.cmpf ogt, %gather3A_585, %max3A_583 : vector<16xf32>
        %eq3A_587 = arith.cmpf oeq, %gather3A_585, %max3A_583 : vector<16xf32>
        %lt3A_588 = arith.cmpi slt, %add3A_79, %select_n3A_582 : vector<16xi32>
        %and3A_589 = arith.andi %eq3A_587, %lt3A_588 : vector<16xi1>
        %or3A_590 = arith.ori %gt3A_586, %and3A_589 : vector<16xi1>
        %select_n3A_591 = arith.select %or3A_590, %add3A_79, %select_n3A_582 : vector<16xi1>, vector<16xi32>
        %max3A_592 = arith.maximumf %gather3A_585, %max3A_583 : vector<16xf32>
        %gather3A_593 = tpu.memref_slice %arg7[%mul3A_531] : memref<16384xf32, #tpu.memory_space<vmem>> -> memref<512xf32, #tpu.memory_space<vmem>>
        %gather3A_594 = tpu.vector_load_idx %gather3A_593[%add3A_89] : memref<512xf32, #tpu.memory_space<vmem>>[vector<16xi32>], vector<16xf32>,
        %gt3A_595 = arith.cmpf ogt, %gather3A_594, %max3A_592 : vector<16xf32>
        %eq3A_596 = arith.cmpf oeq, %gather3A_594, %max3A_592 : vector<16xf32>
        %lt3A_597 = arith.cmpi slt, %add3A_89, %select_n3A_591 : vector<16xi32>
        %and3A_598 = arith.andi %eq3A_596, %lt3A_597 : vector<16xi1>
        %or3A_599 = arith.ori %gt3A_595, %and3A_598 : vector<16xi1>
        %select_n3A_600 = arith.select %or3A_599, %add3A_89, %select_n3A_591 : vector<16xi1>, vector<16xi32>
        %max3A_601 = arith.maximumf %gather3A_594, %max3A_592 : vector<16xf32>
        %gather3A_602 = tpu.memref_slice %arg7[%mul3A_531] : memref<16384xf32, #tpu.memory_space<vmem>> -> memref<512xf32, #tpu.memory_space<vmem>>
        %gather3A_603 = tpu.vector_load_idx %gather3A_602[%add3A_99] : memref<512xf32, #tpu.memory_space<vmem>>[vector<16xi32>], vector<16xf32>,
        %gt3A_604 = arith.cmpf ogt, %gather3A_603, %max3A_601 : vector<16xf32>
        %eq3A_605 = arith.cmpf oeq, %gather3A_603, %max3A_601 : vector<16xf32>
        %lt3A_606 = arith.cmpi slt, %add3A_99, %select_n3A_600 : vector<16xi32>
        %and3A_607 = arith.andi %eq3A_605, %lt3A_606 : vector<16xi1>
        %or3A_608 = arith.ori %gt3A_604, %and3A_607 : vector<16xi1>
        %select_n3A_609 = arith.select %or3A_608, %add3A_99, %select_n3A_600 : vector<16xi1>, vector<16xi32>
        %max3A_610 = arith.maximumf %gather3A_603, %max3A_601 : vector<16xf32>
        %gather3A_611 = tpu.memref_slice %arg7[%mul3A_531] : memref<16384xf32, #tpu.memory_space<vmem>> -> memref<512xf32, #tpu.memory_space<vmem>>
        %gather3A_612 = tpu.vector_load_idx %gather3A_611[%add3A_109] : memref<512xf32, #tpu.memory_space<vmem>>[vector<16xi32>], vector<16xf32>,
        %gt3A_613 = arith.cmpf ogt, %gather3A_612, %max3A_610 : vector<16xf32>
        %eq3A_614 = arith.cmpf oeq, %gather3A_612, %max3A_610 : vector<16xf32>
        %lt3A_615 = arith.cmpi slt, %add3A_109, %select_n3A_609 : vector<16xi32>
        %and3A_616 = arith.andi %eq3A_614, %lt3A_615 : vector<16xi1>
        %or3A_617 = arith.ori %gt3A_613, %and3A_616 : vector<16xi1>
        %select_n3A_618 = arith.select %or3A_617, %add3A_109, %select_n3A_609 : vector<16xi1>, vector<16xi32>
        %max3A_619 = arith.maximumf %gather3A_612, %max3A_610 : vector<16xf32>
        %gather3A_620 = tpu.memref_slice %arg7[%mul3A_531] : memref<16384xf32, #tpu.memory_space<vmem>> -> memref<512xf32, #tpu.memory_space<vmem>>
        %gather3A_621 = tpu.vector_load_idx %gather3A_620[%add3A_119] : memref<512xf32, #tpu.memory_space<vmem>>[vector<16xi32>], vector<16xf32>,
        %gt3A_622 = arith.cmpf ogt, %gather3A_621, %max3A_619 : vector<16xf32>
        %eq3A_623 = arith.cmpf oeq, %gather3A_621, %max3A_619 : vector<16xf32>
        %lt3A_624 = arith.cmpi slt, %add3A_119, %select_n3A_618 : vector<16xi32>
        %and3A_625 = arith.andi %eq3A_623, %lt3A_624 : vector<16xi1>
        %or3A_626 = arith.ori %gt3A_622, %and3A_625 : vector<16xi1>
        %select_n3A_627 = arith.select %or3A_626, %add3A_119, %select_n3A_618 : vector<16xi1>, vector<16xi32>
        %max3A_628 = arith.maximumf %gather3A_621, %max3A_619 : vector<16xf32>
        %gather3A_629 = tpu.memref_slice %arg7[%mul3A_531] : memref<16384xf32, #tpu.memory_space<vmem>> -> memref<512xf32, #tpu.memory_space<vmem>>
        %gather3A_630 = tpu.vector_load_idx %gather3A_629[%add3A_129] : memref<512xf32, #tpu.memory_space<vmem>>[vector<16xi32>], vector<16xf32>,
        %gt3A_631 = arith.cmpf ogt, %gather3A_630, %max3A_628 : vector<16xf32>
        %eq3A_632 = arith.cmpf oeq, %gather3A_630, %max3A_628 : vector<16xf32>
        %lt3A_633 = arith.cmpi slt, %add3A_129, %select_n3A_627 : vector<16xi32>
        %and3A_634 = arith.andi %eq3A_632, %lt3A_633 : vector<16xi1>
        %or3A_635 = arith.ori %gt3A_631, %and3A_634 : vector<16xi1>
        %select_n3A_636 = arith.select %or3A_635, %add3A_129, %select_n3A_627 : vector<16xi1>, vector<16xi32>
        %max3A_637 = arith.maximumf %gather3A_630, %max3A_628 : vector<16xf32>
        %gather3A_638 = tpu.memref_slice %arg7[%mul3A_531] : memref<16384xf32, #tpu.memory_space<vmem>> -> memref<512xf32, #tpu.memory_space<vmem>>
        %gather3A_639 = tpu.vector_load_idx %gather3A_638[%add3A_139] : memref<512xf32, #tpu.memory_space<vmem>>[vector<16xi32>], vector<16xf32>,
        %gt3A_640 = arith.cmpf ogt, %gather3A_639, %max3A_637 : vector<16xf32>
        %eq3A_641 = arith.cmpf oeq, %gather3A_639, %max3A_637 : vector<16xf32>
        %lt3A_642 = arith.cmpi slt, %add3A_139, %select_n3A_636 : vector<16xi32>
        %and3A_643 = arith.andi %eq3A_641, %lt3A_642 : vector<16xi1>
        %or3A_644 = arith.ori %gt3A_640, %and3A_643 : vector<16xi1>
        %select_n3A_645 = arith.select %or3A_644, %add3A_139, %select_n3A_636 : vector<16xi1>, vector<16xi32>
        %max3A_646 = arith.maximumf %gather3A_639, %max3A_637 : vector<16xf32>
        %gather3A_647 = tpu.memref_slice %arg7[%mul3A_531] : memref<16384xf32, #tpu.memory_space<vmem>> -> memref<512xf32, #tpu.memory_space<vmem>>
        %gather3A_648 = tpu.vector_load_idx %gather3A_647[%add3A_149] : memref<512xf32, #tpu.memory_space<vmem>>[vector<16xi32>], vector<16xf32>,
        %gt3A_649 = arith.cmpf ogt, %gather3A_648, %max3A_646 : vector<16xf32>
        %eq3A_650 = arith.cmpf oeq, %gather3A_648, %max3A_646 : vector<16xf32>
        %lt3A_651 = arith.cmpi slt, %add3A_149, %select_n3A_645 : vector<16xi32>
        %and3A_652 = arith.andi %eq3A_650, %lt3A_651 : vector<16xi1>
        %or3A_653 = arith.ori %gt3A_649, %and3A_652 : vector<16xi1>
        %select_n3A_654 = arith.select %or3A_653, %add3A_149, %select_n3A_645 : vector<16xi1>, vector<16xi32>
        %max3A_655 = arith.maximumf %gather3A_648, %max3A_646 : vector<16xf32>
        %gather3A_656 = tpu.memref_slice %arg7[%mul3A_531] : memref<16384xf32, #tpu.memory_space<vmem>> -> memref<512xf32, #tpu.memory_space<vmem>>
        %gather3A_657 = tpu.vector_load_idx %gather3A_656[%add3A_159] : memref<512xf32, #tpu.memory_space<vmem>>[vector<16xi32>], vector<16xf32>,
        %gt3A_658 = arith.cmpf ogt, %gather3A_657, %max3A_655 : vector<16xf32>
        %eq3A_659 = arith.cmpf oeq, %gather3A_657, %max3A_655 : vector<16xf32>
        %lt3A_660 = arith.cmpi slt, %add3A_159, %select_n3A_654 : vector<16xi32>
        %and3A_661 = arith.andi %eq3A_659, %lt3A_660 : vector<16xi1>
        %or3A_662 = arith.ori %gt3A_658, %and3A_661 : vector<16xi1>
        %select_n3A_663 = arith.select %or3A_662, %add3A_159, %select_n3A_654 : vector<16xi1>, vector<16xi32>
        %max3A_664 = arith.maximumf %gather3A_657, %max3A_655 : vector<16xf32>
        %gather3A_665 = tpu.memref_slice %arg7[%mul3A_531] : memref<16384xf32, #tpu.memory_space<vmem>> -> memref<512xf32, #tpu.memory_space<vmem>>
        %gather3A_666 = tpu.vector_load_idx %gather3A_665[%add3A_169] : memref<512xf32, #tpu.memory_space<vmem>>[vector<16xi32>], vector<16xf32>,
        %gt3A_667 = arith.cmpf ogt, %gather3A_666, %max3A_664 : vector<16xf32>
        %eq3A_668 = arith.cmpf oeq, %gather3A_666, %max3A_664 : vector<16xf32>
        %lt3A_669 = arith.cmpi slt, %add3A_169, %select_n3A_663 : vector<16xi32>
        %and3A_670 = arith.andi %eq3A_668, %lt3A_669 : vector<16xi1>
        %or3A_671 = arith.ori %gt3A_667, %and3A_670 : vector<16xi1>
        %select_n3A_672 = arith.select %or3A_671, %add3A_169, %select_n3A_663 : vector<16xi1>, vector<16xi32>
        %max3A_673 = arith.maximumf %gather3A_666, %max3A_664 : vector<16xf32>
        %gather3A_674 = tpu.memref_slice %arg7[%mul3A_531] : memref<16384xf32, #tpu.memory_space<vmem>> -> memref<512xf32, #tpu.memory_space<vmem>>
        %gather3A_675 = tpu.vector_load_idx %gather3A_674[%add3A_179] : memref<512xf32, #tpu.memory_space<vmem>>[vector<16xi32>], vector<16xf32>,
        %gt3A_676 = arith.cmpf ogt, %gather3A_675, %max3A_673 : vector<16xf32>
        %eq3A_677 = arith.cmpf oeq, %gather3A_675, %max3A_673 : vector<16xf32>
        %lt3A_678 = arith.cmpi slt, %add3A_179, %select_n3A_672 : vector<16xi32>
        %and3A_679 = arith.andi %eq3A_677, %lt3A_678 : vector<16xi1>
        %or3A_680 = arith.ori %gt3A_676, %and3A_679 : vector<16xi1>
        %select_n3A_681 = arith.select %or3A_680, %add3A_179, %select_n3A_672 : vector<16xi1>, vector<16xi32>
        %max3A_682 = arith.maximumf %gather3A_675, %max3A_673 : vector<16xf32>
        %gather3A_683 = tpu.memref_slice %arg7[%mul3A_531] : memref<16384xf32, #tpu.memory_space<vmem>> -> memref<512xf32, #tpu.memory_space<vmem>>
        %gather3A_684 = tpu.vector_load_idx %gather3A_683[%add3A_189] : memref<512xf32, #tpu.memory_space<vmem>>[vector<16xi32>], vector<16xf32>,
        %gt3A_685 = arith.cmpf ogt, %gather3A_684, %max3A_682 : vector<16xf32>
        %eq3A_686 = arith.cmpf oeq, %gather3A_684, %max3A_682 : vector<16xf32>
        %lt3A_687 = arith.cmpi slt, %add3A_189, %select_n3A_681 : vector<16xi32>
        %and3A_688 = arith.andi %eq3A_686, %lt3A_687 : vector<16xi1>
        %or3A_689 = arith.ori %gt3A_685, %and3A_688 : vector<16xi1>
        %select_n3A_690 = arith.select %or3A_689, %add3A_189, %select_n3A_681 : vector<16xi1>, vector<16xi32>
        %max3A_691 = arith.maximumf %gather3A_684, %max3A_682 : vector<16xf32>
        %gather3A_692 = tpu.memref_slice %arg7[%mul3A_531] : memref<16384xf32, #tpu.memory_space<vmem>> -> memref<512xf32, #tpu.memory_space<vmem>>
        %gather3A_693 = tpu.vector_load_idx %gather3A_692[%add3A_199] : memref<512xf32, #tpu.memory_space<vmem>>[vector<16xi32>], vector<16xf32>,
        %gt3A_694 = arith.cmpf ogt, %gather3A_693, %max3A_691 : vector<16xf32>
        %eq3A_695 = arith.cmpf oeq, %gather3A_693, %max3A_691 : vector<16xf32>
        %lt3A_696 = arith.cmpi slt, %add3A_199, %select_n3A_690 : vector<16xi32>
        %and3A_697 = arith.andi %eq3A_695, %lt3A_696 : vector<16xi1>
        %or3A_698 = arith.ori %gt3A_694, %and3A_697 : vector<16xi1>
        %select_n3A_699 = arith.select %or3A_698, %add3A_199, %select_n3A_690 : vector<16xi1>, vector<16xi32>
        %max3A_700 = arith.maximumf %gather3A_693, %max3A_691 : vector<16xf32>
        %gather3A_701 = tpu.memref_slice %arg7[%mul3A_531] : memref<16384xf32, #tpu.memory_space<vmem>> -> memref<512xf32, #tpu.memory_space<vmem>>
        %gather3A_702 = tpu.vector_load_idx %gather3A_701[%add3A_209] : memref<512xf32, #tpu.memory_space<vmem>>[vector<16xi32>], vector<16xf32>,
        %gt3A_703 = arith.cmpf ogt, %gather3A_702, %max3A_700 : vector<16xf32>
        %eq3A_704 = arith.cmpf oeq, %gather3A_702, %max3A_700 : vector<16xf32>
        %lt3A_705 = arith.cmpi slt, %add3A_209, %select_n3A_699 : vector<16xi32>
        %and3A_706 = arith.andi %eq3A_704, %lt3A_705 : vector<16xi1>
        %or3A_707 = arith.ori %gt3A_703, %and3A_706 : vector<16xi1>
        %select_n3A_708 = arith.select %or3A_707, %add3A_209, %select_n3A_699 : vector<16xi1>, vector<16xi32>
        %max3A_709 = arith.maximumf %gather3A_702, %max3A_700 : vector<16xf32>
        %gather3A_710 = tpu.memref_slice %arg7[%mul3A_531] : memref<16384xf32, #tpu.memory_space<vmem>> -> memref<512xf32, #tpu.memory_space<vmem>>
        %gather3A_711 = tpu.vector_load_idx %gather3A_710[%add3A_219] : memref<512xf32, #tpu.memory_space<vmem>>[vector<16xi32>], vector<16xf32>,
        %gt3A_712 = arith.cmpf ogt, %gather3A_711, %max3A_709 : vector<16xf32>
        %eq3A_713 = arith.cmpf oeq, %gather3A_711, %max3A_709 : vector<16xf32>
        %lt3A_714 = arith.cmpi slt, %add3A_219, %select_n3A_708 : vector<16xi32>
        %and3A_715 = arith.andi %eq3A_713, %lt3A_714 : vector<16xi1>
        %or3A_716 = arith.ori %gt3A_712, %and3A_715 : vector<16xi1>
        %select_n3A_717 = arith.select %or3A_716, %add3A_219, %select_n3A_708 : vector<16xi1>, vector<16xi32>
        %max3A_718 = arith.maximumf %gather3A_711, %max3A_709 : vector<16xf32>
        %gather3A_719 = tpu.memref_slice %arg7[%mul3A_531] : memref<16384xf32, #tpu.memory_space<vmem>> -> memref<512xf32, #tpu.memory_space<vmem>>
        %gather3A_720 = tpu.vector_load_idx %gather3A_719[%add3A_229] : memref<512xf32, #tpu.memory_space<vmem>>[vector<16xi32>], vector<16xf32>,
        %gt3A_721 = arith.cmpf ogt, %gather3A_720, %max3A_718 : vector<16xf32>
        %eq3A_722 = arith.cmpf oeq, %gather3A_720, %max3A_718 : vector<16xf32>
        %lt3A_723 = arith.cmpi slt, %add3A_229, %select_n3A_717 : vector<16xi32>
        %and3A_724 = arith.andi %eq3A_722, %lt3A_723 : vector<16xi1>
        %or3A_725 = arith.ori %gt3A_721, %and3A_724 : vector<16xi1>
        %select_n3A_726 = arith.select %or3A_725, %add3A_229, %select_n3A_717 : vector<16xi1>, vector<16xi32>
        %max3A_727 = arith.maximumf %gather3A_720, %max3A_718 : vector<16xf32>
        %gather3A_728 = tpu.memref_slice %arg7[%mul3A_531] : memref<16384xf32, #tpu.memory_space<vmem>> -> memref<512xf32, #tpu.memory_space<vmem>>
        %gather3A_729 = tpu.vector_load_idx %gather3A_728[%add3A_239] : memref<512xf32, #tpu.memory_space<vmem>>[vector<16xi32>], vector<16xf32>,
        %gt3A_730 = arith.cmpf ogt, %gather3A_729, %max3A_727 : vector<16xf32>
        %eq3A_731 = arith.cmpf oeq, %gather3A_729, %max3A_727 : vector<16xf32>
        %lt3A_732 = arith.cmpi slt, %add3A_239, %select_n3A_726 : vector<16xi32>
        %and3A_733 = arith.andi %eq3A_731, %lt3A_732 : vector<16xi1>
        %or3A_734 = arith.ori %gt3A_730, %and3A_733 : vector<16xi1>
        %select_n3A_735 = arith.select %or3A_734, %add3A_239, %select_n3A_726 : vector<16xi1>, vector<16xi32>
        %max3A_736 = arith.maximumf %gather3A_729, %max3A_727 : vector<16xf32>
        %gather3A_737 = tpu.memref_slice %arg7[%mul3A_531] : memref<16384xf32, #tpu.memory_space<vmem>> -> memref<512xf32, #tpu.memory_space<vmem>>
        %gather3A_738 = tpu.vector_load_idx %gather3A_737[%add3A_249] : memref<512xf32, #tpu.memory_space<vmem>>[vector<16xi32>], vector<16xf32>,
        %gt3A_739 = arith.cmpf ogt, %gather3A_738, %max3A_736 : vector<16xf32>
        %eq3A_740 = arith.cmpf oeq, %gather3A_738, %max3A_736 : vector<16xf32>
        %lt3A_741 = arith.cmpi slt, %add3A_249, %select_n3A_735 : vector<16xi32>
        %and3A_742 = arith.andi %eq3A_740, %lt3A_741 : vector<16xi1>
        %or3A_743 = arith.ori %gt3A_739, %and3A_742 : vector<16xi1>
        %select_n3A_744 = arith.select %or3A_743, %add3A_249, %select_n3A_735 : vector<16xi1>, vector<16xi32>
        %max3A_745 = arith.maximumf %gather3A_738, %max3A_736 : vector<16xf32>
        %gather3A_746 = tpu.memref_slice %arg7[%mul3A_531] : memref<16384xf32, #tpu.memory_space<vmem>> -> memref<512xf32, #tpu.memory_space<vmem>>
        %gather3A_747 = tpu.vector_load_idx %gather3A_746[%add3A_259] : memref<512xf32, #tpu.memory_space<vmem>>[vector<16xi32>], vector<16xf32>,
        %gt3A_748 = arith.cmpf ogt, %gather3A_747, %max3A_745 : vector<16xf32>
        %eq3A_749 = arith.cmpf oeq, %gather3A_747, %max3A_745 : vector<16xf32>
        %lt3A_750 = arith.cmpi slt, %add3A_259, %select_n3A_744 : vector<16xi32>
        %and3A_751 = arith.andi %eq3A_749, %lt3A_750 : vector<16xi1>
        %or3A_752 = arith.ori %gt3A_748, %and3A_751 : vector<16xi1>
        %select_n3A_753 = arith.select %or3A_752, %add3A_259, %select_n3A_744 : vector<16xi1>, vector<16xi32>
        %max3A_754 = arith.maximumf %gather3A_747, %max3A_745 : vector<16xf32>
        %gather3A_755 = tpu.memref_slice %arg7[%mul3A_531] : memref<16384xf32, #tpu.memory_space<vmem>> -> memref<512xf32, #tpu.memory_space<vmem>>
        %gather3A_756 = tpu.vector_load_idx %gather3A_755[%add3A_269] : memref<512xf32, #tpu.memory_space<vmem>>[vector<16xi32>], vector<16xf32>,
        %gt3A_757 = arith.cmpf ogt, %gather3A_756, %max3A_754 : vector<16xf32>
        %eq3A_758 = arith.cmpf oeq, %gather3A_756, %max3A_754 : vector<16xf32>
        %lt3A_759 = arith.cmpi slt, %add3A_269, %select_n3A_753 : vector<16xi32>
        %and3A_760 = arith.andi %eq3A_758, %lt3A_759 : vector<16xi1>
        %or3A_761 = arith.ori %gt3A_757, %and3A_760 : vector<16xi1>
        %select_n3A_762 = arith.select %or3A_761, %add3A_269, %select_n3A_753 : vector<16xi1>, vector<16xi32>
        %max3A_763 = arith.maximumf %gather3A_756, %max3A_754 : vector<16xf32>
        %gather3A_764 = tpu.memref_slice %arg7[%mul3A_531] : memref<16384xf32, #tpu.memory_space<vmem>> -> memref<512xf32, #tpu.memory_space<vmem>>
        %gather3A_765 = tpu.vector_load_idx %gather3A_764[%add3A_279] : memref<512xf32, #tpu.memory_space<vmem>>[vector<16xi32>], vector<16xf32>,
        %gt3A_766 = arith.cmpf ogt, %gather3A_765, %max3A_763 : vector<16xf32>
        %eq3A_767 = arith.cmpf oeq, %gather3A_765, %max3A_763 : vector<16xf32>
        %lt3A_768 = arith.cmpi slt, %add3A_279, %select_n3A_762 : vector<16xi32>
        %and3A_769 = arith.andi %eq3A_767, %lt3A_768 : vector<16xi1>
        %or3A_770 = arith.ori %gt3A_766, %and3A_769 : vector<16xi1>
        %select_n3A_771 = arith.select %or3A_770, %add3A_279, %select_n3A_762 : vector<16xi1>, vector<16xi32>
        %max3A_772 = arith.maximumf %gather3A_765, %max3A_763 : vector<16xf32>
        %gather3A_773 = tpu.memref_slice %arg7[%mul3A_531] : memref<16384xf32, #tpu.memory_space<vmem>> -> memref<512xf32, #tpu.memory_space<vmem>>
        %gather3A_774 = tpu.vector_load_idx %gather3A_773[%add3A_289] : memref<512xf32, #tpu.memory_space<vmem>>[vector<16xi32>], vector<16xf32>,
        %gt3A_775 = arith.cmpf ogt, %gather3A_774, %max3A_772 : vector<16xf32>
        %eq3A_776 = arith.cmpf oeq, %gather3A_774, %max3A_772 : vector<16xf32>
        %lt3A_777 = arith.cmpi slt, %add3A_289, %select_n3A_771 : vector<16xi32>
        %and3A_778 = arith.andi %eq3A_776, %lt3A_777 : vector<16xi1>
        %or3A_779 = arith.ori %gt3A_775, %and3A_778 : vector<16xi1>
        %select_n3A_780 = arith.select %or3A_779, %add3A_289, %select_n3A_771 : vector<16xi1>, vector<16xi32>
        %max3A_781 = arith.maximumf %gather3A_774, %max3A_772 : vector<16xf32>
        %gather3A_782 = tpu.memref_slice %arg7[%mul3A_531] : memref<16384xf32, #tpu.memory_space<vmem>> -> memref<512xf32, #tpu.memory_space<vmem>>
        %gather3A_783 = tpu.vector_load_idx %gather3A_782[%add3A_299] : memref<512xf32, #tpu.memory_space<vmem>>[vector<16xi32>], vector<16xf32>,
        %gt3A_784 = arith.cmpf ogt, %gather3A_783, %max3A_781 : vector<16xf32>
        %eq3A_785 = arith.cmpf oeq, %gather3A_783, %max3A_781 : vector<16xf32>
        %lt3A_786 = arith.cmpi slt, %add3A_299, %select_n3A_780 : vector<16xi32>
        %and3A_787 = arith.andi %eq3A_785, %lt3A_786 : vector<16xi1>
        %or3A_788 = arith.ori %gt3A_784, %and3A_787 : vector<16xi1>
        %select_n3A_789 = arith.select %or3A_788, %add3A_299, %select_n3A_780 : vector<16xi1>, vector<16xi32>
        %max3A_790 = arith.maximumf %gather3A_783, %max3A_781 : vector<16xf32>
        %gather3A_791 = tpu.memref_slice %arg7[%mul3A_531] : memref<16384xf32, #tpu.memory_space<vmem>> -> memref<512xf32, #tpu.memory_space<vmem>>
        %gather3A_792 = tpu.vector_load_idx %gather3A_791[%add3A_309] : memref<512xf32, #tpu.memory_space<vmem>>[vector<16xi32>], vector<16xf32>,
        %gt3A_793 = arith.cmpf ogt, %gather3A_792, %max3A_790 : vector<16xf32>
        %eq3A_794 = arith.cmpf oeq, %gather3A_792, %max3A_790 : vector<16xf32>
        %lt3A_795 = arith.cmpi slt, %add3A_309, %select_n3A_789 : vector<16xi32>
        %and3A_796 = arith.andi %eq3A_794, %lt3A_795 : vector<16xi1>
        %or3A_797 = arith.ori %gt3A_793, %and3A_796 : vector<16xi1>
        %select_n3A_798 = arith.select %or3A_797, %add3A_309, %select_n3A_789 : vector<16xi1>, vector<16xi32>
        %max3A_799 = arith.maximumf %gather3A_792, %max3A_790 : vector<16xf32>
        %gather3A_800 = tpu.memref_slice %arg7[%mul3A_531] : memref<16384xf32, #tpu.memory_space<vmem>> -> memref<512xf32, #tpu.memory_space<vmem>>
        %gather3A_801 = tpu.vector_load_idx %gather3A_800[%add3A_319] : memref<512xf32, #tpu.memory_space<vmem>>[vector<16xi32>], vector<16xf32>,
        %gt3A_802 = arith.cmpf ogt, %gather3A_801, %max3A_799 : vector<16xf32>
        %eq3A_803 = arith.cmpf oeq, %gather3A_801, %max3A_799 : vector<16xf32>
        %lt3A_804 = arith.cmpi slt, %add3A_319, %select_n3A_798 : vector<16xi32>
        %and3A_805 = arith.andi %eq3A_803, %lt3A_804 : vector<16xi1>
        %or3A_806 = arith.ori %gt3A_802, %and3A_805 : vector<16xi1>
        %select_n3A_807 = arith.select %or3A_806, %add3A_319, %select_n3A_798 : vector<16xi1>, vector<16xi32>
        %max3A_808 = arith.maximumf %gather3A_801, %max3A_799 : vector<16xf32>
        %and3A_809 = arith.constant 31 : i32
        %and3A_810 = vector.broadcast %and3A_809 : i32 to vector<16xi32>
        %and3A_811 = arith.andi %select_n3A_807, %and3A_810 : vector<16xi32>
        %convert_element_type3A_812 = arith.sitofp %and3A_811 : vector<16xi32> to vector<16xf32>
        %mul3A_813 = arith.constant 512 : i32
        %mul3A_814 = arith.muli %add3A_436, %mul3A_813 : i32
        %mul3A_815 = arith.constant 16 : i32
        %mul3A_816 = arith.muli %scan3A_526, %mul3A_815 : i32
        %add3A_817 = arith.addi %mul3A_814, %mul3A_816 : i32
        %swap3A = arith.index_cast %add3A_817 : i32 to index
        %swap3A_818 = tpu.vector_load %arg11[%swap3A] {strides = array<i32>} : memref<8192xf32, #tpu.memory_space<vmem>>, vector<16xf32>,
        tpu.vector_store %arg11[%swap3A], %convert_element_type3A_812 {strides = array<i32>} : memref<8192xf32, #tpu.memory_space<vmem>>, vector<16xf32>,
        %scan3A_819 = arith.constant 0 : i32
        scf.yield %scan3A_819 : i32
      }
      %scan3A_448 = arith.constant 32 : i32
      %add3A_449 = arith.constant 4 : i32
      %add3A_450 = arith.addi %add3A_436, %add3A_449 : i32
      %lt3A = arith.constant 16 : i32
      %lt3A_451 = arith.cmpi slt, %add3A_450, %lt3A : i32
      %convert_element_type3A = arith.extui %lt3A_451 : i1 to i32
      %cond3A = arith.constant 0 : i32
      %cond3A_452 = arith.cmpi ne, %convert_element_type3A, %cond3A : i32
      scf.if %cond3A_452 {
        %add3A_526 = arith.constant 4 : i32
        %add3A_527 = arith.addi %add3A_436, %add3A_526 : i32
        %mul3A_528 = arith.constant 16384 : i32
        %mul3A_529 = arith.muli %add3A_527, %mul3A_528 : i32
        %dma_start3A_530 = tpu.memref_slice %arg3[%add3A_375, %mul3A_529] : memref<64x262144xf32, #tpu.memory_space<hbm>> -> memref<1x16384xf32, #tpu.memory_space<hbm>>
        %dma_start3A_531 = tpu.memref_squeeze %dma_start3A_530 : memref<1x16384xf32, #tpu.memory_space<hbm>> -> memref<16384xf32, #tpu.memory_space<hbm>>
        %dma_start3A_532 = tpu.memref_slice %arg3[%add3A_375, %mul3A_529] : memref<64x262144xf32, #tpu.memory_space<hbm>> -> memref<1x16384xf32, #tpu.memory_space<hbm>>
        %dma_start3A_533 = tpu.memref_squeeze %dma_start3A_532 : memref<1x16384xf32, #tpu.memory_space<hbm>> -> memref<16384xf32, #tpu.memory_space<hbm>>
        tpu.enqueue_dma source(%dma_start3A_533 : memref<16384xf32, #tpu.memory_space<hbm>>) target(%arg7 : memref<16384xf32, #tpu.memory_space<vmem>>) target_semaphore(%arg15 : memref<!tpu.dma_semaphore, #tpu.memory_space<semaphore_mem>>)
      } else {
      }
      %mul3A_453 = arith.constant 4 : i32
      %mul3A_454 = arith.muli %scan3A_431, %mul3A_453 : i32
      %add3A_455 = arith.constant 1 : i32
      %add3A_456 = arith.addi %mul3A_454, %add3A_455 : i32
      %dma_wait3A_457 = arith.constant 0 : i32
      %dma_wait3A_458 = tpu.memref_slice %arg3[%add3A_375, %dma_wait3A_457] : memref<64x262144xf32, #tpu.memory_space<hbm>> -> memref<1x16384xf32, #tpu.memory_space<hbm>>
      %dma_wait3A_459 = tpu.memref_squeeze %dma_wait3A_458 : memref<1x16384xf32, #tpu.memory_space<hbm>> -> memref<16384xf32, #tpu.memory_space<hbm>>
      %dma_wait3A_460 = arith.constant 0 : i32
      %dma_wait3A_461 = tpu.memref_slice %arg3[%add3A_375, %dma_wait3A_460] : memref<64x262144xf32, #tpu.memory_space<hbm>> -> memref<1x16384xf32, #tpu.memory_space<hbm>>
      %dma_wait3A_462 = tpu.memref_squeeze %dma_wait3A_461 : memref<1x16384xf32, #tpu.memory_space<hbm>> -> memref<16384xf32, #tpu.memory_space<hbm>>
      tpu.wait_dma2 semaphore(%arg16 : memref<!tpu.dma_semaphore, #tpu.memory_space<semaphore_mem>>) src(%dma_wait3A_462 : memref<16384xf32, #tpu.memory_space<hbm>>) dst(%arg8 : memref<16384xf32, #tpu.memory_space<vmem>>)
      %scan3A_463 = arith.constant 0 : i32
      %scan3A_464 = arith.constant 0 : i32
      %scan3A_465 = arith.constant 32 : i32
      %scan3A_466 = arith.addi %scan3A_464, %scan3A_465 : i32
      %scan3A_467 = arith.constant 1 : i32
      %scan3A_468 = scf.for %scan3A_526 = %scan3A_464 to %scan3A_466 step %scan3A_467 iter_args(%scan3A_527 = %scan3A_463) -> (i32)  : i32 {
        %mul3A_528 = arith.constant 16 : i32
        %mul3A_529 = arith.muli %scan3A_526, %mul3A_528 : i32
        %mul3A_530 = arith.constant 32 : i32
        %mul3A_531 = arith.muli %mul3A_529, %mul3A_530 : i32
        %gather3A_532 = tpu.memref_slice %arg8[%mul3A_531] : memref<16384xf32, #tpu.memory_space<vmem>> -> memref<512xf32, #tpu.memory_space<vmem>>
        %gather3A_533 = tpu.vector_load_idx %gather3A_532[%add3A_9] : memref<512xf32, #tpu.memory_space<vmem>>[vector<16xi32>], vector<16xf32>,
        %gather3A_534 = tpu.memref_slice %arg8[%mul3A_531] : memref<16384xf32, #tpu.memory_space<vmem>> -> memref<512xf32, #tpu.memory_space<vmem>>
        %gather3A_535 = tpu.vector_load_idx %gather3A_534[%add3A_19] : memref<512xf32, #tpu.memory_space<vmem>>[vector<16xi32>], vector<16xf32>,
        %gt3A_536 = arith.cmpf ogt, %gather3A_535, %gather3A_533 : vector<16xf32>
        %eq3A = arith.cmpf oeq, %gather3A_535, %gather3A_533 : vector<16xf32>
        %lt3A_537 = arith.cmpi slt, %add3A_19, %add3A_9 : vector<16xi32>
        %and3A_538 = arith.andi %eq3A, %lt3A_537 : vector<16xi1>
        %or3A = arith.ori %gt3A_536, %and3A_538 : vector<16xi1>
        %select_n3A = arith.select %or3A, %add3A_19, %add3A_9 : vector<16xi1>, vector<16xi32>
        %max3A = arith.maximumf %gather3A_535, %gather3A_533 : vector<16xf32>
        %gather3A_539 = tpu.memref_slice %arg8[%mul3A_531] : memref<16384xf32, #tpu.memory_space<vmem>> -> memref<512xf32, #tpu.memory_space<vmem>>
        %gather3A_540 = tpu.vector_load_idx %gather3A_539[%add3A_29] : memref<512xf32, #tpu.memory_space<vmem>>[vector<16xi32>], vector<16xf32>,
        %gt3A_541 = arith.cmpf ogt, %gather3A_540, %max3A : vector<16xf32>
        %eq3A_542 = arith.cmpf oeq, %gather3A_540, %max3A : vector<16xf32>
        %lt3A_543 = arith.cmpi slt, %add3A_29, %select_n3A : vector<16xi32>
        %and3A_544 = arith.andi %eq3A_542, %lt3A_543 : vector<16xi1>
        %or3A_545 = arith.ori %gt3A_541, %and3A_544 : vector<16xi1>
        %select_n3A_546 = arith.select %or3A_545, %add3A_29, %select_n3A : vector<16xi1>, vector<16xi32>
        %max3A_547 = arith.maximumf %gather3A_540, %max3A : vector<16xf32>
        %gather3A_548 = tpu.memref_slice %arg8[%mul3A_531] : memref<16384xf32, #tpu.memory_space<vmem>> -> memref<512xf32, #tpu.memory_space<vmem>>
        %gather3A_549 = tpu.vector_load_idx %gather3A_548[%add3A_39] : memref<512xf32, #tpu.memory_space<vmem>>[vector<16xi32>], vector<16xf32>,
        %gt3A_550 = arith.cmpf ogt, %gather3A_549, %max3A_547 : vector<16xf32>
        %eq3A_551 = arith.cmpf oeq, %gather3A_549, %max3A_547 : vector<16xf32>
        %lt3A_552 = arith.cmpi slt, %add3A_39, %select_n3A_546 : vector<16xi32>
        %and3A_553 = arith.andi %eq3A_551, %lt3A_552 : vector<16xi1>
        %or3A_554 = arith.ori %gt3A_550, %and3A_553 : vector<16xi1>
        %select_n3A_555 = arith.select %or3A_554, %add3A_39, %select_n3A_546 : vector<16xi1>, vector<16xi32>
        %max3A_556 = arith.maximumf %gather3A_549, %max3A_547 : vector<16xf32>
        %gather3A_557 = tpu.memref_slice %arg8[%mul3A_531] : memref<16384xf32, #tpu.memory_space<vmem>> -> memref<512xf32, #tpu.memory_space<vmem>>
        %gather3A_558 = tpu.vector_load_idx %gather3A_557[%add3A_49] : memref<512xf32, #tpu.memory_space<vmem>>[vector<16xi32>], vector<16xf32>,
        %gt3A_559 = arith.cmpf ogt, %gather3A_558, %max3A_556 : vector<16xf32>
        %eq3A_560 = arith.cmpf oeq, %gather3A_558, %max3A_556 : vector<16xf32>
        %lt3A_561 = arith.cmpi slt, %add3A_49, %select_n3A_555 : vector<16xi32>
        %and3A_562 = arith.andi %eq3A_560, %lt3A_561 : vector<16xi1>
        %or3A_563 = arith.ori %gt3A_559, %and3A_562 : vector<16xi1>
        %select_n3A_564 = arith.select %or3A_563, %add3A_49, %select_n3A_555 : vector<16xi1>, vector<16xi32>
        %max3A_565 = arith.maximumf %gather3A_558, %max3A_556 : vector<16xf32>
        %gather3A_566 = tpu.memref_slice %arg8[%mul3A_531] : memref<16384xf32, #tpu.memory_space<vmem>> -> memref<512xf32, #tpu.memory_space<vmem>>
        %gather3A_567 = tpu.vector_load_idx %gather3A_566[%add3A_59] : memref<512xf32, #tpu.memory_space<vmem>>[vector<16xi32>], vector<16xf32>,
        %gt3A_568 = arith.cmpf ogt, %gather3A_567, %max3A_565 : vector<16xf32>
        %eq3A_569 = arith.cmpf oeq, %gather3A_567, %max3A_565 : vector<16xf32>
        %lt3A_570 = arith.cmpi slt, %add3A_59, %select_n3A_564 : vector<16xi32>
        %and3A_571 = arith.andi %eq3A_569, %lt3A_570 : vector<16xi1>
        %or3A_572 = arith.ori %gt3A_568, %and3A_571 : vector<16xi1>
        %select_n3A_573 = arith.select %or3A_572, %add3A_59, %select_n3A_564 : vector<16xi1>, vector<16xi32>
        %max3A_574 = arith.maximumf %gather3A_567, %max3A_565 : vector<16xf32>
        %gather3A_575 = tpu.memref_slice %arg8[%mul3A_531] : memref<16384xf32, #tpu.memory_space<vmem>> -> memref<512xf32, #tpu.memory_space<vmem>>
        %gather3A_576 = tpu.vector_load_idx %gather3A_575[%add3A_69] : memref<512xf32, #tpu.memory_space<vmem>>[vector<16xi32>], vector<16xf32>,
        %gt3A_577 = arith.cmpf ogt, %gather3A_576, %max3A_574 : vector<16xf32>
        %eq3A_578 = arith.cmpf oeq, %gather3A_576, %max3A_574 : vector<16xf32>
        %lt3A_579 = arith.cmpi slt, %add3A_69, %select_n3A_573 : vector<16xi32>
        %and3A_580 = arith.andi %eq3A_578, %lt3A_579 : vector<16xi1>
        %or3A_581 = arith.ori %gt3A_577, %and3A_580 : vector<16xi1>
        %select_n3A_582 = arith.select %or3A_581, %add3A_69, %select_n3A_573 : vector<16xi1>, vector<16xi32>
        %max3A_583 = arith.maximumf %gather3A_576, %max3A_574 : vector<16xf32>
        %gather3A_584 = tpu.memref_slice %arg8[%mul3A_531] : memref<16384xf32, #tpu.memory_space<vmem>> -> memref<512xf32, #tpu.memory_space<vmem>>
        %gather3A_585 = tpu.vector_load_idx %gather3A_584[%add3A_79] : memref<512xf32, #tpu.memory_space<vmem>>[vector<16xi32>], vector<16xf32>,
        %gt3A_586 = arith.cmpf ogt, %gather3A_585, %max3A_583 : vector<16xf32>
        %eq3A_587 = arith.cmpf oeq, %gather3A_585, %max3A_583 : vector<16xf32>
        %lt3A_588 = arith.cmpi slt, %add3A_79, %select_n3A_582 : vector<16xi32>
        %and3A_589 = arith.andi %eq3A_587, %lt3A_588 : vector<16xi1>
        %or3A_590 = arith.ori %gt3A_586, %and3A_589 : vector<16xi1>
        %select_n3A_591 = arith.select %or3A_590, %add3A_79, %select_n3A_582 : vector<16xi1>, vector<16xi32>
        %max3A_592 = arith.maximumf %gather3A_585, %max3A_583 : vector<16xf32>
        %gather3A_593 = tpu.memref_slice %arg8[%mul3A_531] : memref<16384xf32, #tpu.memory_space<vmem>> -> memref<512xf32, #tpu.memory_space<vmem>>
        %gather3A_594 = tpu.vector_load_idx %gather3A_593[%add3A_89] : memref<512xf32, #tpu.memory_space<vmem>>[vector<16xi32>], vector<16xf32>,
        %gt3A_595 = arith.cmpf ogt, %gather3A_594, %max3A_592 : vector<16xf32>
        %eq3A_596 = arith.cmpf oeq, %gather3A_594, %max3A_592 : vector<16xf32>
        %lt3A_597 = arith.cmpi slt, %add3A_89, %select_n3A_591 : vector<16xi32>
        %and3A_598 = arith.andi %eq3A_596, %lt3A_597 : vector<16xi1>
        %or3A_599 = arith.ori %gt3A_595, %and3A_598 : vector<16xi1>
        %select_n3A_600 = arith.select %or3A_599, %add3A_89, %select_n3A_591 : vector<16xi1>, vector<16xi32>
        %max3A_601 = arith.maximumf %gather3A_594, %max3A_592 : vector<16xf32>
        %gather3A_602 = tpu.memref_slice %arg8[%mul3A_531] : memref<16384xf32, #tpu.memory_space<vmem>> -> memref<512xf32, #tpu.memory_space<vmem>>
        %gather3A_603 = tpu.vector_load_idx %gather3A_602[%add3A_99] : memref<512xf32, #tpu.memory_space<vmem>>[vector<16xi32>], vector<16xf32>,
        %gt3A_604 = arith.cmpf ogt, %gather3A_603, %max3A_601 : vector<16xf32>
        %eq3A_605 = arith.cmpf oeq, %gather3A_603, %max3A_601 : vector<16xf32>
        %lt3A_606 = arith.cmpi slt, %add3A_99, %select_n3A_600 : vector<16xi32>
        %and3A_607 = arith.andi %eq3A_605, %lt3A_606 : vector<16xi1>
        %or3A_608 = arith.ori %gt3A_604, %and3A_607 : vector<16xi1>
        %select_n3A_609 = arith.select %or3A_608, %add3A_99, %select_n3A_600 : vector<16xi1>, vector<16xi32>
        %max3A_610 = arith.maximumf %gather3A_603, %max3A_601 : vector<16xf32>
        %gather3A_611 = tpu.memref_slice %arg8[%mul3A_531] : memref<16384xf32, #tpu.memory_space<vmem>> -> memref<512xf32, #tpu.memory_space<vmem>>
        %gather3A_612 = tpu.vector_load_idx %gather3A_611[%add3A_109] : memref<512xf32, #tpu.memory_space<vmem>>[vector<16xi32>], vector<16xf32>,
        %gt3A_613 = arith.cmpf ogt, %gather3A_612, %max3A_610 : vector<16xf32>
        %eq3A_614 = arith.cmpf oeq, %gather3A_612, %max3A_610 : vector<16xf32>
        %lt3A_615 = arith.cmpi slt, %add3A_109, %select_n3A_609 : vector<16xi32>
        %and3A_616 = arith.andi %eq3A_614, %lt3A_615 : vector<16xi1>
        %or3A_617 = arith.ori %gt3A_613, %and3A_616 : vector<16xi1>
        %select_n3A_618 = arith.select %or3A_617, %add3A_109, %select_n3A_609 : vector<16xi1>, vector<16xi32>
        %max3A_619 = arith.maximumf %gather3A_612, %max3A_610 : vector<16xf32>
        %gather3A_620 = tpu.memref_slice %arg8[%mul3A_531] : memref<16384xf32, #tpu.memory_space<vmem>> -> memref<512xf32, #tpu.memory_space<vmem>>
        %gather3A_621 = tpu.vector_load_idx %gather3A_620[%add3A_119] : memref<512xf32, #tpu.memory_space<vmem>>[vector<16xi32>], vector<16xf32>,
        %gt3A_622 = arith.cmpf ogt, %gather3A_621, %max3A_619 : vector<16xf32>
        %eq3A_623 = arith.cmpf oeq, %gather3A_621, %max3A_619 : vector<16xf32>
        %lt3A_624 = arith.cmpi slt, %add3A_119, %select_n3A_618 : vector<16xi32>
        %and3A_625 = arith.andi %eq3A_623, %lt3A_624 : vector<16xi1>
        %or3A_626 = arith.ori %gt3A_622, %and3A_625 : vector<16xi1>
        %select_n3A_627 = arith.select %or3A_626, %add3A_119, %select_n3A_618 : vector<16xi1>, vector<16xi32>
        %max3A_628 = arith.maximumf %gather3A_621, %max3A_619 : vector<16xf32>
        %gather3A_629 = tpu.memref_slice %arg8[%mul3A_531] : memref<16384xf32, #tpu.memory_space<vmem>> -> memref<512xf32, #tpu.memory_space<vmem>>
        %gather3A_630 = tpu.vector_load_idx %gather3A_629[%add3A_129] : memref<512xf32, #tpu.memory_space<vmem>>[vector<16xi32>], vector<16xf32>,
        %gt3A_631 = arith.cmpf ogt, %gather3A_630, %max3A_628 : vector<16xf32>
        %eq3A_632 = arith.cmpf oeq, %gather3A_630, %max3A_628 : vector<16xf32>
        %lt3A_633 = arith.cmpi slt, %add3A_129, %select_n3A_627 : vector<16xi32>
        %and3A_634 = arith.andi %eq3A_632, %lt3A_633 : vector<16xi1>
        %or3A_635 = arith.ori %gt3A_631, %and3A_634 : vector<16xi1>
        %select_n3A_636 = arith.select %or3A_635, %add3A_129, %select_n3A_627 : vector<16xi1>, vector<16xi32>
        %max3A_637 = arith.maximumf %gather3A_630, %max3A_628 : vector<16xf32>
        %gather3A_638 = tpu.memref_slice %arg8[%mul3A_531] : memref<16384xf32, #tpu.memory_space<vmem>> -> memref<512xf32, #tpu.memory_space<vmem>>
        %gather3A_639 = tpu.vector_load_idx %gather3A_638[%add3A_139] : memref<512xf32, #tpu.memory_space<vmem>>[vector<16xi32>], vector<16xf32>,
        %gt3A_640 = arith.cmpf ogt, %gather3A_639, %max3A_637 : vector<16xf32>
        %eq3A_641 = arith.cmpf oeq, %gather3A_639, %max3A_637 : vector<16xf32>
        %lt3A_642 = arith.cmpi slt, %add3A_139, %select_n3A_636 : vector<16xi32>
        %and3A_643 = arith.andi %eq3A_641, %lt3A_642 : vector<16xi1>
        %or3A_644 = arith.ori %gt3A_640, %and3A_643 : vector<16xi1>
        %select_n3A_645 = arith.select %or3A_644, %add3A_139, %select_n3A_636 : vector<16xi1>, vector<16xi32>
        %max3A_646 = arith.maximumf %gather3A_639, %max3A_637 : vector<16xf32>
        %gather3A_647 = tpu.memref_slice %arg8[%mul3A_531] : memref<16384xf32, #tpu.memory_space<vmem>> -> memref<512xf32, #tpu.memory_space<vmem>>
        %gather3A_648 = tpu.vector_load_idx %gather3A_647[%add3A_149] : memref<512xf32, #tpu.memory_space<vmem>>[vector<16xi32>], vector<16xf32>,
        %gt3A_649 = arith.cmpf ogt, %gather3A_648, %max3A_646 : vector<16xf32>
        %eq3A_650 = arith.cmpf oeq, %gather3A_648, %max3A_646 : vector<16xf32>
        %lt3A_651 = arith.cmpi slt, %add3A_149, %select_n3A_645 : vector<16xi32>
        %and3A_652 = arith.andi %eq3A_650, %lt3A_651 : vector<16xi1>
        %or3A_653 = arith.ori %gt3A_649, %and3A_652 : vector<16xi1>
        %select_n3A_654 = arith.select %or3A_653, %add3A_149, %select_n3A_645 : vector<16xi1>, vector<16xi32>
        %max3A_655 = arith.maximumf %gather3A_648, %max3A_646 : vector<16xf32>
        %gather3A_656 = tpu.memref_slice %arg8[%mul3A_531] : memref<16384xf32, #tpu.memory_space<vmem>> -> memref<512xf32, #tpu.memory_space<vmem>>
        %gather3A_657 = tpu.vector_load_idx %gather3A_656[%add3A_159] : memref<512xf32, #tpu.memory_space<vmem>>[vector<16xi32>], vector<16xf32>,
        %gt3A_658 = arith.cmpf ogt, %gather3A_657, %max3A_655 : vector<16xf32>
        %eq3A_659 = arith.cmpf oeq, %gather3A_657, %max3A_655 : vector<16xf32>
        %lt3A_660 = arith.cmpi slt, %add3A_159, %select_n3A_654 : vector<16xi32>
        %and3A_661 = arith.andi %eq3A_659, %lt3A_660 : vector<16xi1>
        %or3A_662 = arith.ori %gt3A_658, %and3A_661 : vector<16xi1>
        %select_n3A_663 = arith.select %or3A_662, %add3A_159, %select_n3A_654 : vector<16xi1>, vector<16xi32>
        %max3A_664 = arith.maximumf %gather3A_657, %max3A_655 : vector<16xf32>
        %gather3A_665 = tpu.memref_slice %arg8[%mul3A_531] : memref<16384xf32, #tpu.memory_space<vmem>> -> memref<512xf32, #tpu.memory_space<vmem>>
        %gather3A_666 = tpu.vector_load_idx %gather3A_665[%add3A_169] : memref<512xf32, #tpu.memory_space<vmem>>[vector<16xi32>], vector<16xf32>,
        %gt3A_667 = arith.cmpf ogt, %gather3A_666, %max3A_664 : vector<16xf32>
        %eq3A_668 = arith.cmpf oeq, %gather3A_666, %max3A_664 : vector<16xf32>
        %lt3A_669 = arith.cmpi slt, %add3A_169, %select_n3A_663 : vector<16xi32>
        %and3A_670 = arith.andi %eq3A_668, %lt3A_669 : vector<16xi1>
        %or3A_671 = arith.ori %gt3A_667, %and3A_670 : vector<16xi1>
        %select_n3A_672 = arith.select %or3A_671, %add3A_169, %select_n3A_663 : vector<16xi1>, vector<16xi32>
        %max3A_673 = arith.maximumf %gather3A_666, %max3A_664 : vector<16xf32>
        %gather3A_674 = tpu.memref_slice %arg8[%mul3A_531] : memref<16384xf32, #tpu.memory_space<vmem>> -> memref<512xf32, #tpu.memory_space<vmem>>
        %gather3A_675 = tpu.vector_load_idx %gather3A_674[%add3A_179] : memref<512xf32, #tpu.memory_space<vmem>>[vector<16xi32>], vector<16xf32>,
        %gt3A_676 = arith.cmpf ogt, %gather3A_675, %max3A_673 : vector<16xf32>
        %eq3A_677 = arith.cmpf oeq, %gather3A_675, %max3A_673 : vector<16xf32>
        %lt3A_678 = arith.cmpi slt, %add3A_179, %select_n3A_672 : vector<16xi32>
        %and3A_679 = arith.andi %eq3A_677, %lt3A_678 : vector<16xi1>
        %or3A_680 = arith.ori %gt3A_676, %and3A_679 : vector<16xi1>
        %select_n3A_681 = arith.select %or3A_680, %add3A_179, %select_n3A_672 : vector<16xi1>, vector<16xi32>
        %max3A_682 = arith.maximumf %gather3A_675, %max3A_673 : vector<16xf32>
        %gather3A_683 = tpu.memref_slice %arg8[%mul3A_531] : memref<16384xf32, #tpu.memory_space<vmem>> -> memref<512xf32, #tpu.memory_space<vmem>>
        %gather3A_684 = tpu.vector_load_idx %gather3A_683[%add3A_189] : memref<512xf32, #tpu.memory_space<vmem>>[vector<16xi32>], vector<16xf32>,
        %gt3A_685 = arith.cmpf ogt, %gather3A_684, %max3A_682 : vector<16xf32>
        %eq3A_686 = arith.cmpf oeq, %gather3A_684, %max3A_682 : vector<16xf32>
        %lt3A_687 = arith.cmpi slt, %add3A_189, %select_n3A_681 : vector<16xi32>
        %and3A_688 = arith.andi %eq3A_686, %lt3A_687 : vector<16xi1>
        %or3A_689 = arith.ori %gt3A_685, %and3A_688 : vector<16xi1>
        %select_n3A_690 = arith.select %or3A_689, %add3A_189, %select_n3A_681 : vector<16xi1>, vector<16xi32>
        %max3A_691 = arith.maximumf %gather3A_684, %max3A_682 : vector<16xf32>
        %gather3A_692 = tpu.memref_slice %arg8[%mul3A_531] : memref<16384xf32, #tpu.memory_space<vmem>> -> memref<512xf32, #tpu.memory_space<vmem>>
        %gather3A_693 = tpu.vector_load_idx %gather3A_692[%add3A_199] : memref<512xf32, #tpu.memory_space<vmem>>[vector<16xi32>], vector<16xf32>,
        %gt3A_694 = arith.cmpf ogt, %gather3A_693, %max3A_691 : vector<16xf32>
        %eq3A_695 = arith.cmpf oeq, %gather3A_693, %max3A_691 : vector<16xf32>
        %lt3A_696 = arith.cmpi slt, %add3A_199, %select_n3A_690 : vector<16xi32>
        %and3A_697 = arith.andi %eq3A_695, %lt3A_696 : vector<16xi1>
        %or3A_698 = arith.ori %gt3A_694, %and3A_697 : vector<16xi1>
        %select_n3A_699 = arith.select %or3A_698, %add3A_199, %select_n3A_690 : vector<16xi1>, vector<16xi32>
        %max3A_700 = arith.maximumf %gather3A_693, %max3A_691 : vector<16xf32>
        %gather3A_701 = tpu.memref_slice %arg8[%mul3A_531] : memref<16384xf32, #tpu.memory_space<vmem>> -> memref<512xf32, #tpu.memory_space<vmem>>
        %gather3A_702 = tpu.vector_load_idx %gather3A_701[%add3A_209] : memref<512xf32, #tpu.memory_space<vmem>>[vector<16xi32>], vector<16xf32>,
        %gt3A_703 = arith.cmpf ogt, %gather3A_702, %max3A_700 : vector<16xf32>
        %eq3A_704 = arith.cmpf oeq, %gather3A_702, %max3A_700 : vector<16xf32>
        %lt3A_705 = arith.cmpi slt, %add3A_209, %select_n3A_699 : vector<16xi32>
        %and3A_706 = arith.andi %eq3A_704, %lt3A_705 : vector<16xi1>
        %or3A_707 = arith.ori %gt3A_703, %and3A_706 : vector<16xi1>
        %select_n3A_708 = arith.select %or3A_707, %add3A_209, %select_n3A_699 : vector<16xi1>, vector<16xi32>
        %max3A_709 = arith.maximumf %gather3A_702, %max3A_700 : vector<16xf32>
        %gather3A_710 = tpu.memref_slice %arg8[%mul3A_531] : memref<16384xf32, #tpu.memory_space<vmem>> -> memref<512xf32, #tpu.memory_space<vmem>>
        %gather3A_711 = tpu.vector_load_idx %gather3A_710[%add3A_219] : memref<512xf32, #tpu.memory_space<vmem>>[vector<16xi32>], vector<16xf32>,
        %gt3A_712 = arith.cmpf ogt, %gather3A_711, %max3A_709 : vector<16xf32>
        %eq3A_713 = arith.cmpf oeq, %gather3A_711, %max3A_709 : vector<16xf32>
        %lt3A_714 = arith.cmpi slt, %add3A_219, %select_n3A_708 : vector<16xi32>
        %and3A_715 = arith.andi %eq3A_713, %lt3A_714 : vector<16xi1>
        %or3A_716 = arith.ori %gt3A_712, %and3A_715 : vector<16xi1>
        %select_n3A_717 = arith.select %or3A_716, %add3A_219, %select_n3A_708 : vector<16xi1>, vector<16xi32>
        %max3A_718 = arith.maximumf %gather3A_711, %max3A_709 : vector<16xf32>
        %gather3A_719 = tpu.memref_slice %arg8[%mul3A_531] : memref<16384xf32, #tpu.memory_space<vmem>> -> memref<512xf32, #tpu.memory_space<vmem>>
        %gather3A_720 = tpu.vector_load_idx %gather3A_719[%add3A_229] : memref<512xf32, #tpu.memory_space<vmem>>[vector<16xi32>], vector<16xf32>,
        %gt3A_721 = arith.cmpf ogt, %gather3A_720, %max3A_718 : vector<16xf32>
        %eq3A_722 = arith.cmpf oeq, %gather3A_720, %max3A_718 : vector<16xf32>
        %lt3A_723 = arith.cmpi slt, %add3A_229, %select_n3A_717 : vector<16xi32>
        %and3A_724 = arith.andi %eq3A_722, %lt3A_723 : vector<16xi1>
        %or3A_725 = arith.ori %gt3A_721, %and3A_724 : vector<16xi1>
        %select_n3A_726 = arith.select %or3A_725, %add3A_229, %select_n3A_717 : vector<16xi1>, vector<16xi32>
        %max3A_727 = arith.maximumf %gather3A_720, %max3A_718 : vector<16xf32>
        %gather3A_728 = tpu.memref_slice %arg8[%mul3A_531] : memref<16384xf32, #tpu.memory_space<vmem>> -> memref<512xf32, #tpu.memory_space<vmem>>
        %gather3A_729 = tpu.vector_load_idx %gather3A_728[%add3A_239] : memref<512xf32, #tpu.memory_space<vmem>>[vector<16xi32>], vector<16xf32>,
        %gt3A_730 = arith.cmpf ogt, %gather3A_729, %max3A_727 : vector<16xf32>
        %eq3A_731 = arith.cmpf oeq, %gather3A_729, %max3A_727 : vector<16xf32>
        %lt3A_732 = arith.cmpi slt, %add3A_239, %select_n3A_726 : vector<16xi32>
        %and3A_733 = arith.andi %eq3A_731, %lt3A_732 : vector<16xi1>
        %or3A_734 = arith.ori %gt3A_730, %and3A_733 : vector<16xi1>
        %select_n3A_735 = arith.select %or3A_734, %add3A_239, %select_n3A_726 : vector<16xi1>, vector<16xi32>
        %max3A_736 = arith.maximumf %gather3A_729, %max3A_727 : vector<16xf32>
        %gather3A_737 = tpu.memref_slice %arg8[%mul3A_531] : memref<16384xf32, #tpu.memory_space<vmem>> -> memref<512xf32, #tpu.memory_space<vmem>>
        %gather3A_738 = tpu.vector_load_idx %gather3A_737[%add3A_249] : memref<512xf32, #tpu.memory_space<vmem>>[vector<16xi32>], vector<16xf32>,
        %gt3A_739 = arith.cmpf ogt, %gather3A_738, %max3A_736 : vector<16xf32>
        %eq3A_740 = arith.cmpf oeq, %gather3A_738, %max3A_736 : vector<16xf32>
        %lt3A_741 = arith.cmpi slt, %add3A_249, %select_n3A_735 : vector<16xi32>
        %and3A_742 = arith.andi %eq3A_740, %lt3A_741 : vector<16xi1>
        %or3A_743 = arith.ori %gt3A_739, %and3A_742 : vector<16xi1>
        %select_n3A_744 = arith.select %or3A_743, %add3A_249, %select_n3A_735 : vector<16xi1>, vector<16xi32>
        %max3A_745 = arith.maximumf %gather3A_738, %max3A_736 : vector<16xf32>
        %gather3A_746 = tpu.memref_slice %arg8[%mul3A_531] : memref<16384xf32, #tpu.memory_space<vmem>> -> memref<512xf32, #tpu.memory_space<vmem>>
        %gather3A_747 = tpu.vector_load_idx %gather3A_746[%add3A_259] : memref<512xf32, #tpu.memory_space<vmem>>[vector<16xi32>], vector<16xf32>,
        %gt3A_748 = arith.cmpf ogt, %gather3A_747, %max3A_745 : vector<16xf32>
        %eq3A_749 = arith.cmpf oeq, %gather3A_747, %max3A_745 : vector<16xf32>
        %lt3A_750 = arith.cmpi slt, %add3A_259, %select_n3A_744 : vector<16xi32>
        %and3A_751 = arith.andi %eq3A_749, %lt3A_750 : vector<16xi1>
        %or3A_752 = arith.ori %gt3A_748, %and3A_751 : vector<16xi1>
        %select_n3A_753 = arith.select %or3A_752, %add3A_259, %select_n3A_744 : vector<16xi1>, vector<16xi32>
        %max3A_754 = arith.maximumf %gather3A_747, %max3A_745 : vector<16xf32>
        %gather3A_755 = tpu.memref_slice %arg8[%mul3A_531] : memref<16384xf32, #tpu.memory_space<vmem>> -> memref<512xf32, #tpu.memory_space<vmem>>
        %gather3A_756 = tpu.vector_load_idx %gather3A_755[%add3A_269] : memref<512xf32, #tpu.memory_space<vmem>>[vector<16xi32>], vector<16xf32>,
        %gt3A_757 = arith.cmpf ogt, %gather3A_756, %max3A_754 : vector<16xf32>
        %eq3A_758 = arith.cmpf oeq, %gather3A_756, %max3A_754 : vector<16xf32>
        %lt3A_759 = arith.cmpi slt, %add3A_269, %select_n3A_753 : vector<16xi32>
        %and3A_760 = arith.andi %eq3A_758, %lt3A_759 : vector<16xi1>
        %or3A_761 = arith.ori %gt3A_757, %and3A_760 : vector<16xi1>
        %select_n3A_762 = arith.select %or3A_761, %add3A_269, %select_n3A_753 : vector<16xi1>, vector<16xi32>
        %max3A_763 = arith.maximumf %gather3A_756, %max3A_754 : vector<16xf32>
        %gather3A_764 = tpu.memref_slice %arg8[%mul3A_531] : memref<16384xf32, #tpu.memory_space<vmem>> -> memref<512xf32, #tpu.memory_space<vmem>>
        %gather3A_765 = tpu.vector_load_idx %gather3A_764[%add3A_279] : memref<512xf32, #tpu.memory_space<vmem>>[vector<16xi32>], vector<16xf32>,
        %gt3A_766 = arith.cmpf ogt, %gather3A_765, %max3A_763 : vector<16xf32>
        %eq3A_767 = arith.cmpf oeq, %gather3A_765, %max3A_763 : vector<16xf32>
        %lt3A_768 = arith.cmpi slt, %add3A_279, %select_n3A_762 : vector<16xi32>
        %and3A_769 = arith.andi %eq3A_767, %lt3A_768 : vector<16xi1>
        %or3A_770 = arith.ori %gt3A_766, %and3A_769 : vector<16xi1>
        %select_n3A_771 = arith.select %or3A_770, %add3A_279, %select_n3A_762 : vector<16xi1>, vector<16xi32>
        %max3A_772 = arith.maximumf %gather3A_765, %max3A_763 : vector<16xf32>
        %gather3A_773 = tpu.memref_slice %arg8[%mul3A_531] : memref<16384xf32, #tpu.memory_space<vmem>> -> memref<512xf32, #tpu.memory_space<vmem>>
        %gather3A_774 = tpu.vector_load_idx %gather3A_773[%add3A_289] : memref<512xf32, #tpu.memory_space<vmem>>[vector<16xi32>], vector<16xf32>,
        %gt3A_775 = arith.cmpf ogt, %gather3A_774, %max3A_772 : vector<16xf32>
        %eq3A_776 = arith.cmpf oeq, %gather3A_774, %max3A_772 : vector<16xf32>
        %lt3A_777 = arith.cmpi slt, %add3A_289, %select_n3A_771 : vector<16xi32>
        %and3A_778 = arith.andi %eq3A_776, %lt3A_777 : vector<16xi1>
        %or3A_779 = arith.ori %gt3A_775, %and3A_778 : vector<16xi1>
        %select_n3A_780 = arith.select %or3A_779, %add3A_289, %select_n3A_771 : vector<16xi1>, vector<16xi32>
        %max3A_781 = arith.maximumf %gather3A_774, %max3A_772 : vector<16xf32>
        %gather3A_782 = tpu.memref_slice %arg8[%mul3A_531] : memref<16384xf32, #tpu.memory_space<vmem>> -> memref<512xf32, #tpu.memory_space<vmem>>
        %gather3A_783 = tpu.vector_load_idx %gather3A_782[%add3A_299] : memref<512xf32, #tpu.memory_space<vmem>>[vector<16xi32>], vector<16xf32>,
        %gt3A_784 = arith.cmpf ogt, %gather3A_783, %max3A_781 : vector<16xf32>
        %eq3A_785 = arith.cmpf oeq, %gather3A_783, %max3A_781 : vector<16xf32>
        %lt3A_786 = arith.cmpi slt, %add3A_299, %select_n3A_780 : vector<16xi32>
        %and3A_787 = arith.andi %eq3A_785, %lt3A_786 : vector<16xi1>
        %or3A_788 = arith.ori %gt3A_784, %and3A_787 : vector<16xi1>
        %select_n3A_789 = arith.select %or3A_788, %add3A_299, %select_n3A_780 : vector<16xi1>, vector<16xi32>
        %max3A_790 = arith.maximumf %gather3A_783, %max3A_781 : vector<16xf32>
        %gather3A_791 = tpu.memref_slice %arg8[%mul3A_531] : memref<16384xf32, #tpu.memory_space<vmem>> -> memref<512xf32, #tpu.memory_space<vmem>>
        %gather3A_792 = tpu.vector_load_idx %gather3A_791[%add3A_309] : memref<512xf32, #tpu.memory_space<vmem>>[vector<16xi32>], vector<16xf32>,
        %gt3A_793 = arith.cmpf ogt, %gather3A_792, %max3A_790 : vector<16xf32>
        %eq3A_794 = arith.cmpf oeq, %gather3A_792, %max3A_790 : vector<16xf32>
        %lt3A_795 = arith.cmpi slt, %add3A_309, %select_n3A_789 : vector<16xi32>
        %and3A_796 = arith.andi %eq3A_794, %lt3A_795 : vector<16xi1>
        %or3A_797 = arith.ori %gt3A_793, %and3A_796 : vector<16xi1>
        %select_n3A_798 = arith.select %or3A_797, %add3A_309, %select_n3A_789 : vector<16xi1>, vector<16xi32>
        %max3A_799 = arith.maximumf %gather3A_792, %max3A_790 : vector<16xf32>
        %gather3A_800 = tpu.memref_slice %arg8[%mul3A_531] : memref<16384xf32, #tpu.memory_space<vmem>> -> memref<512xf32, #tpu.memory_space<vmem>>
        %gather3A_801 = tpu.vector_load_idx %gather3A_800[%add3A_319] : memref<512xf32, #tpu.memory_space<vmem>>[vector<16xi32>], vector<16xf32>,
        %gt3A_802 = arith.cmpf ogt, %gather3A_801, %max3A_799 : vector<16xf32>
        %eq3A_803 = arith.cmpf oeq, %gather3A_801, %max3A_799 : vector<16xf32>
        %lt3A_804 = arith.cmpi slt, %add3A_319, %select_n3A_798 : vector<16xi32>
        %and3A_805 = arith.andi %eq3A_803, %lt3A_804 : vector<16xi1>
        %or3A_806 = arith.ori %gt3A_802, %and3A_805 : vector<16xi1>
        %select_n3A_807 = arith.select %or3A_806, %add3A_319, %select_n3A_798 : vector<16xi1>, vector<16xi32>
        %max3A_808 = arith.maximumf %gather3A_801, %max3A_799 : vector<16xf32>
        %and3A_809 = arith.constant 31 : i32
        %and3A_810 = vector.broadcast %and3A_809 : i32 to vector<16xi32>
        %and3A_811 = arith.andi %select_n3A_807, %and3A_810 : vector<16xi32>
        %convert_element_type3A_812 = arith.sitofp %and3A_811 : vector<16xi32> to vector<16xf32>
        %mul3A_813 = arith.constant 512 : i32
        %mul3A_814 = arith.muli %add3A_456, %mul3A_813 : i32
        %mul3A_815 = arith.constant 16 : i32
        %mul3A_816 = arith.muli %scan3A_526, %mul3A_815 : i32
        %add3A_817 = arith.addi %mul3A_814, %mul3A_816 : i32
        %swap3A = arith.index_cast %add3A_817 : i32 to index
        %swap3A_818 = tpu.vector_load %arg11[%swap3A] {strides = array<i32>} : memref<8192xf32, #tpu.memory_space<vmem>>, vector<16xf32>,
        tpu.vector_store %arg11[%swap3A], %convert_element_type3A_812 {strides = array<i32>} : memref<8192xf32, #tpu.memory_space<vmem>>, vector<16xf32>,
        %scan3A_819 = arith.constant 0 : i32
        scf.yield %scan3A_819 : i32
      }
      %scan3A_469 = arith.constant 32 : i32
      %add3A_470 = arith.constant 4 : i32
      %add3A_471 = arith.addi %add3A_456, %add3A_470 : i32
      %lt3A_472 = arith.constant 16 : i32
      %lt3A_473 = arith.cmpi slt, %add3A_471, %lt3A_472 : i32
      %convert_element_type3A_474 = arith.extui %lt3A_473 : i1 to i32
      %cond3A_475 = arith.constant 0 : i32
      %cond3A_476 = arith.cmpi ne, %convert_element_type3A_474, %cond3A_475 : i32
      scf.if %cond3A_476 {
        %add3A_526 = arith.constant 4 : i32
        %add3A_527 = arith.addi %add3A_456, %add3A_526 : i32
        %mul3A_528 = arith.constant 16384 : i32
        %mul3A_529 = arith.muli %add3A_527, %mul3A_528 : i32
        %dma_start3A_530 = tpu.memref_slice %arg3[%add3A_375, %mul3A_529] : memref<64x262144xf32, #tpu.memory_space<hbm>> -> memref<1x16384xf32, #tpu.memory_space<hbm>>
        %dma_start3A_531 = tpu.memref_squeeze %dma_start3A_530 : memref<1x16384xf32, #tpu.memory_space<hbm>> -> memref<16384xf32, #tpu.memory_space<hbm>>
        %dma_start3A_532 = tpu.memref_slice %arg3[%add3A_375, %mul3A_529] : memref<64x262144xf32, #tpu.memory_space<hbm>> -> memref<1x16384xf32, #tpu.memory_space<hbm>>
        %dma_start3A_533 = tpu.memref_squeeze %dma_start3A_532 : memref<1x16384xf32, #tpu.memory_space<hbm>> -> memref<16384xf32, #tpu.memory_space<hbm>>
        tpu.enqueue_dma source(%dma_start3A_533 : memref<16384xf32, #tpu.memory_space<hbm>>) target(%arg8 : memref<16384xf32, #tpu.memory_space<vmem>>) target_semaphore(%arg16 : memref<!tpu.dma_semaphore, #tpu.memory_space<semaphore_mem>>)
      } else {
      }
      %mul3A_477 = arith.constant 4 : i32
      %mul3A_478 = arith.muli %scan3A_431, %mul3A_477 : i32
      %add3A_479 = arith.constant 2 : i32
      %add3A_480 = arith.addi %mul3A_478, %add3A_479 : i32
      %dma_wait3A_481 = arith.constant 0 : i32
      %dma_wait3A_482 = tpu.memref_slice %arg3[%add3A_375, %dma_wait3A_481] : memref<64x262144xf32, #tpu.memory_space<hbm>> -> memref<1x16384xf32, #tpu.memory_space<hbm>>
      %dma_wait3A_483 = tpu.memref_squeeze %dma_wait3A_482 : memref<1x16384xf32, #tpu.memory_space<hbm>> -> memref<16384xf32, #tpu.memory_space<hbm>>
      %dma_wait3A_484 = arith.constant 0 : i32
      %dma_wait3A_485 = tpu.memref_slice %arg3[%add3A_375, %dma_wait3A_484] : memref<64x262144xf32, #tpu.memory_space<hbm>> -> memref<1x16384xf32, #tpu.memory_space<hbm>>
      %dma_wait3A_486 = tpu.memref_squeeze %dma_wait3A_485 : memref<1x16384xf32, #tpu.memory_space<hbm>> -> memref<16384xf32, #tpu.memory_space<hbm>>
      tpu.wait_dma2 semaphore(%arg17 : memref<!tpu.dma_semaphore, #tpu.memory_space<semaphore_mem>>) src(%dma_wait3A_486 : memref<16384xf32, #tpu.memory_space<hbm>>) dst(%arg9 : memref<16384xf32, #tpu.memory_space<vmem>>)
      %scan3A_487 = arith.constant 0 : i32
      %scan3A_488 = arith.constant 0 : i32
      %scan3A_489 = arith.constant 32 : i32
      %scan3A_490 = arith.addi %scan3A_488, %scan3A_489 : i32
      %scan3A_491 = arith.constant 1 : i32
      %scan3A_492 = scf.for %scan3A_526 = %scan3A_488 to %scan3A_490 step %scan3A_491 iter_args(%scan3A_527 = %scan3A_487) -> (i32)  : i32 {
        %mul3A_528 = arith.constant 16 : i32
        %mul3A_529 = arith.muli %scan3A_526, %mul3A_528 : i32
        %mul3A_530 = arith.constant 32 : i32
        %mul3A_531 = arith.muli %mul3A_529, %mul3A_530 : i32
        %gather3A_532 = tpu.memref_slice %arg9[%mul3A_531] : memref<16384xf32, #tpu.memory_space<vmem>> -> memref<512xf32, #tpu.memory_space<vmem>>
        %gather3A_533 = tpu.vector_load_idx %gather3A_532[%add3A_9] : memref<512xf32, #tpu.memory_space<vmem>>[vector<16xi32>], vector<16xf32>,
        %gather3A_534 = tpu.memref_slice %arg9[%mul3A_531] : memref<16384xf32, #tpu.memory_space<vmem>> -> memref<512xf32, #tpu.memory_space<vmem>>
        %gather3A_535 = tpu.vector_load_idx %gather3A_534[%add3A_19] : memref<512xf32, #tpu.memory_space<vmem>>[vector<16xi32>], vector<16xf32>,
        %gt3A_536 = arith.cmpf ogt, %gather3A_535, %gather3A_533 : vector<16xf32>
        %eq3A = arith.cmpf oeq, %gather3A_535, %gather3A_533 : vector<16xf32>
        %lt3A_537 = arith.cmpi slt, %add3A_19, %add3A_9 : vector<16xi32>
        %and3A_538 = arith.andi %eq3A, %lt3A_537 : vector<16xi1>
        %or3A = arith.ori %gt3A_536, %and3A_538 : vector<16xi1>
        %select_n3A = arith.select %or3A, %add3A_19, %add3A_9 : vector<16xi1>, vector<16xi32>
        %max3A = arith.maximumf %gather3A_535, %gather3A_533 : vector<16xf32>
        %gather3A_539 = tpu.memref_slice %arg9[%mul3A_531] : memref<16384xf32, #tpu.memory_space<vmem>> -> memref<512xf32, #tpu.memory_space<vmem>>
        %gather3A_540 = tpu.vector_load_idx %gather3A_539[%add3A_29] : memref<512xf32, #tpu.memory_space<vmem>>[vector<16xi32>], vector<16xf32>,
        %gt3A_541 = arith.cmpf ogt, %gather3A_540, %max3A : vector<16xf32>
        %eq3A_542 = arith.cmpf oeq, %gather3A_540, %max3A : vector<16xf32>
        %lt3A_543 = arith.cmpi slt, %add3A_29, %select_n3A : vector<16xi32>
        %and3A_544 = arith.andi %eq3A_542, %lt3A_543 : vector<16xi1>
        %or3A_545 = arith.ori %gt3A_541, %and3A_544 : vector<16xi1>
        %select_n3A_546 = arith.select %or3A_545, %add3A_29, %select_n3A : vector<16xi1>, vector<16xi32>
        %max3A_547 = arith.maximumf %gather3A_540, %max3A : vector<16xf32>
        %gather3A_548 = tpu.memref_slice %arg9[%mul3A_531] : memref<16384xf32, #tpu.memory_space<vmem>> -> memref<512xf32, #tpu.memory_space<vmem>>
        %gather3A_549 = tpu.vector_load_idx %gather3A_548[%add3A_39] : memref<512xf32, #tpu.memory_space<vmem>>[vector<16xi32>], vector<16xf32>,
        %gt3A_550 = arith.cmpf ogt, %gather3A_549, %max3A_547 : vector<16xf32>
        %eq3A_551 = arith.cmpf oeq, %gather3A_549, %max3A_547 : vector<16xf32>
        %lt3A_552 = arith.cmpi slt, %add3A_39, %select_n3A_546 : vector<16xi32>
        %and3A_553 = arith.andi %eq3A_551, %lt3A_552 : vector<16xi1>
        %or3A_554 = arith.ori %gt3A_550, %and3A_553 : vector<16xi1>
        %select_n3A_555 = arith.select %or3A_554, %add3A_39, %select_n3A_546 : vector<16xi1>, vector<16xi32>
        %max3A_556 = arith.maximumf %gather3A_549, %max3A_547 : vector<16xf32>
        %gather3A_557 = tpu.memref_slice %arg9[%mul3A_531] : memref<16384xf32, #tpu.memory_space<vmem>> -> memref<512xf32, #tpu.memory_space<vmem>>
        %gather3A_558 = tpu.vector_load_idx %gather3A_557[%add3A_49] : memref<512xf32, #tpu.memory_space<vmem>>[vector<16xi32>], vector<16xf32>,
        %gt3A_559 = arith.cmpf ogt, %gather3A_558, %max3A_556 : vector<16xf32>
        %eq3A_560 = arith.cmpf oeq, %gather3A_558, %max3A_556 : vector<16xf32>
        %lt3A_561 = arith.cmpi slt, %add3A_49, %select_n3A_555 : vector<16xi32>
        %and3A_562 = arith.andi %eq3A_560, %lt3A_561 : vector<16xi1>
        %or3A_563 = arith.ori %gt3A_559, %and3A_562 : vector<16xi1>
        %select_n3A_564 = arith.select %or3A_563, %add3A_49, %select_n3A_555 : vector<16xi1>, vector<16xi32>
        %max3A_565 = arith.maximumf %gather3A_558, %max3A_556 : vector<16xf32>
        %gather3A_566 = tpu.memref_slice %arg9[%mul3A_531] : memref<16384xf32, #tpu.memory_space<vmem>> -> memref<512xf32, #tpu.memory_space<vmem>>
        %gather3A_567 = tpu.vector_load_idx %gather3A_566[%add3A_59] : memref<512xf32, #tpu.memory_space<vmem>>[vector<16xi32>], vector<16xf32>,
        %gt3A_568 = arith.cmpf ogt, %gather3A_567, %max3A_565 : vector<16xf32>
        %eq3A_569 = arith.cmpf oeq, %gather3A_567, %max3A_565 : vector<16xf32>
        %lt3A_570 = arith.cmpi slt, %add3A_59, %select_n3A_564 : vector<16xi32>
        %and3A_571 = arith.andi %eq3A_569, %lt3A_570 : vector<16xi1>
        %or3A_572 = arith.ori %gt3A_568, %and3A_571 : vector<16xi1>
        %select_n3A_573 = arith.select %or3A_572, %add3A_59, %select_n3A_564 : vector<16xi1>, vector<16xi32>
        %max3A_574 = arith.maximumf %gather3A_567, %max3A_565 : vector<16xf32>
        %gather3A_575 = tpu.memref_slice %arg9[%mul3A_531] : memref<16384xf32, #tpu.memory_space<vmem>> -> memref<512xf32, #tpu.memory_space<vmem>>
        %gather3A_576 = tpu.vector_load_idx %gather3A_575[%add3A_69] : memref<512xf32, #tpu.memory_space<vmem>>[vector<16xi32>], vector<16xf32>,
        %gt3A_577 = arith.cmpf ogt, %gather3A_576, %max3A_574 : vector<16xf32>
        %eq3A_578 = arith.cmpf oeq, %gather3A_576, %max3A_574 : vector<16xf32>
        %lt3A_579 = arith.cmpi slt, %add3A_69, %select_n3A_573 : vector<16xi32>
        %and3A_580 = arith.andi %eq3A_578, %lt3A_579 : vector<16xi1>
        %or3A_581 = arith.ori %gt3A_577, %and3A_580 : vector<16xi1>
        %select_n3A_582 = arith.select %or3A_581, %add3A_69, %select_n3A_573 : vector<16xi1>, vector<16xi32>
        %max3A_583 = arith.maximumf %gather3A_576, %max3A_574 : vector<16xf32>
        %gather3A_584 = tpu.memref_slice %arg9[%mul3A_531] : memref<16384xf32, #tpu.memory_space<vmem>> -> memref<512xf32, #tpu.memory_space<vmem>>
        %gather3A_585 = tpu.vector_load_idx %gather3A_584[%add3A_79] : memref<512xf32, #tpu.memory_space<vmem>>[vector<16xi32>], vector<16xf32>,
        %gt3A_586 = arith.cmpf ogt, %gather3A_585, %max3A_583 : vector<16xf32>
        %eq3A_587 = arith.cmpf oeq, %gather3A_585, %max3A_583 : vector<16xf32>
        %lt3A_588 = arith.cmpi slt, %add3A_79, %select_n3A_582 : vector<16xi32>
        %and3A_589 = arith.andi %eq3A_587, %lt3A_588 : vector<16xi1>
        %or3A_590 = arith.ori %gt3A_586, %and3A_589 : vector<16xi1>
        %select_n3A_591 = arith.select %or3A_590, %add3A_79, %select_n3A_582 : vector<16xi1>, vector<16xi32>
        %max3A_592 = arith.maximumf %gather3A_585, %max3A_583 : vector<16xf32>
        %gather3A_593 = tpu.memref_slice %arg9[%mul3A_531] : memref<16384xf32, #tpu.memory_space<vmem>> -> memref<512xf32, #tpu.memory_space<vmem>>
        %gather3A_594 = tpu.vector_load_idx %gather3A_593[%add3A_89] : memref<512xf32, #tpu.memory_space<vmem>>[vector<16xi32>], vector<16xf32>,
        %gt3A_595 = arith.cmpf ogt, %gather3A_594, %max3A_592 : vector<16xf32>
        %eq3A_596 = arith.cmpf oeq, %gather3A_594, %max3A_592 : vector<16xf32>
        %lt3A_597 = arith.cmpi slt, %add3A_89, %select_n3A_591 : vector<16xi32>
        %and3A_598 = arith.andi %eq3A_596, %lt3A_597 : vector<16xi1>
        %or3A_599 = arith.ori %gt3A_595, %and3A_598 : vector<16xi1>
        %select_n3A_600 = arith.select %or3A_599, %add3A_89, %select_n3A_591 : vector<16xi1>, vector<16xi32>
        %max3A_601 = arith.maximumf %gather3A_594, %max3A_592 : vector<16xf32>
        %gather3A_602 = tpu.memref_slice %arg9[%mul3A_531] : memref<16384xf32, #tpu.memory_space<vmem>> -> memref<512xf32, #tpu.memory_space<vmem>>
        %gather3A_603 = tpu.vector_load_idx %gather3A_602[%add3A_99] : memref<512xf32, #tpu.memory_space<vmem>>[vector<16xi32>], vector<16xf32>,
        %gt3A_604 = arith.cmpf ogt, %gather3A_603, %max3A_601 : vector<16xf32>
        %eq3A_605 = arith.cmpf oeq, %gather3A_603, %max3A_601 : vector<16xf32>
        %lt3A_606 = arith.cmpi slt, %add3A_99, %select_n3A_600 : vector<16xi32>
        %and3A_607 = arith.andi %eq3A_605, %lt3A_606 : vector<16xi1>
        %or3A_608 = arith.ori %gt3A_604, %and3A_607 : vector<16xi1>
        %select_n3A_609 = arith.select %or3A_608, %add3A_99, %select_n3A_600 : vector<16xi1>, vector<16xi32>
        %max3A_610 = arith.maximumf %gather3A_603, %max3A_601 : vector<16xf32>
        %gather3A_611 = tpu.memref_slice %arg9[%mul3A_531] : memref<16384xf32, #tpu.memory_space<vmem>> -> memref<512xf32, #tpu.memory_space<vmem>>
        %gather3A_612 = tpu.vector_load_idx %gather3A_611[%add3A_109] : memref<512xf32, #tpu.memory_space<vmem>>[vector<16xi32>], vector<16xf32>,
        %gt3A_613 = arith.cmpf ogt, %gather3A_612, %max3A_610 : vector<16xf32>
        %eq3A_614 = arith.cmpf oeq, %gather3A_612, %max3A_610 : vector<16xf32>
        %lt3A_615 = arith.cmpi slt, %add3A_109, %select_n3A_609 : vector<16xi32>
        %and3A_616 = arith.andi %eq3A_614, %lt3A_615 : vector<16xi1>
        %or3A_617 = arith.ori %gt3A_613, %and3A_616 : vector<16xi1>
        %select_n3A_618 = arith.select %or3A_617, %add3A_109, %select_n3A_609 : vector<16xi1>, vector<16xi32>
        %max3A_619 = arith.maximumf %gather3A_612, %max3A_610 : vector<16xf32>
        %gather3A_620 = tpu.memref_slice %arg9[%mul3A_531] : memref<16384xf32, #tpu.memory_space<vmem>> -> memref<512xf32, #tpu.memory_space<vmem>>
        %gather3A_621 = tpu.vector_load_idx %gather3A_620[%add3A_119] : memref<512xf32, #tpu.memory_space<vmem>>[vector<16xi32>], vector<16xf32>,
        %gt3A_622 = arith.cmpf ogt, %gather3A_621, %max3A_619 : vector<16xf32>
        %eq3A_623 = arith.cmpf oeq, %gather3A_621, %max3A_619 : vector<16xf32>
        %lt3A_624 = arith.cmpi slt, %add3A_119, %select_n3A_618 : vector<16xi32>
        %and3A_625 = arith.andi %eq3A_623, %lt3A_624 : vector<16xi1>
        %or3A_626 = arith.ori %gt3A_622, %and3A_625 : vector<16xi1>
        %select_n3A_627 = arith.select %or3A_626, %add3A_119, %select_n3A_618 : vector<16xi1>, vector<16xi32>
        %max3A_628 = arith.maximumf %gather3A_621, %max3A_619 : vector<16xf32>
        %gather3A_629 = tpu.memref_slice %arg9[%mul3A_531] : memref<16384xf32, #tpu.memory_space<vmem>> -> memref<512xf32, #tpu.memory_space<vmem>>
        %gather3A_630 = tpu.vector_load_idx %gather3A_629[%add3A_129] : memref<512xf32, #tpu.memory_space<vmem>>[vector<16xi32>], vector<16xf32>,
        %gt3A_631 = arith.cmpf ogt, %gather3A_630, %max3A_628 : vector<16xf32>
        %eq3A_632 = arith.cmpf oeq, %gather3A_630, %max3A_628 : vector<16xf32>
        %lt3A_633 = arith.cmpi slt, %add3A_129, %select_n3A_627 : vector<16xi32>
        %and3A_634 = arith.andi %eq3A_632, %lt3A_633 : vector<16xi1>
        %or3A_635 = arith.ori %gt3A_631, %and3A_634 : vector<16xi1>
        %select_n3A_636 = arith.select %or3A_635, %add3A_129, %select_n3A_627 : vector<16xi1>, vector<16xi32>
        %max3A_637 = arith.maximumf %gather3A_630, %max3A_628 : vector<16xf32>
        %gather3A_638 = tpu.memref_slice %arg9[%mul3A_531] : memref<16384xf32, #tpu.memory_space<vmem>> -> memref<512xf32, #tpu.memory_space<vmem>>
        %gather3A_639 = tpu.vector_load_idx %gather3A_638[%add3A_139] : memref<512xf32, #tpu.memory_space<vmem>>[vector<16xi32>], vector<16xf32>,
        %gt3A_640 = arith.cmpf ogt, %gather3A_639, %max3A_637 : vector<16xf32>
        %eq3A_641 = arith.cmpf oeq, %gather3A_639, %max3A_637 : vector<16xf32>
        %lt3A_642 = arith.cmpi slt, %add3A_139, %select_n3A_636 : vector<16xi32>
        %and3A_643 = arith.andi %eq3A_641, %lt3A_642 : vector<16xi1>
        %or3A_644 = arith.ori %gt3A_640, %and3A_643 : vector<16xi1>
        %select_n3A_645 = arith.select %or3A_644, %add3A_139, %select_n3A_636 : vector<16xi1>, vector<16xi32>
        %max3A_646 = arith.maximumf %gather3A_639, %max3A_637 : vector<16xf32>
        %gather3A_647 = tpu.memref_slice %arg9[%mul3A_531] : memref<16384xf32, #tpu.memory_space<vmem>> -> memref<512xf32, #tpu.memory_space<vmem>>
        %gather3A_648 = tpu.vector_load_idx %gather3A_647[%add3A_149] : memref<512xf32, #tpu.memory_space<vmem>>[vector<16xi32>], vector<16xf32>,
        %gt3A_649 = arith.cmpf ogt, %gather3A_648, %max3A_646 : vector<16xf32>
        %eq3A_650 = arith.cmpf oeq, %gather3A_648, %max3A_646 : vector<16xf32>
        %lt3A_651 = arith.cmpi slt, %add3A_149, %select_n3A_645 : vector<16xi32>
        %and3A_652 = arith.andi %eq3A_650, %lt3A_651 : vector<16xi1>
        %or3A_653 = arith.ori %gt3A_649, %and3A_652 : vector<16xi1>
        %select_n3A_654 = arith.select %or3A_653, %add3A_149, %select_n3A_645 : vector<16xi1>, vector<16xi32>
        %max3A_655 = arith.maximumf %gather3A_648, %max3A_646 : vector<16xf32>
        %gather3A_656 = tpu.memref_slice %arg9[%mul3A_531] : memref<16384xf32, #tpu.memory_space<vmem>> -> memref<512xf32, #tpu.memory_space<vmem>>
        %gather3A_657 = tpu.vector_load_idx %gather3A_656[%add3A_159] : memref<512xf32, #tpu.memory_space<vmem>>[vector<16xi32>], vector<16xf32>,
        %gt3A_658 = arith.cmpf ogt, %gather3A_657, %max3A_655 : vector<16xf32>
        %eq3A_659 = arith.cmpf oeq, %gather3A_657, %max3A_655 : vector<16xf32>
        %lt3A_660 = arith.cmpi slt, %add3A_159, %select_n3A_654 : vector<16xi32>
        %and3A_661 = arith.andi %eq3A_659, %lt3A_660 : vector<16xi1>
        %or3A_662 = arith.ori %gt3A_658, %and3A_661 : vector<16xi1>
        %select_n3A_663 = arith.select %or3A_662, %add3A_159, %select_n3A_654 : vector<16xi1>, vector<16xi32>
        %max3A_664 = arith.maximumf %gather3A_657, %max3A_655 : vector<16xf32>
        %gather3A_665 = tpu.memref_slice %arg9[%mul3A_531] : memref<16384xf32, #tpu.memory_space<vmem>> -> memref<512xf32, #tpu.memory_space<vmem>>
        %gather3A_666 = tpu.vector_load_idx %gather3A_665[%add3A_169] : memref<512xf32, #tpu.memory_space<vmem>>[vector<16xi32>], vector<16xf32>,
        %gt3A_667 = arith.cmpf ogt, %gather3A_666, %max3A_664 : vector<16xf32>
        %eq3A_668 = arith.cmpf oeq, %gather3A_666, %max3A_664 : vector<16xf32>
        %lt3A_669 = arith.cmpi slt, %add3A_169, %select_n3A_663 : vector<16xi32>
        %and3A_670 = arith.andi %eq3A_668, %lt3A_669 : vector<16xi1>
        %or3A_671 = arith.ori %gt3A_667, %and3A_670 : vector<16xi1>
        %select_n3A_672 = arith.select %or3A_671, %add3A_169, %select_n3A_663 : vector<16xi1>, vector<16xi32>
        %max3A_673 = arith.maximumf %gather3A_666, %max3A_664 : vector<16xf32>
        %gather3A_674 = tpu.memref_slice %arg9[%mul3A_531] : memref<16384xf32, #tpu.memory_space<vmem>> -> memref<512xf32, #tpu.memory_space<vmem>>
        %gather3A_675 = tpu.vector_load_idx %gather3A_674[%add3A_179] : memref<512xf32, #tpu.memory_space<vmem>>[vector<16xi32>], vector<16xf32>,
        %gt3A_676 = arith.cmpf ogt, %gather3A_675, %max3A_673 : vector<16xf32>
        %eq3A_677 = arith.cmpf oeq, %gather3A_675, %max3A_673 : vector<16xf32>
        %lt3A_678 = arith.cmpi slt, %add3A_179, %select_n3A_672 : vector<16xi32>
        %and3A_679 = arith.andi %eq3A_677, %lt3A_678 : vector<16xi1>
        %or3A_680 = arith.ori %gt3A_676, %and3A_679 : vector<16xi1>
        %select_n3A_681 = arith.select %or3A_680, %add3A_179, %select_n3A_672 : vector<16xi1>, vector<16xi32>
        %max3A_682 = arith.maximumf %gather3A_675, %max3A_673 : vector<16xf32>
        %gather3A_683 = tpu.memref_slice %arg9[%mul3A_531] : memref<16384xf32, #tpu.memory_space<vmem>> -> memref<512xf32, #tpu.memory_space<vmem>>
        %gather3A_684 = tpu.vector_load_idx %gather3A_683[%add3A_189] : memref<512xf32, #tpu.memory_space<vmem>>[vector<16xi32>], vector<16xf32>,
        %gt3A_685 = arith.cmpf ogt, %gather3A_684, %max3A_682 : vector<16xf32>
        %eq3A_686 = arith.cmpf oeq, %gather3A_684, %max3A_682 : vector<16xf32>
        %lt3A_687 = arith.cmpi slt, %add3A_189, %select_n3A_681 : vector<16xi32>
        %and3A_688 = arith.andi %eq3A_686, %lt3A_687 : vector<16xi1>
        %or3A_689 = arith.ori %gt3A_685, %and3A_688 : vector<16xi1>
        %select_n3A_690 = arith.select %or3A_689, %add3A_189, %select_n3A_681 : vector<16xi1>, vector<16xi32>
        %max3A_691 = arith.maximumf %gather3A_684, %max3A_682 : vector<16xf32>
        %gather3A_692 = tpu.memref_slice %arg9[%mul3A_531] : memref<16384xf32, #tpu.memory_space<vmem>> -> memref<512xf32, #tpu.memory_space<vmem>>
        %gather3A_693 = tpu.vector_load_idx %gather3A_692[%add3A_199] : memref<512xf32, #tpu.memory_space<vmem>>[vector<16xi32>], vector<16xf32>,
        %gt3A_694 = arith.cmpf ogt, %gather3A_693, %max3A_691 : vector<16xf32>
        %eq3A_695 = arith.cmpf oeq, %gather3A_693, %max3A_691 : vector<16xf32>
        %lt3A_696 = arith.cmpi slt, %add3A_199, %select_n3A_690 : vector<16xi32>
        %and3A_697 = arith.andi %eq3A_695, %lt3A_696 : vector<16xi1>
        %or3A_698 = arith.ori %gt3A_694, %and3A_697 : vector<16xi1>
        %select_n3A_699 = arith.select %or3A_698, %add3A_199, %select_n3A_690 : vector<16xi1>, vector<16xi32>
        %max3A_700 = arith.maximumf %gather3A_693, %max3A_691 : vector<16xf32>
        %gather3A_701 = tpu.memref_slice %arg9[%mul3A_531] : memref<16384xf32, #tpu.memory_space<vmem>> -> memref<512xf32, #tpu.memory_space<vmem>>
        %gather3A_702 = tpu.vector_load_idx %gather3A_701[%add3A_209] : memref<512xf32, #tpu.memory_space<vmem>>[vector<16xi32>], vector<16xf32>,
        %gt3A_703 = arith.cmpf ogt, %gather3A_702, %max3A_700 : vector<16xf32>
        %eq3A_704 = arith.cmpf oeq, %gather3A_702, %max3A_700 : vector<16xf32>
        %lt3A_705 = arith.cmpi slt, %add3A_209, %select_n3A_699 : vector<16xi32>
        %and3A_706 = arith.andi %eq3A_704, %lt3A_705 : vector<16xi1>
        %or3A_707 = arith.ori %gt3A_703, %and3A_706 : vector<16xi1>
        %select_n3A_708 = arith.select %or3A_707, %add3A_209, %select_n3A_699 : vector<16xi1>, vector<16xi32>
        %max3A_709 = arith.maximumf %gather3A_702, %max3A_700 : vector<16xf32>
        %gather3A_710 = tpu.memref_slice %arg9[%mul3A_531] : memref<16384xf32, #tpu.memory_space<vmem>> -> memref<512xf32, #tpu.memory_space<vmem>>
        %gather3A_711 = tpu.vector_load_idx %gather3A_710[%add3A_219] : memref<512xf32, #tpu.memory_space<vmem>>[vector<16xi32>], vector<16xf32>,
        %gt3A_712 = arith.cmpf ogt, %gather3A_711, %max3A_709 : vector<16xf32>
        %eq3A_713 = arith.cmpf oeq, %gather3A_711, %max3A_709 : vector<16xf32>
        %lt3A_714 = arith.cmpi slt, %add3A_219, %select_n3A_708 : vector<16xi32>
        %and3A_715 = arith.andi %eq3A_713, %lt3A_714 : vector<16xi1>
        %or3A_716 = arith.ori %gt3A_712, %and3A_715 : vector<16xi1>
        %select_n3A_717 = arith.select %or3A_716, %add3A_219, %select_n3A_708 : vector<16xi1>, vector<16xi32>
        %max3A_718 = arith.maximumf %gather3A_711, %max3A_709 : vector<16xf32>
        %gather3A_719 = tpu.memref_slice %arg9[%mul3A_531] : memref<16384xf32, #tpu.memory_space<vmem>> -> memref<512xf32, #tpu.memory_space<vmem>>
        %gather3A_720 = tpu.vector_load_idx %gather3A_719[%add3A_229] : memref<512xf32, #tpu.memory_space<vmem>>[vector<16xi32>], vector<16xf32>,
        %gt3A_721 = arith.cmpf ogt, %gather3A_720, %max3A_718 : vector<16xf32>
        %eq3A_722 = arith.cmpf oeq, %gather3A_720, %max3A_718 : vector<16xf32>
        %lt3A_723 = arith.cmpi slt, %add3A_229, %select_n3A_717 : vector<16xi32>
        %and3A_724 = arith.andi %eq3A_722, %lt3A_723 : vector<16xi1>
        %or3A_725 = arith.ori %gt3A_721, %and3A_724 : vector<16xi1>
        %select_n3A_726 = arith.select %or3A_725, %add3A_229, %select_n3A_717 : vector<16xi1>, vector<16xi32>
        %max3A_727 = arith.maximumf %gather3A_720, %max3A_718 : vector<16xf32>
        %gather3A_728 = tpu.memref_slice %arg9[%mul3A_531] : memref<16384xf32, #tpu.memory_space<vmem>> -> memref<512xf32, #tpu.memory_space<vmem>>
        %gather3A_729 = tpu.vector_load_idx %gather3A_728[%add3A_239] : memref<512xf32, #tpu.memory_space<vmem>>[vector<16xi32>], vector<16xf32>,
        %gt3A_730 = arith.cmpf ogt, %gather3A_729, %max3A_727 : vector<16xf32>
        %eq3A_731 = arith.cmpf oeq, %gather3A_729, %max3A_727 : vector<16xf32>
        %lt3A_732 = arith.cmpi slt, %add3A_239, %select_n3A_726 : vector<16xi32>
        %and3A_733 = arith.andi %eq3A_731, %lt3A_732 : vector<16xi1>
        %or3A_734 = arith.ori %gt3A_730, %and3A_733 : vector<16xi1>
        %select_n3A_735 = arith.select %or3A_734, %add3A_239, %select_n3A_726 : vector<16xi1>, vector<16xi32>
        %max3A_736 = arith.maximumf %gather3A_729, %max3A_727 : vector<16xf32>
        %gather3A_737 = tpu.memref_slice %arg9[%mul3A_531] : memref<16384xf32, #tpu.memory_space<vmem>> -> memref<512xf32, #tpu.memory_space<vmem>>
        %gather3A_738 = tpu.vector_load_idx %gather3A_737[%add3A_249] : memref<512xf32, #tpu.memory_space<vmem>>[vector<16xi32>], vector<16xf32>,
        %gt3A_739 = arith.cmpf ogt, %gather3A_738, %max3A_736 : vector<16xf32>
        %eq3A_740 = arith.cmpf oeq, %gather3A_738, %max3A_736 : vector<16xf32>
        %lt3A_741 = arith.cmpi slt, %add3A_249, %select_n3A_735 : vector<16xi32>
        %and3A_742 = arith.andi %eq3A_740, %lt3A_741 : vector<16xi1>
        %or3A_743 = arith.ori %gt3A_739, %and3A_742 : vector<16xi1>
        %select_n3A_744 = arith.select %or3A_743, %add3A_249, %select_n3A_735 : vector<16xi1>, vector<16xi32>
        %max3A_745 = arith.maximumf %gather3A_738, %max3A_736 : vector<16xf32>
        %gather3A_746 = tpu.memref_slice %arg9[%mul3A_531] : memref<16384xf32, #tpu.memory_space<vmem>> -> memref<512xf32, #tpu.memory_space<vmem>>
        %gather3A_747 = tpu.vector_load_idx %gather3A_746[%add3A_259] : memref<512xf32, #tpu.memory_space<vmem>>[vector<16xi32>], vector<16xf32>,
        %gt3A_748 = arith.cmpf ogt, %gather3A_747, %max3A_745 : vector<16xf32>
        %eq3A_749 = arith.cmpf oeq, %gather3A_747, %max3A_745 : vector<16xf32>
        %lt3A_750 = arith.cmpi slt, %add3A_259, %select_n3A_744 : vector<16xi32>
        %and3A_751 = arith.andi %eq3A_749, %lt3A_750 : vector<16xi1>
        %or3A_752 = arith.ori %gt3A_748, %and3A_751 : vector<16xi1>
        %select_n3A_753 = arith.select %or3A_752, %add3A_259, %select_n3A_744 : vector<16xi1>, vector<16xi32>
        %max3A_754 = arith.maximumf %gather3A_747, %max3A_745 : vector<16xf32>
        %gather3A_755 = tpu.memref_slice %arg9[%mul3A_531] : memref<16384xf32, #tpu.memory_space<vmem>> -> memref<512xf32, #tpu.memory_space<vmem>>
        %gather3A_756 = tpu.vector_load_idx %gather3A_755[%add3A_269] : memref<512xf32, #tpu.memory_space<vmem>>[vector<16xi32>], vector<16xf32>,
        %gt3A_757 = arith.cmpf ogt, %gather3A_756, %max3A_754 : vector<16xf32>
        %eq3A_758 = arith.cmpf oeq, %gather3A_756, %max3A_754 : vector<16xf32>
        %lt3A_759 = arith.cmpi slt, %add3A_269, %select_n3A_753 : vector<16xi32>
        %and3A_760 = arith.andi %eq3A_758, %lt3A_759 : vector<16xi1>
        %or3A_761 = arith.ori %gt3A_757, %and3A_760 : vector<16xi1>
        %select_n3A_762 = arith.select %or3A_761, %add3A_269, %select_n3A_753 : vector<16xi1>, vector<16xi32>
        %max3A_763 = arith.maximumf %gather3A_756, %max3A_754 : vector<16xf32>
        %gather3A_764 = tpu.memref_slice %arg9[%mul3A_531] : memref<16384xf32, #tpu.memory_space<vmem>> -> memref<512xf32, #tpu.memory_space<vmem>>
        %gather3A_765 = tpu.vector_load_idx %gather3A_764[%add3A_279] : memref<512xf32, #tpu.memory_space<vmem>>[vector<16xi32>], vector<16xf32>,
        %gt3A_766 = arith.cmpf ogt, %gather3A_765, %max3A_763 : vector<16xf32>
        %eq3A_767 = arith.cmpf oeq, %gather3A_765, %max3A_763 : vector<16xf32>
        %lt3A_768 = arith.cmpi slt, %add3A_279, %select_n3A_762 : vector<16xi32>
        %and3A_769 = arith.andi %eq3A_767, %lt3A_768 : vector<16xi1>
        %or3A_770 = arith.ori %gt3A_766, %and3A_769 : vector<16xi1>
        %select_n3A_771 = arith.select %or3A_770, %add3A_279, %select_n3A_762 : vector<16xi1>, vector<16xi32>
        %max3A_772 = arith.maximumf %gather3A_765, %max3A_763 : vector<16xf32>
        %gather3A_773 = tpu.memref_slice %arg9[%mul3A_531] : memref<16384xf32, #tpu.memory_space<vmem>> -> memref<512xf32, #tpu.memory_space<vmem>>
        %gather3A_774 = tpu.vector_load_idx %gather3A_773[%add3A_289] : memref<512xf32, #tpu.memory_space<vmem>>[vector<16xi32>], vector<16xf32>,
        %gt3A_775 = arith.cmpf ogt, %gather3A_774, %max3A_772 : vector<16xf32>
        %eq3A_776 = arith.cmpf oeq, %gather3A_774, %max3A_772 : vector<16xf32>
        %lt3A_777 = arith.cmpi slt, %add3A_289, %select_n3A_771 : vector<16xi32>
        %and3A_778 = arith.andi %eq3A_776, %lt3A_777 : vector<16xi1>
        %or3A_779 = arith.ori %gt3A_775, %and3A_778 : vector<16xi1>
        %select_n3A_780 = arith.select %or3A_779, %add3A_289, %select_n3A_771 : vector<16xi1>, vector<16xi32>
        %max3A_781 = arith.maximumf %gather3A_774, %max3A_772 : vector<16xf32>
        %gather3A_782 = tpu.memref_slice %arg9[%mul3A_531] : memref<16384xf32, #tpu.memory_space<vmem>> -> memref<512xf32, #tpu.memory_space<vmem>>
        %gather3A_783 = tpu.vector_load_idx %gather3A_782[%add3A_299] : memref<512xf32, #tpu.memory_space<vmem>>[vector<16xi32>], vector<16xf32>,
        %gt3A_784 = arith.cmpf ogt, %gather3A_783, %max3A_781 : vector<16xf32>
        %eq3A_785 = arith.cmpf oeq, %gather3A_783, %max3A_781 : vector<16xf32>
        %lt3A_786 = arith.cmpi slt, %add3A_299, %select_n3A_780 : vector<16xi32>
        %and3A_787 = arith.andi %eq3A_785, %lt3A_786 : vector<16xi1>
        %or3A_788 = arith.ori %gt3A_784, %and3A_787 : vector<16xi1>
        %select_n3A_789 = arith.select %or3A_788, %add3A_299, %select_n3A_780 : vector<16xi1>, vector<16xi32>
        %max3A_790 = arith.maximumf %gather3A_783, %max3A_781 : vector<16xf32>
        %gather3A_791 = tpu.memref_slice %arg9[%mul3A_531] : memref<16384xf32, #tpu.memory_space<vmem>> -> memref<512xf32, #tpu.memory_space<vmem>>
        %gather3A_792 = tpu.vector_load_idx %gather3A_791[%add3A_309] : memref<512xf32, #tpu.memory_space<vmem>>[vector<16xi32>], vector<16xf32>,
        %gt3A_793 = arith.cmpf ogt, %gather3A_792, %max3A_790 : vector<16xf32>
        %eq3A_794 = arith.cmpf oeq, %gather3A_792, %max3A_790 : vector<16xf32>
        %lt3A_795 = arith.cmpi slt, %add3A_309, %select_n3A_789 : vector<16xi32>
        %and3A_796 = arith.andi %eq3A_794, %lt3A_795 : vector<16xi1>
        %or3A_797 = arith.ori %gt3A_793, %and3A_796 : vector<16xi1>
        %select_n3A_798 = arith.select %or3A_797, %add3A_309, %select_n3A_789 : vector<16xi1>, vector<16xi32>
        %max3A_799 = arith.maximumf %gather3A_792, %max3A_790 : vector<16xf32>
        %gather3A_800 = tpu.memref_slice %arg9[%mul3A_531] : memref<16384xf32, #tpu.memory_space<vmem>> -> memref<512xf32, #tpu.memory_space<vmem>>
        %gather3A_801 = tpu.vector_load_idx %gather3A_800[%add3A_319] : memref<512xf32, #tpu.memory_space<vmem>>[vector<16xi32>], vector<16xf32>,
        %gt3A_802 = arith.cmpf ogt, %gather3A_801, %max3A_799 : vector<16xf32>
        %eq3A_803 = arith.cmpf oeq, %gather3A_801, %max3A_799 : vector<16xf32>
        %lt3A_804 = arith.cmpi slt, %add3A_319, %select_n3A_798 : vector<16xi32>
        %and3A_805 = arith.andi %eq3A_803, %lt3A_804 : vector<16xi1>
        %or3A_806 = arith.ori %gt3A_802, %and3A_805 : vector<16xi1>
        %select_n3A_807 = arith.select %or3A_806, %add3A_319, %select_n3A_798 : vector<16xi1>, vector<16xi32>
        %max3A_808 = arith.maximumf %gather3A_801, %max3A_799 : vector<16xf32>
        %and3A_809 = arith.constant 31 : i32
        %and3A_810 = vector.broadcast %and3A_809 : i32 to vector<16xi32>
        %and3A_811 = arith.andi %select_n3A_807, %and3A_810 : vector<16xi32>
        %convert_element_type3A_812 = arith.sitofp %and3A_811 : vector<16xi32> to vector<16xf32>
        %mul3A_813 = arith.constant 512 : i32
        %mul3A_814 = arith.muli %add3A_480, %mul3A_813 : i32
        %mul3A_815 = arith.constant 16 : i32
        %mul3A_816 = arith.muli %scan3A_526, %mul3A_815 : i32
        %add3A_817 = arith.addi %mul3A_814, %mul3A_816 : i32
        %swap3A = arith.index_cast %add3A_817 : i32 to index
        %swap3A_818 = tpu.vector_load %arg11[%swap3A] {strides = array<i32>} : memref<8192xf32, #tpu.memory_space<vmem>>, vector<16xf32>,
        tpu.vector_store %arg11[%swap3A], %convert_element_type3A_812 {strides = array<i32>} : memref<8192xf32, #tpu.memory_space<vmem>>, vector<16xf32>,
        %scan3A_819 = arith.constant 0 : i32
        scf.yield %scan3A_819 : i32
      }
      %scan3A_493 = arith.constant 32 : i32
      %add3A_494 = arith.constant 4 : i32
      %add3A_495 = arith.addi %add3A_480, %add3A_494 : i32
      %lt3A_496 = arith.constant 16 : i32
      %lt3A_497 = arith.cmpi slt, %add3A_495, %lt3A_496 : i32
      %convert_element_type3A_498 = arith.extui %lt3A_497 : i1 to i32
      %cond3A_499 = arith.constant 0 : i32
      %cond3A_500 = arith.cmpi ne, %convert_element_type3A_498, %cond3A_499 : i32
      scf.if %cond3A_500 {
        %add3A_526 = arith.constant 4 : i32
        %add3A_527 = arith.addi %add3A_480, %add3A_526 : i32
        %mul3A_528 = arith.constant 16384 : i32
        %mul3A_529 = arith.muli %add3A_527, %mul3A_528 : i32
        %dma_start3A_530 = tpu.memref_slice %arg3[%add3A_375, %mul3A_529] : memref<64x262144xf32, #tpu.memory_space<hbm>> -> memref<1x16384xf32, #tpu.memory_space<hbm>>
        %dma_start3A_531 = tpu.memref_squeeze %dma_start3A_530 : memref<1x16384xf32, #tpu.memory_space<hbm>> -> memref<16384xf32, #tpu.memory_space<hbm>>
        %dma_start3A_532 = tpu.memref_slice %arg3[%add3A_375, %mul3A_529] : memref<64x262144xf32, #tpu.memory_space<hbm>> -> memref<1x16384xf32, #tpu.memory_space<hbm>>
        %dma_start3A_533 = tpu.memref_squeeze %dma_start3A_532 : memref<1x16384xf32, #tpu.memory_space<hbm>> -> memref<16384xf32, #tpu.memory_space<hbm>>
        tpu.enqueue_dma source(%dma_start3A_533 : memref<16384xf32, #tpu.memory_space<hbm>>) target(%arg9 : memref<16384xf32, #tpu.memory_space<vmem>>) target_semaphore(%arg17 : memref<!tpu.dma_semaphore, #tpu.memory_space<semaphore_mem>>)
      } else {
      }
      %mul3A_501 = arith.constant 4 : i32
      %mul3A_502 = arith.muli %scan3A_431, %mul3A_501 : i32
      %add3A_503 = arith.constant 3 : i32
      %add3A_504 = arith.addi %mul3A_502, %add3A_503 : i32
      %dma_wait3A_505 = arith.constant 0 : i32
      %dma_wait3A_506 = tpu.memref_slice %arg3[%add3A_375, %dma_wait3A_505] : memref<64x262144xf32, #tpu.memory_space<hbm>> -> memref<1x16384xf32, #tpu.memory_space<hbm>>
      %dma_wait3A_507 = tpu.memref_squeeze %dma_wait3A_506 : memref<1x16384xf32, #tpu.memory_space<hbm>> -> memref<16384xf32, #tpu.memory_space<hbm>>
      %dma_wait3A_508 = arith.constant 0 : i32
      %dma_wait3A_509 = tpu.memref_slice %arg3[%add3A_375, %dma_wait3A_508] : memref<64x262144xf32, #tpu.memory_space<hbm>> -> memref<1x16384xf32, #tpu.memory_space<hbm>>
      %dma_wait3A_510 = tpu.memref_squeeze %dma_wait3A_509 : memref<1x16384xf32, #tpu.memory_space<hbm>> -> memref<16384xf32, #tpu.memory_space<hbm>>
      tpu.wait_dma2 semaphore(%arg18 : memref<!tpu.dma_semaphore, #tpu.memory_space<semaphore_mem>>) src(%dma_wait3A_510 : memref<16384xf32, #tpu.memory_space<hbm>>) dst(%arg10 : memref<16384xf32, #tpu.memory_space<vmem>>)
      %scan3A_511 = arith.constant 0 : i32
      %scan3A_512 = arith.constant 0 : i32
      %scan3A_513 = arith.constant 32 : i32
      %scan3A_514 = arith.addi %scan3A_512, %scan3A_513 : i32
      %scan3A_515 = arith.constant 1 : i32
      %scan3A_516 = scf.for %scan3A_526 = %scan3A_512 to %scan3A_514 step %scan3A_515 iter_args(%scan3A_527 = %scan3A_511) -> (i32)  : i32 {
        %mul3A_528 = arith.constant 16 : i32
        %mul3A_529 = arith.muli %scan3A_526, %mul3A_528 : i32
        %mul3A_530 = arith.constant 32 : i32
        %mul3A_531 = arith.muli %mul3A_529, %mul3A_530 : i32
        %gather3A_532 = tpu.memref_slice %arg10[%mul3A_531] : memref<16384xf32, #tpu.memory_space<vmem>> -> memref<512xf32, #tpu.memory_space<vmem>>
        %gather3A_533 = tpu.vector_load_idx %gather3A_532[%add3A_9] : memref<512xf32, #tpu.memory_space<vmem>>[vector<16xi32>], vector<16xf32>,
        %gather3A_534 = tpu.memref_slice %arg10[%mul3A_531] : memref<16384xf32, #tpu.memory_space<vmem>> -> memref<512xf32, #tpu.memory_space<vmem>>
        %gather3A_535 = tpu.vector_load_idx %gather3A_534[%add3A_19] : memref<512xf32, #tpu.memory_space<vmem>>[vector<16xi32>], vector<16xf32>,
        %gt3A_536 = arith.cmpf ogt, %gather3A_535, %gather3A_533 : vector<16xf32>
        %eq3A = arith.cmpf oeq, %gather3A_535, %gather3A_533 : vector<16xf32>
        %lt3A_537 = arith.cmpi slt, %add3A_19, %add3A_9 : vector<16xi32>
        %and3A_538 = arith.andi %eq3A, %lt3A_537 : vector<16xi1>
        %or3A = arith.ori %gt3A_536, %and3A_538 : vector<16xi1>
        %select_n3A = arith.select %or3A, %add3A_19, %add3A_9 : vector<16xi1>, vector<16xi32>
        %max3A = arith.maximumf %gather3A_535, %gather3A_533 : vector<16xf32>
        %gather3A_539 = tpu.memref_slice %arg10[%mul3A_531] : memref<16384xf32, #tpu.memory_space<vmem>> -> memref<512xf32, #tpu.memory_space<vmem>>
        %gather3A_540 = tpu.vector_load_idx %gather3A_539[%add3A_29] : memref<512xf32, #tpu.memory_space<vmem>>[vector<16xi32>], vector<16xf32>,
        %gt3A_541 = arith.cmpf ogt, %gather3A_540, %max3A : vector<16xf32>
        %eq3A_542 = arith.cmpf oeq, %gather3A_540, %max3A : vector<16xf32>
        %lt3A_543 = arith.cmpi slt, %add3A_29, %select_n3A : vector<16xi32>
        %and3A_544 = arith.andi %eq3A_542, %lt3A_543 : vector<16xi1>
        %or3A_545 = arith.ori %gt3A_541, %and3A_544 : vector<16xi1>
        %select_n3A_546 = arith.select %or3A_545, %add3A_29, %select_n3A : vector<16xi1>, vector<16xi32>
        %max3A_547 = arith.maximumf %gather3A_540, %max3A : vector<16xf32>
        %gather3A_548 = tpu.memref_slice %arg10[%mul3A_531] : memref<16384xf32, #tpu.memory_space<vmem>> -> memref<512xf32, #tpu.memory_space<vmem>>
        %gather3A_549 = tpu.vector_load_idx %gather3A_548[%add3A_39] : memref<512xf32, #tpu.memory_space<vmem>>[vector<16xi32>], vector<16xf32>,
        %gt3A_550 = arith.cmpf ogt, %gather3A_549, %max3A_547 : vector<16xf32>
        %eq3A_551 = arith.cmpf oeq, %gather3A_549, %max3A_547 : vector<16xf32>
        %lt3A_552 = arith.cmpi slt, %add3A_39, %select_n3A_546 : vector<16xi32>
        %and3A_553 = arith.andi %eq3A_551, %lt3A_552 : vector<16xi1>
        %or3A_554 = arith.ori %gt3A_550, %and3A_553 : vector<16xi1>
        %select_n3A_555 = arith.select %or3A_554, %add3A_39, %select_n3A_546 : vector<16xi1>, vector<16xi32>
        %max3A_556 = arith.maximumf %gather3A_549, %max3A_547 : vector<16xf32>
        %gather3A_557 = tpu.memref_slice %arg10[%mul3A_531] : memref<16384xf32, #tpu.memory_space<vmem>> -> memref<512xf32, #tpu.memory_space<vmem>>
        %gather3A_558 = tpu.vector_load_idx %gather3A_557[%add3A_49] : memref<512xf32, #tpu.memory_space<vmem>>[vector<16xi32>], vector<16xf32>,
        %gt3A_559 = arith.cmpf ogt, %gather3A_558, %max3A_556 : vector<16xf32>
        %eq3A_560 = arith.cmpf oeq, %gather3A_558, %max3A_556 : vector<16xf32>
        %lt3A_561 = arith.cmpi slt, %add3A_49, %select_n3A_555 : vector<16xi32>
        %and3A_562 = arith.andi %eq3A_560, %lt3A_561 : vector<16xi1>
        %or3A_563 = arith.ori %gt3A_559, %and3A_562 : vector<16xi1>
        %select_n3A_564 = arith.select %or3A_563, %add3A_49, %select_n3A_555 : vector<16xi1>, vector<16xi32>
        %max3A_565 = arith.maximumf %gather3A_558, %max3A_556 : vector<16xf32>
        %gather3A_566 = tpu.memref_slice %arg10[%mul3A_531] : memref<16384xf32, #tpu.memory_space<vmem>> -> memref<512xf32, #tpu.memory_space<vmem>>
        %gather3A_567 = tpu.vector_load_idx %gather3A_566[%add3A_59] : memref<512xf32, #tpu.memory_space<vmem>>[vector<16xi32>], vector<16xf32>,
        %gt3A_568 = arith.cmpf ogt, %gather3A_567, %max3A_565 : vector<16xf32>
        %eq3A_569 = arith.cmpf oeq, %gather3A_567, %max3A_565 : vector<16xf32>
        %lt3A_570 = arith.cmpi slt, %add3A_59, %select_n3A_564 : vector<16xi32>
        %and3A_571 = arith.andi %eq3A_569, %lt3A_570 : vector<16xi1>
        %or3A_572 = arith.ori %gt3A_568, %and3A_571 : vector<16xi1>
        %select_n3A_573 = arith.select %or3A_572, %add3A_59, %select_n3A_564 : vector<16xi1>, vector<16xi32>
        %max3A_574 = arith.maximumf %gather3A_567, %max3A_565 : vector<16xf32>
        %gather3A_575 = tpu.memref_slice %arg10[%mul3A_531] : memref<16384xf32, #tpu.memory_space<vmem>> -> memref<512xf32, #tpu.memory_space<vmem>>
        %gather3A_576 = tpu.vector_load_idx %gather3A_575[%add3A_69] : memref<512xf32, #tpu.memory_space<vmem>>[vector<16xi32>], vector<16xf32>,
        %gt3A_577 = arith.cmpf ogt, %gather3A_576, %max3A_574 : vector<16xf32>
        %eq3A_578 = arith.cmpf oeq, %gather3A_576, %max3A_574 : vector<16xf32>
        %lt3A_579 = arith.cmpi slt, %add3A_69, %select_n3A_573 : vector<16xi32>
        %and3A_580 = arith.andi %eq3A_578, %lt3A_579 : vector<16xi1>
        %or3A_581 = arith.ori %gt3A_577, %and3A_580 : vector<16xi1>
        %select_n3A_582 = arith.select %or3A_581, %add3A_69, %select_n3A_573 : vector<16xi1>, vector<16xi32>
        %max3A_583 = arith.maximumf %gather3A_576, %max3A_574 : vector<16xf32>
        %gather3A_584 = tpu.memref_slice %arg10[%mul3A_531] : memref<16384xf32, #tpu.memory_space<vmem>> -> memref<512xf32, #tpu.memory_space<vmem>>
        %gather3A_585 = tpu.vector_load_idx %gather3A_584[%add3A_79] : memref<512xf32, #tpu.memory_space<vmem>>[vector<16xi32>], vector<16xf32>,
        %gt3A_586 = arith.cmpf ogt, %gather3A_585, %max3A_583 : vector<16xf32>
        %eq3A_587 = arith.cmpf oeq, %gather3A_585, %max3A_583 : vector<16xf32>
        %lt3A_588 = arith.cmpi slt, %add3A_79, %select_n3A_582 : vector<16xi32>
        %and3A_589 = arith.andi %eq3A_587, %lt3A_588 : vector<16xi1>
        %or3A_590 = arith.ori %gt3A_586, %and3A_589 : vector<16xi1>
        %select_n3A_591 = arith.select %or3A_590, %add3A_79, %select_n3A_582 : vector<16xi1>, vector<16xi32>
        %max3A_592 = arith.maximumf %gather3A_585, %max3A_583 : vector<16xf32>
        %gather3A_593 = tpu.memref_slice %arg10[%mul3A_531] : memref<16384xf32, #tpu.memory_space<vmem>> -> memref<512xf32, #tpu.memory_space<vmem>>
        %gather3A_594 = tpu.vector_load_idx %gather3A_593[%add3A_89] : memref<512xf32, #tpu.memory_space<vmem>>[vector<16xi32>], vector<16xf32>,
        %gt3A_595 = arith.cmpf ogt, %gather3A_594, %max3A_592 : vector<16xf32>
        %eq3A_596 = arith.cmpf oeq, %gather3A_594, %max3A_592 : vector<16xf32>
        %lt3A_597 = arith.cmpi slt, %add3A_89, %select_n3A_591 : vector<16xi32>
        %and3A_598 = arith.andi %eq3A_596, %lt3A_597 : vector<16xi1>
        %or3A_599 = arith.ori %gt3A_595, %and3A_598 : vector<16xi1>
        %select_n3A_600 = arith.select %or3A_599, %add3A_89, %select_n3A_591 : vector<16xi1>, vector<16xi32>
        %max3A_601 = arith.maximumf %gather3A_594, %max3A_592 : vector<16xf32>
        %gather3A_602 = tpu.memref_slice %arg10[%mul3A_531] : memref<16384xf32, #tpu.memory_space<vmem>> -> memref<512xf32, #tpu.memory_space<vmem>>
        %gather3A_603 = tpu.vector_load_idx %gather3A_602[%add3A_99] : memref<512xf32, #tpu.memory_space<vmem>>[vector<16xi32>], vector<16xf32>,
        %gt3A_604 = arith.cmpf ogt, %gather3A_603, %max3A_601 : vector<16xf32>
        %eq3A_605 = arith.cmpf oeq, %gather3A_603, %max3A_601 : vector<16xf32>
        %lt3A_606 = arith.cmpi slt, %add3A_99, %select_n3A_600 : vector<16xi32>
        %and3A_607 = arith.andi %eq3A_605, %lt3A_606 : vector<16xi1>
        %or3A_608 = arith.ori %gt3A_604, %and3A_607 : vector<16xi1>
        %select_n3A_609 = arith.select %or3A_608, %add3A_99, %select_n3A_600 : vector<16xi1>, vector<16xi32>
        %max3A_610 = arith.maximumf %gather3A_603, %max3A_601 : vector<16xf32>
        %gather3A_611 = tpu.memref_slice %arg10[%mul3A_531] : memref<16384xf32, #tpu.memory_space<vmem>> -> memref<512xf32, #tpu.memory_space<vmem>>
        %gather3A_612 = tpu.vector_load_idx %gather3A_611[%add3A_109] : memref<512xf32, #tpu.memory_space<vmem>>[vector<16xi32>], vector<16xf32>,
        %gt3A_613 = arith.cmpf ogt, %gather3A_612, %max3A_610 : vector<16xf32>
        %eq3A_614 = arith.cmpf oeq, %gather3A_612, %max3A_610 : vector<16xf32>
        %lt3A_615 = arith.cmpi slt, %add3A_109, %select_n3A_609 : vector<16xi32>
        %and3A_616 = arith.andi %eq3A_614, %lt3A_615 : vector<16xi1>
        %or3A_617 = arith.ori %gt3A_613, %and3A_616 : vector<16xi1>
        %select_n3A_618 = arith.select %or3A_617, %add3A_109, %select_n3A_609 : vector<16xi1>, vector<16xi32>
        %max3A_619 = arith.maximumf %gather3A_612, %max3A_610 : vector<16xf32>
        %gather3A_620 = tpu.memref_slice %arg10[%mul3A_531] : memref<16384xf32, #tpu.memory_space<vmem>> -> memref<512xf32, #tpu.memory_space<vmem>>
        %gather3A_621 = tpu.vector_load_idx %gather3A_620[%add3A_119] : memref<512xf32, #tpu.memory_space<vmem>>[vector<16xi32>], vector<16xf32>,
        %gt3A_622 = arith.cmpf ogt, %gather3A_621, %max3A_619 : vector<16xf32>
        %eq3A_623 = arith.cmpf oeq, %gather3A_621, %max3A_619 : vector<16xf32>
        %lt3A_624 = arith.cmpi slt, %add3A_119, %select_n3A_618 : vector<16xi32>
        %and3A_625 = arith.andi %eq3A_623, %lt3A_624 : vector<16xi1>
        %or3A_626 = arith.ori %gt3A_622, %and3A_625 : vector<16xi1>
        %select_n3A_627 = arith.select %or3A_626, %add3A_119, %select_n3A_618 : vector<16xi1>, vector<16xi32>
        %max3A_628 = arith.maximumf %gather3A_621, %max3A_619 : vector<16xf32>
        %gather3A_629 = tpu.memref_slice %arg10[%mul3A_531] : memref<16384xf32, #tpu.memory_space<vmem>> -> memref<512xf32, #tpu.memory_space<vmem>>
        %gather3A_630 = tpu.vector_load_idx %gather3A_629[%add3A_129] : memref<512xf32, #tpu.memory_space<vmem>>[vector<16xi32>], vector<16xf32>,
        %gt3A_631 = arith.cmpf ogt, %gather3A_630, %max3A_628 : vector<16xf32>
        %eq3A_632 = arith.cmpf oeq, %gather3A_630, %max3A_628 : vector<16xf32>
        %lt3A_633 = arith.cmpi slt, %add3A_129, %select_n3A_627 : vector<16xi32>
        %and3A_634 = arith.andi %eq3A_632, %lt3A_633 : vector<16xi1>
        %or3A_635 = arith.ori %gt3A_631, %and3A_634 : vector<16xi1>
        %select_n3A_636 = arith.select %or3A_635, %add3A_129, %select_n3A_627 : vector<16xi1>, vector<16xi32>
        %max3A_637 = arith.maximumf %gather3A_630, %max3A_628 : vector<16xf32>
        %gather3A_638 = tpu.memref_slice %arg10[%mul3A_531] : memref<16384xf32, #tpu.memory_space<vmem>> -> memref<512xf32, #tpu.memory_space<vmem>>
        %gather3A_639 = tpu.vector_load_idx %gather3A_638[%add3A_139] : memref<512xf32, #tpu.memory_space<vmem>>[vector<16xi32>], vector<16xf32>,
        %gt3A_640 = arith.cmpf ogt, %gather3A_639, %max3A_637 : vector<16xf32>
        %eq3A_641 = arith.cmpf oeq, %gather3A_639, %max3A_637 : vector<16xf32>
        %lt3A_642 = arith.cmpi slt, %add3A_139, %select_n3A_636 : vector<16xi32>
        %and3A_643 = arith.andi %eq3A_641, %lt3A_642 : vector<16xi1>
        %or3A_644 = arith.ori %gt3A_640, %and3A_643 : vector<16xi1>
        %select_n3A_645 = arith.select %or3A_644, %add3A_139, %select_n3A_636 : vector<16xi1>, vector<16xi32>
        %max3A_646 = arith.maximumf %gather3A_639, %max3A_637 : vector<16xf32>
        %gather3A_647 = tpu.memref_slice %arg10[%mul3A_531] : memref<16384xf32, #tpu.memory_space<vmem>> -> memref<512xf32, #tpu.memory_space<vmem>>
        %gather3A_648 = tpu.vector_load_idx %gather3A_647[%add3A_149] : memref<512xf32, #tpu.memory_space<vmem>>[vector<16xi32>], vector<16xf32>,
        %gt3A_649 = arith.cmpf ogt, %gather3A_648, %max3A_646 : vector<16xf32>
        %eq3A_650 = arith.cmpf oeq, %gather3A_648, %max3A_646 : vector<16xf32>
        %lt3A_651 = arith.cmpi slt, %add3A_149, %select_n3A_645 : vector<16xi32>
        %and3A_652 = arith.andi %eq3A_650, %lt3A_651 : vector<16xi1>
        %or3A_653 = arith.ori %gt3A_649, %and3A_652 : vector<16xi1>
        %select_n3A_654 = arith.select %or3A_653, %add3A_149, %select_n3A_645 : vector<16xi1>, vector<16xi32>
        %max3A_655 = arith.maximumf %gather3A_648, %max3A_646 : vector<16xf32>
        %gather3A_656 = tpu.memref_slice %arg10[%mul3A_531] : memref<16384xf32, #tpu.memory_space<vmem>> -> memref<512xf32, #tpu.memory_space<vmem>>
        %gather3A_657 = tpu.vector_load_idx %gather3A_656[%add3A_159] : memref<512xf32, #tpu.memory_space<vmem>>[vector<16xi32>], vector<16xf32>,
        %gt3A_658 = arith.cmpf ogt, %gather3A_657, %max3A_655 : vector<16xf32>
        %eq3A_659 = arith.cmpf oeq, %gather3A_657, %max3A_655 : vector<16xf32>
        %lt3A_660 = arith.cmpi slt, %add3A_159, %select_n3A_654 : vector<16xi32>
        %and3A_661 = arith.andi %eq3A_659, %lt3A_660 : vector<16xi1>
        %or3A_662 = arith.ori %gt3A_658, %and3A_661 : vector<16xi1>
        %select_n3A_663 = arith.select %or3A_662, %add3A_159, %select_n3A_654 : vector<16xi1>, vector<16xi32>
        %max3A_664 = arith.maximumf %gather3A_657, %max3A_655 : vector<16xf32>
        %gather3A_665 = tpu.memref_slice %arg10[%mul3A_531] : memref<16384xf32, #tpu.memory_space<vmem>> -> memref<512xf32, #tpu.memory_space<vmem>>
        %gather3A_666 = tpu.vector_load_idx %gather3A_665[%add3A_169] : memref<512xf32, #tpu.memory_space<vmem>>[vector<16xi32>], vector<16xf32>,
        %gt3A_667 = arith.cmpf ogt, %gather3A_666, %max3A_664 : vector<16xf32>
        %eq3A_668 = arith.cmpf oeq, %gather3A_666, %max3A_664 : vector<16xf32>
        %lt3A_669 = arith.cmpi slt, %add3A_169, %select_n3A_663 : vector<16xi32>
        %and3A_670 = arith.andi %eq3A_668, %lt3A_669 : vector<16xi1>
        %or3A_671 = arith.ori %gt3A_667, %and3A_670 : vector<16xi1>
        %select_n3A_672 = arith.select %or3A_671, %add3A_169, %select_n3A_663 : vector<16xi1>, vector<16xi32>
        %max3A_673 = arith.maximumf %gather3A_666, %max3A_664 : vector<16xf32>
        %gather3A_674 = tpu.memref_slice %arg10[%mul3A_531] : memref<16384xf32, #tpu.memory_space<vmem>> -> memref<512xf32, #tpu.memory_space<vmem>>
        %gather3A_675 = tpu.vector_load_idx %gather3A_674[%add3A_179] : memref<512xf32, #tpu.memory_space<vmem>>[vector<16xi32>], vector<16xf32>,
        %gt3A_676 = arith.cmpf ogt, %gather3A_675, %max3A_673 : vector<16xf32>
        %eq3A_677 = arith.cmpf oeq, %gather3A_675, %max3A_673 : vector<16xf32>
        %lt3A_678 = arith.cmpi slt, %add3A_179, %select_n3A_672 : vector<16xi32>
        %and3A_679 = arith.andi %eq3A_677, %lt3A_678 : vector<16xi1>
        %or3A_680 = arith.ori %gt3A_676, %and3A_679 : vector<16xi1>
        %select_n3A_681 = arith.select %or3A_680, %add3A_179, %select_n3A_672 : vector<16xi1>, vector<16xi32>
        %max3A_682 = arith.maximumf %gather3A_675, %max3A_673 : vector<16xf32>
        %gather3A_683 = tpu.memref_slice %arg10[%mul3A_531] : memref<16384xf32, #tpu.memory_space<vmem>> -> memref<512xf32, #tpu.memory_space<vmem>>
        %gather3A_684 = tpu.vector_load_idx %gather3A_683[%add3A_189] : memref<512xf32, #tpu.memory_space<vmem>>[vector<16xi32>], vector<16xf32>,
        %gt3A_685 = arith.cmpf ogt, %gather3A_684, %max3A_682 : vector<16xf32>
        %eq3A_686 = arith.cmpf oeq, %gather3A_684, %max3A_682 : vector<16xf32>
        %lt3A_687 = arith.cmpi slt, %add3A_189, %select_n3A_681 : vector<16xi32>
        %and3A_688 = arith.andi %eq3A_686, %lt3A_687 : vector<16xi1>
        %or3A_689 = arith.ori %gt3A_685, %and3A_688 : vector<16xi1>
        %select_n3A_690 = arith.select %or3A_689, %add3A_189, %select_n3A_681 : vector<16xi1>, vector<16xi32>
        %max3A_691 = arith.maximumf %gather3A_684, %max3A_682 : vector<16xf32>
        %gather3A_692 = tpu.memref_slice %arg10[%mul3A_531] : memref<16384xf32, #tpu.memory_space<vmem>> -> memref<512xf32, #tpu.memory_space<vmem>>
        %gather3A_693 = tpu.vector_load_idx %gather3A_692[%add3A_199] : memref<512xf32, #tpu.memory_space<vmem>>[vector<16xi32>], vector<16xf32>,
        %gt3A_694 = arith.cmpf ogt, %gather3A_693, %max3A_691 : vector<16xf32>
        %eq3A_695 = arith.cmpf oeq, %gather3A_693, %max3A_691 : vector<16xf32>
        %lt3A_696 = arith.cmpi slt, %add3A_199, %select_n3A_690 : vector<16xi32>
        %and3A_697 = arith.andi %eq3A_695, %lt3A_696 : vector<16xi1>
        %or3A_698 = arith.ori %gt3A_694, %and3A_697 : vector<16xi1>
        %select_n3A_699 = arith.select %or3A_698, %add3A_199, %select_n3A_690 : vector<16xi1>, vector<16xi32>
        %max3A_700 = arith.maximumf %gather3A_693, %max3A_691 : vector<16xf32>
        %gather3A_701 = tpu.memref_slice %arg10[%mul3A_531] : memref<16384xf32, #tpu.memory_space<vmem>> -> memref<512xf32, #tpu.memory_space<vmem>>
        %gather3A_702 = tpu.vector_load_idx %gather3A_701[%add3A_209] : memref<512xf32, #tpu.memory_space<vmem>>[vector<16xi32>], vector<16xf32>,
        %gt3A_703 = arith.cmpf ogt, %gather3A_702, %max3A_700 : vector<16xf32>
        %eq3A_704 = arith.cmpf oeq, %gather3A_702, %max3A_700 : vector<16xf32>
        %lt3A_705 = arith.cmpi slt, %add3A_209, %select_n3A_699 : vector<16xi32>
        %and3A_706 = arith.andi %eq3A_704, %lt3A_705 : vector<16xi1>
        %or3A_707 = arith.ori %gt3A_703, %and3A_706 : vector<16xi1>
        %select_n3A_708 = arith.select %or3A_707, %add3A_209, %select_n3A_699 : vector<16xi1>, vector<16xi32>
        %max3A_709 = arith.maximumf %gather3A_702, %max3A_700 : vector<16xf32>
        %gather3A_710 = tpu.memref_slice %arg10[%mul3A_531] : memref<16384xf32, #tpu.memory_space<vmem>> -> memref<512xf32, #tpu.memory_space<vmem>>
        %gather3A_711 = tpu.vector_load_idx %gather3A_710[%add3A_219] : memref<512xf32, #tpu.memory_space<vmem>>[vector<16xi32>], vector<16xf32>,
        %gt3A_712 = arith.cmpf ogt, %gather3A_711, %max3A_709 : vector<16xf32>
        %eq3A_713 = arith.cmpf oeq, %gather3A_711, %max3A_709 : vector<16xf32>
        %lt3A_714 = arith.cmpi slt, %add3A_219, %select_n3A_708 : vector<16xi32>
        %and3A_715 = arith.andi %eq3A_713, %lt3A_714 : vector<16xi1>
        %or3A_716 = arith.ori %gt3A_712, %and3A_715 : vector<16xi1>
        %select_n3A_717 = arith.select %or3A_716, %add3A_219, %select_n3A_708 : vector<16xi1>, vector<16xi32>
        %max3A_718 = arith.maximumf %gather3A_711, %max3A_709 : vector<16xf32>
        %gather3A_719 = tpu.memref_slice %arg10[%mul3A_531] : memref<16384xf32, #tpu.memory_space<vmem>> -> memref<512xf32, #tpu.memory_space<vmem>>
        %gather3A_720 = tpu.vector_load_idx %gather3A_719[%add3A_229] : memref<512xf32, #tpu.memory_space<vmem>>[vector<16xi32>], vector<16xf32>,
        %gt3A_721 = arith.cmpf ogt, %gather3A_720, %max3A_718 : vector<16xf32>
        %eq3A_722 = arith.cmpf oeq, %gather3A_720, %max3A_718 : vector<16xf32>
        %lt3A_723 = arith.cmpi slt, %add3A_229, %select_n3A_717 : vector<16xi32>
        %and3A_724 = arith.andi %eq3A_722, %lt3A_723 : vector<16xi1>
        %or3A_725 = arith.ori %gt3A_721, %and3A_724 : vector<16xi1>
        %select_n3A_726 = arith.select %or3A_725, %add3A_229, %select_n3A_717 : vector<16xi1>, vector<16xi32>
        %max3A_727 = arith.maximumf %gather3A_720, %max3A_718 : vector<16xf32>
        %gather3A_728 = tpu.memref_slice %arg10[%mul3A_531] : memref<16384xf32, #tpu.memory_space<vmem>> -> memref<512xf32, #tpu.memory_space<vmem>>
        %gather3A_729 = tpu.vector_load_idx %gather3A_728[%add3A_239] : memref<512xf32, #tpu.memory_space<vmem>>[vector<16xi32>], vector<16xf32>,
        %gt3A_730 = arith.cmpf ogt, %gather3A_729, %max3A_727 : vector<16xf32>
        %eq3A_731 = arith.cmpf oeq, %gather3A_729, %max3A_727 : vector<16xf32>
        %lt3A_732 = arith.cmpi slt, %add3A_239, %select_n3A_726 : vector<16xi32>
        %and3A_733 = arith.andi %eq3A_731, %lt3A_732 : vector<16xi1>
        %or3A_734 = arith.ori %gt3A_730, %and3A_733 : vector<16xi1>
        %select_n3A_735 = arith.select %or3A_734, %add3A_239, %select_n3A_726 : vector<16xi1>, vector<16xi32>
        %max3A_736 = arith.maximumf %gather3A_729, %max3A_727 : vector<16xf32>
        %gather3A_737 = tpu.memref_slice %arg10[%mul3A_531] : memref<16384xf32, #tpu.memory_space<vmem>> -> memref<512xf32, #tpu.memory_space<vmem>>
        %gather3A_738 = tpu.vector_load_idx %gather3A_737[%add3A_249] : memref<512xf32, #tpu.memory_space<vmem>>[vector<16xi32>], vector<16xf32>,
        %gt3A_739 = arith.cmpf ogt, %gather3A_738, %max3A_736 : vector<16xf32>
        %eq3A_740 = arith.cmpf oeq, %gather3A_738, %max3A_736 : vector<16xf32>
        %lt3A_741 = arith.cmpi slt, %add3A_249, %select_n3A_735 : vector<16xi32>
        %and3A_742 = arith.andi %eq3A_740, %lt3A_741 : vector<16xi1>
        %or3A_743 = arith.ori %gt3A_739, %and3A_742 : vector<16xi1>
        %select_n3A_744 = arith.select %or3A_743, %add3A_249, %select_n3A_735 : vector<16xi1>, vector<16xi32>
        %max3A_745 = arith.maximumf %gather3A_738, %max3A_736 : vector<16xf32>
        %gather3A_746 = tpu.memref_slice %arg10[%mul3A_531] : memref<16384xf32, #tpu.memory_space<vmem>> -> memref<512xf32, #tpu.memory_space<vmem>>
        %gather3A_747 = tpu.vector_load_idx %gather3A_746[%add3A_259] : memref<512xf32, #tpu.memory_space<vmem>>[vector<16xi32>], vector<16xf32>,
        %gt3A_748 = arith.cmpf ogt, %gather3A_747, %max3A_745 : vector<16xf32>
        %eq3A_749 = arith.cmpf oeq, %gather3A_747, %max3A_745 : vector<16xf32>
        %lt3A_750 = arith.cmpi slt, %add3A_259, %select_n3A_744 : vector<16xi32>
        %and3A_751 = arith.andi %eq3A_749, %lt3A_750 : vector<16xi1>
        %or3A_752 = arith.ori %gt3A_748, %and3A_751 : vector<16xi1>
        %select_n3A_753 = arith.select %or3A_752, %add3A_259, %select_n3A_744 : vector<16xi1>, vector<16xi32>
        %max3A_754 = arith.maximumf %gather3A_747, %max3A_745 : vector<16xf32>
        %gather3A_755 = tpu.memref_slice %arg10[%mul3A_531] : memref<16384xf32, #tpu.memory_space<vmem>> -> memref<512xf32, #tpu.memory_space<vmem>>
        %gather3A_756 = tpu.vector_load_idx %gather3A_755[%add3A_269] : memref<512xf32, #tpu.memory_space<vmem>>[vector<16xi32>], vector<16xf32>,
        %gt3A_757 = arith.cmpf ogt, %gather3A_756, %max3A_754 : vector<16xf32>
        %eq3A_758 = arith.cmpf oeq, %gather3A_756, %max3A_754 : vector<16xf32>
        %lt3A_759 = arith.cmpi slt, %add3A_269, %select_n3A_753 : vector<16xi32>
        %and3A_760 = arith.andi %eq3A_758, %lt3A_759 : vector<16xi1>
        %or3A_761 = arith.ori %gt3A_757, %and3A_760 : vector<16xi1>
        %select_n3A_762 = arith.select %or3A_761, %add3A_269, %select_n3A_753 : vector<16xi1>, vector<16xi32>
        %max3A_763 = arith.maximumf %gather3A_756, %max3A_754 : vector<16xf32>
        %gather3A_764 = tpu.memref_slice %arg10[%mul3A_531] : memref<16384xf32, #tpu.memory_space<vmem>> -> memref<512xf32, #tpu.memory_space<vmem>>
        %gather3A_765 = tpu.vector_load_idx %gather3A_764[%add3A_279] : memref<512xf32, #tpu.memory_space<vmem>>[vector<16xi32>], vector<16xf32>,
        %gt3A_766 = arith.cmpf ogt, %gather3A_765, %max3A_763 : vector<16xf32>
        %eq3A_767 = arith.cmpf oeq, %gather3A_765, %max3A_763 : vector<16xf32>
        %lt3A_768 = arith.cmpi slt, %add3A_279, %select_n3A_762 : vector<16xi32>
        %and3A_769 = arith.andi %eq3A_767, %lt3A_768 : vector<16xi1>
        %or3A_770 = arith.ori %gt3A_766, %and3A_769 : vector<16xi1>
        %select_n3A_771 = arith.select %or3A_770, %add3A_279, %select_n3A_762 : vector<16xi1>, vector<16xi32>
        %max3A_772 = arith.maximumf %gather3A_765, %max3A_763 : vector<16xf32>
        %gather3A_773 = tpu.memref_slice %arg10[%mul3A_531] : memref<16384xf32, #tpu.memory_space<vmem>> -> memref<512xf32, #tpu.memory_space<vmem>>
        %gather3A_774 = tpu.vector_load_idx %gather3A_773[%add3A_289] : memref<512xf32, #tpu.memory_space<vmem>>[vector<16xi32>], vector<16xf32>,
        %gt3A_775 = arith.cmpf ogt, %gather3A_774, %max3A_772 : vector<16xf32>
        %eq3A_776 = arith.cmpf oeq, %gather3A_774, %max3A_772 : vector<16xf32>
        %lt3A_777 = arith.cmpi slt, %add3A_289, %select_n3A_771 : vector<16xi32>
        %and3A_778 = arith.andi %eq3A_776, %lt3A_777 : vector<16xi1>
        %or3A_779 = arith.ori %gt3A_775, %and3A_778 : vector<16xi1>
        %select_n3A_780 = arith.select %or3A_779, %add3A_289, %select_n3A_771 : vector<16xi1>, vector<16xi32>
        %max3A_781 = arith.maximumf %gather3A_774, %max3A_772 : vector<16xf32>
        %gather3A_782 = tpu.memref_slice %arg10[%mul3A_531] : memref<16384xf32, #tpu.memory_space<vmem>> -> memref<512xf32, #tpu.memory_space<vmem>>
        %gather3A_783 = tpu.vector_load_idx %gather3A_782[%add3A_299] : memref<512xf32, #tpu.memory_space<vmem>>[vector<16xi32>], vector<16xf32>,
        %gt3A_784 = arith.cmpf ogt, %gather3A_783, %max3A_781 : vector<16xf32>
        %eq3A_785 = arith.cmpf oeq, %gather3A_783, %max3A_781 : vector<16xf32>
        %lt3A_786 = arith.cmpi slt, %add3A_299, %select_n3A_780 : vector<16xi32>
        %and3A_787 = arith.andi %eq3A_785, %lt3A_786 : vector<16xi1>
        %or3A_788 = arith.ori %gt3A_784, %and3A_787 : vector<16xi1>
        %select_n3A_789 = arith.select %or3A_788, %add3A_299, %select_n3A_780 : vector<16xi1>, vector<16xi32>
        %max3A_790 = arith.maximumf %gather3A_783, %max3A_781 : vector<16xf32>
        %gather3A_791 = tpu.memref_slice %arg10[%mul3A_531] : memref<16384xf32, #tpu.memory_space<vmem>> -> memref<512xf32, #tpu.memory_space<vmem>>
        %gather3A_792 = tpu.vector_load_idx %gather3A_791[%add3A_309] : memref<512xf32, #tpu.memory_space<vmem>>[vector<16xi32>], vector<16xf32>,
        %gt3A_793 = arith.cmpf ogt, %gather3A_792, %max3A_790 : vector<16xf32>
        %eq3A_794 = arith.cmpf oeq, %gather3A_792, %max3A_790 : vector<16xf32>
        %lt3A_795 = arith.cmpi slt, %add3A_309, %select_n3A_789 : vector<16xi32>
        %and3A_796 = arith.andi %eq3A_794, %lt3A_795 : vector<16xi1>
        %or3A_797 = arith.ori %gt3A_793, %and3A_796 : vector<16xi1>
        %select_n3A_798 = arith.select %or3A_797, %add3A_309, %select_n3A_789 : vector<16xi1>, vector<16xi32>
        %max3A_799 = arith.maximumf %gather3A_792, %max3A_790 : vector<16xf32>
        %gather3A_800 = tpu.memref_slice %arg10[%mul3A_531] : memref<16384xf32, #tpu.memory_space<vmem>> -> memref<512xf32, #tpu.memory_space<vmem>>
        %gather3A_801 = tpu.vector_load_idx %gather3A_800[%add3A_319] : memref<512xf32, #tpu.memory_space<vmem>>[vector<16xi32>], vector<16xf32>,
        %gt3A_802 = arith.cmpf ogt, %gather3A_801, %max3A_799 : vector<16xf32>
        %eq3A_803 = arith.cmpf oeq, %gather3A_801, %max3A_799 : vector<16xf32>
        %lt3A_804 = arith.cmpi slt, %add3A_319, %select_n3A_798 : vector<16xi32>
        %and3A_805 = arith.andi %eq3A_803, %lt3A_804 : vector<16xi1>
        %or3A_806 = arith.ori %gt3A_802, %and3A_805 : vector<16xi1>
        %select_n3A_807 = arith.select %or3A_806, %add3A_319, %select_n3A_798 : vector<16xi1>, vector<16xi32>
        %max3A_808 = arith.maximumf %gather3A_801, %max3A_799 : vector<16xf32>
        %and3A_809 = arith.constant 31 : i32
        %and3A_810 = vector.broadcast %and3A_809 : i32 to vector<16xi32>
        %and3A_811 = arith.andi %select_n3A_807, %and3A_810 : vector<16xi32>
        %convert_element_type3A_812 = arith.sitofp %and3A_811 : vector<16xi32> to vector<16xf32>
        %mul3A_813 = arith.constant 512 : i32
        %mul3A_814 = arith.muli %add3A_504, %mul3A_813 : i32
        %mul3A_815 = arith.constant 16 : i32
        %mul3A_816 = arith.muli %scan3A_526, %mul3A_815 : i32
        %add3A_817 = arith.addi %mul3A_814, %mul3A_816 : i32
        %swap3A = arith.index_cast %add3A_817 : i32 to index
        %swap3A_818 = tpu.vector_load %arg11[%swap3A] {strides = array<i32>} : memref<8192xf32, #tpu.memory_space<vmem>>, vector<16xf32>,
        tpu.vector_store %arg11[%swap3A], %convert_element_type3A_812 {strides = array<i32>} : memref<8192xf32, #tpu.memory_space<vmem>>, vector<16xf32>,
        %scan3A_819 = arith.constant 0 : i32
        scf.yield %scan3A_819 : i32
      }
      %scan3A_517 = arith.constant 32 : i32
      %add3A_518 = arith.constant 4 : i32
      %add3A_519 = arith.addi %add3A_504, %add3A_518 : i32
      %lt3A_520 = arith.constant 16 : i32
      %lt3A_521 = arith.cmpi slt, %add3A_519, %lt3A_520 : i32
      %convert_element_type3A_522 = arith.extui %lt3A_521 : i1 to i32
      %cond3A_523 = arith.constant 0 : i32
      %cond3A_524 = arith.cmpi ne, %convert_element_type3A_522, %cond3A_523 : i32
      scf.if %cond3A_524 {
        %add3A_526 = arith.constant 4 : i32
        %add3A_527 = arith.addi %add3A_504, %add3A_526 : i32
        %mul3A_528 = arith.constant 16384 : i32
        %mul3A_529 = arith.muli %add3A_527, %mul3A_528 : i32
        %dma_start3A_530 = tpu.memref_slice %arg3[%add3A_375, %mul3A_529] : memref<64x262144xf32, #tpu.memory_space<hbm>> -> memref<1x16384xf32, #tpu.memory_space<hbm>>
        %dma_start3A_531 = tpu.memref_squeeze %dma_start3A_530 : memref<1x16384xf32, #tpu.memory_space<hbm>> -> memref<16384xf32, #tpu.memory_space<hbm>>
        %dma_start3A_532 = tpu.memref_slice %arg3[%add3A_375, %mul3A_529] : memref<64x262144xf32, #tpu.memory_space<hbm>> -> memref<1x16384xf32, #tpu.memory_space<hbm>>
        %dma_start3A_533 = tpu.memref_squeeze %dma_start3A_532 : memref<1x16384xf32, #tpu.memory_space<hbm>> -> memref<16384xf32, #tpu.memory_space<hbm>>
        tpu.enqueue_dma source(%dma_start3A_533 : memref<16384xf32, #tpu.memory_space<hbm>>) target(%arg10 : memref<16384xf32, #tpu.memory_space<vmem>>) target_semaphore(%arg18 : memref<!tpu.dma_semaphore, #tpu.memory_space<semaphore_mem>>)
      } else {
      }
      %scan3A_525 = arith.constant 0 : i32
      scf.yield %scan3A_525 : i32
    }
    %scan3A_406 = arith.constant 4 : i32
    "tpu.region"() ({
      %run_scoped3A = tpu.sem_alloc : memref<!tpu.dma_semaphore, #tpu.memory_space<semaphore_mem>>
      %dma_start3A_431 = arith.constant 0 : i32
      %dma_start3A_432 = tpu.memref_slice %arg2[%add3A_375, %dma_start3A_431] : memref<64x8192xf32, #tpu.memory_space<hbm>> -> memref<1x8192xf32, #tpu.memory_space<hbm>>
      %dma_start3A_433 = tpu.memref_squeeze %dma_start3A_432 : memref<1x8192xf32, #tpu.memory_space<hbm>> -> memref<8192xf32, #tpu.memory_space<hbm>>
      %dma_start3A_434 = arith.constant 0 : i32
      %dma_start3A_435 = tpu.memref_slice %arg2[%add3A_375, %dma_start3A_434] : memref<64x8192xf32, #tpu.memory_space<hbm>> -> memref<1x8192xf32, #tpu.memory_space<hbm>>
      %dma_start3A_436 = tpu.memref_squeeze %dma_start3A_435 : memref<1x8192xf32, #tpu.memory_space<hbm>> -> memref<8192xf32, #tpu.memory_space<hbm>>
      tpu.enqueue_dma source(%dma_start3A_436 : memref<8192xf32, #tpu.memory_space<hbm>>) target(%arg12 : memref<8192xf32, #tpu.memory_space<vmem>>) target_semaphore(%run_scoped3A : memref<!tpu.dma_semaphore, #tpu.memory_space<semaphore_mem>>)
      %dma_wait3A = arith.constant 0 : i32
      %dma_wait3A_437 = tpu.memref_slice %arg2[%add3A_375, %dma_wait3A] : memref<64x8192xf32, #tpu.memory_space<hbm>> -> memref<1x8192xf32, #tpu.memory_space<hbm>>
      %dma_wait3A_438 = tpu.memref_squeeze %dma_wait3A_437 : memref<1x8192xf32, #tpu.memory_space<hbm>> -> memref<8192xf32, #tpu.memory_space<hbm>>
      %dma_wait3A_439 = arith.constant 0 : i32
      %dma_wait3A_440 = tpu.memref_slice %arg2[%add3A_375, %dma_wait3A_439] : memref<64x8192xf32, #tpu.memory_space<hbm>> -> memref<1x8192xf32, #tpu.memory_space<hbm>>
      %dma_wait3A_441 = tpu.memref_squeeze %dma_wait3A_440 : memref<1x8192xf32, #tpu.memory_space<hbm>> -> memref<8192xf32, #tpu.memory_space<hbm>>
      tpu.wait_dma2 semaphore(%run_scoped3A : memref<!tpu.dma_semaphore, #tpu.memory_space<semaphore_mem>>) src(%dma_wait3A_441 : memref<8192xf32, #tpu.memory_space<hbm>>) dst(%arg12 : memref<8192xf32, #tpu.memory_space<vmem>>)
      tpu.yield
    }) : () -> ()
    %broadcast_in_dim3A_407 = arith.constant 0.000000e+00 : f32
    %broadcast_in_dim3A_408 = vector.broadcast %broadcast_in_dim3A_407 : f32 to vector<16xf32>
    %scan3A_409 = arith.constant 0 : i32
    %scan3A_410 = arith.constant 512 : i32
    %scan3A_411 = arith.addi %scan3A_409, %scan3A_410 : i32
    %scan3A_412 = arith.constant 1 : i32
    %scan3A_413 = scf.for %scan3A_431 = %scan3A_409 to %scan3A_411 step %scan3A_412 iter_args(%scan3A_432 = %broadcast_in_dim3A_408) -> (vector<16xf32>)  : i32 {
      %mul3A_433 = arith.constant 16 : i32
      %mul3A_434 = arith.muli %scan3A_431, %mul3A_433 : i32
      %get3A = arith.index_cast %mul3A_434 : i32 to index
      %get3A_435 = tpu.vector_load %arg11[%get3A] {strides = array<i32>} : memref<8192xf32, #tpu.memory_space<vmem>>, vector<16xf32>,
      %mul3A_436 = arith.constant 16 : i32
      %mul3A_437 = arith.muli %scan3A_431, %mul3A_436 : i32
      %get3A_438 = arith.index_cast %mul3A_437 : i32 to index
      %get3A_439 = tpu.vector_load %arg12[%get3A_438] {strides = array<i32>} : memref<8192xf32, #tpu.memory_space<vmem>>, vector<16xf32>,
      %mul3A_440 = arith.constant 16 : i32
      %mul3A_441 = arith.muli %scan3A_431, %mul3A_440 : i32
      %get3A_442 = arith.index_cast %mul3A_441 : i32 to index
      %get3A_443 = tpu.vector_load %arg13[%get3A_442] {strides = array<i32>} : memref<8192xf32, #tpu.memory_space<vmem>>, vector<16xf32>,
      %sub3A = arith.subf %get3A_435, %get3A_439 : vector<16xf32>
      %mul3A_444 = arith.mulf %sub3A, %get3A_443 : vector<16xf32>
      %add3A_445 = arith.addf %scan3A_432, %mul3A_444 : vector<16xf32>
      scf.yield %add3A_445 : vector<16xf32>
    }
    %scan3A_414 = arith.constant 512 : i32
    %reduce_sum3A_415 = arith.constant true
    %reduce_sum3A_416 = vector.broadcast %reduce_sum3A_415 : i1 to vector<16xi1>
    %reduce_sum3A_417 = tpu.scan <sum>, %scan3A_413 masked %reduce_sum3A_416 : vector<16xf32>, vector<16xi1> -> vector<16xf32>
    %reduce_sum3A_418 = vector.extract %reduce_sum3A_417[15] : f32 from vector<16xf32>
    %broadcast_in_dim3A_419 = vector.broadcast %reduce_sum3A_418 : f32 to vector<16xf32>
    %exp3A_420 = math.exp %broadcast_in_dim3A_419 : vector<16xf32>
    %broadcast_in_dim3A_421 = vector.broadcast %add3A_375 : i32 to vector<16xi32>
    %gather3A_422 = tpu.vector_load_idx %arg14[%broadcast_in_dim3A_421] : memref<64xf32, #tpu.memory_space<vmem>>[vector<16xi32>], vector<16xf32>,
    %gt3A_423 = arith.cmpf ogt, %exp3A_420, %gather3A_422 : vector<16xf32>
    %scan3A_424 = arith.constant 0 : i32
    %scan3A_425 = arith.constant 0 : i32
    %scan3A_426 = arith.constant 512 : i32
    %scan3A_427 = arith.addi %scan3A_425, %scan3A_426 : i32
    %scan3A_428 = arith.constant 1 : i32
    %scan3A_429 = scf.for %scan3A_431 = %scan3A_425 to %scan3A_427 step %scan3A_428 iter_args(%scan3A_432 = %scan3A_424) -> (i32)  : i32 {
      %mul3A_433 = arith.constant 16 : i32
      %mul3A_434 = arith.muli %scan3A_431, %mul3A_433 : i32
      %get3A = arith.index_cast %mul3A_434 : i32 to index
      %get3A_435 = tpu.vector_load %arg11[%get3A] {strides = array<i32>} : memref<8192xf32, #tpu.memory_space<vmem>>, vector<16xf32>,
      %mul3A_436 = arith.constant 16 : i32
      %mul3A_437 = arith.muli %scan3A_431, %mul3A_436 : i32
      %get3A_438 = arith.index_cast %mul3A_437 : i32 to index
      %get3A_439 = tpu.vector_load %arg12[%get3A_438] {strides = array<i32>} : memref<8192xf32, #tpu.memory_space<vmem>>, vector<16xf32>,
      %select_n3A = arith.select %gt3A_423, %get3A_435, %get3A_439 : vector<16xi1>, vector<16xf32>
      %mul3A_440 = arith.constant 16 : i32
      %mul3A_441 = arith.muli %scan3A_431, %mul3A_440 : i32
      %swap3A = arith.index_cast %mul3A_441 : i32 to index
      %swap3A_442 = tpu.vector_load %arg11[%swap3A] {strides = array<i32>} : memref<8192xf32, #tpu.memory_space<vmem>>, vector<16xf32>,
      tpu.vector_store %arg11[%swap3A], %select_n3A {strides = array<i32>} : memref<8192xf32, #tpu.memory_space<vmem>>, vector<16xf32>,
      %scan3A_443 = arith.constant 0 : i32
      scf.yield %scan3A_443 : i32
    }
    %scan3A_430 = arith.constant 512 : i32
    "tpu.region"() ({
      %run_scoped3A = tpu.sem_alloc : memref<!tpu.dma_semaphore, #tpu.memory_space<semaphore_mem>>
      %dma_start3A_431 = arith.constant 0 : i32
      %dma_start3A_432 = tpu.memref_slice %arg6[%add3A_375, %dma_start3A_431] : memref<64x8192xf32, #tpu.memory_space<hbm>> -> memref<1x8192xf32, #tpu.memory_space<hbm>>
      %dma_start3A_433 = tpu.memref_squeeze %dma_start3A_432 : memref<1x8192xf32, #tpu.memory_space<hbm>> -> memref<8192xf32, #tpu.memory_space<hbm>>
      %dma_start3A_434 = arith.constant 0 : i32
      %dma_start3A_435 = tpu.memref_slice %arg6[%add3A_375, %dma_start3A_434] : memref<64x8192xf32, #tpu.memory_space<hbm>> -> memref<1x8192xf32, #tpu.memory_space<hbm>>
      %dma_start3A_436 = tpu.memref_squeeze %dma_start3A_435 : memref<1x8192xf32, #tpu.memory_space<hbm>> -> memref<8192xf32, #tpu.memory_space<hbm>>
      tpu.enqueue_dma source(%arg11 : memref<8192xf32, #tpu.memory_space<vmem>>) target(%dma_start3A_436 : memref<8192xf32, #tpu.memory_space<hbm>>) target_semaphore(%run_scoped3A : memref<!tpu.dma_semaphore, #tpu.memory_space<semaphore_mem>>)
      %dma_wait3A = arith.constant 0 : i32
      %dma_wait3A_437 = tpu.memref_slice %arg6[%add3A_375, %dma_wait3A] : memref<64x8192xf32, #tpu.memory_space<hbm>> -> memref<1x8192xf32, #tpu.memory_space<hbm>>
      %dma_wait3A_438 = tpu.memref_squeeze %dma_wait3A_437 : memref<1x8192xf32, #tpu.memory_space<hbm>> -> memref<8192xf32, #tpu.memory_space<hbm>>
      %dma_wait3A_439 = arith.constant 0 : i32
      %dma_wait3A_440 = tpu.memref_slice %arg6[%add3A_375, %dma_wait3A_439] : memref<64x8192xf32, #tpu.memory_space<hbm>> -> memref<1x8192xf32, #tpu.memory_space<hbm>>
      %dma_wait3A_441 = tpu.memref_squeeze %dma_wait3A_440 : memref<1x8192xf32, #tpu.memory_space<hbm>> -> memref<8192xf32, #tpu.memory_space<hbm>>
      tpu.wait_dma2 semaphore(%run_scoped3A : memref<!tpu.dma_semaphore, #tpu.memory_space<semaphore_mem>>) src(%arg11 : memref<8192xf32, #tpu.memory_space<vmem>>) dst(%dma_wait3A_441 : memref<8192xf32, #tpu.memory_space<hbm>>)
      tpu.yield
    }) : () -> ()
    return
  }
}

</mosaic_0001>

<sc_bundles>
// kernel: kernel.3.cloned.1.call-start
scs
__scs_entry_jumppad:
0x0: {  	(pc) =	sbr.rel $0x88, $3  }
0x1: {  	(tag) =	ssettag $0x0;
	lr =	simm.s32 $0x1  }
0x2: {  	[smem:$0x3F9D] =	sst lr;
	_ =	strace $0xD0000000  }
0x3: {  	_ = 	snop  }
0x4: {  	_ = 	snop  }
0x5: {  	_ = 	snop  }
0x6: {  	_ = 	snop  }
0x7: {  	_ = 	snop  }
__scs_overlays_trampoline_lowered:
0x8: {  	[smem:$0x3FAC] =	sst s0  }
0x9: {  	[smem:$0x3FAD] =	sst s1  }
0xa: {  	[smem:$0x3FAE] =	sst s2  }
0xb: {  	[smem:$0x3FAF] =	sst s3  }
0xc: {  	[smem:$0x3FB0] =	sst s4  }
0xd: {  	[smem:$0x3FB1] =	sst s5  }
0xe: {  	[smem:$0x3FB2] =	sst s6  }
0xf: {  	[smem:$0x3FB3] =	sst s7  }
0x10: {  	[smem:$0x3FB4] =	sst s8  }
0x11: {  	[smem:$0x3FB5] =	sst s9;
	s0 =	simm.s32 @!p0 $0x0  }
0x12: {  	s1 =	sld [smem:$0x3F9B];
	s0 =	simm.s32 @p0 $0x1  }
0x13: {  	[smem:$0x3FB6] =	sst s0;
	s0 =	simm.s32 @!p1 $0x0  }
0x14: {  	s2 =	sld [smem:$0x3F9A];
	s0 =	simm.s32 @p1 $0x1  }
0x15: {  	[smem:$0x3FB7] =	sst s0;
	s0 =	simm.s32 @!p2 $0x0  }
0x16: {  	s3 =	sld [smem:$0x3FDB];
	s0 =	simm.s32 @p2 $0x1  }
0x17: {  	s4 =	simm.s32 $0x1BF5;
	[smem:$0x3FB9] =	sst s0  }
0x18: {  	s0 =	sld [smem:$0x3F9C];
	_ =	swait.ge [sflag:s4], $0x0  }
0x19: {  	s7 =	sld [smem:$0x3F9D]  }
0x1a: {  	s8 =	sadd.s32 $0xFFFFE003, lr  }
0x1b: {  	s9 =	sadd.s32 $0xFFFFFEF7, lr;
	s5 =	simm.s32 $0xFFFFFFFF;
	p2 =	slt.u32 s8, $0xFFFFF086  }
0x1c: {  	p1 =	slt.u32 s9, $0xF7A;
	s5 =	simm.s32 @!p2 $0x0  }
0x1d: {  	s5 =	simm.s32 @p1 $0x1;
	p0 =	seq.s32 s7, s2  }
0x1e: {  	s7 =	smul.u32 @!p0 $0xF7A, s2;
	p2 =	seq.s32 @!p0 s5, $0x0  }
0x1f: {  	s9 =	smul.u32 $0xF7A, s1;
	s8 =	simm.s32 @!p0 $0x1BF5;
	p2 =	por !p2, p0  }
0x20: {  	[sflag:s8] =	ssyncset.s32 @!p0 $0xFFFFF086;
	s6 =	sadd.s32 @!p0 s3, s7;
	s7 =	simm.s32 @!p0 $0x108  }
0x21: {  	s3 =	sadd.s32 s3, s9;
	s6 =	sadd.s32 @!p0 $0x88, s6;
	s7 =	simm.s32 @p2 $0x1082  }
0x22: {  	[simem:s7], [sflag:s8] =	dma.local @!p0 [hbm:s6], $0xF7A  }
0x23: {  	s9 =	sor.u32 $0xD0000000, s2;
	s6 =	simm.s32 $0x108;
	_ =	swait.ge @!p0 [sflag:s8], $0x0  }
0x24: {  	s3 =	sadd.s32 $0x88, s3;
	s6 =	simm.s32 @!p1 $0x1082;
	[sflag:s4] =	ssyncset.s32 $0xFFFFF086  }
0x25: {  	[simem:s6], [sflag:s4] =	dma.local [hbm:s3], $0xF7A  }
0x26: {  	[smem:$0x3F9D] =	sst s1;
	(tag) =	ssettag s2;
	_ =	strace s9  }
0x27: {  	s1 =	sld [smem:$0x3FAD]  }
0x28: {  	s2 =	sld [smem:$0x3FAE]  }
0x29: {  	s4 =	sld [smem:$0x3FB0]  }
0x2a: {  	p0 =	seq.s32 s5, $0x0;
	s5 =	sld [smem:$0x3FB1]  }
0x2b: {  	s6 =	sld [smem:$0x3FB2]  }
0x2c: {  	s7 =	sld [smem:$0x3FB3]  }
0x2d: {  	s3 =	simm.s32 $0x108;
	s8 =	sld [smem:$0x3FB4]  }
0x2e: {  	s3 =	simm.s32 @!p0 $0x1082;
	s9 =	sld [smem:$0x3FB5]  }
0x2f: {  	lr =	sadd.s32 s0, s3;
	s0 =	sld [smem:$0x3FAC]  }
0x30: {  	s3 =	sld [smem:$0x3FAF]  }
0x31: {  	[smem:$0x3FB8] =	sst s10  }
0x32: {  	s10 =	sld [smem:$0x3FB6];
	_ =	sdelay $0x3  }
0x33: {  	p0 =	seq.s32 s10, $0x1;
	s10 =	sld [smem:$0x3FB8];
	_ =	sdelay $0x3  }
0x34: {  	[smem:$0x3FB8] =	sst s10  }
0x35: {  	s10 =	sld [smem:$0x3FB7];
	_ =	sdelay $0x3  }
0x36: {  	p1 =	seq.s32 s10, $0x1;
	s10 =	sld [smem:$0x3FB8];
	_ =	sdelay $0x3  }
0x37: {  	[smem:$0x3FB8] =	sst s10  }
0x38: {  	s10 =	sld [smem:$0x3FB9]  }
0x39: {  	_ = 	snop;
	(pc) =	sbr.ind lr, $3  }
0x3a: {  	_ = 	snop  }
0x3b: {  	_ = 	snop  }
0x3c: {  	p2 =	seq.s32 s10, $0x1;
	s10 =	sld [smem:$0x3FB8]  }
0x3d: {  	_ =	shalt  }
0x3e: {  	_ =	shalt  }
0x3f: {  	_ =	shalt  }
0x40: {  	_ =	shalt  }
0x41: {  	_ =	shalt  }
0x42: {  	_ =	shalt  }
0x43: {  	_ =	shalt  }
0x44: {  	_ =	shalt  }
0x45: {  	_ =	shalt  }
0x46: {  	_ =	shalt  }
0x47: {  	_ =	shalt  }
0x48: {  	_ =	shalt  }
0x49: {  	_ =	shalt  }
0x4a: {  	_ =	shalt  }
0x4b: {  	_ =	shalt  }
0x4c: {  	_ =	shalt  }
0x4d: {  	_ =	shalt  }
0x4e: {  	_ =	shalt  }
0x4f: {  	_ =	shalt  }
0x50: {  	_ =	shalt  }
0x51: {  	_ =	shalt  }
0x52: {  	_ =	shalt  }
0x53: {  	_ =	shalt  }
0x54: {  	_ =	shalt  }
0x55: {  	_ =	shalt  }
0x56: {  	_ =	shalt  }
0x57: {  	_ =	shalt  }
0x58: {  	_ =	shalt  }
0x59: {  	_ =	shalt  }
0x5a: {  	_ =	shalt  }
0x5b: {  	_ =	shalt  }
0x5c: {  	_ =	shalt  }
0x5d: {  	_ =	shalt  }
0x5e: {  	_ =	shalt  }
0x5f: {  	_ =	shalt  }
0x60: {  	_ =	shalt  }
0x61: {  	_ =	shalt  }
0x62: {  	_ =	shalt  }
0x63: {  	_ =	shalt  }
0x64: {  	_ =	shalt  }
0x65: {  	_ =	shalt  }
0x66: {  	_ =	shalt  }
0x67: {  	_ =	shalt  }
0x68: {  	_ =	shalt  }
0x69: {  	_ =	shalt  }
0x6a: {  	_ =	shalt  }
0x6b: {  	_ =	shalt  }
0x6c: {  	_ =	shalt  }
0x6d: {  	_ =	shalt  }
0x6e: {  	_ =	shalt  }
0x6f: {  	_ =	shalt  }
0x70: {  	_ =	shalt  }
0x71: {  	_ =	shalt  }
0x72: {  	_ =	shalt  }
0x73: {  	_ =	shalt  }
0x74: {  	_ =	shalt  }
0x75: {  	_ =	shalt  }
0x76: {  	_ =	shalt  }
0x77: {  	_ =	shalt  }
0x78: {  	_ =	shalt  }
0x79: {  	_ =	shalt  }
0x7a: {  	_ =	shalt  }
0x7b: {  	_ =	shalt  }
0x7c: {  	_ =	shalt  }
0x7d: {  	_ =	shalt  }
0x7e: {  	_ =	shalt  }
0x7f: {  	_ =	shalt  }
0x80: {  	_ =	shalt  }
0x81: {  	_ =	shalt  }
0x82: {  	_ =	shalt  }
0x83: {  	_ =	shalt  }
0x84: {  	_ =	shalt  }
0x85: {  	_ =	shalt  }
0x86: {  	_ =	shalt  }
0x87: {  	_ =	shalt  }
.Lfunc_end0:
.L_simem_size_0:
called_computation_lowered:
.L_overlay_start_0:
0x88: {  	s2 =	sld [smem:$0x3FD9]  }
0x89: {  	s3 =	sld [smem:$0x3FFE];
	_ =	sdelay $0x1  }
0x8a: {  	s1 =	srdreg.scid  }
0x8b: {  	s0 =	sand.u32 $0x1, s1  }
0x8c: {  	s17 =	sshll.u32 s0, $0xA;
	s2 =	sadd.s32 s3, s2  }
0x8d: {  	s2 =	sadd.s32 s2, s17  }
0x8e: {  	[smem:$0x3FC4] =	sst s2  }
0x8f: {  	_ = 	snop  }
0x90: {  	s2 =	sld [smem:$0x3FC9]  }
0x91: {  	s18 =	sld [smem:$0x3FC7]  }
0x92: {  	s4 =	sld [smem:$0x3FC6]  }
0x93: {  	s5 =	sld [smem:$0x3FD0];
	(tm) =	ssettm $0x1  }
0x94: {  	s6 =	sld [smem:$0x3FFB];
	_ =	sdelay $0x3  }
0x95: {  	_ =	strace s6  }
0x96: {  	s6 =	sld [smem:$0x3FFC];
	_ =	sdelay $0x3  }
0x97: {  	_ =	strace s6  }
0x98: {  	s6 =	sld [smem:$0x3FFD];
	_ =	sdelay $0x3  }
0x99: {  	_ =	strace s6  }
0x9a: {  	_ =	strace $0x8FFFFFFF  }
0x9b: {  	s19 =	sld [smem:$0x3FDB];
	_ =	sdelay $0x1  }
0x9c: {  	s7 =	simm.s32 $_scs_section_size  }
0x9d: {  	s8 =	simm.s32 $_size__tile_overlayer_lowered;
	s9 =	simm.s32 $_tile_overlayer_lowered  }
0x9e: {  	s22 =	simm.s32 $0x1BFF;
	s21 =	sshll.u32 s9, $0x1;
	s6 =	sadd.s32 s7, s19  }
0x9f: {  	s10 =	simm.s32 $0x0;
	s20 =	sshll.u32 s8, $0x1;
	s8 =	sadd.s32 s21, s6  }
0xa0: {  	[timem:s10], [sflag:s22] =	dma.local [hbm:s8], s20  }
0xa1: {  	_ =	swait.ge [sflag:s22], s20  }
0xa2: {  	s7 =	ssub.s32 $0x0, s20;
	[sflag:s22] =	ssyncset.done $0x0  }
0xa3: {  	[sflag:s22] =	ssyncadd.s32 s7;
	_ =	sdelay $0x1  }
0xa4: {  	s23 =	simm.s32 $0x1B8B  }
0xa5: {  	_ =	swait.ge [sflag:s23], $0x1  }
0xa6: {  	[sflag:s23] =	ssyncset.done $0x0  }
0xa7: {  	s25 =	simm.s32 $0x1B8E;
	s24 =	sld [smem:$0x3FFE];
	[sflag:s23] =	ssyncadd.s32 $0xFFFFFFFF  }
0xa8: {  	s26 =	simm.s32 $execute0_lowered;
	[smem:$0x3FD2] =	sst s25  }
0xa9: {  	s8 =	sshll.u32 s26, $0x1;
	_ =	strace $0x80000046;
	[dreg:$0x1] =	wrdreg $0xFFFFFFFF  }
0xaa: {  	s28 =	simm.s32 $_size_execute0_lowered;
	s6 =	sadd.s32 s6, s8;
	[dreg:$0x0] =	wrdreg $0x0  }
0xab: {  	s8 =	sshll.u32 s28, $0x1;
	[dreg:$0x2] =	wrdreg s6  }
0xac: {  	[dreg:$0x3] =	wrdreg s8  }
0xad: {  	[dreg:$0x4] =	wrdreg $0xC0  }
0xae: {  	_ =	task [dreg:s10], $0x5FFFF  }
0xaf: {  	[dreg:$0x1] =	wrdreg $0xFFFFFFFF  }
0xb0: {  	[dreg:$0x0] =	wrdreg $0x60  }
0xb1: {  	[dreg:$0x2] =	wrdreg s2  }
0xb2: {  	[dreg:$0x3] =	wrdreg s24  }
0xb3: {  	[dreg:$0x4] =	wrdreg s18  }
0xb4: {  	[dreg:$0x5] =	wrdreg s4  }
0xb5: {  	[dreg:$0x6] =	wrdreg s5  }
0xb6: {  	[dreg:$0x7] =	wrdreg $0x9  }
0xb7: {  	_ =	task.clear_ibuf [dreg:s10], $0x8FFFF;
	_ =	strace $0x90000046  }
0xb8: {  	s29 =	simm.s32 $0x9;
	_ =	strace $0x80000048  }
0xb9: {  	_ =	swait.ge [sflag:s29], $0x1  }
0xba: {  	[sflag:s29] =	ssyncadd.s32 $0xFFFFFFFF  }
0xbb: {  	_ =	strace $0x90000048  }
0xbc: {  	_ =	sfence  }
0xbd: {  	s30 =	sld [smem:$0x0];
	_ =	sdelay $0x2  }
0xbe: {  	s31 =	sshll.u32 s1, $0xD;
	s1 =	sshrl.u32 s1, $0x2  }
0xbf: {  	s3 =	sand.u32 $0x4000, s31;
	s1 =	sadd.s32 s1, s30  }
0xc0: {  	s0 =	sor.u32 s3, s0;
	s1 =	sshll.u32 s1, $0x11  }
0xc1: {  	s0 =	sor.u32 s1, s0  }
0xc2: {  	s0 =	sadd.s32 $0x8F2B, s0  }
0xc3: {  	[sflag:s0] =	ssyncadd.remote.s32 $0x1  }
0xc4: {  	_ =	sfence.sel $0xFFFF  }
0xc5: {  	[dreg:$0x0] =	wrdreg $0xFFFFFFFF;
	(pc) =	sbr.abs _section_cstart, $3  }
0xc6: {  	[dreg:$0x1] =	wrdreg $0xFFFFFFFF  }
0xc7: {  	_ =	task.clear_ibuf [dreg:s10], $0x2FFFF;
	_ =	strace $0x9FFFFFFF  }
0xc8: {  	(tm) =	ssettm $0x7FFFFFFF  }
0xc9: {  	_ =	shalt  }
tec
execute0_lowered:
.L_overlay_start_1:
0x0: {  	(tag) =	ssettag $0x1  }
0x1: {  	v0 =	vlaneseq.u32  }
0x2: {  	v13 =	vimm.s32 $0x74533211;
	v15 =	vimm.s32 $0xF8D7B695;
	vm8 =	vcmask $0xF00  }
0x3: {  	vm7 =	vcmask $0x1F10;
	vm6 =	vcmask $0x2320;
	vm4 =	vcmask $0x2724  }
0x4: {  	vm3 =	vcmask $0x2B28;
	v19 =	vimm.s32 $0x75543312;
	vm1 =	vcmask $0x2F2C  }
0x5: {  	v21 =	vimm.s32 $0xF9D8B796;
	vm0 =	vcmask $0x3330;
	v22 =	vimm.s32 $0x76553413  }
0x6: {  	v23 =	vimm.s32 $0xFAD9B897;
	vm2 =	vcmask $0x3734;
	vm5 =	vcmask $0x3B38  }
0x7: {  	v24 =	vimm.s32 $0x78573615;
	v39 =	vimm.s32 $0xFCDBBA99;
	v25 =	vimm.s32 $0x79583716  }
0x8: {  	v26 =	vimm.s32 $0xFDDCBB9A;
	v41 =	vimm.s32 $0x7A593817;
	v43 =	vimm.s32 $0xFEDDBC9B  }
0x9: {  	v27 =	vimm.s32 $0x7B5A3918;
	v28 =	vimm.s32 $0xE0DFBE9D;
	v29 =	vimm.s32 $0xE1C0BF9E  }
0xa: {  	v30 =	vimm.s32 $0x7E5D3C1B;
	v31 =	vimm.s32 $0xE2C1A09F;
	v32 =	vimm.s32 $0xE3C2A180  }
0xb: {  	v46 =	vimm.s32 $0x605F3E1D;
	v33 =	vimm.s32 $0xE4C3A281;
	v59 =	vimm.s32 $0x61403F1E  }
0xc: {  	v61 =	vimm.s32 $0xE5C4A382;
	v62 =	vimm.s32 $0x6241201F;
	v34 =	vimm.s32 $0xE6C5A483  }
0xd: {  	v63 =	vimm.f32 $1.400000000e+01;
	vm15 =	vcmask $0x300;
	vm9 =	vcmask $0x704  }
0xe: {  	vm10 =	vcmask $0xB08;
	vm11 =	vcmask $0xF0C;
	vm12 =	vcmask $0x1310  }
0xf: {  	vm13 =	vcmask $0x1714;
	vm14 =	vcmask $0x1B18;
	v2 =	vmul.u32 $0x21, v0  }
0x10: {  	v16 =	vunpack.c.0.s8.s32 v13;
	v17 =	vunpack.c.0.s8.s32 v15;
	v19 =	vunpack.c.0.s8.s32 v19  }
0x11: {  	v21 =	vunpack.c.0.s8.s32 v21;
	v22 =	vunpack.c.0.s8.s32 v22;
	v25 =	vunpack.c.0.s8.s32 v25  }
0x12: {  	v40 =	vunpack.c.0.s8.s32 v26;
	v26 =	vunpack.c.0.s8.s32 v43;
	v44 =	vunpack.c.0.s8.s32 v27  }
0x13: {  	v27 =	vimm.s32 $0xFFDEBD9C;
	v28 =	vunpack.c.0.s8.s32 v28;
	v29 =	vunpack.c.0.s8.s32 v29  }
0x14: {  	v30 =	vunpack.c.0.s8.s32 v30;
	v31 =	vunpack.c.0.s8.s32 v31;
	v33 =	vunpack.c.0.s8.s32 v33  }
0x15: {  	v60 =	vunpack.c.0.s8.s32 v59;
	v34 =	vunpack.c.0.s8.s32 v34;
	v27 =	vunpack.c.0.s8.s32 v27  }
0x16: {  	v9 =	vadd.s32 $0x2, v2;
	v10 =	vadd.s32 $0x3, v2;
	v11 =	vadd.s32 $0x4, v2  }
0x17: {  	v12 =	vadd.s32 $0x5, v2;
	v45 =	vadd.s32 $0x6, v2;
	v47 =	vadd.s32 $0x7, v2  }
0x18: {  	v48 =	vadd.s32 $0x8, v2;
	v51 =	vadd.s32 $0x9, v2;
	v42 =	vadd.s32 $0xA, v2  }
0x19: {  	v3 =	vadd.s32 $0xB, v2;
	v4 =	vadd.s32 $0xC, v2;
	v5 =	vadd.s32 $0xD, v2  }
0x1a: {  	v16 =	vand.u32 $0xFF, v16;
	v17 =	vand.u32 $0xFF, v17;
	v6 =	vadd.s32 $0xE, v2  }
0x1b: {  	s0 =	srdreg.scid;
	v7 =	vadd.s32 $0xF, v2;
	v8 =	vadd.s32 $0x10, v2;
	v19 =	vand.u32 $0xFF, v19  }
0x1c: {  	s5 =	stileid.u32;
	s1 =	sand.u32 $0x1, s0;
	v21 =	vand.u32 $0xFF, v21;
	v22 =	vand.u32 $0xFF, v22;
	v25 =	vand.u32 $0xFF, v25  }
0x1d: {  	s19 =	sshll.u32 s5, $0x2;
	s2 =	sshll.u32 s1, $0x1;
	v26 =	vand.u32 $0xFF, v26;
	v28 =	vand.u32 $0xFF, v28;
	v29 =	vand.u32 $0xFF, v29  }
0x1e: {  	s2 =	sor.u32 s2, s19;
	v30 =	vand.u32 $0xFF, v30;
	v31 =	vand.u32 $0xFF, v31;
	v53 =	vand.u32 $0xFF, v33  }
0x1f: {  	v33 =	vunpack.c.0.s8.s32 v61;
	v34 =	vand.u32 $0xFF, v34;
	v1 =	vmov s2  }
0x20: {  	v18 =	vnsel vm8, $0x1E0, v16;
	v19 =	vnsel vm8, $0x1E1, v19;
	v22 =	vnsel vm8, $0x1E2, v22  }
0x21: {  	v25 =	vnsel vm8, $0x1E5, v25;
	v27 =	vand.u32 $0xFF, v27;
	v0 =	vbroadcast v1, $0x0  }
0x22: {  	v18 =	vsel vm7, v17, v18;
	v19 =	vsel vm7, v21, v19;
	v21 =	vunpack.c.0.s8.s32 v23  }
0x23: {  	s0 =	sor.u32 $0x1, s2;
	v33 =	vand.u32 $0xFF, v33;
	v18 =	vsel vm6, $0x119, v18;
	v19 =	vsel vm6, $0x11A, v19  }
0x24: {  	[tilespmem:$0x1FDE0] =	vst v0;
	v0 =	vmov s0;
	v18 =	vsel vm4, $0x13A, v18;
	v19 =	vsel vm4, $0x13B, v19  }
0x25: {  	v21 =	vand.u32 $0xFF, v21;
	[tilespmem:$0x1FDF0] =	vst v0;
	v0 =	vadd.s32 $0x1, v2;
	v20 =	vsel vm3, $0x15B, v18  }
0x26: {  	v23 =	vsel vm3, $0x15C, v19;
	v21 =	vsel vm7, v21, v22;
	v20 =	vsel vm1, $0x17C, v20  }
0x27: {  	v22 =	vimm.s32 $0x77563514;
	v21 =	vsel vm6, $0x11B, v21;
	v20 =	vsel vm0, $0x19D, v20  }
0x28: {  	v22 =	vunpack.c.0.s8.s32 v22;
	v21 =	vsel vm4, $0x13C, v21;
	v20 =	vsel vm2, $0x1BE, v20  }
0x29: {  	v58 =	vsel vm5, $0x1DF, v20;
	v20 =	vsel vm1, $0x17D, v23;
	v23 =	vimm.s32 $0xFBDAB998  }
0x2a: {  	v21 =	vsel vm3, $0x15D, v21;
	v22 =	vand.u32 $0xFF, v22;
	v23 =	vunpack.c.0.s8.s32 v23  }
0x2b: {  	v21 =	vsel vm1, $0x17E, v21;
	v22 =	vnsel vm8, $0x1E3, v22;
	v20 =	vsel vm0, $0x19E, v20  }
0x2c: {  	v21 =	vsel vm0, $0x19F, v21;
	v20 =	vsel vm2, $0x1BF, v20;
	v23 =	vand.u32 $0xFF, v23  }
0x2d: {  	v21 =	vsel vm2, $0x1A0, v21;
	v22 =	vsel vm7, v23, v22;
	v23 =	vunpack.c.0.s8.s32 v24  }
0x2e: {  	v57 =	vsel vm5, $0x1C0, v20;
	v24 =	vunpack.c.0.s8.s32 v39;
	v22 =	vsel vm6, $0x11C, v22  }
0x2f: {  	v55 =	vsel vm5, $0x1C1, v21;
	v22 =	vsel vm4, $0x13D, v22;
	v23 =	vand.u32 $0xFF, v23  }
0x30: {  	v24 =	vand.u32 $0xFF, v24;
	v22 =	vsel vm3, $0x15E, v22;
	v23 =	vnsel vm8, $0x1E4, v23  }
0x31: {  	v22 =	vsel vm1, $0x17F, v22;
	v23 =	vsel vm7, v24, v23;
	v24 =	vand.u32 $0xFF, v40  }
0x32: {  	v22 =	vsel vm0, $0x180, v22;
	v23 =	vsel vm6, $0x11D, v23;
	v24 =	vsel vm7, v24, v25  }
0x33: {  	v25 =	vunpack.c.0.s8.s32 v41;
	v23 =	vsel vm4, $0x13E, v23;
	v22 =	vsel vm2, $0x1A1, v22  }
0x34: {  	v24 =	vsel vm6, $0x11E, v24;
	v23 =	vsel vm3, $0x15F, v23;
	v52 =	vsel vm5, $0x1C2, v22  }
0x35: {  	v24 =	vsel vm4, $0x13F, v24;
	v25 =	vand.u32 $0xFF, v25;
	v23 =	vsel vm1, $0x160, v23  }
0x36: {  	v24 =	vsel vm3, $0x140, v24;
	v25 =	vnsel vm8, $0x1E6, v25;
	v23 =	vsel vm0, $0x181, v23  }
0x37: {  	v24 =	vsel vm1, $0x161, v24;
	v25 =	vsel vm7, v26, v25;
	v26 =	vand.u32 $0xFF, v44  }
0x38: {  	v23 =	vsel vm2, $0x1A2, v23;
	v24 =	vsel vm0, $0x182, v24;
	v26 =	vnsel vm8, $0x1E7, v26  }
0x39: {  	v25 =	vsel vm6, $0x11F, v25;
	v26 =	vsel vm7, v27, v26;
	v27 =	vimm.s32 $0x7C5B3A19  }
0x3a: {  	v24 =	vsel vm2, $0x1A3, v24;
	v25 =	vsel vm4, $0x120, v25;
	v27 =	vunpack.c.0.s8.s32 v27  }
0x3b: {  	v50 =	vsel vm5, $0x1C3, v23;
	v49 =	vsel vm5, $0x1C4, v24;
	v25 =	vsel vm3, $0x141, v25  }
0x3c: {  	v26 =	vsel vm6, $0x100, v26;
	v25 =	vsel vm1, $0x162, v25;
	v27 =	vand.u32 $0xFF, v27  }
0x3d: {  	v26 =	vsel vm4, $0x121, v26;
	v25 =	vsel vm0, $0x183, v25;
	v27 =	vnsel vm8, $0x1E8, v27  }
0x3e: {  	v26 =	vsel vm3, $0x142, v26;
	v27 =	vsel vm7, v28, v27;
	v28 =	vimm.s32 $0x7D5C3B1A  }
0x3f: {  	s3 =	rddreg [dreg:$0x0];
	v25 =	vsel vm2, $0x1A4, v25;
	v27 =	vsel vm6, $0x101, v27;
	v28 =	vunpack.c.0.s8.s32 v28  }
0x40: {  	s7 =	rddreg [dreg:$0x1];
	s4 =	simm.s32 $0x0;
	[tilespmem:$0x1FE10] =	vst v2;
	v26 =	vsel vm1, $0x163, v26;
	v54 =	vsel vm5, $0x1C5, v25;
	v27 =	vsel vm4, $0x122, v27  }
0x41: {  	[smem:$0x7FF] =	sst s4;
	[tilespmem:$0x1FE00] =	vst v0;
	v26 =	vsel vm0, $0x184, v26;
	v27 =	vsel vm3, $0x143, v27;
	v28 =	vand.u32 $0xFF, v28  }
0x42: {  	s6 =	rddreg [dreg:$0x4];
	_ =	strace $0x80000047;
	[tilespmem:$0x1FE30] =	vst v9;
	v26 =	vsel vm2, $0x1A5, v26;
	v27 =	vsel vm1, $0x164, v27;
	v28 =	vnsel vm8, $0x1E9, v28  }
0x43: {  	[tilespmem:$0x1FE40] =	vst v10;
	v28 =	vsel vm7, v29, v28;
	v29 =	vnsel vm8, $0x1EA, v30;
	v30 =	vimm.s32 $0x7F5E3D1C  }
0x44: {  	[tilespmem:$0x1FE50] =	vst v11;
	v56 =	vsel vm5, $0x1C6, v26;
	v27 =	vsel vm0, $0x185, v27;
	v30 =	vunpack.c.0.s8.s32 v30  }
0x45: {  	[tilespmem:$0x1FE60] =	vst v12;
	v29 =	vsel vm7, v31, v29;
	v31 =	vunpack.c.0.s8.s32 v32;
	v28 =	vsel vm6, $0x102, v28  }
0x46: {  	[tilespmem:$0x1FE70] =	vst v45;
	v32 =	vunpack.c.0.s8.s32 v46;
	v27 =	vsel vm2, $0x1A6, v27;
	v28 =	vsel vm4, $0x123, v28  }
0x47: {  	[tilespmem:$0x1FE80] =	vst v47;
	v29 =	vsel vm6, $0x103, v29;
	v1 =	vsel vm5, $0x1C7, v27;
	v30 =	vand.u32 $0xFF, v30  }
0x48: {  	[tilespmem:$0x1FE90] =	vst v48;
	v31 =	vand.u32 $0xFF, v31;
	v28 =	vsel vm3, $0x144, v28;
	v30 =	vnsel vm8, $0x1EB, v30  }
0x49: {  	[tilespmem:$0x1FEA0] =	vst v51;
	v30 =	vsel vm7, v31, v30;
	v31 =	vand.u32 $0xFF, v32;
	v32 =	vand.u32 $0xFF, v60  }
0x4a: {  	s30 =	simm.s32 $0x16000;
	[tilespmem:$0x1FEB0] =	vst v42;
	v29 =	vsel vm4, $0x124, v29;
	v28 =	vsel vm1, $0x165, v28;
	v32 =	vnsel vm8, $0x1ED, v32  }
0x4b: {  	s8 =	sshrl.u32 s5, $0x1;
	s5 =	sadd.s32 $0x400400, s7;
	s14 =	sadd.s32 $0x404400, s7;
	[tilespmem:$0x1FEF0] =	vst v3;
	v29 =	vsel vm3, $0x145, v29;
	v32 =	vsel vm7, v33, v32;
	v33 =	vunpack.c.0.s8.s32 v62  }
0x4c: {  	s29 =	simm.s32 $0x5;
	s15 =	sadd.s32 $0x408400, s7;
	[tilespmem:$0x1FF00] =	vst v4;
	v28 =	vsel vm0, $0x186, v28;
	v29 =	vsel vm1, $0x166, v29;
	v31 =	vnsel vm8, $0x1EC, v31  }
0x4d: {  	s31 =	simm.s32 $0x80;
	s28 =	simm.s32 $0x1;
	s7 =	sadd.s32 $0x40C400, s7;
	[tilespmem:$0x1FF10] =	vst v5;
	v28 =	vsel vm2, $0x1A7, v28;
	v30 =	vsel vm6, $0x104, v30;
	v33 =	vand.u32 $0xFF, v33  }
0x4e: {  	s1 =	ssub.s32 $0x2, s1;
	s9 =	sshll.u32 s8, $0x15;
	s2 =	sshll.u32 s2, $0x7;
	[tilespmem:$0x1FF20] =	vst v6;
	v29 =	vsel vm0, $0x187, v29;
	v31 =	vsel vm7, v53, v31;
	v33 =	vnsel vm8, $0x1EE, v33  }
0x4f: {  	s8 =	sshll.u32 s8, $0x10;
	s10 =	sshrl.u32 s1, $0x1;
	s2 =	sand.u32 $0x300, s2;
	[tilespmem:$0x1FFE0] =	vst v8;
	v30 =	vsel vm4, $0x125, v30;
	v33 =	vsel vm7, v34, v33;
	v34 =	vsel vm15, $0x41F80000, v63  }
0x50: {  	s1 =	ssub.s32 s1, s10;
	s13 =	sor.u32 s9, s2;
	s2 =	sor.u32 s8, s2;
	[tilespmem:$0x1FFF0] =	vst v7;
	v0 =	vsel vm5, $0x1C8, v28;
	v29 =	vsel vm2, $0x1A8, v29;
	v34 =	vsel vm9, $0x0, v34  }
0x51: {  	s20 =	sshrl.u32 s13, $0x3;
	s0 =	sshll.u32 s0, $0x7;
	s12 =	sor.u32 $0xC0000, s13;
	[tilespmem:$0x1FFD0] =	vst v58;
	v30 =	vsel vm3, $0x146, v30;
	v21 =	vsel vm5, $0x1C9, v29;
	v34 =	vsel vm10, $0x3F800000, v34  }
0x52: {  	s2 =	sshrl.u32 s2, $0x3;
	s11 =	sadd.s32 s5, s20;
	s21 =	sadd.s32 s20, s14;
	[tilespmem:$0x1FFB0] =	vst v55;
	v31 =	vsel vm6, $0x105, v31;
	v32 =	vsel vm6, $0x106, v32;
	v34 =	vsel vm11, $0x40000000, v34  }
0x53: {  	s22 =	sadd.s32 s20, s15;
	s10 =	sadd.s32 s20, s7;
	[dreg:$0x6] =	wrdreg s11;
	[tilespmem:$0x1FFC0] =	vst v57;
	v30 =	vsel vm1, $0x167, v30;
	v31 =	vsel vm4, $0x126, v31;
	v34 =	vsel vm12, $0x40400000, v34  }
0x54: {  	s0 =	sand.u32 $0x380, s0;
	s16 =	sadd.s32 s3, s2;
	[dreg:$0x7] =	wrdreg s21;
	[tilespmem:$0x1FFA0] =	vst v52;
	v32 =	vsel vm4, $0x127, v32;
	v30 =	vsel vm0, $0x188, v30;
	v34 =	vsel vm13, $0x40800000, v34  }
0x55: {  	s2 =	sadd.s32 s6, s2;
	s9 =	sor.u32 s9, s0;
	[dreg:$0x8] =	wrdreg s22;
	[tilespmem:$0x1FF90] =	vst v50;
	v31 =	vsel vm3, $0x147, v31;
	vm15 =	vcmask $0x1F1C;
	v34 =	vsel vm14, $0x40A00000, v34  }
0x56: {  	s0 =	sor.u32 s8, s0;
	[dreg:$0x9] =	wrdreg s10;
	s10 =	sor.u32 $0x80000, s13;
	[tilespmem:$0x1FF80] =	vst v49;
	v32 =	vsel vm3, $0x148, v32;
	v30 =	vsel vm2, $0x1A9, v30;
	v34 =	vsel vm15, $0x40C00000, v34  }
0x57: {  	s11 =	sor.u32 $0xA0000, s13;
	s13 =	sor.u32 $0xE0000, s13;
	[dreg:$0xa] =	wrdreg s16;
	[tilespmem:$0x1FF30] =	vst v54;
	v31 =	vsel vm1, $0x168, v31;
	v33 =	vsel vm6, $0x107, v33;
	v34 =	vsel vm6, $0x40E00000, v34  }
0x58: {  	[dreg:$0xb] =	wrdreg s2;
	s23 =	sshrl.u32 s9, $0x3;
	s20 =	sor.u32 $0x80000, s9;
	[tilespmem:$0x1FF40] =	vst v56;
	v31 =	vsel vm0, $0x189, v31;
	v33 =	vsel vm4, $0x128, v33;
	v34 =	vsel vm4, $0x41000000, v34  }
0x59: {  	s0 =	sshrl.u32 s0, $0x3;
	s24 =	sadd.s32 s5, s23;
	s25 =	sadd.s32 s23, s14;
	[tilespmem:$0x1FF70] =	vst v1;
	v53 =	vsel vm5, $0x1CA, v30;
	v33 =	vsel vm3, $0x149, v33;
	v34 =	vsel vm3, $0x41100000, v34  }
0x5a: {  	s26 =	sadd.s32 s23, s15;
	s2 =	sadd.s32 s23, s7;
	[dreg:$0xc] =	wrdreg s24;
	[tilespmem:$0x1FF50] =	vst v21;
	v31 =	vsel vm2, $0x1AA, v31;
	v33 =	vsel vm1, $0x16A, v33;
	v34 =	vsel vm1, $0x41200000, v34  }
0x5b: {  	s21 =	sadd.s32 s3, s0;
	s22 =	sadd.s32 s6, s0;
	[dreg:$0xd] =	wrdreg s25;
	[tilespmem:$0x1FEC0] =	vst v53;
	v31 =	vsel vm5, $0x1CB, v31;
	v33 =	vsel vm0, $0x18B, v33;
	v34 =	vsel vm0, $0x41300000, v34  }
0x5c: {  	s23 =	sor.u32 $0xA0000, s9;
	s3 =	simm.s32 $0x400;
	[dreg:$0xe] =	wrdreg s26;
	v32 =	vsel vm1, $0x169, v32;
	v30 =	vmovc v0;
	[tilespmem:$0x1FED0] =	vst v31;
	v33 =	vsel vm2, $0x1AC, v33;
	v34 =	vsel vm2, $0x41400000, v34  }
0x5d: {  	s0 =	simm.s32 $0x2;
	s6 =	simm.s32 $0x3;
	[dreg:$0xf] =	wrdreg s2;
	v32 =	vsel vm0, $0x18A, v32;
	[tilespmem:$0x1FF60] =	vst v30;
	v0 =	vsel vm5, $0x1CD, v33  }
0x5e: {  	s24 =	sor.u32 $0xC0000, s9;
	s25 =	sor.u32 $0xE0000, s9;
	s26 =	smax.u32 s1, $0x1;
	v32 =	vsel vm2, $0x1AB, v32;
	[tilespmem:$0x1FE20] =	vst v0;
	v15 =	vsel vm5, $0x41500000, v34  }
0x5f: {  	s2 =	simm.s32 $0xC000;
	s1 =	simm.s32 $0x4;
	s9 =	simm.s32 $0x0;
	v29 =	vmov v1;
	v32 =	vsel vm5, $0x1CC, v32;
	[tilespmem:$0x1FEE0] =	vst v15;
	v34 =	vmov v7  }
.LBB2_1:
0x60: {  	s7 =	rddreg [dreg:$0x3];
	s8 =	simm.s32 $0x14000  }
0x61: {  	[tilespmem:s8], [sflag:$0x5] =	stream.linear.gather [hbm4b:s7+s4], $0x2000, $0x38;
	[tilespmem:$0x16080] =	vst v63  }
0x62: {  	_ =	swait.ge [sflag:s29], $0x2000  }
0x63: {  	[sflag:s29] =	ssyncset.done $0x0  }
0x64: {  	[sflag:s29] =	ssyncadd.s32 $0xFFFFE000  }
0x65: {  	s8 =	rddreg [dreg:$0x2]  }
0x66: {  	[tilespmem:s30], [sflag:$0x5] =	stream.linear.gather [hbm4b:s8+s4], $0x80, $0x38;
	[tilespmem:$0x16080] =	vst v63  }
0x67: {  	_ =	swait.ge [sflag:s29], $0x80  }
0x68: {  	[sflag:s29] =	ssyncset.done $0x0  }
0x69: {  	s14 =	rddreg [dreg:$0x6];
	[sflag:s29] =	ssyncadd.s32 $0xFFFFFF80  }
0x6a: {  	[tilespmem:s4], [sflag:$0x1] =	stream.strided.gather [hbm4b:s14+s31], $0x4000, s3, s31, $0x38;
	[tilespmem:$0x16080] =	vst v63  }
0x6b: {  	s16 =	simm.s32 $0x4000;
	s15 =	rddreg [dreg:$0x7]  }
0x6c: {  	[tilespmem:s16], [sflag:$0x2] =	stream.strided.gather [hbm4b:s15+s31], $0x4000, s3, s31, $0x38;
	[tilespmem:$0x16080] =	vst v63  }
0x6d: {  	s18 =	simm.s32 $0x8000;
	s17 =	rddreg [dreg:$0x8]  }
0x6e: {  	[tilespmem:s18], [sflag:$0x3] =	stream.strided.gather [hbm4b:s17+s31], $0x4000, s3, s31, $0x38;
	[tilespmem:$0x16080] =	vst v63  }
0x6f: {  	s7 =	simm.s32 $0x0;
	s19 =	rddreg [dreg:$0x9]  }
0x70: {  	[tilespmem:s2], [sflag:$0x4] =	stream.strided.gather [hbm4b:s19+s31], $0x4000, s3, s31, $0x38;
	[tilespmem:$0x16080] =	vst v63  }
.LBB2_2:
0x71: {  	_ =	swait.ge [sflag:s28], $0x4000  }
0x72: {  	v0 =	vld [tilespmem:$0x1FE10]  }
0x73: {  	v1 =	vld [tilespmem:$0x1FE00];
	_ =	sdelay $0x4  }
0x74: {  	[sflag:s28] =	ssyncset.done $0x0  }
0x75: {  	s14 =	simm.s32 $0x0;
	[sflag:s28] =	ssyncadd.s32 $0xFFFFC000  }
0x76: {  	v35 =	vld.idx.msk [tilespmem:v0+s14+$0x0], $0xffff  }
0x77: {  	v36 =	vld.idx.msk [tilespmem:v1+s14+$0x0], $0xffff  }
0x78: {  	v37 =	vld.idx.msk [tilespmem:v9+s14+$0x0], $0xffff  }
0x79: {  	v38 =	vld.idx.msk [tilespmem:v10+s14+$0x0], $0xffff  }
0x7a: {  	v39 =	vld.idx.msk [tilespmem:v11+s14+$0x0], $0xffff  }
0x7b: {  	v40 =	vld.idx.msk [tilespmem:v12+s14+$0x0], $0xffff  }
0x7c: {  	vm0 =	vgt.f32 v36, v35;
	v35 =	vmax.f32 v36, v35  }
0x7d: {  	v2 =	vld.idx.msk [tilespmem:v45+s14+$0x0], $0xffff;
	vm1 =	vgt.f32 v37, v35;
	v35 =	vmax.f32 v37, v35;
	v7 =	vsel vm0, v1, v0  }
0x7e: {  	vm8 =	vgt.f32 v38, v35;
	v35 =	vmax.f32 v38, v35;
	v37 =	vsel vm1, v9, v7  }
0x7f: {  	vm9 =	vgt.f32 v39, v35;
	v35 =	vmax.f32 v39, v35;
	v37 =	vsel vm8, v10, v37  }
0x80: {  	v37 =	vsel vm9, v11, v37;
	vm10 =	vgt.f32 v40, v35  }
0x81: {  	v16 =	vld.idx.msk [tilespmem:v47+s14+$0x0], $0xffff;
	v35 =	vmax.f32 v40, v35;
	v37 =	vsel vm10, v12, v37  }
0x82: {  	vm11 =	veq.f32 v2, v35;
	vm12 =	vgt.u32 v37, v45  }
0x83: {  	vm2 =	vgt.f32 v2, v35;
	vm0 =	vmand vm11, vm12  }
0x84: {  	vm0 =	vmor vm2, vm0  }
0x85: {  	v17 =	vld.idx.msk [tilespmem:v48+s14+$0x0], $0xffff;
	v35 =	vmax.f32 v2, v35;
	v37 =	vsel vm0, v45, v37  }
0x86: {  	vm13 =	veq.f32 v16, v35;
	vm14 =	vgt.u32 v37, v47  }
0x87: {  	vm15 =	vgt.f32 v16, v35;
	vm0 =	vmand vm13, vm14  }
0x88: {  	vm0 =	vmor vm15, vm0  }
0x89: {  	v18 =	vld.idx.msk [tilespmem:v51+s14+$0x0], $0xffff;
	v35 =	vmax.f32 v16, v35;
	v37 =	vsel vm0, v47, v37  }
0x8a: {  	vm4 =	veq.f32 v17, v35;
	vm5 =	vgt.u32 v37, v48  }
0x8b: {  	vm6 =	vgt.f32 v17, v35;
	vm0 =	vmand vm4, vm5  }
0x8c: {  	vm0 =	vmor vm6, vm0  }
0x8d: {  	v19 =	vld.idx.msk [tilespmem:v42+s14+$0x0], $0xffff;
	v35 =	vmax.f32 v17, v35;
	v37 =	vsel vm0, v48, v37  }
0x8e: {  	vm7 =	veq.f32 v18, v35;
	vm8 =	vgt.u32 v37, v51  }
0x8f: {  	vm9 =	vgt.f32 v18, v35;
	vm0 =	vmand vm7, vm8  }
0x90: {  	vm0 =	vmor vm9, vm0  }
0x91: {  	v20 =	vld.idx.msk [tilespmem:v3+s14+$0x0], $0xffff;
	v35 =	vmax.f32 v18, v35;
	v37 =	vsel vm0, v51, v37  }
0x92: {  	vm10 =	veq.f32 v19, v35;
	vm11 =	vgt.u32 v37, v42  }
0x93: {  	vm12 =	vgt.f32 v19, v35;
	vm0 =	vmand vm10, vm11  }
0x94: {  	vm0 =	vmor vm12, vm0  }
0x95: {  	v22 =	vld.idx.msk [tilespmem:v4+s14+$0x0], $0xffff;
	v35 =	vmax.f32 v19, v35;
	v37 =	vsel vm0, v42, v37  }
0x96: {  	vm13 =	veq.f32 v20, v35;
	vm14 =	vgt.u32 v37, v3  }
0x97: {  	vm15 =	vgt.f32 v20, v35;
	vm0 =	vmand vm13, vm14  }
0x98: {  	vm0 =	vmor vm15, vm0  }
0x99: {  	v23 =	vld.idx.msk [tilespmem:v5+s14+$0x0], $0xffff;
	v35 =	vmax.f32 v20, v35;
	v37 =	vsel vm0, v3, v37  }
0x9a: {  	vm4 =	veq.f32 v22, v35;
	vm5 =	vgt.u32 v37, v4  }
0x9b: {  	vm6 =	vgt.f32 v22, v35;
	vm0 =	vmand vm4, vm5  }
0x9c: {  	vm0 =	vmor vm6, vm0  }
0x9d: {  	v24 =	vld.idx.msk [tilespmem:v6+s14+$0x0], $0xffff;
	v35 =	vmax.f32 v22, v35;
	v37 =	vsel vm0, v4, v37  }
0x9e: {  	vm7 =	veq.f32 v23, v35;
	vm8 =	vgt.u32 v37, v5  }
0x9f: {  	vm9 =	vgt.f32 v23, v35;
	vm0 =	vmand vm7, vm8  }
0xa0: {  	vm0 =	vmor vm9, vm0  }
0xa1: {  	v25 =	vld.idx.msk [tilespmem:v34+s14+$0x0], $0xffff;
	v35 =	vmax.f32 v23, v35;
	v37 =	vsel vm0, v5, v37  }
0xa2: {  	vm10 =	veq.f32 v24, v35;
	vm11 =	vgt.u32 v37, v6  }
0xa3: {  	vm12 =	vgt.f32 v24, v35;
	vm0 =	vmand vm10, vm11  }
0xa4: {  	vm0 =	vmor vm12, vm0  }
0xa5: {  	v26 =	vld.idx.msk [tilespmem:v8+s14+$0x0], $0xffff;
	v35 =	vmax.f32 v24, v35;
	v37 =	vsel vm0, v6, v37  }
0xa6: {  	vm13 =	veq.f32 v25, v35;
	vm14 =	vgt.u32 v37, v34  }
0xa7: {  	vm15 =	vgt.f32 v25, v35;
	vm0 =	vmand vm13, vm14  }
0xa8: {  	vm0 =	vmor vm15, vm0  }
0xa9: {  	v27 =	vld.idx.msk [tilespmem:v58+s14+$0x0], $0xffff;
	v35 =	vmax.f32 v25, v35;
	v37 =	vsel vm0, v34, v37  }
0xaa: {  	vm4 =	veq.f32 v26, v35;
	vm5 =	vgt.u32 v37, v8  }
0xab: {  	vm6 =	vgt.f32 v26, v35;
	vm0 =	vmand vm4, vm5  }
0xac: {  	vm0 =	vmor vm6, vm0  }
0xad: {  	v40 =	vld.idx.msk [tilespmem:v57+s14+$0x0], $0xffff;
	v35 =	vmax.f32 v26, v35;
	v37 =	vsel vm0, v8, v37  }
0xae: {  	vm7 =	veq.f32 v27, v35;
	vm8 =	vgt.u32 v37, v58  }
0xaf: {  	vm9 =	vgt.f32 v27, v35;
	vm0 =	vmand vm7, vm8  }
0xb0: {  	vm0 =	vmor vm9, vm0  }
0xb1: {  	v41 =	vld.idx.msk [tilespmem:v55+s14+$0x0], $0xffff;
	v35 =	vmax.f32 v27, v35;
	v37 =	vsel vm0, v58, v37  }
0xb2: {  	vm10 =	veq.f32 v40, v35;
	vm11 =	vgt.u32 v37, v57  }
0xb3: {  	vm12 =	vgt.f32 v40, v35;
	vm0 =	vmand vm10, vm11  }
0xb4: {  	vm0 =	vmor vm12, vm0  }
0xb5: {  	v42 =	vld.idx.msk [tilespmem:v52+s14+$0x0], $0xffff;
	v35 =	vmax.f32 v40, v35;
	v37 =	vsel vm0, v57, v37  }
0xb6: {  	vm13 =	veq.f32 v41, v35;
	vm14 =	vgt.u32 v37, v55  }
0xb7: {  	vm15 =	vgt.f32 v41, v35;
	vm0 =	vmand vm13, vm14  }
0xb8: {  	vm0 =	vmor vm15, vm0  }
0xb9: {  	v43 =	vld.idx.msk [tilespmem:v50+s14+$0x0], $0xffff;
	v35 =	vmax.f32 v41, v35;
	v37 =	vsel vm0, v55, v37  }
0xba: {  	vm4 =	veq.f32 v42, v35;
	vm5 =	vgt.u32 v37, v52  }
0xbb: {  	vm6 =	vgt.f32 v42, v35;
	vm0 =	vmand vm4, vm5  }
0xbc: {  	vm0 =	vmor vm6, vm0  }
0xbd: {  	v44 =	vld.idx.msk [tilespmem:v49+s14+$0x0], $0xffff;
	v35 =	vmax.f32 v42, v35;
	v37 =	vsel vm0, v52, v37  }
0xbe: {  	vm7 =	veq.f32 v43, v35;
	vm8 =	vgt.u32 v37, v50  }
0xbf: {  	vm9 =	vgt.f32 v43, v35;
	vm0 =	vmand vm7, vm8  }
0xc0: {  	vm0 =	vmor vm9, vm0  }
0xc1: {  	v46 =	vld.idx.msk [tilespmem:v54+s14+$0x0], $0xffff;
	v35 =	vmax.f32 v43, v35;
	v37 =	vsel vm0, v50, v37  }
0xc2: {  	vm10 =	veq.f32 v44, v35;
	vm11 =	vgt.u32 v37, v49  }
0xc3: {  	vm12 =	vgt.f32 v44, v35;
	vm0 =	vmand vm10, vm11  }
0xc4: {  	vm0 =	vmor vm12, vm0  }
0xc5: {  	v35 =	vmax.f32 v44, v35;
	v50 =	vld.idx.msk [tilespmem:v56+s14+$0x0], $0xffff;
	v37 =	vsel vm0, v49, v37  }
0xc6: {  	vm13 =	veq.f32 v46, v35;
	vm14 =	vgt.u32 v37, v54  }
0xc7: {  	vm15 =	vgt.f32 v46, v35;
	vm0 =	vmand vm13, vm14  }
0xc8: {  	vm0 =	vmor vm15, vm0  }
0xc9: {  	v35 =	vmax.f32 v46, v35;
	v52 =	vld.idx.msk [tilespmem:v29+s14+$0x0], $0xffff;
	v37 =	vsel vm0, v54, v37  }
0xca: {  	vm4 =	veq.f32 v50, v35;
	vm5 =	vgt.u32 v37, v56  }
0xcb: {  	vm6 =	vgt.f32 v50, v35;
	vm0 =	vmand vm4, vm5  }
0xcc: {  	vm0 =	vmor vm6, vm0  }
0xcd: {  	v55 =	vld.idx.msk [tilespmem:v30+s14+$0x0], $0xffff;
	v35 =	vmax.f32 v50, v35;
	v37 =	vsel vm0, v56, v37  }
0xce: {  	vm7 =	veq.f32 v52, v35;
	vm8 =	vgt.u32 v37, v29  }
0xcf: {  	vm9 =	vgt.f32 v52, v35;
	vm0 =	vmand vm7, vm8  }
0xd0: {  	vm0 =	vmor vm9, vm0  }
0xd1: {  	v35 =	vmax.f32 v52, v35;
	v56 =	vld.idx.msk [tilespmem:v21+s14+$0x0], $0xffff;
	v37 =	vsel vm0, v29, v37  }
0xd2: {  	vm10 =	veq.f32 v55, v35;
	vm11 =	vgt.u32 v37, v30  }
0xd3: {  	vm12 =	vgt.f32 v55, v35;
	vm0 =	vmand vm10, vm11  }
0xd4: {  	vm0 =	vmor vm12, vm0  }
0xd5: {  	v57 =	vld.idx.msk [tilespmem:v53+s14+$0x0], $0xffff;
	v35 =	vmax.f32 v55, v35;
	v37 =	vsel vm0, v30, v37  }
0xd6: {  	vm13 =	veq.f32 v56, v35;
	vm14 =	vgt.u32 v37, v21  }
0xd7: {  	vm15 =	vgt.f32 v56, v35;
	vm0 =	vmand vm13, vm14  }
0xd8: {  	v60 =	vld [tilespmem:$0x1FE20];
	vm0 =	vmor vm15, vm0  }
0xd9: {  	v58 =	vld.idx.msk [tilespmem:v31+s14+$0x0], $0xffff;
	v35 =	vmax.f32 v56, v35;
	v37 =	vsel vm0, v21, v37  }
0xda: {  	vm4 =	veq.f32 v57, v35;
	vm5 =	vgt.u32 v37, v53  }
0xdb: {  	vm6 =	vgt.f32 v57, v35;
	vm0 =	vmand vm4, vm5  }
0xdc: {  	vm0 =	vmor vm6, vm0  }
0xdd: {  	v59 =	vld.idx.msk [tilespmem:v32+s14+$0x0], $0xffff;
	v35 =	vmax.f32 v57, v35;
	v37 =	vsel vm0, v53, v37  }
0xde: {  	vm7 =	veq.f32 v58, v35;
	vm8 =	vgt.u32 v37, v31  }
0xdf: {  	vm9 =	vgt.f32 v58, v35;
	vm0 =	vmand vm7, vm8  }
0xe0: {  	vm0 =	vmor vm9, vm0  }
0xe1: {  	v61 =	vld.idx.msk [tilespmem:v60+s14+$0x0], $0xffff;
	v35 =	vmax.f32 v58, v35;
	v37 =	vsel vm0, v31, v37  }
0xe2: {  	vm10 =	veq.f32 v59, v35;
	vm11 =	vgt.u32 v37, v32  }
0xe3: {  	vm12 =	vgt.f32 v59, v35;
	vm0 =	vmand vm10, vm11  }
0xe4: {  	vm0 =	vmor vm12, vm0  }
0xe5: {  	s8 =	sshll.u32 s7, $0xB;
	v35 =	vmax.f32 v59, v35;
	v62 =	vsel vm0, v32, v37  }
0xe6: {  	s8 =	sand.u32 $0x3FFFF800, s8;
	vm13 =	veq.f32 v61, v35;
	vm14 =	vgt.u32 v62, v60;
	v36 =	vand.u32 $0x1F, v62  }
0xe7: {  	s15 =	sand.u32 $0x180, s14;
	s8 =	sadd.s32 $0x10000, s8;
	vm15 =	vgt.f32 v61, v35;
	vm0 =	vmand vm13, vm14;
	v63 =	vcvt.s32.f32 v36  }
0xe8: {  	s16 =	sand.u32 $0x70, s14;
	s17 =	sadd.s32 s15, s8;
	vm0 =	vmor vm15, vm0  }
0xe9: {  	s15 =	simm.s32 $0x10;
	s16 =	sadd.s32 s16, s17;
	v35 =	vsel vm0, v15, v63  }
.LBB2_3:
0xea: {  	v0 =	vld [tilespmem:$0x1FE10]  }
0xeb: {  	v1 =	vld [tilespmem:$0x1FE00];
	_ =	sdelay $0x5  }
0xec: {  	[tilespmem:s16+$0x0] =	vst v35;
	s14 =	sadd.s32 $0x200, s14  }
0xed: {  	v35 =	vld.idx.msk [tilespmem:v0+s14+$0x0], $0xffff  }
0xee: {  	v36 =	vld.idx.msk [tilespmem:v1+s14+$0x0], $0xffff  }
0xef: {  	v37 =	vld.idx.msk [tilespmem:v9+s14+$0x0], $0xffff  }
0xf0: {  	v38 =	vld.idx.msk [tilespmem:v10+s14+$0x0], $0xffff  }
0xf1: {  	v39 =	vld.idx.msk [tilespmem:v11+s14+$0x0], $0xffff  }
0xf2: {  	v40 =	vld.idx.msk [tilespmem:v12+s14+$0x0], $0xffff  }
0xf3: {  	vm0 =	vgt.f32 v36, v35;
	v35 =	vmax.f32 v36, v35  }
0xf4: {  	v41 =	vld.idx.msk [tilespmem:v45+s14+$0x0], $0xffff;
	v42 =	vsel vm0, v1, v0;
	vm8 =	vgt.f32 v37, v35;
	v35 =	vmax.f32 v37, v35  }
0xf5: {  	v42 =	vsel vm8, v9, v42;
	vm9 =	vgt.f32 v38, v35;
	v35 =	vmax.f32 v38, v35  }
0xf6: {  	v42 =	vsel vm9, v10, v42;
	vm10 =	vgt.f32 v39, v35;
	v35 =	vmax.f32 v39, v35  }
0xf7: {  	v26 =	vsel vm10, v11, v42;
	vm11 =	vgt.f32 v40, v35  }
0xf8: {  	v25 =	vld.idx.msk [tilespmem:v47+s14+$0x0], $0xffff;
	v35 =	vmax.f32 v40, v35;
	v39 =	vsel vm11, v12, v26  }
0xf9: {  	vm12 =	veq.f32 v41, v35;
	vm1 =	vgt.u32 v39, v45  }
0xfa: {  	vm2 =	vgt.f32 v41, v35;
	vm0 =	vmand vm12, vm1  }
0xfb: {  	v13 =	vld [tilespmem:$0x1FEB0];
	vm0 =	vmor vm2, vm0  }
0xfc: {  	v37 =	vld.idx.msk [tilespmem:v48+s14+$0x0], $0xffff;
	v27 =	vmax.f32 v41, v35;
	v39 =	vsel vm0, v45, v39  }
0xfd: {  	vm13 =	veq.f32 v25, v27;
	vm14 =	vgt.u32 v39, v47  }
0xfe: {  	vm15 =	vgt.f32 v25, v27;
	vm0 =	vmand vm13, vm14  }
0xff: {  	v14 =	vmov v31;
	v31 =	vld [tilespmem:$0x1FEF0];
	vm0 =	vmor vm15, vm0  }
0x100: {  	v38 =	vld.idx.msk [tilespmem:v51+s14+$0x0], $0xffff;
	v43 =	vmax.f32 v25, v27;
	v41 =	vsel vm0, v47, v39  }
0x101: {  	vm4 =	veq.f32 v37, v43;
	vm5 =	vgt.u32 v41, v48  }
0x102: {  	vm6 =	vgt.f32 v37, v43;
	vm0 =	vmand vm4, vm5  }
0x103: {  	v15 =	vld [tilespmem:$0x1FF00];
	vm0 =	vmor vm6, vm0  }
0x104: {  	v44 =	vld.idx.msk [tilespmem:v13+s14+$0x0], $0xffff;
	v35 =	vmax.f32 v37, v43;
	v36 =	vsel vm0, v48, v41  }
0x105: {  	vm7 =	veq.f32 v38, v35;
	vm8 =	vgt.u32 v36, v51  }
0x106: {  	vm9 =	vgt.f32 v38, v35;
	vm0 =	vmand vm7, vm8  }
0x107: {  	v16 =	vld [tilespmem:$0x1FF10];
	vm0 =	vmor vm9, vm0  }
0x108: {  	v40 =	vld.idx.msk [tilespmem:v31+s14+$0x0], $0xffff;
	v46 =	vmax.f32 v38, v35;
	v42 =	vsel vm0, v51, v36  }
0x109: {  	vm10 =	veq.f32 v44, v46;
	vm11 =	vgt.u32 v42, v13  }
0x10a: {  	vm12 =	vgt.f32 v44, v46;
	vm0 =	vmand vm10, vm11  }
0x10b: {  	v17 =	vld [tilespmem:$0x1FF20];
	vm0 =	vmor vm12, vm0  }
0x10c: {  	v62 =	vld.idx.msk [tilespmem:v15+s14+$0x0], $0xffff;
	v34 =	vmax.f32 v44, v46;
	v37 =	vsel vm0, v13, v42  }
0x10d: {  	vm13 =	veq.f32 v40, v34;
	vm14 =	vgt.u32 v37, v31  }
0x10e: {  	vm15 =	vgt.f32 v40, v34;
	vm0 =	vmand vm13, vm14  }
0x10f: {  	v18 =	vld [tilespmem:$0x1FFF0];
	vm0 =	vmor vm15, vm0  }
0x110: {  	v63 =	vld.idx.msk [tilespmem:v16+s14+$0x0], $0xffff;
	v0 =	vmax.f32 v40, v34;
	v34 =	vsel vm0, v31, v37  }
0x111: {  	vm4 =	veq.f32 v62, v0;
	vm5 =	vgt.u32 v34, v15  }
0x112: {  	vm6 =	vgt.f32 v62, v0;
	vm0 =	vmand vm4, vm5  }
0x113: {  	v19 =	vld [tilespmem:$0x1FFE0];
	vm0 =	vmor vm6, vm0  }
0x114: {  	v1 =	vld.idx.msk [tilespmem:v17+s14+$0x0], $0xffff;
	v3 =	vmax.f32 v62, v0;
	v34 =	vsel vm0, v15, v34  }
0x115: {  	vm7 =	veq.f32 v63, v3;
	vm8 =	vgt.u32 v34, v16  }
0x116: {  	vm9 =	vgt.f32 v63, v3;
	vm0 =	vmand vm7, vm8  }
0x117: {  	v20 =	vld [tilespmem:$0x1FFD0];
	vm0 =	vmor vm9, vm0  }
0x118: {  	v2 =	vld.idx.msk [tilespmem:v18+s14+$0x0], $0xffff;
	v4 =	vmax.f32 v63, v3;
	v0 =	vsel vm0, v16, v34  }
0x119: {  	vm10 =	veq.f32 v1, v4;
	vm11 =	vgt.u32 v0, v17  }
0x11a: {  	vm12 =	vgt.f32 v1, v4;
	vm0 =	vmand vm10, vm11  }
0x11b: {  	v21 =	vld [tilespmem:$0x1FFC0];
	vm0 =	vmor vm12, vm0  }
0x11c: {  	v60 =	vld.idx.msk [tilespmem:v19+s14+$0x0], $0xffff;
	v5 =	vmax.f32 v1, v4;
	v0 =	vsel vm0, v17, v0  }
0x11d: {  	vm13 =	veq.f32 v2, v5;
	vm14 =	vgt.u32 v0, v18  }
0x11e: {  	vm15 =	vgt.f32 v2, v5;
	vm0 =	vmand vm13, vm14  }
0x11f: {  	v22 =	vld [tilespmem:$0x1FFB0];
	vm0 =	vmor vm15, vm0  }
0x120: {  	v58 =	vld.idx.msk [tilespmem:v20+s14+$0x0], $0xffff;
	v6 =	vmax.f32 v2, v5;
	v0 =	vsel vm0, v18, v0  }
0x121: {  	vm4 =	veq.f32 v60, v6;
	vm5 =	vgt.u32 v0, v19  }
0x122: {  	vm6 =	vgt.f32 v60, v6;
	vm0 =	vmand vm4, vm5  }
0x123: {  	v23 =	vld [tilespmem:$0x1FFA0];
	vm0 =	vmor vm6, vm0  }
0x124: {  	v57 =	vld.idx.msk [tilespmem:v21+s14+$0x0], $0xffff;
	v7 =	vmax.f32 v60, v6;
	v0 =	vsel vm0, v19, v0  }
0x125: {  	vm7 =	veq.f32 v58, v7;
	vm8 =	vgt.u32 v0, v20  }
0x126: {  	vm9 =	vgt.f32 v58, v7;
	vm0 =	vmand vm7, vm8  }
0x127: {  	v24 =	vld [tilespmem:$0x1FF90];
	vm0 =	vmor vm9, vm0  }
0x128: {  	v55 =	vld.idx.msk [tilespmem:v22+s14+$0x0], $0xffff;
	v33 =	vmax.f32 v58, v7;
	v0 =	vsel vm0, v20, v0  }
0x129: {  	vm10 =	veq.f32 v57, v33;
	vm11 =	vgt.u32 v0, v21  }
0x12a: {  	vm12 =	vgt.f32 v57, v33;
	vm0 =	vmand vm10, vm11  }
0x12b: {  	v52 =	vld.idx.msk [tilespmem:v23+s14+$0x0], $0xffff;
	vm0 =	vmor vm12, vm0  }
0x12c: {  	v25 =	vld [tilespmem:$0x1FF80];
	v8 =	vmax.f32 v57, v33;
	v0 =	vsel vm0, v21, v0  }
0x12d: {  	vm13 =	veq.f32 v55, v8;
	vm14 =	vgt.u32 v0, v22  }
0x12e: {  	vm15 =	vgt.f32 v55, v8;
	vm0 =	vmand vm13, vm14  }
0x12f: {  	v50 =	vld.idx.msk [tilespmem:v24+s14+$0x0], $0xffff;
	vm0 =	vmor vm15, vm0  }
0x130: {  	v26 =	vld [tilespmem:$0x1FF30];
	v61 =	vmax.f32 v55, v8;
	v0 =	vsel vm0, v22, v0  }
0x131: {  	vm4 =	veq.f32 v52, v61;
	vm5 =	vgt.u32 v0, v23  }
0x132: {  	vm6 =	vgt.f32 v52, v61;
	vm0 =	vmand vm4, vm5  }
0x133: {  	v27 =	vld [tilespmem:$0x1FF40];
	vm0 =	vmor vm6, vm0  }
0x134: {  	v49 =	vld.idx.msk [tilespmem:v25+s14+$0x0], $0xffff;
	v59 =	vmax.f32 v52, v61;
	v0 =	vsel vm0, v23, v0  }
0x135: {  	vm7 =	veq.f32 v50, v59;
	vm8 =	vgt.u32 v0, v24  }
0x136: {  	vm9 =	vgt.f32 v50, v59;
	vm0 =	vmand vm7, vm8  }
0x137: {  	v28 =	vld [tilespmem:$0x1FF70];
	vm0 =	vmor vm9, vm0  }
0x138: {  	v47 =	vld.idx.msk [tilespmem:v26+s14+$0x0], $0xffff;
	v56 =	vmax.f32 v50, v59;
	v0 =	vsel vm0, v24, v0  }
0x139: {  	vm10 =	veq.f32 v49, v56;
	vm11 =	vgt.u32 v0, v25  }
0x13a: {  	vm12 =	vgt.f32 v49, v56;
	vm0 =	vmand vm10, vm11  }
0x13b: {  	v29 =	vld [tilespmem:$0x1FF60];
	vm0 =	vmor vm12, vm0  }
0x13c: {  	v45 =	vld.idx.msk [tilespmem:v27+s14+$0x0], $0xffff;
	v54 =	vmax.f32 v49, v56;
	v0 =	vsel vm0, v25, v0  }
0x13d: {  	vm13 =	veq.f32 v47, v54;
	vm14 =	vgt.u32 v0, v26  }
0x13e: {  	v30 =	vmov v32;
	v32 =	vld [tilespmem:$0x1FF50];
	vm15 =	vgt.f32 v47, v54;
	vm0 =	vmand vm13, vm14  }
0x13f: {  	v43 =	vld.idx.msk [tilespmem:v28+s14+$0x0], $0xffff;
	vm0 =	vmor vm15, vm0  }
0x140: {  	v38 =	vld.idx.msk [tilespmem:v53+s14+$0x0], $0xffff;
	v53 =	vmax.f32 v47, v54;
	v0 =	vsel vm0, v26, v0  }
0x141: {  	vm4 =	veq.f32 v45, v53;
	vm5 =	vgt.u32 v0, v27  }
0x142: {  	vm6 =	vgt.f32 v45, v53;
	vm0 =	vmand vm4, vm5  }
0x143: {  	vm0 =	vmor vm6, vm0  }
0x144: {  	v41 =	vld.idx.msk [tilespmem:v29+s14+$0x0], $0xffff;
	v51 =	vmax.f32 v45, v53;
	v0 =	vsel vm0, v27, v0  }
0x145: {  	vm7 =	veq.f32 v43, v51;
	vm8 =	vgt.u32 v0, v28  }
0x146: {  	vm9 =	vgt.f32 v43, v51;
	vm0 =	vmand vm7, vm8  }
0x147: {  	vm0 =	vmor vm9, vm0  }
0x148: {  	v39 =	vld.idx.msk [tilespmem:v32+s14+$0x0], $0xffff;
	v48 =	vmax.f32 v43, v51;
	v0 =	vsel vm0, v28, v0  }
0x149: {  	vm10 =	veq.f32 v41, v48;
	vm11 =	vgt.u32 v0, v29  }
0x14a: {  	vm12 =	vgt.f32 v41, v48;
	vm0 =	vmand vm10, vm11  }
0x14b: {  	vm0 =	vmor vm12, vm0  }
0x14c: {  	v46 =	vmax.f32 v41, v48;
	v53 =	vld [tilespmem:$0x1FEC0];
	v0 =	vsel vm0, v29, v0  }
0x14d: {  	vm13 =	veq.f32 v39, v46;
	vm14 =	vgt.u32 v0, v32  }
0x14e: {  	vm15 =	vgt.f32 v39, v46;
	vm0 =	vmand vm13, vm14  }
0x14f: {  	v36 =	vld.idx.msk [tilespmem:v14+s14+$0x0], $0xffff;
	vm0 =	vmor vm15, vm0  }
0x150: {  	v44 =	vmax.f32 v39, v46;
	v61 =	vld [tilespmem:$0x1FE20];
	v0 =	vsel vm0, v32, v0  }
0x151: {  	vm4 =	veq.f32 v38, v44;
	vm5 =	vgt.u32 v0, v53  }
0x152: {  	vm6 =	vgt.f32 v38, v44;
	vm0 =	vmand vm4, vm5  }
0x153: {  	vm0 =	vmor vm6, vm0  }
0x154: {  	v35 =	vld.idx.msk [tilespmem:v30+s14+$0x0], $0xffff;
	v42 =	vmax.f32 v38, v44;
	v0 =	vsel vm0, v53, v0  }
0x155: {  	vm7 =	veq.f32 v36, v42;
	vm8 =	vgt.u32 v0, v14  }
0x156: {  	vm9 =	vgt.f32 v36, v42;
	vm0 =	vmand vm7, vm8  }
0x157: {  	vm0 =	vmor vm9, vm0  }
0x158: {  	v40 =	vmax.f32 v36, v42;
	v62 =	vld.idx.msk [tilespmem:v61+s14+$0x0], $0xffff;
	v0 =	vsel vm0, v14, v0  }
0x159: {  	vm10 =	veq.f32 v35, v40;
	vm11 =	vgt.u32 v0, v30  }
0x15a: {  	vm12 =	vgt.f32 v35, v40;
	vm0 =	vmand vm10, vm11  }
0x15b: {  	p0 =	sne.s32 s15, $0x1F0;
	v63 =	vld [tilespmem:$0x1FEE0];
	vm0 =	vmor vm12, vm0  }
.Ltmp0:
0x15c: {  	v37 =	vmax.f32 v35, v40;
	v0 =	vsel vm0, v30, v0;
	(pc) =	sbr.rel @p0 .LBB2_3-.Ltmp0, $4  }
0x15d: {  	s19 =	smov.u32 s15;
	v47 =	vld [tilespmem:$0x1FE80];
	vm13 =	veq.f32 v62, v37;
	vm14 =	vgt.u32 v0, v61;
	v0 =	vand.u32 $0x1F, v0  }
0x15e: {  	s17 =	sand.u32 $0x180, s19;
	v45 =	vld [tilespmem:$0x1FE70];
	vm15 =	vgt.f32 v62, v37;
	vm0 =	vmand vm13, vm14;
	v0 =	vcvt.s32.f32 v0  }
0x15f: {  	s16 =	sand.u32 $0x70, s19;
	s17 =	sadd.s32 s17, s8;
	v51 =	vld [tilespmem:$0x1FEA0];
	vm0 =	vmor vm15, vm0  }
0x160: {  	s15 =	sadd.s32 $0x10, s15;
	s16 =	sadd.s32 s16, s17;
	v31 =	vmov v14;
	v48 =	vld [tilespmem:$0x1FE90];
	v32 =	vmov v30;
	v35 =	vsel vm0, v63, v0  }
0x161: {  	s14 =	sshll.u32 s7, $0x13;
	p0 =	seq.s32 s7, $0x3  }
0x162: {  	s15 =	sadd.s32 @!p0 s14, s10  }
0x163: {  	[tilespmem:s16+$0x0] =	vst v35;
	s16 =	simm.s32 @!p0 $0x80;
	s15 =	sshrl.u32 @!p0 s15, $0x3  }
0x164: {  	s17 =	simm.s32 @!p0 $0x400;
	s18 =	simm.s32 @!p0 $0x0;
	s15 =	sadd.s32 @!p0 s5, s15  }
0x165: {  	[tilespmem:s18], [sflag:$0x1] =	stream.strided.gather @!p0 [hbm4b:s15+s16], $0x4000, s17, s16, $0x38;
	[tilespmem:$0x16080] =	vst v63  }
0x166: {  	_ =	swait.ge [sflag:s0], $0x4000  }
0x167: {  	v6 =	vld [tilespmem:$0x1FE10]  }
0x168: {  	v7 =	vld [tilespmem:$0x1FE00];
	_ =	sdelay $0x4  }
0x169: {  	[sflag:s0] =	ssyncset.done $0x0  }
0x16a: {  	s15 =	simm.s32 $0x4000;
	[sflag:s0] =	ssyncadd.s32 $0xFFFFC000  }
0x16b: {  	v0 =	vld.idx.msk [tilespmem:v6+s15+$0x0], $0xffff  }
0x16c: {  	v1 =	vld.idx.msk [tilespmem:v7+s15+$0x0], $0xffff  }
0x16d: {  	v2 =	vld.idx.msk [tilespmem:v9+s15+$0x0], $0xffff  }
0x16e: {  	v3 =	vld.idx.msk [tilespmem:v10+s15+$0x0], $0xffff  }
0x16f: {  	v4 =	vld.idx.msk [tilespmem:v11+s15+$0x0], $0xffff  }
0x170: {  	v5 =	vld.idx.msk [tilespmem:v12+s15+$0x0], $0xffff  }
0x171: {  	vm0 =	vgt.f32 v1, v0;
	v0 =	vmax.f32 v1, v0  }
0x172: {  	v55 =	vld.idx.msk [tilespmem:v45+s15+$0x0], $0xffff;
	vm1 =	vgt.f32 v2, v0;
	v0 =	vmax.f32 v2, v0;
	v56 =	vsel vm0, v7, v6  }
0x173: {  	vm8 =	vgt.f32 v3, v0;
	v0 =	vmax.f32 v3, v0;
	v2 =	vsel vm1, v9, v56  }
0x174: {  	vm9 =	vgt.f32 v4, v0;
	v0 =	vmax.f32 v4, v0;
	v2 =	vsel vm8, v10, v2  }
0x175: {  	v2 =	vsel vm9, v11, v2;
	vm10 =	vgt.f32 v5, v0  }
0x176: {  	v57 =	vld.idx.msk [tilespmem:v47+s15+$0x0], $0xffff;
	v0 =	vmax.f32 v5, v0;
	v2 =	vsel vm10, v12, v2  }
0x177: {  	vm11 =	veq.f32 v55, v0;
	vm12 =	vgt.u32 v2, v45  }
0x178: {  	vm2 =	vgt.f32 v55, v0;
	vm0 =	vmand vm11, vm12  }
0x179: {  	v42 =	vld [tilespmem:$0x1FEB0];
	vm0 =	vmor vm2, vm0  }
0x17a: {  	v58 =	vld.idx.msk [tilespmem:v48+s15+$0x0], $0xffff;
	v0 =	vmax.f32 v55, v0;
	v2 =	vsel vm0, v45, v2  }
0x17b: {  	vm13 =	veq.f32 v57, v0;
	vm14 =	vgt.u32 v2, v47  }
0x17c: {  	vm15 =	vgt.f32 v57, v0;
	vm0 =	vmand vm13, vm14  }
0x17d: {  	v16 =	vld [tilespmem:$0x1FEF0];
	vm0 =	vmor vm15, vm0  }
0x17e: {  	v59 =	vld.idx.msk [tilespmem:v51+s15+$0x0], $0xffff;
	v0 =	vmax.f32 v57, v0;
	v2 =	vsel vm0, v47, v2  }
0x17f: {  	vm4 =	veq.f32 v58, v0;
	vm5 =	vgt.u32 v2, v48  }
0x180: {  	vm6 =	vgt.f32 v58, v0;
	vm0 =	vmand vm4, vm5  }
0x181: {  	v17 =	vld [tilespmem:$0x1FF00];
	vm0 =	vmor vm6, vm0  }
0x182: {  	v60 =	vld.idx.msk [tilespmem:v42+s15+$0x0], $0xffff;
	v0 =	vmax.f32 v58, v0;
	v2 =	vsel vm0, v48, v2  }
0x183: {  	vm7 =	veq.f32 v59, v0;
	vm8 =	vgt.u32 v2, v51  }
0x184: {  	vm9 =	vgt.f32 v59, v0;
	vm0 =	vmand vm7, vm8  }
0x185: {  	v18 =	vld [tilespmem:$0x1FF10];
	vm0 =	vmor vm9, vm0  }
0x186: {  	v61 =	vld.idx.msk [tilespmem:v16+s15+$0x0], $0xffff;
	v0 =	vmax.f32 v59, v0;
	v2 =	vsel vm0, v51, v2  }
0x187: {  	vm10 =	veq.f32 v60, v0;
	vm11 =	vgt.u32 v2, v42  }
0x188: {  	vm12 =	vgt.f32 v60, v0;
	vm0 =	vmand vm10, vm11  }
0x189: {  	v19 =	vld [tilespmem:$0x1FF20];
	vm0 =	vmor vm12, vm0  }
0x18a: {  	v62 =	vld.idx.msk [tilespmem:v17+s15+$0x0], $0xffff;
	v0 =	vmax.f32 v60, v0;
	v2 =	vsel vm0, v42, v2  }
0x18b: {  	vm13 =	veq.f32 v61, v0;
	vm14 =	vgt.u32 v2, v16  }
0x18c: {  	vm15 =	vgt.f32 v61, v0;
	vm0 =	vmand vm13, vm14  }
0x18d: {  	v20 =	vld [tilespmem:$0x1FFF0];
	vm0 =	vmor vm15, vm0  }
0x18e: {  	v63 =	vld.idx.msk [tilespmem:v18+s15+$0x0], $0xffff;
	v0 =	vmax.f32 v61, v0;
	v2 =	vsel vm0, v16, v2  }
0x18f: {  	vm4 =	veq.f32 v62, v0;
	vm5 =	vgt.u32 v2, v17  }
0x190: {  	vm6 =	vgt.f32 v62, v0;
	vm0 =	vmand vm4, vm5  }
0x191: {  	v6 =	vld.idx.msk [tilespmem:v19+s15+$0x0], $0xffff;
	vm0 =	vmor vm6, vm0  }
0x192: {  	v60 =	vld [tilespmem:$0x1FFE0];
	v0 =	vmax.f32 v62, v0;
	v2 =	vsel vm0, v17, v2  }
0x193: {  	vm7 =	veq.f32 v63, v0;
	vm8 =	vgt.u32 v2, v18  }
0x194: {  	vm9 =	vgt.f32 v63, v0;
	vm0 =	vmand vm7, vm8  }
0x195: {  	v7 =	vld.idx.msk [tilespmem:v20+s15+$0x0], $0xffff;
	vm0 =	vmor vm9, vm0  }
0x196: {  	v58 =	vld [tilespmem:$0x1FFD0];
	v0 =	vmax.f32 v63, v0;
	v2 =	vsel vm0, v18, v2  }
0x197: {  	vm10 =	veq.f32 v6, v0;
	vm11 =	vgt.u32 v2, v19  }
0x198: {  	vm12 =	vgt.f32 v6, v0;
	vm0 =	vmand vm10, vm11  }
0x199: {  	v57 =	vld [tilespmem:$0x1FFC0];
	vm0 =	vmor vm12, vm0  }
0x19a: {  	v24 =	vld.idx.msk [tilespmem:v60+s15+$0x0], $0xffff;
	v0 =	vmax.f32 v6, v0;
	v2 =	vsel vm0, v19, v2  }
0x19b: {  	vm13 =	veq.f32 v7, v0;
	vm14 =	vgt.u32 v2, v20  }
0x19c: {  	vm15 =	vgt.f32 v7, v0;
	vm0 =	vmand vm13, vm14  }
0x19d: {  	v55 =	vld [tilespmem:$0x1FFB0];
	vm0 =	vmor vm15, vm0  }
0x19e: {  	v25 =	vld.idx.msk [tilespmem:v58+s15+$0x0], $0xffff;
	v0 =	vmax.f32 v7, v0;
	v2 =	vsel vm0, v20, v2  }
0x19f: {  	vm4 =	veq.f32 v24, v0;
	vm5 =	vgt.u32 v2, v60  }
0x1a0: {  	vm6 =	vgt.f32 v24, v0;
	vm0 =	vmand vm4, vm5  }
0x1a1: {  	v52 =	vld [tilespmem:$0x1FFA0];
	vm0 =	vmor vm6, vm0  }
0x1a2: {  	v26 =	vld.idx.msk [tilespmem:v57+s15+$0x0], $0xffff;
	v0 =	vmax.f32 v24, v0;
	v2 =	vsel vm0, v60, v2  }
0x1a3: {  	vm7 =	veq.f32 v25, v0;
	vm8 =	vgt.u32 v2, v58  }
0x1a4: {  	vm9 =	vgt.f32 v25, v0;
	vm0 =	vmand vm7, vm8  }
0x1a5: {  	v50 =	vld [tilespmem:$0x1FF90];
	vm0 =	vmor vm9, vm0  }
0x1a6: {  	v33 =	vld.idx.msk [tilespmem:v55+s15+$0x0], $0xffff;
	v0 =	vmax.f32 v25, v0;
	v2 =	vsel vm0, v58, v2  }
0x1a7: {  	vm10 =	veq.f32 v26, v0;
	vm11 =	vgt.u32 v2, v57  }
0x1a8: {  	vm12 =	vgt.f32 v26, v0;
	vm0 =	vmand vm10, vm11  }
0x1a9: {  	v49 =	vld [tilespmem:$0x1FF80];
	vm0 =	vmor vm12, vm0  }
0x1aa: {  	v34 =	vld.idx.msk [tilespmem:v52+s15+$0x0], $0xffff;
	v0 =	vmax.f32 v26, v0;
	v2 =	vsel vm0, v57, v2  }
0x1ab: {  	vm13 =	veq.f32 v33, v0;
	vm14 =	vgt.u32 v2, v55  }
0x1ac: {  	vm15 =	vgt.f32 v33, v0;
	vm0 =	vmand vm13, vm14  }
0x1ad: {  	v54 =	vld [tilespmem:$0x1FF30];
	vm0 =	vmor vm15, vm0  }
0x1ae: {  	v35 =	vld.idx.msk [tilespmem:v50+s15+$0x0], $0xffff;
	v0 =	vmax.f32 v33, v0;
	v2 =	vsel vm0, v55, v2  }
0x1af: {  	vm4 =	veq.f32 v34, v0;
	vm5 =	vgt.u32 v2, v52  }
0x1b0: {  	vm6 =	vgt.f32 v34, v0;
	vm0 =	vmand vm4, vm5  }
0x1b1: {  	v36 =	vld.idx.msk [tilespmem:v49+s15+$0x0], $0xffff;
	vm0 =	vmor vm6, vm0  }
0x1b2: {  	v56 =	vld [tilespmem:$0x1FF40];
	v0 =	vmax.f32 v34, v0;
	v2 =	vsel vm0, v52, v2  }
0x1b3: {  	vm7 =	veq.f32 v35, v0;
	vm8 =	vgt.u32 v2, v50  }
0x1b4: {  	vm9 =	vgt.f32 v35, v0;
	vm0 =	vmand vm7, vm8  }
0x1b5: {  	v29 =	vld [tilespmem:$0x1FF70];
	vm0 =	vmor vm9, vm0  }
0x1b6: {  	v37 =	vld.idx.msk [tilespmem:v54+s15+$0x0], $0xffff;
	v0 =	vmax.f32 v35, v0;
	v2 =	vsel vm0, v50, v2  }
0x1b7: {  	vm10 =	veq.f32 v36, v0;
	vm11 =	vgt.u32 v2, v49  }
0x1b8: {  	vm12 =	vgt.f32 v36, v0;
	vm0 =	vmand vm10, vm11  }
0x1b9: {  	v30 =	vld [tilespmem:$0x1FF60];
	vm0 =	vmor vm12, vm0  }
0x1ba: {  	v38 =	vld.idx.msk [tilespmem:v56+s15+$0x0], $0xffff;
	v0 =	vmax.f32 v36, v0;
	v2 =	vsel vm0, v49, v2  }
0x1bb: {  	vm13 =	veq.f32 v37, v0;
	vm14 =	vgt.u32 v2, v54  }
0x1bc: {  	vm15 =	vgt.f32 v37, v0;
	vm0 =	vmand vm13, vm14  }
0x1bd: {  	v21 =	vld [tilespmem:$0x1FF50];
	vm0 =	vmor vm15, vm0  }
0x1be: {  	v39 =	vld.idx.msk [tilespmem:v29+s15+$0x0], $0xffff;
	v0 =	vmax.f32 v37, v0;
	v2 =	vsel vm0, v54, v2  }
0x1bf: {  	vm4 =	veq.f32 v38, v0;
	vm5 =	vgt.u32 v2, v56  }
0x1c0: {  	vm6 =	vgt.f32 v38, v0;
	vm0 =	vmand vm4, vm5  }
0x1c1: {  	vm0 =	vmor vm6, vm0  }
0x1c2: {  	v40 =	vld.idx.msk [tilespmem:v30+s15+$0x0], $0xffff;
	v0 =	vmax.f32 v38, v0;
	v2 =	vsel vm0, v56, v2  }
0x1c3: {  	vm7 =	veq.f32 v39, v0;
	vm8 =	vgt.u32 v2, v29  }
0x1c4: {  	vm9 =	vgt.f32 v39, v0;
	vm0 =	vmand vm7, vm8  }
0x1c5: {  	vm0 =	vmor vm9, vm0  }
0x1c6: {  	v41 =	vld.idx.msk [tilespmem:v21+s15+$0x0], $0xffff;
	v0 =	vmax.f32 v39, v0;
	v2 =	vsel vm0, v29, v2  }
0x1c7: {  	vm10 =	veq.f32 v40, v0;
	vm11 =	vgt.u32 v2, v30  }
0x1c8: {  	vm12 =	vgt.f32 v40, v0;
	vm0 =	vmand vm10, vm11  }
0x1c9: {  	vm0 =	vmor vm12, vm0  }
0x1ca: {  	v43 =	vld.idx.msk [tilespmem:v53+s15+$0x0], $0xffff;
	v0 =	vmax.f32 v40, v0;
	v2 =	vsel vm0, v30, v2  }
0x1cb: {  	vm13 =	veq.f32 v41, v0;
	vm14 =	vgt.u32 v2, v21  }
0x1cc: {  	vm15 =	vgt.f32 v41, v0;
	vm0 =	vmand vm13, vm14  }
0x1cd: {  	v44 =	vld.idx.msk [tilespmem:v31+s15+$0x0], $0xffff;
	vm0 =	vmor vm15, vm0  }
0x1ce: {  	v59 =	vld [tilespmem:$0x1FE20];
	v0 =	vmax.f32 v41, v0;
	v2 =	vsel vm0, v21, v2  }
0x1cf: {  	vm4 =	veq.f32 v43, v0;
	vm5 =	vgt.u32 v2, v53  }
0x1d0: {  	vm6 =	vgt.f32 v43, v0;
	vm0 =	vmand vm4, vm5  }
0x1d1: {  	vm0 =	vmor vm6, vm0  }
0x1d2: {  	v46 =	vld.idx.msk [tilespmem:v32+s15+$0x0], $0xffff;
	v0 =	vmax.f32 v43, v0;
	v2 =	vsel vm0, v53, v2  }
0x1d3: {  	vm7 =	veq.f32 v44, v0;
	vm8 =	vgt.u32 v2, v31  }
0x1d4: {  	vm9 =	vgt.f32 v44, v0;
	vm0 =	vmand vm7, vm8  }
0x1d5: {  	vm0 =	vmor vm9, vm0  }
0x1d6: {  	v61 =	vld.idx.msk [tilespmem:v59+s15+$0x0], $0xffff;
	v0 =	vmax.f32 v44, v0;
	v2 =	vsel vm0, v31, v2  }
0x1d7: {  	vm10 =	veq.f32 v46, v0;
	vm11 =	vgt.u32 v2, v32  }
0x1d8: {  	vm12 =	vgt.f32 v46, v0;
	vm0 =	vmand vm10, vm11  }
0x1d9: {  	v15 =	vld [tilespmem:$0x1FEE0];
	vm0 =	vmor vm12, vm0  }
0x1da: {  	v0 =	vmax.f32 v46, v0;
	v62 =	vsel vm0, v32, v2  }
0x1db: {  	s17 =	simm.s32 $0x0;
	vm13 =	veq.f32 v61, v0;
	vm14 =	vgt.u32 v62, v59;
	v1 =	vand.u32 $0x1F, v62  }
0x1dc: {  	s18 =	sand.u32 $0x180, s17;
	vm15 =	vgt.f32 v61, v0;
	vm0 =	vmand vm13, vm14;
	v63 =	vcvt.s32.f32 v1  }
0x1dd: {  	s19 =	sand.u32 $0x70, s17;
	s17 =	sadd.s32 s18, s8;
	vm0 =	vmor vm15, vm0  }
0x1de: {  	s16 =	simm.s32 $0x10;
	s17 =	sadd.s32 s19, s17;
	v35 =	vsel vm0, v15, v63  }
.LBB2_5:
0x1df: {  	v7 =	vld [tilespmem:$0x1FE10]  }
0x1e0: {  	v8 =	vld [tilespmem:$0x1FE00];
	_ =	sdelay $0x5  }
0x1e1: {  	[tilespmem:s17+$0x200] =	vst v35;
	s15 =	sadd.s32 $0x200, s15  }
0x1e2: {  	v0 =	vld.idx.msk [tilespmem:v7+s15+$0x0], $0xffff  }
0x1e3: {  	v1 =	vld.idx.msk [tilespmem:v8+s15+$0x0], $0xffff  }
0x1e4: {  	v2 =	vld.idx.msk [tilespmem:v9+s15+$0x0], $0xffff  }
0x1e5: {  	v3 =	vld.idx.msk [tilespmem:v10+s15+$0x0], $0xffff  }
0x1e6: {  	v4 =	vld.idx.msk [tilespmem:v11+s15+$0x0], $0xffff  }
0x1e7: {  	v5 =	vld.idx.msk [tilespmem:v12+s15+$0x0], $0xffff  }
0x1e8: {  	vm0 =	vgt.f32 v1, v0;
	v0 =	vmax.f32 v1, v0  }
0x1e9: {  	v6 =	vld.idx.msk [tilespmem:v45+s15+$0x0], $0xffff;
	v7 =	vsel vm0, v8, v7;
	vm8 =	vgt.f32 v2, v0;
	v0 =	vmax.f32 v2, v0  }
0x1ea: {  	v7 =	vsel vm8, v9, v7;
	vm9 =	vgt.f32 v3, v0;
	v0 =	vmax.f32 v3, v0  }
0x1eb: {  	v7 =	vsel vm9, v10, v7;
	vm10 =	vgt.f32 v4, v0;
	v0 =	vmax.f32 v4, v0  }
0x1ec: {  	v7 =	vsel vm10, v11, v7;
	vm11 =	vgt.f32 v5, v0  }
0x1ed: {  	v43 =	vld.idx.msk [tilespmem:v47+s15+$0x0], $0xffff;
	v0 =	vmax.f32 v5, v0;
	v7 =	vsel vm11, v12, v7  }
0x1ee: {  	vm12 =	veq.f32 v6, v0;
	vm1 =	vgt.u32 v7, v45  }
0x1ef: {  	vm2 =	vgt.f32 v6, v0;
	vm0 =	vmand vm12, vm1  }
0x1f0: {  	vm0 =	vmor vm2, vm0  }
0x1f1: {  	v44 =	vld.idx.msk [tilespmem:v48+s15+$0x0], $0xffff;
	v8 =	vmax.f32 v6, v0;
	v7 =	vsel vm0, v45, v7  }
0x1f2: {  	vm13 =	veq.f32 v43, v8;
	vm14 =	vgt.u32 v7, v47  }
0x1f3: {  	vm15 =	vgt.f32 v43, v8;
	vm0 =	vmand vm13, vm14  }
0x1f4: {  	vm0 =	vmor vm15, vm0  }
0x1f5: {  	v3 =	vld.idx.msk [tilespmem:v51+s15+$0x0], $0xffff;
	v34 =	vmax.f32 v43, v8;
	v7 =	vsel vm0, v47, v7  }
0x1f6: {  	vm4 =	veq.f32 v44, v34;
	vm5 =	vgt.u32 v7, v48  }
0x1f7: {  	vm6 =	vgt.f32 v44, v34;
	vm0 =	vmand vm4, vm5  }
0x1f8: {  	vm0 =	vmor vm6, vm0  }
0x1f9: {  	v4 =	vld.idx.msk [tilespmem:v42+s15+$0x0], $0xffff;
	v0 =	vmax.f32 v44, v34;
	v7 =	vsel vm0, v48, v7  }
0x1fa: {  	vm7 =	veq.f32 v3, v0;
	vm8 =	vgt.u32 v7, v51  }
0x1fb: {  	vm9 =	vgt.f32 v3, v0;
	vm0 =	vmand vm7, vm8  }
0x1fc: {  	vm0 =	vmor vm9, vm0  }
0x1fd: {  	v5 =	vld.idx.msk [tilespmem:v16+s15+$0x0], $0xffff;
	v35 =	vmax.f32 v3, v0;
	v46 =	vsel vm0, v51, v7  }
0x1fe: {  	vm10 =	veq.f32 v4, v35;
	vm11 =	vgt.u32 v46, v42  }
0x1ff: {  	vm12 =	vgt.f32 v4, v35;
	vm0 =	vmand vm10, vm11  }
0x200: {  	vm0 =	vmor vm12, vm0  }
0x201: {  	v33 =	vld.idx.msk [tilespmem:v17+s15+$0x0], $0xffff;
	v37 =	vmax.f32 v4, v35;
	v0 =	vsel vm0, v42, v46  }
0x202: {  	vm13 =	veq.f32 v5, v37;
	vm14 =	vgt.u32 v0, v16  }
0x203: {  	vm15 =	vgt.f32 v5, v37;
	vm0 =	vmand vm13, vm14  }
0x204: {  	vm0 =	vmor vm15, vm0  }
0x205: {  	v62 =	vld.idx.msk [tilespmem:v18+s15+$0x0], $0xffff;
	v9 =	vmax.f32 v5, v37;
	v0 =	vsel vm0, v16, v0  }
0x206: {  	vm4 =	veq.f32 v33, v9;
	vm5 =	vgt.u32 v0, v17  }
0x207: {  	vm6 =	vgt.f32 v33, v9;
	vm0 =	vmand vm4, vm5  }
0x208: {  	vm0 =	vmor vm6, vm0  }
0x209: {  	v6 =	vld.idx.msk [tilespmem:v19+s15+$0x0], $0xffff;
	v1 =	vmax.f32 v33, v9;
	v0 =	vsel vm0, v17, v0  }
0x20a: {  	vm7 =	veq.f32 v62, v1;
	vm8 =	vgt.u32 v0, v18  }
0x20b: {  	vm9 =	vgt.f32 v62, v1;
	vm0 =	vmand vm7, vm8  }
0x20c: {  	vm0 =	vmor vm9, vm0  }
0x20d: {  	v63 =	vld.idx.msk [tilespmem:v20+s15+$0x0], $0xffff;
	v8 =	vmax.f32 v62, v1;
	v0 =	vsel vm0, v18, v0  }
0x20e: {  	vm10 =	veq.f32 v6, v8;
	vm11 =	vgt.u32 v0, v19  }
0x20f: {  	vm12 =	vgt.f32 v6, v8;
	vm0 =	vmand vm10, vm11  }
0x210: {  	vm0 =	vmor vm12, vm0  }
0x211: {  	v22 =	vmov v60;
	v60 =	vld.idx.msk [tilespmem:v60+s15+$0x0], $0xffff;
	v10 =	vmax.f32 v6, v8;
	v0 =	vsel vm0, v19, v0  }
0x212: {  	vm13 =	veq.f32 v63, v10;
	vm14 =	vgt.u32 v0, v20  }
0x213: {  	vm15 =	vgt.f32 v63, v10;
	vm0 =	vmand vm13, vm14  }
0x214: {  	vm0 =	vmor vm15, vm0  }
0x215: {  	v23 =	vmov v58;
	v58 =	vld.idx.msk [tilespmem:v58+s15+$0x0], $0xffff;
	v11 =	vmax.f32 v63, v10;
	v0 =	vsel vm0, v20, v0  }
0x216: {  	vm4 =	veq.f32 v60, v11;
	vm5 =	vgt.u32 v0, v22  }
0x217: {  	vm6 =	vgt.f32 v60, v11;
	vm0 =	vmand vm4, vm5  }
0x218: {  	vm0 =	vmor vm6, vm0  }
0x219: {  	v24 =	vmov v57;
	v57 =	vld.idx.msk [tilespmem:v57+s15+$0x0], $0xffff;
	v2 =	vmax.f32 v60, v11;
	v0 =	vsel vm0, v22, v0  }
0x21a: {  	vm7 =	veq.f32 v58, v2;
	vm8 =	vgt.u32 v0, v23  }
0x21b: {  	vm9 =	vgt.f32 v58, v2;
	vm0 =	vmand vm7, vm8  }
0x21c: {  	vm0 =	vmor vm9, vm0  }
0x21d: {  	v25 =	vmov v55;
	v55 =	vld.idx.msk [tilespmem:v55+s15+$0x0], $0xffff;
	v34 =	vmax.f32 v58, v2;
	v0 =	vsel vm0, v23, v0  }
0x21e: {  	vm10 =	veq.f32 v57, v34;
	vm11 =	vgt.u32 v0, v24  }
0x21f: {  	vm12 =	vgt.f32 v57, v34;
	vm0 =	vmand vm10, vm11  }
0x220: {  	vm0 =	vmor vm12, vm0  }
0x221: {  	v26 =	vmov v52;
	v52 =	vld.idx.msk [tilespmem:v52+s15+$0x0], $0xffff;
	v12 =	vmax.f32 v57, v34;
	v0 =	vsel vm0, v24, v0  }
0x222: {  	vm13 =	veq.f32 v55, v12;
	vm14 =	vgt.u32 v0, v25  }
0x223: {  	vm15 =	vgt.f32 v55, v12;
	vm0 =	vmand vm13, vm14  }
0x224: {  	vm0 =	vmor vm15, vm0  }
0x225: {  	v27 =	vmov v50;
	v50 =	vld.idx.msk [tilespmem:v50+s15+$0x0], $0xffff;
	v61 =	vmax.f32 v55, v12;
	v0 =	vsel vm0, v25, v0  }
0x226: {  	vm4 =	veq.f32 v52, v61;
	vm5 =	vgt.u32 v0, v26  }
0x227: {  	vm6 =	vgt.f32 v52, v61;
	vm0 =	vmand vm4, vm5  }
0x228: {  	vm0 =	vmor vm6, vm0  }
0x229: {  	v28 =	vmov v49;
	v49 =	vld.idx.msk [tilespmem:v49+s15+$0x0], $0xffff;
	v59 =	vmax.f32 v52, v61;
	v0 =	vsel vm0, v26, v0  }
0x22a: {  	v47 =	vld.idx.msk [tilespmem:v54+s15+$0x0], $0xffff;
	vm7 =	veq.f32 v50, v59;
	vm8 =	vgt.u32 v0, v27  }
0x22b: {  	vm9 =	vgt.f32 v50, v59;
	vm0 =	vmand vm7, vm8  }
0x22c: {  	v45 =	vld.idx.msk [tilespmem:v56+s15+$0x0], $0xffff;
	vm0 =	vmor vm9, vm0  }
0x22d: {  	v56 =	vmax.f32 v50, v59;
	v61 =	vld [tilespmem:$0x1FF30];
	v0 =	vsel vm0, v27, v0  }
0x22e: {  	v54 =	vmax.f32 v49, v56;
	vm10 =	veq.f32 v49, v56;
	vm11 =	vgt.u32 v0, v28  }
0x22f: {  	v38 =	vld.idx.msk [tilespmem:v53+s15+$0x0], $0xffff;
	v53 =	vmax.f32 v47, v54;
	vm12 =	vgt.f32 v49, v56;
	vm0 =	vmand vm10, vm11  }
0x230: {  	vm13 =	veq.f32 v47, v54;
	vm15 =	vgt.f32 v47, v54;
	v54 =	vld [tilespmem:$0x1FF30];
	vm0 =	vmor vm12, vm0  }
0x231: {  	v56 =	vld [tilespmem:$0x1FF40];
	v0 =	vsel vm0, v28, v0  }
0x232: {  	vm14 =	vgt.u32 v0, v61  }
0x233: {  	vm0 =	vmand vm13, vm14  }
0x234: {  	vm0 =	vmor vm15, vm0  }
0x235: {  	v43 =	vld.idx.msk [tilespmem:v29+s15+$0x0], $0xffff;
	v0 =	vsel vm0, v54, v0  }
0x236: {  	vm4 =	veq.f32 v45, v53;
	vm5 =	vgt.u32 v0, v56  }
0x237: {  	vm6 =	vgt.f32 v45, v53;
	vm0 =	vmand vm4, vm5  }
0x238: {  	vm0 =	vmor vm6, vm0  }
0x239: {  	v41 =	vld.idx.msk [tilespmem:v30+s15+$0x0], $0xffff;
	v51 =	vmax.f32 v45, v53;
	v0 =	vsel vm0, v56, v0  }
0x23a: {  	vm7 =	veq.f32 v43, v51;
	vm8 =	vgt.u32 v0, v29  }
0x23b: {  	vm9 =	vgt.f32 v43, v51;
	vm0 =	vmand vm7, vm8  }
0x23c: {  	vm0 =	vmor vm9, vm0  }
0x23d: {  	v39 =	vld.idx.msk [tilespmem:v21+s15+$0x0], $0xffff;
	v4 =	vmax.f32 v43, v51;
	v0 =	vsel vm0, v29, v0  }
0x23e: {  	vm10 =	veq.f32 v41, v4;
	vm11 =	vgt.u32 v0, v30  }
0x23f: {  	vm12 =	vgt.f32 v41, v4;
	vm0 =	vmand vm10, vm11  }
0x240: {  	vm0 =	vmor vm12, vm0  }
0x241: {  	v46 =	vmax.f32 v41, v4;
	v53 =	vld [tilespmem:$0x1FEC0];
	v0 =	vsel vm0, v30, v0  }
0x242: {  	vm13 =	veq.f32 v39, v46;
	vm14 =	vgt.u32 v0, v21  }
0x243: {  	vm15 =	vgt.f32 v39, v46;
	vm0 =	vmand vm13, vm14  }
0x244: {  	v36 =	vld.idx.msk [tilespmem:v31+s15+$0x0], $0xffff;
	vm0 =	vmor vm15, vm0  }
0x245: {  	v62 =	vld [tilespmem:$0x1FE20];
	v44 =	vmax.f32 v39, v46;
	v0 =	vsel vm0, v21, v0  }
0x246: {  	vm4 =	veq.f32 v38, v44;
	vm5 =	vgt.u32 v0, v53  }
0x247: {  	vm6 =	vgt.f32 v38, v44;
	vm0 =	vmand vm4, vm5  }
0x248: {  	vm0 =	vmor vm6, vm0  }
0x249: {  	v35 =	vld.idx.msk [tilespmem:v32+s15+$0x0], $0xffff;
	v5 =	vmax.f32 v38, v44;
	v0 =	vsel vm0, v53, v0  }
0x24a: {  	vm7 =	veq.f32 v36, v5;
	vm8 =	vgt.u32 v0, v31  }
0x24b: {  	vm9 =	vgt.f32 v36, v5;
	vm0 =	vmand vm7, vm8  }
0x24c: {  	v9 =	vld [tilespmem:$0x1FE30];
	vm0 =	vmor vm9, vm0  }
0x24d: {  	v40 =	vmax.f32 v36, v5;
	v63 =	vld.idx.msk [tilespmem:v62+s15+$0x0], $0xffff;
	v0 =	vsel vm0, v31, v0  }
0x24e: {  	v48 =	vld [tilespmem:$0x1FE90];
	vm10 =	veq.f32 v35, v40;
	vm11 =	vgt.u32 v0, v32  }
0x24f: {  	v42 =	vld [tilespmem:$0x1FEB0];
	vm12 =	vgt.f32 v35, v40;
	vm0 =	vmand vm10, vm11  }
0x250: {  	p1 =	sne.s32 s16, $0x1F0;
	v10 =	vld [tilespmem:$0x1FE40];
	vm0 =	vmor vm12, vm0  }
.Ltmp1:
0x251: {  	v7 =	vmax.f32 v35, v40;
	v11 =	vld [tilespmem:$0x1FE50];
	v0 =	vsel vm0, v32, v0;
	(pc) =	sbr.rel @p1 .LBB2_5-.Ltmp1, $4  }
0x252: {  	s19 =	smov.u32 s16;
	v12 =	vld [tilespmem:$0x1FE60];
	vm13 =	veq.f32 v63, v7;
	vm14 =	vgt.u32 v0, v62;
	v0 =	vand.u32 $0x1F, v0  }
0x253: {  	s18 =	sand.u32 $0x180, s19;
	v47 =	vld [tilespmem:$0x1FE80];
	vm15 =	vgt.f32 v63, v7;
	vm0 =	vmand vm13, vm14;
	v0 =	vcvt.s32.f32 v0  }
0x254: {  	s17 =	sand.u32 $0x70, s19;
	s18 =	sadd.s32 s18, s8;
	v60 =	vmovc v22;
	v58 =	vmov v23;
	v57 =	vmov v24;
	v45 =	vld [tilespmem:$0x1FE70];
	vm0 =	vmor vm15, vm0  }
0x255: {  	s16 =	sadd.s32 $0x10, s16;
	s17 =	sadd.s32 s17, s18;
	v55 =	vmovc v25;
	v52 =	vmovc v26;
	v50 =	vmov v27;
	v49 =	vmov v28;
	v51 =	vld [tilespmem:$0x1FEA0];
	v35 =	vsel vm0, v15, v0  }
0x256: {  	s15 =	sadd.s32 @!p0 s14, s11  }
0x257: {  	s16 =	simm.s32 @!p0 $0x80;
	s15 =	sshrl.u32 @!p0 s15, $0x3  }
0x258: {  	[tilespmem:s17+$0x200] =	vst v35;
	s17 =	simm.s32 @!p0 $0x400;
	s18 =	simm.s32 @!p0 $0x4000;
	s15 =	sadd.s32 @!p0 s5, s15  }
0x259: {  	[tilespmem:s18], [sflag:$0x2] =	stream.strided.gather @!p0 [hbm4b:s15+s16], $0x4000, s17, s16, $0x38;
	[tilespmem:$0x16080] =	vst v63  }
0x25a: {  	_ =	swait.ge [sflag:s6], $0x4000  }
0x25b: {  	v6 =	vld [tilespmem:$0x1FE10]  }
0x25c: {  	v7 =	vld [tilespmem:$0x1FE00];
	_ =	sdelay $0x4  }
0x25d: {  	[sflag:s6] =	ssyncset.done $0x0  }
0x25e: {  	s15 =	simm.s32 $0x8000;
	[sflag:s6] =	ssyncadd.s32 $0xFFFFC000  }
0x25f: {  	v0 =	vld.idx.msk [tilespmem:v6+s15+$0x0], $0xffff  }
0x260: {  	v1 =	vld.idx.msk [tilespmem:v7+s15+$0x0], $0xffff  }
0x261: {  	v2 =	vld.idx.msk [tilespmem:v9+s15+$0x0], $0xffff  }
0x262: {  	v3 =	vld.idx.msk [tilespmem:v10+s15+$0x0], $0xffff  }
0x263: {  	v4 =	vld.idx.msk [tilespmem:v11+s15+$0x0], $0xffff  }
0x264: {  	v5 =	vld.idx.msk [tilespmem:v12+s15+$0x0], $0xffff  }
0x265: {  	vm0 =	vgt.f32 v1, v0;
	v0 =	vmax.f32 v1, v0  }
0x266: {  	v44 =	vld.idx.msk [tilespmem:v45+s15+$0x0], $0xffff;
	vm1 =	vgt.f32 v2, v0;
	v0 =	vmax.f32 v2, v0;
	v46 =	vsel vm0, v7, v6  }
0x267: {  	vm8 =	vgt.f32 v3, v0;
	v0 =	vmax.f32 v3, v0;
	v2 =	vsel vm1, v9, v46  }
0x268: {  	vm9 =	vgt.f32 v4, v0;
	v0 =	vmax.f32 v4, v0;
	v2 =	vsel vm8, v10, v2  }
0x269: {  	v2 =	vsel vm9, v11, v2;
	vm10 =	vgt.f32 v5, v0  }
0x26a: {  	v59 =	vld.idx.msk [tilespmem:v47+s15+$0x0], $0xffff;
	v0 =	vmax.f32 v5, v0;
	v2 =	vsel vm10, v12, v2  }
0x26b: {  	vm11 =	veq.f32 v44, v0;
	vm12 =	vgt.u32 v2, v45  }
0x26c: {  	vm2 =	vgt.f32 v44, v0;
	vm0 =	vmand vm11, vm12  }
0x26d: {  	vm0 =	vmor vm2, vm0  }
0x26e: {  	v61 =	vld.idx.msk [tilespmem:v48+s15+$0x0], $0xffff;
	v0 =	vmax.f32 v44, v0;
	v2 =	vsel vm0, v45, v2  }
0x26f: {  	vm13 =	veq.f32 v59, v0;
	vm14 =	vgt.u32 v2, v47  }
0x270: {  	vm15 =	vgt.f32 v59, v0;
	vm0 =	vmand vm13, vm14  }
0x271: {  	vm0 =	vmor vm15, vm0  }
0x272: {  	v62 =	vld.idx.msk [tilespmem:v51+s15+$0x0], $0xffff;
	v0 =	vmax.f32 v59, v0;
	v2 =	vsel vm0, v47, v2  }
0x273: {  	vm4 =	veq.f32 v61, v0;
	vm5 =	vgt.u32 v2, v48  }
0x274: {  	vm6 =	vgt.f32 v61, v0;
	vm0 =	vmand vm4, vm5  }
0x275: {  	vm0 =	vmor vm6, vm0  }
0x276: {  	v63 =	vld.idx.msk [tilespmem:v42+s15+$0x0], $0xffff;
	v0 =	vmax.f32 v61, v0;
	v2 =	vsel vm0, v48, v2  }
0x277: {  	vm7 =	veq.f32 v62, v0;
	vm8 =	vgt.u32 v2, v51  }
0x278: {  	vm9 =	vgt.f32 v62, v0;
	vm0 =	vmand vm7, vm8  }
0x279: {  	vm0 =	vmor vm9, vm0  }
0x27a: {  	v6 =	vld.idx.msk [tilespmem:v16+s15+$0x0], $0xffff;
	v0 =	vmax.f32 v62, v0;
	v2 =	vsel vm0, v51, v2  }
0x27b: {  	vm10 =	veq.f32 v63, v0;
	vm11 =	vgt.u32 v2, v42  }
0x27c: {  	vm12 =	vgt.f32 v63, v0;
	vm0 =	vmand vm10, vm11  }
0x27d: {  	vm0 =	vmor vm12, vm0  }
0x27e: {  	v7 =	vld.idx.msk [tilespmem:v17+s15+$0x0], $0xffff;
	v0 =	vmax.f32 v63, v0;
	v2 =	vsel vm0, v42, v2  }
0x27f: {  	vm13 =	veq.f32 v6, v0;
	vm14 =	vgt.u32 v2, v16  }
0x280: {  	vm15 =	vgt.f32 v6, v0;
	vm0 =	vmand vm13, vm14  }
0x281: {  	vm0 =	vmor vm15, vm0  }
0x282: {  	v33 =	vld.idx.msk [tilespmem:v18+s15+$0x0], $0xffff;
	v0 =	vmax.f32 v6, v0;
	v2 =	vsel vm0, v16, v2  }
0x283: {  	vm4 =	veq.f32 v7, v0;
	vm5 =	vgt.u32 v2, v17  }
0x284: {  	vm6 =	vgt.f32 v7, v0;
	vm0 =	vmand vm4, vm5  }
0x285: {  	vm0 =	vmor vm6, vm0  }
0x286: {  	v34 =	vld.idx.msk [tilespmem:v19+s15+$0x0], $0xffff;
	v0 =	vmax.f32 v7, v0;
	v2 =	vsel vm0, v17, v2  }
0x287: {  	vm7 =	veq.f32 v33, v0;
	vm8 =	vgt.u32 v2, v18  }
0x288: {  	vm9 =	vgt.f32 v33, v0;
	vm0 =	vmand vm7, vm8  }
0x289: {  	vm0 =	vmor vm9, vm0  }
0x28a: {  	v35 =	vld.idx.msk [tilespmem:v20+s15+$0x0], $0xffff;
	v0 =	vmax.f32 v33, v0;
	v2 =	vsel vm0, v18, v2  }
0x28b: {  	vm10 =	veq.f32 v34, v0;
	vm11 =	vgt.u32 v2, v19  }
0x28c: {  	vm12 =	vgt.f32 v34, v0;
	vm0 =	vmand vm10, vm11  }
0x28d: {  	vm0 =	vmor vm12, vm0  }
0x28e: {  	v36 =	vld.idx.msk [tilespmem:v60+s15+$0x0], $0xffff;
	v0 =	vmax.f32 v34, v0;
	v2 =	vsel vm0, v19, v2  }
0x28f: {  	vm13 =	veq.f32 v35, v0;
	vm14 =	vgt.u32 v2, v20  }
0x290: {  	vm15 =	vgt.f32 v35, v0;
	vm0 =	vmand vm13, vm14  }
0x291: {  	vm0 =	vmor vm15, vm0  }
0x292: {  	v37 =	vld.idx.msk [tilespmem:v58+s15+$0x0], $0xffff;
	v0 =	vmax.f32 v35, v0;
	v2 =	vsel vm0, v20, v2  }
0x293: {  	vm4 =	veq.f32 v36, v0;
	vm5 =	vgt.u32 v2, v60  }
0x294: {  	vm6 =	vgt.f32 v36, v0;
	vm0 =	vmand vm4, vm5  }
0x295: {  	vm0 =	vmor vm6, vm0  }
0x296: {  	v38 =	vld.idx.msk [tilespmem:v57+s15+$0x0], $0xffff;
	v0 =	vmax.f32 v36, v0;
	v2 =	vsel vm0, v60, v2  }
0x297: {  	vm7 =	veq.f32 v37, v0;
	vm8 =	vgt.u32 v2, v58  }
0x298: {  	vm9 =	vgt.f32 v37, v0;
	vm0 =	vmand vm7, vm8  }
0x299: {  	vm0 =	vmor vm9, vm0  }
0x29a: {  	v39 =	vld.idx.msk [tilespmem:v55+s15+$0x0], $0xffff;
	v0 =	vmax.f32 v37, v0;
	v2 =	vsel vm0, v58, v2  }
0x29b: {  	vm10 =	veq.f32 v38, v0;
	vm11 =	vgt.u32 v2, v57  }
0x29c: {  	vm12 =	vgt.f32 v38, v0;
	vm0 =	vmand vm10, vm11  }
0x29d: {  	vm0 =	vmor vm12, vm0  }
0x29e: {  	v40 =	vld.idx.msk [tilespmem:v52+s15+$0x0], $0xffff;
	v0 =	vmax.f32 v38, v0;
	v2 =	vsel vm0, v57, v2  }
0x29f: {  	vm13 =	veq.f32 v39, v0;
	vm14 =	vgt.u32 v2, v55  }
0x2a0: {  	vm15 =	vgt.f32 v39, v0;
	vm0 =	vmand vm13, vm14  }
0x2a1: {  	vm0 =	vmor vm15, vm0  }
0x2a2: {  	v41 =	vld.idx.msk [tilespmem:v50+s15+$0x0], $0xffff;
	v0 =	vmax.f32 v39, v0;
	v2 =	vsel vm0, v55, v2  }
0x2a3: {  	vm4 =	veq.f32 v40, v0;
	vm5 =	vgt.u32 v2, v52  }
0x2a4: {  	vm6 =	vgt.f32 v40, v0;
	vm0 =	vmand vm4, vm5  }
0x2a5: {  	vm0 =	vmor vm6, vm0  }
0x2a6: {  	v43 =	vld.idx.msk [tilespmem:v49+s15+$0x0], $0xffff;
	v0 =	vmax.f32 v40, v0;
	v2 =	vsel vm0, v52, v2  }
0x2a7: {  	vm7 =	veq.f32 v41, v0;
	vm8 =	vgt.u32 v2, v50  }
0x2a8: {  	vm9 =	vgt.f32 v41, v0;
	vm0 =	vmand vm7, vm8  }
0x2a9: {  	vm0 =	vmor vm9, vm0  }
0x2aa: {  	v44 =	vld.idx.msk [tilespmem:v54+s15+$0x0], $0xffff;
	v0 =	vmax.f32 v41, v0;
	v2 =	vsel vm0, v50, v2  }
0x2ab: {  	vm10 =	veq.f32 v43, v0;
	vm11 =	vgt.u32 v2, v49  }
0x2ac: {  	vm12 =	vgt.f32 v43, v0;
	vm0 =	vmand vm10, vm11  }
0x2ad: {  	vm0 =	vmor vm12, vm0  }
0x2ae: {  	v46 =	vld.idx.msk [tilespmem:v56+s15+$0x0], $0xffff;
	v0 =	vmax.f32 v43, v0;
	v2 =	vsel vm0, v49, v2  }
0x2af: {  	vm13 =	veq.f32 v44, v0;
	vm14 =	vgt.u32 v2, v54  }
0x2b0: {  	vm15 =	vgt.f32 v44, v0;
	vm0 =	vmand vm13, vm14  }
0x2b1: {  	vm0 =	vmor vm15, vm0  }
0x2b2: {  	v0 =	vmax.f32 v44, v0;
	v50 =	vld.idx.msk [tilespmem:v29+s15+$0x0], $0xffff;
	v2 =	vsel vm0, v54, v2  }
0x2b3: {  	vm4 =	veq.f32 v46, v0;
	vm5 =	vgt.u32 v2, v56  }
0x2b4: {  	vm6 =	vgt.f32 v46, v0;
	vm0 =	vmand vm4, vm5  }
0x2b5: {  	vm0 =	vmor vm6, vm0  }
0x2b6: {  	v0 =	vmax.f32 v46, v0;
	v52 =	vld.idx.msk [tilespmem:v30+s15+$0x0], $0xffff;
	v2 =	vsel vm0, v56, v2  }
0x2b7: {  	vm7 =	veq.f32 v50, v0;
	vm8 =	vgt.u32 v2, v29  }
0x2b8: {  	vm9 =	vgt.f32 v50, v0;
	vm0 =	vmand vm7, vm8  }
0x2b9: {  	vm0 =	vmor vm9, vm0  }
0x2ba: {  	v55 =	vld.idx.msk [tilespmem:v21+s15+$0x0], $0xffff;
	v0 =	vmax.f32 v50, v0;
	v2 =	vsel vm0, v29, v2  }
0x2bb: {  	vm10 =	veq.f32 v52, v0;
	vm11 =	vgt.u32 v2, v30  }
0x2bc: {  	vm12 =	vgt.f32 v52, v0;
	vm0 =	vmand vm10, vm11  }
0x2bd: {  	vm0 =	vmor vm12, vm0  }
0x2be: {  	v57 =	vld.idx.msk [tilespmem:v53+s15+$0x0], $0xffff;
	v0 =	vmax.f32 v52, v0;
	v2 =	vsel vm0, v30, v2  }
0x2bf: {  	vm13 =	veq.f32 v55, v0;
	vm14 =	vgt.u32 v2, v21  }
0x2c0: {  	vm15 =	vgt.f32 v55, v0;
	vm0 =	vmand vm13, vm14  }
0x2c1: {  	v60 =	vld [tilespmem:$0x1FE20];
	vm0 =	vmor vm15, vm0  }
0x2c2: {  	v58 =	vld.idx.msk [tilespmem:v31+s15+$0x0], $0xffff;
	v0 =	vmax.f32 v55, v0;
	v2 =	vsel vm0, v21, v2  }
0x2c3: {  	vm4 =	veq.f32 v57, v0;
	vm5 =	vgt.u32 v2, v53  }
0x2c4: {  	vm6 =	vgt.f32 v57, v0;
	vm0 =	vmand vm4, vm5  }
0x2c5: {  	vm0 =	vmor vm6, vm0  }
0x2c6: {  	v59 =	vld.idx.msk [tilespmem:v32+s15+$0x0], $0xffff;
	v0 =	vmax.f32 v57, v0;
	v2 =	vsel vm0, v53, v2  }
0x2c7: {  	vm7 =	veq.f32 v58, v0;
	vm8 =	vgt.u32 v2, v31  }
0x2c8: {  	vm9 =	vgt.f32 v58, v0;
	vm0 =	vmand vm7, vm8  }
0x2c9: {  	vm0 =	vmor vm9, vm0  }
0x2ca: {  	v61 =	vld.idx.msk [tilespmem:v60+s15+$0x0], $0xffff;
	v0 =	vmax.f32 v58, v0;
	v2 =	vsel vm0, v31, v2  }
0x2cb: {  	vm10 =	veq.f32 v59, v0;
	vm11 =	vgt.u32 v2, v32  }
0x2cc: {  	vm12 =	vgt.f32 v59, v0;
	vm0 =	vmand vm10, vm11  }
0x2cd: {  	vm0 =	vmor vm12, vm0  }
0x2ce: {  	v0 =	vmax.f32 v59, v0;
	v62 =	vsel vm0, v32, v2  }
0x2cf: {  	s17 =	simm.s32 $0x0;
	vm13 =	veq.f32 v61, v0;
	vm14 =	vgt.u32 v62, v60;
	v1 =	vand.u32 $0x1F, v62  }
0x2d0: {  	s18 =	sand.u32 $0x180, s17;
	vm15 =	vgt.f32 v61, v0;
	vm0 =	vmand vm13, vm14;
	v63 =	vcvt.s32.f32 v1  }
0x2d1: {  	s19 =	sand.u32 $0x70, s17;
	s17 =	sadd.s32 s18, s8;
	vm0 =	vmor vm15, vm0  }
0x2d2: {  	s16 =	simm.s32 $0x10;
	s17 =	sadd.s32 s19, s17;
	v34 =	vmov v20;
	v35 =	vsel vm0, v15, v63  }
.LBB2_7:
0x2d3: {  	v7 =	vld [tilespmem:$0x1FE10]  }
0x2d4: {  	v8 =	vld [tilespmem:$0x1FE00];
	_ =	sdelay $0x5  }
0x2d5: {  	[tilespmem:s17+$0x400] =	vst v35;
	s15 =	sadd.s32 $0x200, s15  }
0x2d6: {  	v0 =	vld.idx.msk [tilespmem:v7+s15+$0x0], $0xffff  }
0x2d7: {  	v1 =	vld.idx.msk [tilespmem:v8+s15+$0x0], $0xffff  }
0x2d8: {  	v2 =	vld.idx.msk [tilespmem:v9+s15+$0x0], $0xffff  }
0x2d9: {  	v3 =	vld.idx.msk [tilespmem:v10+s15+$0x0], $0xffff  }
0x2da: {  	v4 =	vld.idx.msk [tilespmem:v11+s15+$0x0], $0xffff  }
0x2db: {  	v5 =	vld.idx.msk [tilespmem:v12+s15+$0x0], $0xffff  }
0x2dc: {  	vm0 =	vgt.f32 v1, v0;
	v0 =	vmax.f32 v1, v0  }
0x2dd: {  	v6 =	vld.idx.msk [tilespmem:v45+s15+$0x0], $0xffff;
	v7 =	vsel vm0, v8, v7;
	vm8 =	vgt.f32 v2, v0;
	v0 =	vmax.f32 v2, v0  }
0x2de: {  	v7 =	vsel vm8, v9, v7;
	vm9 =	vgt.f32 v3, v0;
	v0 =	vmax.f32 v3, v0  }
0x2df: {  	v7 =	vsel vm9, v10, v7;
	vm10 =	vgt.f32 v4, v0;
	v0 =	vmax.f32 v4, v0  }
0x2e0: {  	v7 =	vsel vm10, v11, v7;
	vm11 =	vgt.f32 v5, v0  }
0x2e1: {  	v36 =	vld.idx.msk [tilespmem:v47+s15+$0x0], $0xffff;
	v0 =	vmax.f32 v5, v0;
	v7 =	vsel vm11, v12, v7  }
0x2e2: {  	vm12 =	veq.f32 v6, v0;
	vm1 =	vgt.u32 v7, v45  }
0x2e3: {  	vm2 =	vgt.f32 v6, v0;
	vm0 =	vmand vm12, vm1  }
0x2e4: {  	vm0 =	vmor vm2, vm0  }
0x2e5: {  	v37 =	vld.idx.msk [tilespmem:v48+s15+$0x0], $0xffff;
	v8 =	vmax.f32 v6, v0;
	v7 =	vsel vm0, v45, v7  }
0x2e6: {  	vm13 =	veq.f32 v36, v8;
	vm14 =	vgt.u32 v7, v47  }
0x2e7: {  	vm15 =	vgt.f32 v36, v8;
	vm0 =	vmand vm13, vm14  }
0x2e8: {  	vm0 =	vmor vm15, vm0  }
0x2e9: {  	v38 =	vld.idx.msk [tilespmem:v51+s15+$0x0], $0xffff;
	v10 =	vmax.f32 v36, v8;
	v7 =	vsel vm0, v47, v7  }
0x2ea: {  	vm4 =	veq.f32 v37, v10;
	vm5 =	vgt.u32 v7, v48  }
0x2eb: {  	vm6 =	vgt.f32 v37, v10;
	vm0 =	vmand vm4, vm5  }
0x2ec: {  	vm0 =	vmor vm6, vm0  }
0x2ed: {  	v4 =	vld.idx.msk [tilespmem:v42+s15+$0x0], $0xffff;
	v39 =	vmax.f32 v37, v10;
	v7 =	vsel vm0, v48, v7  }
0x2ee: {  	vm7 =	veq.f32 v38, v39;
	vm8 =	vgt.u32 v7, v51  }
0x2ef: {  	vm9 =	vgt.f32 v38, v39;
	vm0 =	vmand vm7, vm8  }
0x2f0: {  	vm0 =	vmor vm9, vm0  }
0x2f1: {  	v5 =	vld.idx.msk [tilespmem:v16+s15+$0x0], $0xffff;
	v12 =	vmax.f32 v38, v39;
	v46 =	vsel vm0, v51, v7  }
0x2f2: {  	vm10 =	veq.f32 v4, v12;
	vm11 =	vgt.u32 v46, v42  }
0x2f3: {  	vm12 =	vgt.f32 v4, v12;
	vm0 =	vmand vm10, vm11  }
0x2f4: {  	v33 =	vld.idx.msk [tilespmem:v34+s15+$0x0], $0xffff;
	vm0 =	vmor vm12, vm0  }
0x2f5: {  	v20 =	vmov v34;
	v9 =	vld.idx.msk [tilespmem:v17+s15+$0x0], $0xffff;
	v34 =	vmax.f32 v4, v12;
	v0 =	vsel vm0, v42, v46  }
0x2f6: {  	vm13 =	veq.f32 v5, v34;
	vm14 =	vgt.u32 v0, v16  }
0x2f7: {  	vm15 =	vgt.f32 v5, v34;
	vm0 =	vmand vm13, vm14  }
0x2f8: {  	vm0 =	vmor vm15, vm0  }
0x2f9: {  	v11 =	vld.idx.msk [tilespmem:v18+s15+$0x0], $0xffff;
	v62 =	vmax.f32 v5, v34;
	v0 =	vsel vm0, v16, v0  }
0x2fa: {  	vm4 =	veq.f32 v9, v62;
	vm5 =	vgt.u32 v0, v17  }
0x2fb: {  	vm6 =	vgt.f32 v9, v62;
	vm0 =	vmand vm4, vm5  }
0x2fc: {  	vm0 =	vmor vm6, vm0  }
0x2fd: {  	v6 =	vld.idx.msk [tilespmem:v19+s15+$0x0], $0xffff;
	v1 =	vmax.f32 v9, v62;
	v0 =	vsel vm0, v17, v0  }
0x2fe: {  	vm7 =	veq.f32 v11, v1;
	vm8 =	vgt.u32 v0, v18  }
0x2ff: {  	vm9 =	vgt.f32 v11, v1;
	vm0 =	vmand vm7, vm8  }
0x300: {  	vm0 =	vmor vm9, vm0  }
0x301: {  	v8 =	vmax.f32 v11, v1;
	v0 =	vsel vm0, v18, v0  }
0x302: {  	vm10 =	veq.f32 v6, v8;
	vm11 =	vgt.u32 v0, v19  }
0x303: {  	vm12 =	vgt.f32 v6, v8;
	vm0 =	vmand vm10, vm11  }
0x304: {  	vm0 =	vmor vm12, vm0  }
0x305: {  	v60 =	vld.idx.msk [tilespmem:v22+s15+$0x0], $0xffff;
	v63 =	vmax.f32 v6, v8;
	v0 =	vsel vm0, v19, v0  }
0x306: {  	vm13 =	veq.f32 v33, v63;
	vm14 =	vgt.u32 v0, v20  }
0x307: {  	vm15 =	vgt.f32 v33, v63;
	vm0 =	vmand vm13, vm14  }
0x308: {  	vm0 =	vmor vm15, vm0  }
0x309: {  	v58 =	vld.idx.msk [tilespmem:v23+s15+$0x0], $0xffff;
	v13 =	vmax.f32 v33, v63;
	v0 =	vsel vm0, v20, v0  }
0x30a: {  	vm4 =	veq.f32 v60, v13;
	vm5 =	vgt.u32 v0, v22  }
0x30b: {  	vm6 =	vgt.f32 v60, v13;
	vm0 =	vmand vm4, vm5  }
0x30c: {  	vm0 =	vmor vm6, vm0  }
0x30d: {  	v57 =	vld.idx.msk [tilespmem:v24+s15+$0x0], $0xffff;
	v2 =	vmax.f32 v60, v13;
	v0 =	vsel vm0, v22, v0  }
0x30e: {  	vm7 =	veq.f32 v58, v2;
	vm8 =	vgt.u32 v0, v23  }
0x30f: {  	vm9 =	vgt.f32 v58, v2;
	vm0 =	vmand vm7, vm8  }
0x310: {  	vm0 =	vmor vm9, vm0  }
0x311: {  	v55 =	vld.idx.msk [tilespmem:v25+s15+$0x0], $0xffff;
	v10 =	vmax.f32 v58, v2;
	v0 =	vsel vm0, v23, v0  }
0x312: {  	vm10 =	veq.f32 v57, v10;
	vm11 =	vgt.u32 v0, v24  }
0x313: {  	vm12 =	vgt.f32 v57, v10;
	vm0 =	vmand vm10, vm11  }
0x314: {  	vm0 =	vmor vm12, vm0  }
0x315: {  	v52 =	vld.idx.msk [tilespmem:v26+s15+$0x0], $0xffff;
	v14 =	vmax.f32 v57, v10;
	v0 =	vsel vm0, v24, v0  }
0x316: {  	vm13 =	veq.f32 v55, v14;
	vm14 =	vgt.u32 v0, v25  }
0x317: {  	vm15 =	vgt.f32 v55, v14;
	vm0 =	vmand vm13, vm14  }
0x318: {  	vm0 =	vmor vm15, vm0  }
0x319: {  	v50 =	vld.idx.msk [tilespmem:v27+s15+$0x0], $0xffff;
	v61 =	vmax.f32 v55, v14;
	v0 =	vsel vm0, v25, v0  }
0x31a: {  	vm4 =	veq.f32 v52, v61;
	vm5 =	vgt.u32 v0, v26  }
0x31b: {  	vm6 =	vgt.f32 v52, v61;
	vm0 =	vmand vm4, vm5  }
0x31c: {  	vm0 =	vmor vm6, vm0  }
0x31d: {  	v49 =	vld.idx.msk [tilespmem:v28+s15+$0x0], $0xffff;
	v59 =	vmax.f32 v52, v61;
	v0 =	vsel vm0, v26, v0  }
0x31e: {  	v47 =	vld.idx.msk [tilespmem:v54+s15+$0x0], $0xffff;
	vm7 =	veq.f32 v50, v59;
	vm8 =	vgt.u32 v0, v27  }
0x31f: {  	vm9 =	vgt.f32 v50, v59;
	vm0 =	vmand vm7, vm8  }
0x320: {  	v45 =	vld.idx.msk [tilespmem:v56+s15+$0x0], $0xffff;
	vm0 =	vmor vm9, vm0  }
0x321: {  	v56 =	vmax.f32 v50, v59;
	v61 =	vld [tilespmem:$0x1FF30];
	v0 =	vsel vm0, v27, v0  }
0x322: {  	v54 =	vmax.f32 v49, v56;
	vm10 =	veq.f32 v49, v56;
	vm11 =	vgt.u32 v0, v28  }
0x323: {  	v38 =	vld.idx.msk [tilespmem:v53+s15+$0x0], $0xffff;
	v53 =	vmax.f32 v47, v54;
	vm12 =	vgt.f32 v49, v56;
	vm0 =	vmand vm10, vm11  }
0x324: {  	vm13 =	veq.f32 v47, v54;
	vm15 =	vgt.f32 v47, v54;
	v54 =	vld [tilespmem:$0x1FF30];
	vm0 =	vmor vm12, vm0  }
0x325: {  	v56 =	vld [tilespmem:$0x1FF40];
	v0 =	vsel vm0, v28, v0  }
0x326: {  	vm14 =	vgt.u32 v0, v61  }
0x327: {  	vm0 =	vmand vm13, vm14  }
0x328: {  	vm0 =	vmor vm15, vm0  }
0x329: {  	v43 =	vld.idx.msk [tilespmem:v29+s15+$0x0], $0xffff;
	v0 =	vsel vm0, v54, v0  }
0x32a: {  	vm4 =	veq.f32 v45, v53;
	vm5 =	vgt.u32 v0, v56  }
0x32b: {  	vm6 =	vgt.f32 v45, v53;
	vm0 =	vmand vm4, vm5  }
0x32c: {  	vm0 =	vmor vm6, vm0  }
0x32d: {  	v41 =	vld.idx.msk [tilespmem:v30+s15+$0x0], $0xffff;
	v51 =	vmax.f32 v45, v53;
	v0 =	vsel vm0, v56, v0  }
0x32e: {  	vm7 =	veq.f32 v43, v51;
	vm8 =	vgt.u32 v0, v29  }
0x32f: {  	vm9 =	vgt.f32 v43, v51;
	vm0 =	vmand vm7, vm8  }
0x330: {  	vm0 =	vmor vm9, vm0  }
0x331: {  	v39 =	vld.idx.msk [tilespmem:v21+s15+$0x0], $0xffff;
	v4 =	vmax.f32 v43, v51;
	v0 =	vsel vm0, v29, v0  }
0x332: {  	vm10 =	veq.f32 v41, v4;
	vm11 =	vgt.u32 v0, v30  }
0x333: {  	vm12 =	vgt.f32 v41, v4;
	vm0 =	vmand vm10, vm11  }
0x334: {  	vm0 =	vmor vm12, vm0  }
0x335: {  	v46 =	vmax.f32 v41, v4;
	v53 =	vld [tilespmem:$0x1FEC0];
	v0 =	vsel vm0, v30, v0  }
0x336: {  	vm13 =	veq.f32 v39, v46;
	vm14 =	vgt.u32 v0, v21  }
0x337: {  	vm15 =	vgt.f32 v39, v46;
	vm0 =	vmand vm13, vm14  }
0x338: {  	v36 =	vld.idx.msk [tilespmem:v31+s15+$0x0], $0xffff;
	vm0 =	vmor vm15, vm0  }
0x339: {  	v62 =	vld [tilespmem:$0x1FE20];
	v44 =	vmax.f32 v39, v46;
	v0 =	vsel vm0, v21, v0  }
0x33a: {  	vm4 =	veq.f32 v38, v44;
	vm5 =	vgt.u32 v0, v53  }
0x33b: {  	vm6 =	vgt.f32 v38, v44;
	vm0 =	vmand vm4, vm5  }
0x33c: {  	vm0 =	vmor vm6, vm0  }
0x33d: {  	v35 =	vld.idx.msk [tilespmem:v32+s15+$0x0], $0xffff;
	v7 =	vmax.f32 v38, v44;
	v0 =	vsel vm0, v53, v0  }
0x33e: {  	vm7 =	veq.f32 v36, v7;
	vm8 =	vgt.u32 v0, v31  }
0x33f: {  	vm9 =	vgt.f32 v36, v7;
	vm0 =	vmand vm7, vm8  }
0x340: {  	v12 =	vld [tilespmem:$0x1FE60];
	vm0 =	vmor vm9, vm0  }
0x341: {  	v40 =	vmax.f32 v36, v7;
	v63 =	vld.idx.msk [tilespmem:v62+s15+$0x0], $0xffff;
	v0 =	vsel vm0, v31, v0  }
0x342: {  	v9 =	vld [tilespmem:$0x1FE30];
	vm10 =	veq.f32 v35, v40;
	vm11 =	vgt.u32 v0, v32  }
0x343: {  	v48 =	vld [tilespmem:$0x1FE90];
	vm12 =	vgt.f32 v35, v40;
	vm0 =	vmand vm10, vm11  }
0x344: {  	p1 =	sne.s32 s16, $0x1F0;
	v11 =	vld [tilespmem:$0x1FE50];
	vm0 =	vmor vm12, vm0  }
.Ltmp2:
0x345: {  	v42 =	vld [tilespmem:$0x1FEB0];
	v37 =	vmax.f32 v35, v40;
	v0 =	vsel vm0, v32, v0;
	(pc) =	sbr.rel @p1 .LBB2_7-.Ltmp2, $4  }
0x346: {  	s19 =	smov.u32 s16;
	v10 =	vld [tilespmem:$0x1FE40];
	vm13 =	veq.f32 v63, v37;
	vm14 =	vgt.u32 v0, v62;
	v0 =	vand.u32 $0x1F, v0  }
0x347: {  	s18 =	sand.u32 $0x180, s19;
	v47 =	vld [tilespmem:$0x1FE80];
	vm15 =	vgt.f32 v63, v37;
	vm0 =	vmand vm13, vm14;
	v0 =	vcvt.s32.f32 v0  }
0x348: {  	s17 =	sand.u32 $0x70, s19;
	s18 =	sadd.s32 s18, s8;
	v45 =	vld [tilespmem:$0x1FE70];
	vm0 =	vmor vm15, vm0  }
0x349: {  	s16 =	sadd.s32 $0x10, s16;
	s17 =	sadd.s32 s17, s18;
	v34 =	vmov v20;
	v51 =	vld [tilespmem:$0x1FEA0];
	v35 =	vsel vm0, v15, v0  }
0x34a: {  	s15 =	sadd.s32 @!p0 s14, s12  }
0x34b: {  	s16 =	simm.s32 @!p0 $0x80;
	s15 =	sshrl.u32 @!p0 s15, $0x3  }
0x34c: {  	[tilespmem:s17+$0x400] =	vst v35;
	s17 =	simm.s32 @!p0 $0x400;
	s18 =	simm.s32 @!p0 $0x8000;
	s15 =	sadd.s32 @!p0 s5, s15  }
0x34d: {  	[tilespmem:s18], [sflag:$0x3] =	stream.strided.gather @!p0 [hbm4b:s15+s16], $0x4000, s17, s16, $0x38;
	[tilespmem:$0x16080] =	vst v63  }
0x34e: {  	_ =	swait.ge [sflag:s1], $0x4000  }
0x34f: {  	v14 =	vld [tilespmem:$0x1FE10]  }
0x350: {  	v13 =	vld [tilespmem:$0x1FE00];
	_ =	sdelay $0x4  }
0x351: {  	[sflag:s1] =	ssyncset.done $0x0  }
0x352: {  	s15 =	simm.s32 $0xC000;
	[sflag:s1] =	ssyncadd.s32 $0xFFFFC000  }
0x353: {  	v0 =	vld.idx.msk [tilespmem:v14+s15+$0x0], $0xffff  }
0x354: {  	v1 =	vld.idx.msk [tilespmem:v13+s15+$0x0], $0xffff  }
0x355: {  	v2 =	vld.idx.msk [tilespmem:v9+s15+$0x0], $0xffff  }
0x356: {  	v3 =	vld.idx.msk [tilespmem:v10+s15+$0x0], $0xffff  }
0x357: {  	v4 =	vld.idx.msk [tilespmem:v11+s15+$0x0], $0xffff  }
0x358: {  	v5 =	vld.idx.msk [tilespmem:v12+s15+$0x0], $0xffff  }
0x359: {  	vm0 =	vgt.f32 v1, v0;
	v0 =	vmax.f32 v1, v0  }
0x35a: {  	v58 =	vld.idx.msk [tilespmem:v45+s15+$0x0], $0xffff;
	vm1 =	vgt.f32 v2, v0;
	v0 =	vmax.f32 v2, v0;
	v59 =	vsel vm0, v13, v14  }
0x35b: {  	vm8 =	vgt.f32 v3, v0;
	v0 =	vmax.f32 v3, v0;
	v2 =	vsel vm1, v9, v59  }
0x35c: {  	vm9 =	vgt.f32 v4, v0;
	v0 =	vmax.f32 v4, v0;
	v2 =	vsel vm8, v10, v2  }
0x35d: {  	v2 =	vsel vm9, v11, v2;
	vm10 =	vgt.f32 v5, v0  }
0x35e: {  	v60 =	vld.idx.msk [tilespmem:v47+s15+$0x0], $0xffff;
	v0 =	vmax.f32 v5, v0;
	v2 =	vsel vm10, v12, v2  }
0x35f: {  	vm11 =	veq.f32 v58, v0;
	vm12 =	vgt.u32 v2, v45  }
0x360: {  	vm2 =	vgt.f32 v58, v0;
	vm0 =	vmand vm11, vm12  }
0x361: {  	vm0 =	vmor vm2, vm0  }
0x362: {  	v61 =	vld.idx.msk [tilespmem:v48+s15+$0x0], $0xffff;
	v0 =	vmax.f32 v58, v0;
	v2 =	vsel vm0, v45, v2  }
0x363: {  	vm13 =	veq.f32 v60, v0;
	vm14 =	vgt.u32 v2, v47  }
0x364: {  	vm15 =	vgt.f32 v60, v0;
	vm0 =	vmand vm13, vm14  }
0x365: {  	vm0 =	vmor vm15, vm0  }
0x366: {  	v62 =	vld.idx.msk [tilespmem:v51+s15+$0x0], $0xffff;
	v0 =	vmax.f32 v60, v0;
	v2 =	vsel vm0, v47, v2  }
0x367: {  	vm4 =	veq.f32 v61, v0;
	vm5 =	vgt.u32 v2, v48  }
0x368: {  	vm6 =	vgt.f32 v61, v0;
	vm0 =	vmand vm4, vm5  }
0x369: {  	vm0 =	vmor vm6, vm0  }
0x36a: {  	v63 =	vld.idx.msk [tilespmem:v42+s15+$0x0], $0xffff;
	v0 =	vmax.f32 v61, v0;
	v2 =	vsel vm0, v48, v2  }
0x36b: {  	vm7 =	veq.f32 v62, v0;
	vm8 =	vgt.u32 v2, v51  }
0x36c: {  	vm9 =	vgt.f32 v62, v0;
	vm0 =	vmand vm7, vm8  }
0x36d: {  	vm0 =	vmor vm9, vm0  }
0x36e: {  	v6 =	vld.idx.msk [tilespmem:v16+s15+$0x0], $0xffff;
	v0 =	vmax.f32 v62, v0;
	v2 =	vsel vm0, v51, v2  }
0x36f: {  	vm10 =	veq.f32 v63, v0;
	vm11 =	vgt.u32 v2, v42  }
0x370: {  	vm12 =	vgt.f32 v63, v0;
	vm0 =	vmand vm10, vm11  }
0x371: {  	vm0 =	vmor vm12, vm0  }
0x372: {  	v7 =	vld.idx.msk [tilespmem:v17+s15+$0x0], $0xffff;
	v0 =	vmax.f32 v63, v0;
	v2 =	vsel vm0, v42, v2  }
0x373: {  	vm13 =	veq.f32 v6, v0;
	vm14 =	vgt.u32 v2, v16  }
0x374: {  	vm15 =	vgt.f32 v6, v0;
	vm0 =	vmand vm13, vm14  }
0x375: {  	vm0 =	vmor vm15, vm0  }
0x376: {  	v33 =	vld.idx.msk [tilespmem:v18+s15+$0x0], $0xffff;
	v0 =	vmax.f32 v6, v0;
	v2 =	vsel vm0, v16, v2  }
0x377: {  	vm4 =	veq.f32 v7, v0;
	vm5 =	vgt.u32 v2, v17  }
0x378: {  	vm6 =	vgt.f32 v7, v0;
	vm0 =	vmand vm4, vm5  }
0x379: {  	vm0 =	vmor vm6, vm0  }
0x37a: {  	v35 =	vld.idx.msk [tilespmem:v19+s15+$0x0], $0xffff;
	v0 =	vmax.f32 v7, v0;
	v2 =	vsel vm0, v17, v2  }
0x37b: {  	vm7 =	veq.f32 v33, v0;
	vm8 =	vgt.u32 v2, v18  }
0x37c: {  	vm9 =	vgt.f32 v33, v0;
	vm0 =	vmand vm7, vm8  }
0x37d: {  	vm0 =	vmor vm9, vm0  }
0x37e: {  	v36 =	vld.idx.msk [tilespmem:v34+s15+$0x0], $0xffff;
	v0 =	vmax.f32 v33, v0;
	v2 =	vsel vm0, v18, v2  }
0x37f: {  	vm10 =	veq.f32 v35, v0;
	vm11 =	vgt.u32 v2, v19  }
0x380: {  	vm12 =	vgt.f32 v35, v0;
	vm0 =	vmand vm10, vm11  }
0x381: {  	vm0 =	vmor vm12, vm0  }
0x382: {  	v37 =	vld.idx.msk [tilespmem:v22+s15+$0x0], $0xffff;
	v0 =	vmax.f32 v35, v0;
	v2 =	vsel vm0, v19, v2  }
0x383: {  	vm13 =	veq.f32 v36, v0;
	vm14 =	vgt.u32 v2, v34  }
0x384: {  	vm15 =	vgt.f32 v36, v0;
	vm0 =	vmand vm13, vm14  }
0x385: {  	vm0 =	vmor vm15, vm0  }
0x386: {  	v38 =	vld.idx.msk [tilespmem:v23+s15+$0x0], $0xffff;
	v0 =	vmax.f32 v36, v0;
	v2 =	vsel vm0, v34, v2  }
0x387: {  	vm4 =	veq.f32 v37, v0;
	vm5 =	vgt.u32 v2, v22  }
0x388: {  	vm6 =	vgt.f32 v37, v0;
	vm0 =	vmand vm4, vm5  }
0x389: {  	vm0 =	vmor vm6, vm0  }
0x38a: {  	v39 =	vld.idx.msk [tilespmem:v24+s15+$0x0], $0xffff;
	v0 =	vmax.f32 v37, v0;
	v2 =	vsel vm0, v22, v2  }
0x38b: {  	vm7 =	veq.f32 v38, v0;
	vm8 =	vgt.u32 v2, v23  }
0x38c: {  	vm9 =	vgt.f32 v38, v0;
	vm0 =	vmand vm7, vm8  }
0x38d: {  	vm0 =	vmor vm9, vm0  }
0x38e: {  	v40 =	vld.idx.msk [tilespmem:v25+s15+$0x0], $0xffff;
	v0 =	vmax.f32 v38, v0;
	v2 =	vsel vm0, v23, v2  }
0x38f: {  	vm10 =	veq.f32 v39, v0;
	vm11 =	vgt.u32 v2, v24  }
0x390: {  	vm12 =	vgt.f32 v39, v0;
	vm0 =	vmand vm10, vm11  }
0x391: {  	vm0 =	vmor vm12, vm0  }
0x392: {  	v41 =	vld.idx.msk [tilespmem:v26+s15+$0x0], $0xffff;
	v0 =	vmax.f32 v39, v0;
	v2 =	vsel vm0, v24, v2  }
0x393: {  	vm13 =	veq.f32 v40, v0;
	vm14 =	vgt.u32 v2, v25  }
0x394: {  	vm15 =	vgt.f32 v40, v0;
	vm0 =	vmand vm13, vm14  }
0x395: {  	vm0 =	vmor vm15, vm0  }
0x396: {  	v43 =	vld.idx.msk [tilespmem:v27+s15+$0x0], $0xffff;
	v0 =	vmax.f32 v40, v0;
	v2 =	vsel vm0, v25, v2  }
0x397: {  	vm4 =	veq.f32 v41, v0;
	vm5 =	vgt.u32 v2, v26  }
0x398: {  	vm6 =	vgt.f32 v41, v0;
	vm0 =	vmand vm4, vm5  }
0x399: {  	vm0 =	vmor vm6, vm0  }
0x39a: {  	v44 =	vld.idx.msk [tilespmem:v28+s15+$0x0], $0xffff;
	v0 =	vmax.f32 v41, v0;
	v2 =	vsel vm0, v26, v2  }
0x39b: {  	vm7 =	veq.f32 v43, v0;
	vm8 =	vgt.u32 v2, v27  }
0x39c: {  	vm9 =	vgt.f32 v43, v0;
	vm0 =	vmand vm7, vm8  }
0x39d: {  	vm0 =	vmor vm9, vm0  }
0x39e: {  	v46 =	vld.idx.msk [tilespmem:v54+s15+$0x0], $0xffff;
	v0 =	vmax.f32 v43, v0;
	v2 =	vsel vm0, v27, v2  }
0x39f: {  	vm10 =	veq.f32 v44, v0;
	vm11 =	vgt.u32 v2, v28  }
0x3a0: {  	vm12 =	vgt.f32 v44, v0;
	vm0 =	vmand vm10, vm11  }
0x3a1: {  	vm0 =	vmor vm12, vm0  }
0x3a2: {  	v49 =	vld.idx.msk [tilespmem:v56+s15+$0x0], $0xffff;
	v0 =	vmax.f32 v44, v0;
	v2 =	vsel vm0, v28, v2  }
0x3a3: {  	vm13 =	veq.f32 v46, v0;
	vm14 =	vgt.u32 v2, v54  }
0x3a4: {  	vm15 =	vgt.f32 v46, v0;
	vm0 =	vmand vm13, vm14  }
0x3a5: {  	vm0 =	vmor vm15, vm0  }
0x3a6: {  	v50 =	vld.idx.msk [tilespmem:v29+s15+$0x0], $0xffff;
	v0 =	vmax.f32 v46, v0;
	v2 =	vsel vm0, v54, v2  }
0x3a7: {  	vm4 =	veq.f32 v49, v0;
	vm5 =	vgt.u32 v2, v56  }
0x3a8: {  	vm6 =	vgt.f32 v49, v0;
	vm0 =	vmand vm4, vm5  }
0x3a9: {  	vm0 =	vmor vm6, vm0  }
0x3aa: {  	v52 =	vld.idx.msk [tilespmem:v30+s15+$0x0], $0xffff;
	v0 =	vmax.f32 v49, v0;
	v2 =	vsel vm0, v56, v2  }
0x3ab: {  	vm7 =	veq.f32 v50, v0;
	vm8 =	vgt.u32 v2, v29  }
0x3ac: {  	vm9 =	vgt.f32 v50, v0;
	vm0 =	vmand vm7, vm8  }
0x3ad: {  	vm0 =	vmor vm9, vm0  }
0x3ae: {  	v55 =	vld.idx.msk [tilespmem:v21+s15+$0x0], $0xffff;
	v0 =	vmax.f32 v50, v0;
	v2 =	vsel vm0, v29, v2  }
0x3af: {  	vm10 =	veq.f32 v52, v0;
	vm11 =	vgt.u32 v2, v30  }
0x3b0: {  	vm12 =	vgt.f32 v52, v0;
	vm0 =	vmand vm10, vm11  }
0x3b1: {  	vm0 =	vmor vm12, vm0  }
0x3b2: {  	v57 =	vld.idx.msk [tilespmem:v53+s15+$0x0], $0xffff;
	v0 =	vmax.f32 v52, v0;
	v2 =	vsel vm0, v30, v2  }
0x3b3: {  	vm13 =	veq.f32 v55, v0;
	vm14 =	vgt.u32 v2, v21  }
0x3b4: {  	vm15 =	vgt.f32 v55, v0;
	vm0 =	vmand vm13, vm14  }
0x3b5: {  	v58 =	vld.idx.msk [tilespmem:v31+s15+$0x0], $0xffff;
	vm0 =	vmor vm15, vm0  }
0x3b6: {  	v60 =	vld [tilespmem:$0x1FE20];
	v0 =	vmax.f32 v55, v0;
	v2 =	vsel vm0, v21, v2  }
0x3b7: {  	vm4 =	veq.f32 v57, v0;
	vm5 =	vgt.u32 v2, v53  }
0x3b8: {  	vm6 =	vgt.f32 v57, v0;
	vm0 =	vmand vm4, vm5  }
0x3b9: {  	vm0 =	vmor vm6, vm0  }
0x3ba: {  	v59 =	vld.idx.msk [tilespmem:v32+s15+$0x0], $0xffff;
	v0 =	vmax.f32 v57, v0;
	v2 =	vsel vm0, v53, v2  }
0x3bb: {  	vm7 =	veq.f32 v58, v0;
	vm8 =	vgt.u32 v2, v31  }
0x3bc: {  	vm9 =	vgt.f32 v58, v0;
	vm0 =	vmand vm7, vm8  }
0x3bd: {  	vm0 =	vmor vm9, vm0  }
0x3be: {  	v61 =	vld.idx.msk [tilespmem:v60+s15+$0x0], $0xffff;
	v0 =	vmax.f32 v58, v0;
	v2 =	vsel vm0, v31, v2  }
0x3bf: {  	vm10 =	veq.f32 v59, v0;
	vm11 =	vgt.u32 v2, v32  }
0x3c0: {  	vm12 =	vgt.f32 v59, v0;
	vm0 =	vmand vm10, vm11  }
0x3c1: {  	vm0 =	vmor vm12, vm0  }
0x3c2: {  	v0 =	vmax.f32 v59, v0;
	v62 =	vsel vm0, v32, v2  }
0x3c3: {  	s17 =	simm.s32 $0x0;
	vm13 =	veq.f32 v61, v0;
	vm14 =	vgt.u32 v62, v60;
	v1 =	vand.u32 $0x1F, v62  }
0x3c4: {  	s18 =	sand.u32 $0x180, s17;
	vm15 =	vgt.f32 v61, v0;
	vm0 =	vmand vm13, vm14;
	v63 =	vcvt.s32.f32 v1  }
0x3c5: {  	s19 =	sand.u32 $0x70, s17;
	s17 =	sadd.s32 s18, s8;
	vm0 =	vmor vm15, vm0  }
0x3c6: {  	s16 =	simm.s32 $0x10;
	s17 =	sadd.s32 s19, s17;
	v35 =	vsel vm0, v15, v63  }
.LBB2_9:
0x3c7: {  	v7 =	vld [tilespmem:$0x1FE10]  }
0x3c8: {  	v8 =	vld [tilespmem:$0x1FE00];
	_ =	sdelay $0x5  }
0x3c9: {  	[tilespmem:s17+$0x600] =	vst v35;
	s15 =	sadd.s32 $0x200, s15  }
0x3ca: {  	v0 =	vld.idx.msk [tilespmem:v7+s15+$0x0], $0xffff  }
0x3cb: {  	v1 =	vld.idx.msk [tilespmem:v8+s15+$0x0], $0xffff  }
0x3cc: {  	v2 =	vld.idx.msk [tilespmem:v9+s15+$0x0], $0xffff  }
0x3cd: {  	v3 =	vld.idx.msk [tilespmem:v10+s15+$0x0], $0xffff  }
0x3ce: {  	v4 =	vld.idx.msk [tilespmem:v11+s15+$0x0], $0xffff  }
0x3cf: {  	v5 =	vld.idx.msk [tilespmem:v12+s15+$0x0], $0xffff  }
0x3d0: {  	vm0 =	vgt.f32 v1, v0;
	v0 =	vmax.f32 v1, v0  }
0x3d1: {  	v6 =	vld.idx.msk [tilespmem:v45+s15+$0x0], $0xffff;
	v7 =	vsel vm0, v8, v7;
	vm8 =	vgt.f32 v2, v0;
	v0 =	vmax.f32 v2, v0  }
0x3d2: {  	v7 =	vsel vm8, v9, v7;
	vm9 =	vgt.f32 v3, v0;
	v0 =	vmax.f32 v3, v0  }
0x3d3: {  	v7 =	vsel vm9, v10, v7;
	vm10 =	vgt.f32 v4, v0;
	v0 =	vmax.f32 v4, v0  }
0x3d4: {  	v7 =	vsel vm10, v11, v7;
	vm11 =	vgt.f32 v5, v0  }
0x3d5: {  	v36 =	vld.idx.msk [tilespmem:v47+s15+$0x0], $0xffff;
	v0 =	vmax.f32 v5, v0;
	v7 =	vsel vm11, v12, v7  }
0x3d6: {  	vm12 =	veq.f32 v6, v0;
	vm1 =	vgt.u32 v7, v45  }
0x3d7: {  	vm2 =	vgt.f32 v6, v0;
	vm0 =	vmand vm12, vm1  }
0x3d8: {  	vm0 =	vmor vm2, vm0  }
0x3d9: {  	v37 =	vld.idx.msk [tilespmem:v48+s15+$0x0], $0xffff;
	v8 =	vmax.f32 v6, v0;
	v7 =	vsel vm0, v45, v7  }
0x3da: {  	vm13 =	veq.f32 v36, v8;
	vm14 =	vgt.u32 v7, v47  }
0x3db: {  	vm15 =	vgt.f32 v36, v8;
	vm0 =	vmand vm13, vm14  }
0x3dc: {  	vm0 =	vmor vm15, vm0  }
0x3dd: {  	v38 =	vld.idx.msk [tilespmem:v51+s15+$0x0], $0xffff;
	v10 =	vmax.f32 v36, v8;
	v7 =	vsel vm0, v47, v7  }
0x3de: {  	vm4 =	veq.f32 v37, v10;
	vm5 =	vgt.u32 v7, v48  }
0x3df: {  	vm6 =	vgt.f32 v37, v10;
	vm0 =	vmand vm4, vm5  }
0x3e0: {  	vm0 =	vmor vm6, vm0  }
0x3e1: {  	v4 =	vld.idx.msk [tilespmem:v42+s15+$0x0], $0xffff;
	v39 =	vmax.f32 v37, v10;
	v7 =	vsel vm0, v48, v7  }
0x3e2: {  	vm7 =	veq.f32 v38, v39;
	vm8 =	vgt.u32 v7, v51  }
0x3e3: {  	vm9 =	vgt.f32 v38, v39;
	vm0 =	vmand vm7, vm8  }
0x3e4: {  	vm0 =	vmor vm9, vm0  }
0x3e5: {  	v5 =	vld.idx.msk [tilespmem:v16+s15+$0x0], $0xffff;
	v12 =	vmax.f32 v38, v39;
	v46 =	vsel vm0, v51, v7  }
0x3e6: {  	vm10 =	veq.f32 v4, v12;
	vm11 =	vgt.u32 v46, v42  }
0x3e7: {  	vm12 =	vgt.f32 v4, v12;
	vm0 =	vmand vm10, vm11  }
0x3e8: {  	vm0 =	vmor vm12, vm0  }
0x3e9: {  	v9 =	vld.idx.msk [tilespmem:v17+s15+$0x0], $0xffff;
	v14 =	vmax.f32 v4, v12;
	v0 =	vsel vm0, v42, v46  }
0x3ea: {  	vm13 =	veq.f32 v5, v14;
	vm14 =	vgt.u32 v0, v16  }
0x3eb: {  	vm15 =	vgt.f32 v5, v14;
	vm0 =	vmand vm13, vm14  }
0x3ec: {  	vm0 =	vmor vm15, vm0  }
0x3ed: {  	v11 =	vld.idx.msk [tilespmem:v18+s15+$0x0], $0xffff;
	v33 =	vmax.f32 v5, v14;
	v0 =	vsel vm0, v16, v0  }
0x3ee: {  	vm4 =	veq.f32 v9, v33;
	vm5 =	vgt.u32 v0, v17  }
0x3ef: {  	vm6 =	vgt.f32 v9, v33;
	vm0 =	vmand vm4, vm5  }
0x3f0: {  	vm0 =	vmor vm6, vm0  }
0x3f1: {  	v6 =	vld.idx.msk [tilespmem:v19+s15+$0x0], $0xffff;
	v1 =	vmax.f32 v9, v33;
	v0 =	vsel vm0, v17, v0  }
0x3f2: {  	vm7 =	veq.f32 v11, v1;
	vm8 =	vgt.u32 v0, v18  }
0x3f3: {  	vm9 =	vgt.f32 v11, v1;
	vm0 =	vmand vm7, vm8  }
0x3f4: {  	vm0 =	vmor vm9, vm0  }
0x3f5: {  	v13 =	vld.idx.msk [tilespmem:v34+s15+$0x0], $0xffff;
	v8 =	vmax.f32 v11, v1;
	v0 =	vsel vm0, v18, v0  }
0x3f6: {  	vm10 =	veq.f32 v6, v8;
	vm11 =	vgt.u32 v0, v19  }
0x3f7: {  	vm12 =	vgt.f32 v6, v8;
	vm0 =	vmand vm10, vm11  }
0x3f8: {  	vm0 =	vmor vm12, vm0  }
0x3f9: {  	v60 =	vld.idx.msk [tilespmem:v22+s15+$0x0], $0xffff;
	v34 =	vmax.f32 v6, v8;
	v0 =	vsel vm0, v19, v0  }
0x3fa: {  	vm13 =	veq.f32 v13, v34;
	vm14 =	vgt.u32 v0, v20  }
0x3fb: {  	vm15 =	vgt.f32 v13, v34;
	vm0 =	vmand vm13, vm14  }
0x3fc: {  	vm0 =	vmor vm15, vm0  }
0x3fd: {  	v58 =	vld.idx.msk [tilespmem:v23+s15+$0x0], $0xffff;
	v62 =	vmax.f32 v13, v34;
	v0 =	vsel vm0, v20, v0  }
0x3fe: {  	vm4 =	veq.f32 v60, v62;
	vm5 =	vgt.u32 v0, v22  }
0x3ff: {  	vm6 =	vgt.f32 v60, v62;
	vm0 =	vmand vm4, vm5  }
0x400: {  	vm0 =	vmor vm6, vm0  }
0x401: {  	v57 =	vld.idx.msk [tilespmem:v24+s15+$0x0], $0xffff;
	v2 =	vmax.f32 v60, v62;
	v0 =	vsel vm0, v22, v0  }
0x402: {  	vm7 =	veq.f32 v58, v2;
	vm8 =	vgt.u32 v0, v23  }
0x403: {  	vm9 =	vgt.f32 v58, v2;
	vm0 =	vmand vm7, vm8  }
0x404: {  	vm0 =	vmor vm9, vm0  }
0x405: {  	v55 =	vld.idx.msk [tilespmem:v25+s15+$0x0], $0xffff;
	v10 =	vmax.f32 v58, v2;
	v0 =	vsel vm0, v23, v0  }
0x406: {  	vm10 =	veq.f32 v57, v10;
	vm11 =	vgt.u32 v0, v24  }
0x407: {  	vm12 =	vgt.f32 v57, v10;
	vm0 =	vmand vm10, vm11  }
0x408: {  	vm0 =	vmor vm12, vm0  }
0x409: {  	v52 =	vld.idx.msk [tilespmem:v26+s15+$0x0], $0xffff;
	v63 =	vmax.f32 v57, v10;
	v0 =	vsel vm0, v24, v0  }
0x40a: {  	vm13 =	veq.f32 v55, v63;
	vm14 =	vgt.u32 v0, v25  }
0x40b: {  	vm15 =	vgt.f32 v55, v63;
	vm0 =	vmand vm13, vm14  }
0x40c: {  	vm0 =	vmor vm15, vm0  }
0x40d: {  	v50 =	vld.idx.msk [tilespmem:v27+s15+$0x0], $0xffff;
	v61 =	vmax.f32 v55, v63;
	v0 =	vsel vm0, v25, v0  }
0x40e: {  	vm4 =	veq.f32 v52, v61;
	vm5 =	vgt.u32 v0, v26  }
0x40f: {  	vm6 =	vgt.f32 v52, v61;
	vm0 =	vmand vm4, vm5  }
0x410: {  	vm0 =	vmor vm6, vm0  }
0x411: {  	v49 =	vld.idx.msk [tilespmem:v28+s15+$0x0], $0xffff;
	v59 =	vmax.f32 v52, v61;
	v0 =	vsel vm0, v26, v0  }
0x412: {  	v47 =	vld.idx.msk [tilespmem:v54+s15+$0x0], $0xffff;
	vm7 =	veq.f32 v50, v59;
	vm8 =	vgt.u32 v0, v27  }
0x413: {  	vm9 =	vgt.f32 v50, v59;
	vm0 =	vmand vm7, vm8  }
0x414: {  	v45 =	vld.idx.msk [tilespmem:v56+s15+$0x0], $0xffff;
	vm0 =	vmor vm9, vm0  }
0x415: {  	v56 =	vmax.f32 v50, v59;
	v61 =	vld [tilespmem:$0x1FF30];
	v0 =	vsel vm0, v27, v0  }
0x416: {  	v54 =	vmax.f32 v49, v56;
	vm10 =	veq.f32 v49, v56;
	vm11 =	vgt.u32 v0, v28  }
0x417: {  	v38 =	vld.idx.msk [tilespmem:v53+s15+$0x0], $0xffff;
	v53 =	vmax.f32 v47, v54;
	vm12 =	vgt.f32 v49, v56;
	vm0 =	vmand vm10, vm11  }
0x418: {  	vm13 =	veq.f32 v47, v54;
	vm15 =	vgt.f32 v47, v54;
	v54 =	vld [tilespmem:$0x1FF30];
	vm0 =	vmor vm12, vm0  }
0x419: {  	v56 =	vld [tilespmem:$0x1FF40];
	v0 =	vsel vm0, v28, v0  }
0x41a: {  	vm14 =	vgt.u32 v0, v61  }
0x41b: {  	vm0 =	vmand vm13, vm14  }
0x41c: {  	vm0 =	vmor vm15, vm0  }
0x41d: {  	v43 =	vld.idx.msk [tilespmem:v29+s15+$0x0], $0xffff;
	v0 =	vsel vm0, v54, v0  }
0x41e: {  	vm4 =	veq.f32 v45, v53;
	vm5 =	vgt.u32 v0, v56  }
0x41f: {  	vm6 =	vgt.f32 v45, v53;
	vm0 =	vmand vm4, vm5  }
0x420: {  	vm0 =	vmor vm6, vm0  }
0x421: {  	v41 =	vld.idx.msk [tilespmem:v30+s15+$0x0], $0xffff;
	v51 =	vmax.f32 v45, v53;
	v0 =	vsel vm0, v56, v0  }
0x422: {  	vm7 =	veq.f32 v43, v51;
	vm8 =	vgt.u32 v0, v29  }
0x423: {  	vm9 =	vgt.f32 v43, v51;
	vm0 =	vmand vm7, vm8  }
0x424: {  	vm0 =	vmor vm9, vm0  }
0x425: {  	v39 =	vld.idx.msk [tilespmem:v21+s15+$0x0], $0xffff;
	v4 =	vmax.f32 v43, v51;
	v0 =	vsel vm0, v29, v0  }
0x426: {  	vm10 =	veq.f32 v41, v4;
	vm11 =	vgt.u32 v0, v30  }
0x427: {  	vm12 =	vgt.f32 v41, v4;
	vm0 =	vmand vm10, vm11  }
0x428: {  	vm0 =	vmor vm12, vm0  }
0x429: {  	v46 =	vmax.f32 v41, v4;
	v53 =	vld [tilespmem:$0x1FEC0];
	v0 =	vsel vm0, v30, v0  }
0x42a: {  	vm13 =	veq.f32 v39, v46;
	vm14 =	vgt.u32 v0, v21  }
0x42b: {  	vm15 =	vgt.f32 v39, v46;
	vm0 =	vmand vm13, vm14  }
0x42c: {  	v36 =	vld.idx.msk [tilespmem:v31+s15+$0x0], $0xffff;
	vm0 =	vmor vm15, vm0  }
0x42d: {  	v44 =	vmax.f32 v39, v46;
	v62 =	vld [tilespmem:$0x1FE20];
	v0 =	vsel vm0, v21, v0  }
0x42e: {  	vm4 =	veq.f32 v38, v44;
	vm5 =	vgt.u32 v0, v53  }
0x42f: {  	vm6 =	vgt.f32 v38, v44;
	vm0 =	vmand vm4, vm5  }
0x430: {  	vm0 =	vmor vm6, vm0  }
0x431: {  	v35 =	vld.idx.msk [tilespmem:v32+s15+$0x0], $0xffff;
	v7 =	vmax.f32 v38, v44;
	v0 =	vsel vm0, v53, v0  }
0x432: {  	vm7 =	veq.f32 v36, v7;
	vm8 =	vgt.u32 v0, v31  }
0x433: {  	vm9 =	vgt.f32 v36, v7;
	vm0 =	vmand vm7, vm8  }
0x434: {  	v12 =	vld [tilespmem:$0x1FE60];
	vm0 =	vmor vm9, vm0  }
0x435: {  	v40 =	vmax.f32 v36, v7;
	v63 =	vld.idx.msk [tilespmem:v62+s15+$0x0], $0xffff;
	v0 =	vsel vm0, v31, v0  }
0x436: {  	v9 =	vld [tilespmem:$0x1FE30];
	vm10 =	veq.f32 v35, v40;
	vm11 =	vgt.u32 v0, v32  }
0x437: {  	v48 =	vld [tilespmem:$0x1FE90];
	vm12 =	vgt.f32 v35, v40;
	vm0 =	vmand vm10, vm11  }
0x438: {  	p1 =	sne.s32 s16, $0x1F0;
	v11 =	vld [tilespmem:$0x1FE50];
	vm0 =	vmor vm12, vm0  }
.Ltmp3:
0x439: {  	v42 =	vld [tilespmem:$0x1FEB0];
	v37 =	vmax.f32 v35, v40;
	v0 =	vsel vm0, v32, v0;
	(pc) =	sbr.rel @p1 .LBB2_9-.Ltmp3, $4  }
0x43a: {  	s19 =	smov.u32 s16;
	v10 =	vld [tilespmem:$0x1FE40];
	vm13 =	veq.f32 v63, v37;
	vm14 =	vgt.u32 v0, v62;
	v0 =	vand.u32 $0x1F, v0  }
0x43b: {  	s18 =	sand.u32 $0x180, s19;
	v47 =	vld [tilespmem:$0x1FE80];
	vm15 =	vgt.f32 v63, v37;
	vm0 =	vmand vm13, vm14;
	v0 =	vcvt.s32.f32 v0  }
0x43c: {  	s17 =	sand.u32 $0x70, s19;
	s18 =	sadd.s32 s18, s8;
	v45 =	vld [tilespmem:$0x1FE70];
	vm0 =	vmor vm15, vm0  }
0x43d: {  	s16 =	sadd.s32 $0x10, s16;
	s17 =	sadd.s32 s17, s18;
	v34 =	vmov v20;
	v51 =	vld [tilespmem:$0x1FEA0];
	v35 =	vsel vm0, v15, v0  }
.Ltmp4:
0x43e: {  	(pc) =	sbr.rel @p0 .LBB2_12-.Ltmp4, $3  }
0x43f: {  	_ =	sdelay $0x1  }
0x440: {  	v8 =	vmov v22;
	v58 =	vmov v23  }
0x441: {  	v57 =	vmovc v24;
	v55 =	vmovc v25;
	v52 =	vmov v26;
	v50 =	vmov v27;
	v49 =	vmov v28;
	[tilespmem:s17+$0x600] =	vst v35  }
.Ltmp5:
0x442: {  	v31 =	vld [tilespmem:$0x1FED0];
	(pc) =	sbr.rel .LBB2_2-.Ltmp5, $4  }
0x443: {  	s8 =	sadd.s32 s14, s13;
	v3 =	vld [tilespmem:$0x1FEF0]  }
0x444: {  	v4 =	vld [tilespmem:$0x1FF00];
	s8 =	sshrl.u32 s8, $0x3  }
0x445: {  	s7 =	sadd.s32 $0x1, s7;
	v5 =	vld [tilespmem:$0x1FF10];
	s8 =	sadd.s32 s5, s8  }
0x446: {  	v6 =	vld [tilespmem:$0x1FF20];
	[tilespmem:s2], [sflag:$0x4] =	stream.strided.gather [hbm4b:s8+s31], $0x4000, s3, s31, $0x38  }
.LBB2_12:
0x447: {  	s7 =	rddreg [dreg:$0xa];
	s8 =	simm.s32 $0x12000  }
0x448: {  	[tilespmem:s8], [sflag:$0x5] =	stream.strided.gather [hbm4b:s7+s31], $0x2000, s3, s31, $0x38;
	[tilespmem:$0x16080] =	vst v63  }
0x449: {  	_ =	swait.ge [sflag:s29], $0x2000  }
0x44a: {  	[sflag:s29] =	ssyncset.done $0x0  }
0x44b: {  	s19 =	simm.s32 $0x0;
	[sflag:s29] =	ssyncadd.s32 $0xFFFFE000  }
0x44c: {  	v36 =	vld [tilespmem:s19+$0x10000]  }
0x44d: {  	v37 =	vld [tilespmem:s19+$0x12000];
	_ =	sdelay $0x1  }
0x44e: {  	v38 =	vld [tilespmem:s19+$0x14000]  }
0x44f: {  	v35 =	vimm.f32 $0.0e+00;
	s7 =	simm.s32 $0x40  }
.LBB2_13:
0x450: {  	s8 =	sshra.s32 s7, $0x2;
	p0 =	sne.s32 s7, $0x7FC0  }
.Ltmp6:
0x451: {  	s7 =	sadd.s32 $0x40, s7;
	v0 =	vsub.f32 v36, v37;
	v36 =	vld [tilespmem:s8+$0x10000];
	(pc) =	sbr.rel @p0 .LBB2_13-.Ltmp6, $4  }
0x452: {  	v37 =	vld [tilespmem:s8+$0x12000]  }
0x453: {  	v0 =	vmul.f32 v38, v0  }
0x454: {  	v38 =	vld [tilespmem:s8+$0x14000]  }
0x455: {  	v35 =	vadd.f32 v0, v35  }
0x456: {  	_ = 	snop  }
0x457: {  	v0 =	vsub.f32 v36, v37;
	_ =	sdelay $0x1  }
0x458: {  	v0 =	vmul.f32 v38, v0;
	_ =	sdelay $0x1  }
0x459: {  	v0 =	vadd.f32 v0, v35;
	_ =	sdelay $0x1  }
0x45a: {  	(xrf2) =	vadd.scan.msk.f32 $0xffff, v0;
	_ =	sdelay $0x9  }
0x45b: {  	v0, _, _ =	vpop (xrf2)  }
0x45c: {  	v0 =	vmul.f32 $1.442695020e+00, v0  }
0x45d: {  	v63 =	vld [tilespmem:$0x1FDE0]  }
0x45e: {  	v0 =	vbroadcast v0, $0xF;
	_ =	sdelay $0x1  }
0x45f: {  	(erf) = vpow2.f32 v0;
	_ =	sdelay $0x4  }
0x460: {  	v0 =	vld.idx.msk [tilespmem:v63+s30+$0x0], $0xffff  }
0x461: {  	v18 =	vld [tilespmem:$0x1FE20]  }
0x462: {  	v31 =	vld [tilespmem:$0x1FEF0]  }
0x463: {  	v16 =	vld [tilespmem:$0x1FF00]  }
0x464: {  	s7 =	simm.s32 $0x0;
	v17 =	vld [tilespmem:$0x1FF10];
	v1 =	vpop (erf)  }
0x465: {  	s8 =	simm.s32 $0x40;
	v35 =	vld [tilespmem:s7+$0x12000];
	vm0 =	vgt.f32 v1, v0  }
.LBB2_15:
0x466: {  	p0 =	sne.s32 s8, $0x7FC0;
	v0 =	vld [tilespmem:s7+$0x10000];
	_ =	sdelay $0x1  }
.Ltmp7:
0x467: {  	(pc) =	sbr.rel @p0 .LBB2_15-.Ltmp7, $3  }
0x468: {  	_ =	sdelay $0x1  }
0x469: {  	s14 =	sshra.s32 s8, $0x2;
	v0 =	vsel vm0, v0, v35  }
0x46a: {  	s8 =	sadd.s32 $0x40, s8;
	v35 =	vld [tilespmem:s14+$0x12000];
	[tilespmem:s7+$0x10000] =	vst v0;
	s7 =	smov.u32 s14  }
0x46b: {  	v0 =	vld [tilespmem:s7+$0x10000];
	_ =	sdelay $0x4  }
0x46c: {  	v0 =	vsel vm0, v0, v35  }
0x46d: {  	s14 =	rddreg [dreg:$0xb];
	s8 =	simm.s32 $0x10000;
	[tilespmem:s7+$0x10000] =	vst v0  }
0x46e: {  	[hbm4b:s14+s31] =	stream.strided.scatter [tilespmem:s8], [sflag:$0x5], $0x2000, s3, s31, $0x38;
	[tilespmem:$0x16080] =	vst v63  }
0x46f: {  	_ =	swait.ge [sflag:s29], $0x2000  }
0x470: {  	[sflag:s29] =	ssyncset.done $0x0  }
0x471: {  	s7 =	simm.s32 $0x0;
	s15 =	rddreg [dreg:$0xc];
	[sflag:s29] =	ssyncadd.s32 $0xFFFFE000  }
0x472: {  	[tilespmem:s7], [sflag:$0x1] =	stream.strided.gather [hbm4b:s15+s31], $0x4000, s3, s31, $0x38;
	[tilespmem:$0x16080] =	vst v63  }
0x473: {  	s14 =	simm.s32 $0x4000;
	s16 =	rddreg [dreg:$0xd]  }
0x474: {  	[tilespmem:s14], [sflag:$0x2] =	stream.strided.gather [hbm4b:s16+s31], $0x4000, s3, s31, $0x38;
	[tilespmem:$0x16080] =	vst v63  }
0x475: {  	s18 =	simm.s32 $0x8000;
	s17 =	rddreg [dreg:$0xe]  }
0x476: {  	[tilespmem:s18], [sflag:$0x3] =	stream.strided.gather [hbm4b:s17+s31], $0x4000, s3, s31, $0x38;
	[tilespmem:$0x16080] =	vst v63  }
0x477: {  	s8 =	simm.s32 $0x0;
	s19 =	rddreg [dreg:$0xf]  }
0x478: {  	[tilespmem:s2], [sflag:$0x4] =	stream.strided.gather [hbm4b:s19+s31], $0x4000, s3, s31, $0x38;
	[tilespmem:$0x16080] =	vst v63  }
.LBB2_17:
0x479: {  	_ =	swait.ge [sflag:s28], $0x4000  }
0x47a: {  	v6 =	vld [tilespmem:$0x1FE10]  }
0x47b: {  	v7 =	vld [tilespmem:$0x1FE00];
	_ =	sdelay $0x4  }
0x47c: {  	[sflag:s28] =	ssyncset.done $0x0  }
0x47d: {  	[sflag:s28] =	ssyncadd.s32 $0xFFFFC000  }
0x47e: {  	v0 =	vld.idx.msk [tilespmem:v6+s7+$0x0], $0xffff  }
0x47f: {  	v1 =	vld.idx.msk [tilespmem:v7+s7+$0x0], $0xffff  }
0x480: {  	v2 =	vld.idx.msk [tilespmem:v9+s7+$0x0], $0xffff  }
0x481: {  	v3 =	vld.idx.msk [tilespmem:v10+s7+$0x0], $0xffff  }
0x482: {  	v4 =	vld.idx.msk [tilespmem:v11+s7+$0x0], $0xffff  }
0x483: {  	v5 =	vld.idx.msk [tilespmem:v12+s7+$0x0], $0xffff  }
0x484: {  	vm0 =	vgt.f32 v1, v0;
	v0 =	vmax.f32 v1, v0  }
0x485: {  	v44 =	vld.idx.msk [tilespmem:v45+s7+$0x0], $0xffff;
	vm1 =	vgt.f32 v2, v0;
	v0 =	vmax.f32 v2, v0;
	v46 =	vsel vm0, v7, v6  }
0x486: {  	vm8 =	vgt.f32 v3, v0;
	v0 =	vmax.f32 v3, v0;
	v2 =	vsel vm1, v9, v46  }
0x487: {  	vm9 =	vgt.f32 v4, v0;
	v0 =	vmax.f32 v4, v0;
	v2 =	vsel vm8, v10, v2  }
0x488: {  	v2 =	vsel vm9, v11, v2;
	vm10 =	vgt.f32 v5, v0  }
0x489: {  	v59 =	vld.idx.msk [tilespmem:v47+s7+$0x0], $0xffff;
	v0 =	vmax.f32 v5, v0;
	v2 =	vsel vm10, v12, v2  }
0x48a: {  	vm11 =	veq.f32 v44, v0;
	vm12 =	vgt.u32 v2, v45  }
0x48b: {  	vm2 =	vgt.f32 v44, v0;
	vm0 =	vmand vm11, vm12  }
0x48c: {  	vm0 =	vmor vm2, vm0  }
0x48d: {  	v60 =	vld.idx.msk [tilespmem:v48+s7+$0x0], $0xffff;
	v0 =	vmax.f32 v44, v0;
	v2 =	vsel vm0, v45, v2  }
0x48e: {  	vm13 =	veq.f32 v59, v0;
	vm14 =	vgt.u32 v2, v47  }
0x48f: {  	vm15 =	vgt.f32 v59, v0;
	vm0 =	vmand vm13, vm14  }
0x490: {  	vm0 =	vmor vm15, vm0  }
0x491: {  	v61 =	vld.idx.msk [tilespmem:v51+s7+$0x0], $0xffff;
	v0 =	vmax.f32 v59, v0;
	v2 =	vsel vm0, v47, v2  }
0x492: {  	vm4 =	veq.f32 v60, v0;
	vm5 =	vgt.u32 v2, v48  }
0x493: {  	vm6 =	vgt.f32 v60, v0;
	vm0 =	vmand vm4, vm5  }
0x494: {  	vm0 =	vmor vm6, vm0  }
0x495: {  	v62 =	vld.idx.msk [tilespmem:v42+s7+$0x0], $0xffff;
	v0 =	vmax.f32 v60, v0;
	v2 =	vsel vm0, v48, v2  }
0x496: {  	vm7 =	veq.f32 v61, v0;
	vm8 =	vgt.u32 v2, v51  }
0x497: {  	vm9 =	vgt.f32 v61, v0;
	vm0 =	vmand vm7, vm8  }
0x498: {  	vm0 =	vmor vm9, vm0  }
0x499: {  	v63 =	vld.idx.msk [tilespmem:v31+s7+$0x0], $0xffff;
	v0 =	vmax.f32 v61, v0;
	v2 =	vsel vm0, v51, v2  }
0x49a: {  	vm10 =	veq.f32 v62, v0;
	vm11 =	vgt.u32 v2, v42  }
0x49b: {  	vm12 =	vgt.f32 v62, v0;
	vm0 =	vmand vm10, vm11  }
0x49c: {  	v19 =	vld [tilespmem:$0x1FF20];
	vm0 =	vmor vm12, vm0  }
0x49d: {  	v6 =	vld.idx.msk [tilespmem:v16+s7+$0x0], $0xffff;
	v0 =	vmax.f32 v62, v0;
	v2 =	vsel vm0, v42, v2  }
0x49e: {  	vm13 =	veq.f32 v63, v0;
	vm14 =	vgt.u32 v2, v31  }
0x49f: {  	vm15 =	vgt.f32 v63, v0;
	vm0 =	vmand vm13, vm14  }
0x4a0: {  	vm0 =	vmor vm15, vm0  }
0x4a1: {  	v7 =	vld.idx.msk [tilespmem:v17+s7+$0x0], $0xffff;
	v0 =	vmax.f32 v63, v0;
	v2 =	vsel vm0, v31, v2  }
0x4a2: {  	vm4 =	veq.f32 v6, v0;
	vm5 =	vgt.u32 v2, v16  }
0x4a3: {  	vm6 =	vgt.f32 v6, v0;
	vm0 =	vmand vm4, vm5  }
0x4a4: {  	vm0 =	vmor vm6, vm0  }
0x4a5: {  	v33 =	vld.idx.msk [tilespmem:v19+s7+$0x0], $0xffff;
	v0 =	vmax.f32 v6, v0;
	v2 =	vsel vm0, v16, v2  }
0x4a6: {  	vm7 =	veq.f32 v7, v0;
	vm8 =	vgt.u32 v2, v17  }
0x4a7: {  	vm9 =	vgt.f32 v7, v0;
	vm0 =	vmand vm7, vm8  }
0x4a8: {  	vm0 =	vmor vm9, vm0  }
0x4a9: {  	v35 =	vld.idx.msk [tilespmem:v34+s7+$0x0], $0xffff;
	v0 =	vmax.f32 v7, v0;
	v2 =	vsel vm0, v17, v2  }
0x4aa: {  	vm10 =	veq.f32 v33, v0;
	vm11 =	vgt.u32 v2, v19  }
0x4ab: {  	vm12 =	vgt.f32 v33, v0;
	vm0 =	vmand vm10, vm11  }
0x4ac: {  	vm0 =	vmor vm12, vm0  }
0x4ad: {  	v36 =	vld.idx.msk [tilespmem:v8+s7+$0x0], $0xffff;
	v0 =	vmax.f32 v33, v0;
	v2 =	vsel vm0, v19, v2  }
0x4ae: {  	vm13 =	veq.f32 v35, v0;
	vm14 =	vgt.u32 v2, v34  }
0x4af: {  	vm15 =	vgt.f32 v35, v0;
	vm0 =	vmand vm13, vm14  }
0x4b0: {  	vm0 =	vmor vm15, vm0  }
0x4b1: {  	v37 =	vld.idx.msk [tilespmem:v58+s7+$0x0], $0xffff;
	v0 =	vmax.f32 v35, v0;
	v2 =	vsel vm0, v34, v2  }
0x4b2: {  	vm4 =	veq.f32 v36, v0;
	vm5 =	vgt.u32 v2, v8  }
0x4b3: {  	vm6 =	vgt.f32 v36, v0;
	vm0 =	vmand vm4, vm5  }
0x4b4: {  	vm0 =	vmor vm6, vm0  }
0x4b5: {  	v38 =	vld.idx.msk [tilespmem:v57+s7+$0x0], $0xffff;
	v0 =	vmax.f32 v36, v0;
	v2 =	vsel vm0, v8, v2  }
0x4b6: {  	vm7 =	veq.f32 v37, v0;
	vm8 =	vgt.u32 v2, v58  }
0x4b7: {  	vm9 =	vgt.f32 v37, v0;
	vm0 =	vmand vm7, vm8  }
0x4b8: {  	vm0 =	vmor vm9, vm0  }
0x4b9: {  	v39 =	vld.idx.msk [tilespmem:v55+s7+$0x0], $0xffff;
	v0 =	vmax.f32 v37, v0;
	v2 =	vsel vm0, v58, v2  }
0x4ba: {  	vm10 =	veq.f32 v38, v0;
	vm11 =	vgt.u32 v2, v57  }
0x4bb: {  	vm12 =	vgt.f32 v38, v0;
	vm0 =	vmand vm10, vm11  }
0x4bc: {  	vm0 =	vmor vm12, vm0  }
0x4bd: {  	v40 =	vld.idx.msk [tilespmem:v52+s7+$0x0], $0xffff;
	v0 =	vmax.f32 v38, v0;
	v2 =	vsel vm0, v57, v2  }
0x4be: {  	vm13 =	veq.f32 v39, v0;
	vm14 =	vgt.u32 v2, v55  }
0x4bf: {  	vm15 =	vgt.f32 v39, v0;
	vm0 =	vmand vm13, vm14  }
0x4c0: {  	vm0 =	vmor vm15, vm0  }
0x4c1: {  	v41 =	vld.idx.msk [tilespmem:v50+s7+$0x0], $0xffff;
	v0 =	vmax.f32 v39, v0;
	v2 =	vsel vm0, v55, v2  }
0x4c2: {  	vm4 =	veq.f32 v40, v0;
	vm5 =	vgt.u32 v2, v52  }
0x4c3: {  	vm6 =	vgt.f32 v40, v0;
	vm0 =	vmand vm4, vm5  }
0x4c4: {  	vm0 =	vmor vm6, vm0  }
0x4c5: {  	v43 =	vld.idx.msk [tilespmem:v49+s7+$0x0], $0xffff;
	v0 =	vmax.f32 v40, v0;
	v2 =	vsel vm0, v52, v2  }
0x4c6: {  	vm7 =	veq.f32 v41, v0;
	vm8 =	vgt.u32 v2, v50  }
0x4c7: {  	vm9 =	vgt.f32 v41, v0;
	vm0 =	vmand vm7, vm8  }
0x4c8: {  	vm0 =	vmor vm9, vm0  }
0x4c9: {  	v44 =	vld.idx.msk [tilespmem:v54+s7+$0x0], $0xffff;
	v0 =	vmax.f32 v41, v0;
	v2 =	vsel vm0, v50, v2  }
0x4ca: {  	vm10 =	veq.f32 v43, v0;
	vm11 =	vgt.u32 v2, v49  }
0x4cb: {  	vm12 =	vgt.f32 v43, v0;
	vm0 =	vmand vm10, vm11  }
0x4cc: {  	vm0 =	vmor vm12, vm0  }
0x4cd: {  	v46 =	vld.idx.msk [tilespmem:v56+s7+$0x0], $0xffff;
	v0 =	vmax.f32 v43, v0;
	v2 =	vsel vm0, v49, v2  }
0x4ce: {  	vm13 =	veq.f32 v44, v0;
	vm14 =	vgt.u32 v2, v54  }
0x4cf: {  	vm15 =	vgt.f32 v44, v0;
	vm0 =	vmand vm13, vm14  }
0x4d0: {  	vm0 =	vmor vm15, vm0  }
0x4d1: {  	v0 =	vmax.f32 v44, v0;
	v50 =	vld.idx.msk [tilespmem:v29+s7+$0x0], $0xffff;
	v2 =	vsel vm0, v54, v2  }
0x4d2: {  	vm4 =	veq.f32 v46, v0;
	vm5 =	vgt.u32 v2, v56  }
0x4d3: {  	vm6 =	vgt.f32 v46, v0;
	vm0 =	vmand vm4, vm5  }
0x4d4: {  	vm0 =	vmor vm6, vm0  }
0x4d5: {  	v0 =	vmax.f32 v46, v0;
	v52 =	vld.idx.msk [tilespmem:v30+s7+$0x0], $0xffff;
	v2 =	vsel vm0, v56, v2  }
0x4d6: {  	vm7 =	veq.f32 v50, v0;
	vm8 =	vgt.u32 v2, v29  }
0x4d7: {  	vm9 =	vgt.f32 v50, v0;
	vm0 =	vmand vm7, vm8  }
0x4d8: {  	v15 =	vld [tilespmem:$0x1FED0];
	vm0 =	vmor vm9, vm0  }
0x4d9: {  	v55 =	vld.idx.msk [tilespmem:v21+s7+$0x0], $0xffff;
	v0 =	vmax.f32 v50, v0;
	v2 =	vsel vm0, v29, v2  }
0x4da: {  	vm10 =	veq.f32 v52, v0;
	vm11 =	vgt.u32 v2, v30  }
0x4db: {  	vm12 =	vgt.f32 v52, v0;
	vm0 =	vmand vm10, vm11  }
0x4dc: {  	vm0 =	vmor vm12, vm0  }
0x4dd: {  	v57 =	vld.idx.msk [tilespmem:v53+s7+$0x0], $0xffff;
	v0 =	vmax.f32 v52, v0;
	v2 =	vsel vm0, v30, v2  }
0x4de: {  	vm13 =	veq.f32 v55, v0;
	vm14 =	vgt.u32 v2, v21  }
0x4df: {  	vm15 =	vgt.f32 v55, v0;
	vm0 =	vmand vm13, vm14  }
0x4e0: {  	vm0 =	vmor vm15, vm0  }
0x4e1: {  	v58 =	vld.idx.msk [tilespmem:v15+s7+$0x0], $0xffff;
	v0 =	vmax.f32 v55, v0;
	v2 =	vsel vm0, v21, v2  }
0x4e2: {  	vm4 =	veq.f32 v57, v0;
	vm5 =	vgt.u32 v2, v53  }
0x4e3: {  	vm6 =	vgt.f32 v57, v0;
	vm0 =	vmand vm4, vm5  }
0x4e4: {  	vm0 =	vmor vm6, vm0  }
0x4e5: {  	v59 =	vld.idx.msk [tilespmem:v32+s7+$0x0], $0xffff;
	v0 =	vmax.f32 v57, v0;
	v2 =	vsel vm0, v53, v2  }
0x4e6: {  	vm7 =	veq.f32 v58, v0;
	vm8 =	vgt.u32 v2, v15  }
0x4e7: {  	vm9 =	vgt.f32 v58, v0;
	vm0 =	vmand vm7, vm8  }
0x4e8: {  	vm0 =	vmor vm9, vm0  }
0x4e9: {  	v60 =	vld.idx.msk [tilespmem:v18+s7+$0x0], $0xffff;
	v0 =	vmax.f32 v58, v0;
	v2 =	vsel vm0, v15, v2  }
0x4ea: {  	vm10 =	veq.f32 v59, v0;
	vm11 =	vgt.u32 v2, v32  }
0x4eb: {  	vm12 =	vgt.f32 v59, v0;
	vm0 =	vmand vm10, vm11  }
0x4ec: {  	v63 =	vld [tilespmem:$0x1FEE0];
	vm0 =	vmor vm12, vm0  }
0x4ed: {  	s14 =	sshll.u32 s8, $0xB;
	v0 =	vmax.f32 v59, v0;
	v61 =	vsel vm0, v32, v2  }
0x4ee: {  	s14 =	sand.u32 $0x3FFFF800, s14;
	vm13 =	veq.f32 v60, v0;
	vm14 =	vgt.u32 v61, v18;
	v1 =	vand.u32 $0x1F, v61  }
0x4ef: {  	s15 =	sand.u32 $0x180, s7;
	s14 =	sadd.s32 $0x10000, s14;
	vm15 =	vgt.f32 v60, v0;
	vm0 =	vmand vm13, vm14;
	v62 =	vcvt.s32.f32 v1  }
0x4f0: {  	s16 =	sand.u32 $0x70, s7;
	s17 =	sadd.s32 s15, s14;
	vm0 =	vmor vm15, vm0  }
0x4f1: {  	s15 =	simm.s32 $0x10;
	s17 =	sadd.s32 s16, s17;
	s16 =	simm.s32 $0x0;
	v35 =	vsel vm0, v63, v62  }
.LBB2_18:
0x4f2: {  	v7 =	vld [tilespmem:$0x1FE10]  }
0x4f3: {  	v8 =	vld [tilespmem:$0x1FE00];
	_ =	sdelay $0x5  }
0x4f4: {  	[tilespmem:s17+$0x0] =	vst v35;
	s16 =	sadd.s32 $0x200, s16  }
0x4f5: {  	v0 =	vld.idx.msk [tilespmem:v7+s16+$0x0], $0xffff  }
0x4f6: {  	v1 =	vld.idx.msk [tilespmem:v8+s16+$0x0], $0xffff  }
0x4f7: {  	v2 =	vld.idx.msk [tilespmem:v9+s16+$0x0], $0xffff  }
0x4f8: {  	v3 =	vld.idx.msk [tilespmem:v10+s16+$0x0], $0xffff  }
0x4f9: {  	v4 =	vld.idx.msk [tilespmem:v11+s16+$0x0], $0xffff  }
0x4fa: {  	v5 =	vld.idx.msk [tilespmem:v12+s16+$0x0], $0xffff  }
0x4fb: {  	vm0 =	vgt.f32 v1, v0;
	v0 =	vmax.f32 v1, v0  }
0x4fc: {  	v6 =	vld.idx.msk [tilespmem:v45+s16+$0x0], $0xffff;
	v7 =	vsel vm0, v8, v7;
	vm8 =	vgt.f32 v2, v0;
	v0 =	vmax.f32 v2, v0  }
0x4fd: {  	v7 =	vsel vm8, v9, v7;
	vm9 =	vgt.f32 v3, v0;
	v0 =	vmax.f32 v3, v0  }
0x4fe: {  	v7 =	vsel vm9, v10, v7;
	vm10 =	vgt.f32 v4, v0;
	v0 =	vmax.f32 v4, v0  }
0x4ff: {  	v7 =	vsel vm10, v11, v7;
	vm11 =	vgt.f32 v5, v0  }
0x500: {  	v36 =	vld.idx.msk [tilespmem:v47+s16+$0x0], $0xffff;
	v0 =	vmax.f32 v5, v0;
	v7 =	vsel vm11, v12, v7  }
0x501: {  	vm12 =	veq.f32 v6, v0;
	vm1 =	vgt.u32 v7, v45  }
0x502: {  	vm2 =	vgt.f32 v6, v0;
	vm0 =	vmand vm12, vm1  }
0x503: {  	vm0 =	vmor vm2, vm0  }
0x504: {  	v37 =	vld.idx.msk [tilespmem:v48+s16+$0x0], $0xffff;
	v8 =	vmax.f32 v6, v0;
	v7 =	vsel vm0, v45, v7  }
0x505: {  	vm13 =	veq.f32 v36, v8;
	vm14 =	vgt.u32 v7, v47  }
0x506: {  	vm15 =	vgt.f32 v36, v8;
	vm0 =	vmand vm13, vm14  }
0x507: {  	vm0 =	vmor vm15, vm0  }
0x508: {  	v38 =	vld.idx.msk [tilespmem:v51+s16+$0x0], $0xffff;
	v10 =	vmax.f32 v36, v8;
	v7 =	vsel vm0, v47, v7  }
0x509: {  	vm4 =	veq.f32 v37, v10;
	vm5 =	vgt.u32 v7, v48  }
0x50a: {  	vm6 =	vgt.f32 v37, v10;
	vm0 =	vmand vm4, vm5  }
0x50b: {  	vm0 =	vmor vm6, vm0  }
0x50c: {  	v4 =	vld.idx.msk [tilespmem:v42+s16+$0x0], $0xffff;
	v39 =	vmax.f32 v37, v10;
	v7 =	vsel vm0, v48, v7  }
0x50d: {  	vm7 =	veq.f32 v38, v39;
	vm8 =	vgt.u32 v7, v51  }
0x50e: {  	vm9 =	vgt.f32 v38, v39;
	vm0 =	vmand vm7, vm8  }
0x50f: {  	vm0 =	vmor vm9, vm0  }
0x510: {  	v5 =	vld.idx.msk [tilespmem:v31+s16+$0x0], $0xffff;
	v12 =	vmax.f32 v38, v39;
	v46 =	vsel vm0, v51, v7  }
0x511: {  	vm10 =	veq.f32 v4, v12;
	vm11 =	vgt.u32 v46, v42  }
0x512: {  	vm12 =	vgt.f32 v4, v12;
	vm0 =	vmand vm10, vm11  }
0x513: {  	vm0 =	vmor vm12, vm0  }
0x514: {  	v9 =	vld.idx.msk [tilespmem:v16+s16+$0x0], $0xffff;
	v14 =	vmax.f32 v4, v12;
	v0 =	vsel vm0, v42, v46  }
0x515: {  	vm13 =	veq.f32 v5, v14;
	vm14 =	vgt.u32 v0, v31  }
0x516: {  	vm15 =	vgt.f32 v5, v14;
	vm0 =	vmand vm13, vm14  }
0x517: {  	vm0 =	vmor vm15, vm0  }
0x518: {  	v11 =	vld.idx.msk [tilespmem:v17+s16+$0x0], $0xffff;
	v33 =	vmax.f32 v5, v14;
	v0 =	vsel vm0, v31, v0  }
0x519: {  	vm4 =	veq.f32 v9, v33;
	vm5 =	vgt.u32 v0, v16  }
0x51a: {  	vm6 =	vgt.f32 v9, v33;
	vm0 =	vmand vm4, vm5  }
0x51b: {  	vm0 =	vmor vm6, vm0  }
0x51c: {  	v6 =	vld.idx.msk [tilespmem:v19+s16+$0x0], $0xffff;
	v1 =	vmax.f32 v9, v33;
	v0 =	vsel vm0, v16, v0  }
0x51d: {  	vm7 =	veq.f32 v11, v1;
	vm8 =	vgt.u32 v0, v17  }
0x51e: {  	vm9 =	vgt.f32 v11, v1;
	vm0 =	vmand vm7, vm8  }
0x51f: {  	vm0 =	vmor vm9, vm0  }
0x520: {  	v13 =	vld.idx.msk [tilespmem:v34+s16+$0x0], $0xffff;
	v8 =	vmax.f32 v11, v1;
	v0 =	vsel vm0, v17, v0  }
0x521: {  	vm10 =	veq.f32 v6, v8;
	vm11 =	vgt.u32 v0, v19  }
0x522: {  	vm12 =	vgt.f32 v6, v8;
	vm0 =	vmand vm10, vm11  }
0x523: {  	vm0 =	vmor vm12, vm0  }
0x524: {  	v60 =	vld.idx.msk [tilespmem:v22+s16+$0x0], $0xffff;
	v34 =	vmax.f32 v6, v8;
	v0 =	vsel vm0, v19, v0  }
0x525: {  	vm13 =	veq.f32 v13, v34;
	vm14 =	vgt.u32 v0, v20  }
0x526: {  	vm15 =	vgt.f32 v13, v34;
	vm0 =	vmand vm13, vm14  }
0x527: {  	vm0 =	vmor vm15, vm0  }
0x528: {  	v58 =	vld.idx.msk [tilespmem:v23+s16+$0x0], $0xffff;
	v62 =	vmax.f32 v13, v34;
	v0 =	vsel vm0, v20, v0  }
0x529: {  	vm4 =	veq.f32 v60, v62;
	vm5 =	vgt.u32 v0, v22  }
0x52a: {  	vm6 =	vgt.f32 v60, v62;
	vm0 =	vmand vm4, vm5  }
0x52b: {  	vm0 =	vmor vm6, vm0  }
0x52c: {  	v57 =	vld.idx.msk [tilespmem:v24+s16+$0x0], $0xffff;
	v2 =	vmax.f32 v60, v62;
	v0 =	vsel vm0, v22, v0  }
0x52d: {  	vm7 =	veq.f32 v58, v2;
	vm8 =	vgt.u32 v0, v23  }
0x52e: {  	vm9 =	vgt.f32 v58, v2;
	vm0 =	vmand vm7, vm8  }
0x52f: {  	vm0 =	vmor vm9, vm0  }
0x530: {  	v55 =	vld.idx.msk [tilespmem:v25+s16+$0x0], $0xffff;
	v10 =	vmax.f32 v58, v2;
	v0 =	vsel vm0, v23, v0  }
0x531: {  	vm10 =	veq.f32 v57, v10;
	vm11 =	vgt.u32 v0, v24  }
0x532: {  	vm12 =	vgt.f32 v57, v10;
	vm0 =	vmand vm10, vm11  }
0x533: {  	vm0 =	vmor vm12, vm0  }
0x534: {  	v52 =	vld.idx.msk [tilespmem:v26+s16+$0x0], $0xffff;
	v63 =	vmax.f32 v57, v10;
	v0 =	vsel vm0, v24, v0  }
0x535: {  	vm13 =	veq.f32 v55, v63;
	vm14 =	vgt.u32 v0, v25  }
0x536: {  	vm15 =	vgt.f32 v55, v63;
	vm0 =	vmand vm13, vm14  }
0x537: {  	vm0 =	vmor vm15, vm0  }
0x538: {  	v50 =	vld.idx.msk [tilespmem:v27+s16+$0x0], $0xffff;
	v61 =	vmax.f32 v55, v63;
	v0 =	vsel vm0, v25, v0  }
0x539: {  	vm4 =	veq.f32 v52, v61;
	vm5 =	vgt.u32 v0, v26  }
0x53a: {  	vm6 =	vgt.f32 v52, v61;
	vm0 =	vmand vm4, vm5  }
0x53b: {  	vm0 =	vmor vm6, vm0  }
0x53c: {  	v49 =	vld.idx.msk [tilespmem:v28+s16+$0x0], $0xffff;
	v59 =	vmax.f32 v52, v61;
	v0 =	vsel vm0, v26, v0  }
0x53d: {  	v47 =	vld.idx.msk [tilespmem:v54+s16+$0x0], $0xffff;
	vm7 =	veq.f32 v50, v59;
	vm8 =	vgt.u32 v0, v27  }
0x53e: {  	vm9 =	vgt.f32 v50, v59;
	vm0 =	vmand vm7, vm8  }
0x53f: {  	v45 =	vld.idx.msk [tilespmem:v56+s16+$0x0], $0xffff;
	vm0 =	vmor vm9, vm0  }
0x540: {  	v56 =	vmax.f32 v50, v59;
	v61 =	vld [tilespmem:$0x1FF30];
	v0 =	vsel vm0, v27, v0  }
0x541: {  	v54 =	vmax.f32 v49, v56;
	vm10 =	veq.f32 v49, v56;
	vm11 =	vgt.u32 v0, v28  }
0x542: {  	v38 =	vld.idx.msk [tilespmem:v53+s16+$0x0], $0xffff;
	v53 =	vmax.f32 v47, v54;
	vm12 =	vgt.f32 v49, v56;
	vm0 =	vmand vm10, vm11  }
0x543: {  	vm13 =	veq.f32 v47, v54;
	vm15 =	vgt.f32 v47, v54;
	v54 =	vld [tilespmem:$0x1FF30];
	vm0 =	vmor vm12, vm0  }
0x544: {  	v56 =	vld [tilespmem:$0x1FF40];
	v0 =	vsel vm0, v28, v0  }
0x545: {  	vm14 =	vgt.u32 v0, v61  }
0x546: {  	vm0 =	vmand vm13, vm14  }
0x547: {  	vm0 =	vmor vm15, vm0  }
0x548: {  	v43 =	vld.idx.msk [tilespmem:v29+s16+$0x0], $0xffff;
	v0 =	vsel vm0, v54, v0  }
0x549: {  	vm4 =	veq.f32 v45, v53;
	vm5 =	vgt.u32 v0, v56  }
0x54a: {  	vm6 =	vgt.f32 v45, v53;
	vm0 =	vmand vm4, vm5  }
0x54b: {  	vm0 =	vmor vm6, vm0  }
0x54c: {  	v41 =	vld.idx.msk [tilespmem:v30+s16+$0x0], $0xffff;
	v51 =	vmax.f32 v45, v53;
	v0 =	vsel vm0, v56, v0  }
0x54d: {  	vm7 =	veq.f32 v43, v51;
	vm8 =	vgt.u32 v0, v29  }
0x54e: {  	vm9 =	vgt.f32 v43, v51;
	vm0 =	vmand vm7, vm8  }
0x54f: {  	vm0 =	vmor vm9, vm0  }
0x550: {  	v39 =	vld.idx.msk [tilespmem:v21+s16+$0x0], $0xffff;
	v4 =	vmax.f32 v43, v51;
	v0 =	vsel vm0, v29, v0  }
0x551: {  	vm10 =	veq.f32 v41, v4;
	vm11 =	vgt.u32 v0, v30  }
0x552: {  	vm12 =	vgt.f32 v41, v4;
	vm0 =	vmand vm10, vm11  }
0x553: {  	vm0 =	vmor vm12, vm0  }
0x554: {  	v46 =	vmax.f32 v41, v4;
	v53 =	vld [tilespmem:$0x1FEC0];
	v0 =	vsel vm0, v30, v0  }
0x555: {  	vm13 =	veq.f32 v39, v46;
	vm14 =	vgt.u32 v0, v21  }
0x556: {  	vm15 =	vgt.f32 v39, v46;
	vm0 =	vmand vm13, vm14  }
0x557: {  	vm0 =	vmor vm15, vm0  }
0x558: {  	v36 =	vld.idx.msk [tilespmem:v15+s16+$0x0], $0xffff;
	v44 =	vmax.f32 v39, v46;
	v0 =	vsel vm0, v21, v0  }
0x559: {  	vm4 =	veq.f32 v38, v44;
	vm5 =	vgt.u32 v0, v53  }
0x55a: {  	vm6 =	vgt.f32 v38, v44;
	vm0 =	vmand vm4, vm5  }
0x55b: {  	vm0 =	vmor vm6, vm0  }
0x55c: {  	v35 =	vld.idx.msk [tilespmem:v32+s16+$0x0], $0xffff;
	v7 =	vmax.f32 v38, v44;
	v0 =	vsel vm0, v53, v0  }
0x55d: {  	vm7 =	veq.f32 v36, v7;
	vm8 =	vgt.u32 v0, v15  }
0x55e: {  	v12 =	vld [tilespmem:$0x1FE60];
	vm9 =	vgt.f32 v36, v7;
	vm0 =	vmand vm7, vm8  }
0x55f: {  	v9 =	vld [tilespmem:$0x1FE30];
	vm0 =	vmor vm9, vm0  }
0x560: {  	v40 =	vmax.f32 v36, v7;
	v62 =	vld.idx.msk [tilespmem:v18+s16+$0x0], $0xffff;
	v0 =	vsel vm0, v15, v0  }
0x561: {  	v48 =	vld [tilespmem:$0x1FE90];
	vm10 =	veq.f32 v35, v40;
	vm11 =	vgt.u32 v0, v32  }
0x562: {  	v11 =	vld [tilespmem:$0x1FE50];
	vm12 =	vgt.f32 v35, v40;
	vm0 =	vmand vm10, vm11  }
0x563: {  	p0 =	sne.s32 s15, $0x1F0;
	v63 =	vld [tilespmem:$0x1FEE0];
	vm0 =	vmor vm12, vm0  }
.Ltmp8:
0x564: {  	v42 =	vld [tilespmem:$0x1FEB0];
	v37 =	vmax.f32 v35, v40;
	v0 =	vsel vm0, v32, v0;
	(pc) =	sbr.rel @p0 .LBB2_18-.Ltmp8, $4  }
0x565: {  	s19 =	smov.u32 s15;
	v10 =	vld [tilespmem:$0x1FE40];
	vm13 =	veq.f32 v62, v37;
	vm14 =	vgt.u32 v0, v18;
	v0 =	vand.u32 $0x1F, v0  }
0x566: {  	s18 =	sand.u32 $0x180, s19;
	v47 =	vld [tilespmem:$0x1FE80];
	vm15 =	vgt.f32 v62, v37;
	vm0 =	vmand vm13, vm14;
	v0 =	vcvt.s32.f32 v0  }
0x567: {  	s17 =	sand.u32 $0x70, s19;
	s18 =	sadd.s32 s18, s14;
	v45 =	vld [tilespmem:$0x1FE70];
	vm0 =	vmor vm15, vm0  }
0x568: {  	s15 =	sadd.s32 $0x10, s15;
	s17 =	sadd.s32 s17, s18;
	v34 =	vmov v20;
	v51 =	vld [tilespmem:$0x1FEA0];
	v35 =	vsel vm0, v63, v0  }
0x569: {  	s15 =	sshll.u32 s8, $0x13;
	p0 =	seq.s32 s8, $0x3  }
0x56a: {  	s16 =	sadd.s32 @!p0 s15, s20  }
0x56b: {  	[tilespmem:s17+$0x0] =	vst v35;
	s17 =	simm.s32 @!p0 $0x80;
	s16 =	sshrl.u32 @!p0 s16, $0x3  }
0x56c: {  	s18 =	simm.s32 @!p0 $0x400;
	s19 =	simm.s32 @!p0 $0x0;
	s16 =	sadd.s32 @!p0 s5, s16  }
0x56d: {  	[tilespmem:s19], [sflag:$0x1] =	stream.strided.gather @!p0 [hbm4b:s16+s17], $0x4000, s18, s17, $0x38;
	[tilespmem:$0x16080] =	vst v63  }
0x56e: {  	_ =	swait.ge [sflag:s0], $0x4000  }
0x56f: {  	v14 =	vld [tilespmem:$0x1FE10]  }
0x570: {  	v13 =	vld [tilespmem:$0x1FE00];
	_ =	sdelay $0x4  }
0x571: {  	[sflag:s0] =	ssyncset.done $0x0  }
0x572: {  	s16 =	simm.s32 $0x4000;
	[sflag:s0] =	ssyncadd.s32 $0xFFFFC000  }
0x573: {  	v0 =	vld.idx.msk [tilespmem:v14+s16+$0x0], $0xffff  }
0x574: {  	v1 =	vld.idx.msk [tilespmem:v13+s16+$0x0], $0xffff  }
0x575: {  	v2 =	vld.idx.msk [tilespmem:v9+s16+$0x0], $0xffff  }
0x576: {  	v3 =	vld.idx.msk [tilespmem:v10+s16+$0x0], $0xffff  }
0x577: {  	v4 =	vld.idx.msk [tilespmem:v11+s16+$0x0], $0xffff  }
0x578: {  	v5 =	vld.idx.msk [tilespmem:v12+s16+$0x0], $0xffff  }
0x579: {  	vm0 =	vgt.f32 v1, v0;
	v0 =	vmax.f32 v1, v0  }
0x57a: {  	v58 =	vld.idx.msk [tilespmem:v45+s16+$0x0], $0xffff;
	vm1 =	vgt.f32 v2, v0;
	v0 =	vmax.f32 v2, v0;
	v59 =	vsel vm0, v13, v14  }
0x57b: {  	vm8 =	vgt.f32 v3, v0;
	v0 =	vmax.f32 v3, v0;
	v2 =	vsel vm1, v9, v59  }
0x57c: {  	vm9 =	vgt.f32 v4, v0;
	v0 =	vmax.f32 v4, v0;
	v2 =	vsel vm8, v10, v2  }
0x57d: {  	v2 =	vsel vm9, v11, v2;
	vm10 =	vgt.f32 v5, v0  }
0x57e: {  	v60 =	vld.idx.msk [tilespmem:v47+s16+$0x0], $0xffff;
	v0 =	vmax.f32 v5, v0;
	v2 =	vsel vm10, v12, v2  }
0x57f: {  	vm11 =	veq.f32 v58, v0;
	vm12 =	vgt.u32 v2, v45  }
0x580: {  	vm2 =	vgt.f32 v58, v0;
	vm0 =	vmand vm11, vm12  }
0x581: {  	vm0 =	vmor vm2, vm0  }
0x582: {  	v61 =	vld.idx.msk [tilespmem:v48+s16+$0x0], $0xffff;
	v0 =	vmax.f32 v58, v0;
	v2 =	vsel vm0, v45, v2  }
0x583: {  	vm13 =	veq.f32 v60, v0;
	vm14 =	vgt.u32 v2, v47  }
0x584: {  	vm15 =	vgt.f32 v60, v0;
	vm0 =	vmand vm13, vm14  }
0x585: {  	vm0 =	vmor vm15, vm0  }
0x586: {  	v62 =	vld.idx.msk [tilespmem:v51+s16+$0x0], $0xffff;
	v0 =	vmax.f32 v60, v0;
	v2 =	vsel vm0, v47, v2  }
0x587: {  	vm4 =	veq.f32 v61, v0;
	vm5 =	vgt.u32 v2, v48  }
0x588: {  	vm6 =	vgt.f32 v61, v0;
	vm0 =	vmand vm4, vm5  }
0x589: {  	vm0 =	vmor vm6, vm0  }
0x58a: {  	v63 =	vld.idx.msk [tilespmem:v42+s16+$0x0], $0xffff;
	v0 =	vmax.f32 v61, v0;
	v2 =	vsel vm0, v48, v2  }
0x58b: {  	vm7 =	veq.f32 v62, v0;
	vm8 =	vgt.u32 v2, v51  }
0x58c: {  	vm9 =	vgt.f32 v62, v0;
	vm0 =	vmand vm7, vm8  }
0x58d: {  	vm0 =	vmor vm9, vm0  }
0x58e: {  	v6 =	vld.idx.msk [tilespmem:v31+s16+$0x0], $0xffff;
	v0 =	vmax.f32 v62, v0;
	v2 =	vsel vm0, v51, v2  }
0x58f: {  	vm10 =	veq.f32 v63, v0;
	vm11 =	vgt.u32 v2, v42  }
0x590: {  	vm12 =	vgt.f32 v63, v0;
	vm0 =	vmand vm10, vm11  }
0x591: {  	vm0 =	vmor vm12, vm0  }
0x592: {  	v7 =	vld.idx.msk [tilespmem:v16+s16+$0x0], $0xffff;
	v0 =	vmax.f32 v63, v0;
	v2 =	vsel vm0, v42, v2  }
0x593: {  	vm13 =	veq.f32 v6, v0;
	vm14 =	vgt.u32 v2, v31  }
0x594: {  	vm15 =	vgt.f32 v6, v0;
	vm0 =	vmand vm13, vm14  }
0x595: {  	vm0 =	vmor vm15, vm0  }
0x596: {  	v33 =	vld.idx.msk [tilespmem:v17+s16+$0x0], $0xffff;
	v0 =	vmax.f32 v6, v0;
	v2 =	vsel vm0, v31, v2  }
0x597: {  	vm4 =	veq.f32 v7, v0;
	vm5 =	vgt.u32 v2, v16  }
0x598: {  	vm6 =	vgt.f32 v7, v0;
	vm0 =	vmand vm4, vm5  }
0x599: {  	vm0 =	vmor vm6, vm0  }
0x59a: {  	v35 =	vld.idx.msk [tilespmem:v19+s16+$0x0], $0xffff;
	v0 =	vmax.f32 v7, v0;
	v2 =	vsel vm0, v16, v2  }
0x59b: {  	vm7 =	veq.f32 v33, v0;
	vm8 =	vgt.u32 v2, v17  }
0x59c: {  	vm9 =	vgt.f32 v33, v0;
	vm0 =	vmand vm7, vm8  }
0x59d: {  	vm0 =	vmor vm9, vm0  }
0x59e: {  	v36 =	vld.idx.msk [tilespmem:v34+s16+$0x0], $0xffff;
	v0 =	vmax.f32 v33, v0;
	v2 =	vsel vm0, v17, v2  }
0x59f: {  	vm10 =	veq.f32 v35, v0;
	vm11 =	vgt.u32 v2, v19  }
0x5a0: {  	vm12 =	vgt.f32 v35, v0;
	vm0 =	vmand vm10, vm11  }
0x5a1: {  	vm0 =	vmor vm12, vm0  }
0x5a2: {  	v37 =	vld.idx.msk [tilespmem:v22+s16+$0x0], $0xffff;
	v0 =	vmax.f32 v35, v0;
	v2 =	vsel vm0, v19, v2  }
0x5a3: {  	vm13 =	veq.f32 v36, v0;
	vm14 =	vgt.u32 v2, v34  }
0x5a4: {  	vm15 =	vgt.f32 v36, v0;
	vm0 =	vmand vm13, vm14  }
0x5a5: {  	vm0 =	vmor vm15, vm0  }
0x5a6: {  	v38 =	vld.idx.msk [tilespmem:v23+s16+$0x0], $0xffff;
	v0 =	vmax.f32 v36, v0;
	v2 =	vsel vm0, v34, v2  }
0x5a7: {  	vm4 =	veq.f32 v37, v0;
	vm5 =	vgt.u32 v2, v22  }
0x5a8: {  	vm6 =	vgt.f32 v37, v0;
	vm0 =	vmand vm4, vm5  }
0x5a9: {  	vm0 =	vmor vm6, vm0  }
0x5aa: {  	v39 =	vld.idx.msk [tilespmem:v24+s16+$0x0], $0xffff;
	v0 =	vmax.f32 v37, v0;
	v2 =	vsel vm0, v22, v2  }
0x5ab: {  	vm7 =	veq.f32 v38, v0;
	vm8 =	vgt.u32 v2, v23  }
0x5ac: {  	vm9 =	vgt.f32 v38, v0;
	vm0 =	vmand vm7, vm8  }
0x5ad: {  	vm0 =	vmor vm9, vm0  }
0x5ae: {  	v40 =	vld.idx.msk [tilespmem:v25+s16+$0x0], $0xffff;
	v0 =	vmax.f32 v38, v0;
	v2 =	vsel vm0, v23, v2  }
0x5af: {  	vm10 =	veq.f32 v39, v0;
	vm11 =	vgt.u32 v2, v24  }
0x5b0: {  	vm12 =	vgt.f32 v39, v0;
	vm0 =	vmand vm10, vm11  }
0x5b1: {  	vm0 =	vmor vm12, vm0  }
0x5b2: {  	v41 =	vld.idx.msk [tilespmem:v26+s16+$0x0], $0xffff;
	v0 =	vmax.f32 v39, v0;
	v2 =	vsel vm0, v24, v2  }
0x5b3: {  	vm13 =	veq.f32 v40, v0;
	vm14 =	vgt.u32 v2, v25  }
0x5b4: {  	vm15 =	vgt.f32 v40, v0;
	vm0 =	vmand vm13, vm14  }
0x5b5: {  	vm0 =	vmor vm15, vm0  }
0x5b6: {  	v43 =	vld.idx.msk [tilespmem:v27+s16+$0x0], $0xffff;
	v0 =	vmax.f32 v40, v0;
	v2 =	vsel vm0, v25, v2  }
0x5b7: {  	vm4 =	veq.f32 v41, v0;
	vm5 =	vgt.u32 v2, v26  }
0x5b8: {  	vm6 =	vgt.f32 v41, v0;
	vm0 =	vmand vm4, vm5  }
0x5b9: {  	vm0 =	vmor vm6, vm0  }
0x5ba: {  	v44 =	vld.idx.msk [tilespmem:v28+s16+$0x0], $0xffff;
	v0 =	vmax.f32 v41, v0;
	v2 =	vsel vm0, v26, v2  }
0x5bb: {  	vm7 =	veq.f32 v43, v0;
	vm8 =	vgt.u32 v2, v27  }
0x5bc: {  	vm9 =	vgt.f32 v43, v0;
	vm0 =	vmand vm7, vm8  }
0x5bd: {  	vm0 =	vmor vm9, vm0  }
0x5be: {  	v46 =	vld.idx.msk [tilespmem:v54+s16+$0x0], $0xffff;
	v0 =	vmax.f32 v43, v0;
	v2 =	vsel vm0, v27, v2  }
0x5bf: {  	vm10 =	veq.f32 v44, v0;
	vm11 =	vgt.u32 v2, v28  }
0x5c0: {  	vm12 =	vgt.f32 v44, v0;
	vm0 =	vmand vm10, vm11  }
0x5c1: {  	vm0 =	vmor vm12, vm0  }
0x5c2: {  	v49 =	vld.idx.msk [tilespmem:v56+s16+$0x0], $0xffff;
	v0 =	vmax.f32 v44, v0;
	v2 =	vsel vm0, v28, v2  }
0x5c3: {  	vm13 =	veq.f32 v46, v0;
	vm14 =	vgt.u32 v2, v54  }
0x5c4: {  	vm15 =	vgt.f32 v46, v0;
	vm0 =	vmand vm13, vm14  }
0x5c5: {  	vm0 =	vmor vm15, vm0  }
0x5c6: {  	v50 =	vld.idx.msk [tilespmem:v29+s16+$0x0], $0xffff;
	v0 =	vmax.f32 v46, v0;
	v2 =	vsel vm0, v54, v2  }
0x5c7: {  	vm4 =	veq.f32 v49, v0;
	vm5 =	vgt.u32 v2, v56  }
0x5c8: {  	vm6 =	vgt.f32 v49, v0;
	vm0 =	vmand vm4, vm5  }
0x5c9: {  	vm0 =	vmor vm6, vm0  }
0x5ca: {  	v52 =	vld.idx.msk [tilespmem:v30+s16+$0x0], $0xffff;
	v0 =	vmax.f32 v49, v0;
	v2 =	vsel vm0, v56, v2  }
0x5cb: {  	vm7 =	veq.f32 v50, v0;
	vm8 =	vgt.u32 v2, v29  }
0x5cc: {  	vm9 =	vgt.f32 v50, v0;
	vm0 =	vmand vm7, vm8  }
0x5cd: {  	vm0 =	vmor vm9, vm0  }
0x5ce: {  	v55 =	vld.idx.msk [tilespmem:v21+s16+$0x0], $0xffff;
	v0 =	vmax.f32 v50, v0;
	v2 =	vsel vm0, v29, v2  }
0x5cf: {  	vm10 =	veq.f32 v52, v0;
	vm11 =	vgt.u32 v2, v30  }
0x5d0: {  	vm12 =	vgt.f32 v52, v0;
	vm0 =	vmand vm10, vm11  }
0x5d1: {  	vm0 =	vmor vm12, vm0  }
0x5d2: {  	v57 =	vld.idx.msk [tilespmem:v53+s16+$0x0], $0xffff;
	v0 =	vmax.f32 v52, v0;
	v2 =	vsel vm0, v30, v2  }
0x5d3: {  	vm13 =	veq.f32 v55, v0;
	vm14 =	vgt.u32 v2, v21  }
0x5d4: {  	vm15 =	vgt.f32 v55, v0;
	vm0 =	vmand vm13, vm14  }
0x5d5: {  	vm0 =	vmor vm15, vm0  }
0x5d6: {  	v58 =	vld.idx.msk [tilespmem:v15+s16+$0x0], $0xffff;
	v0 =	vmax.f32 v55, v0;
	v2 =	vsel vm0, v21, v2  }
0x5d7: {  	vm4 =	veq.f32 v57, v0;
	vm5 =	vgt.u32 v2, v53  }
0x5d8: {  	vm6 =	vgt.f32 v57, v0;
	vm0 =	vmand vm4, vm5  }
0x5d9: {  	vm0 =	vmor vm6, vm0  }
0x5da: {  	v59 =	vld.idx.msk [tilespmem:v32+s16+$0x0], $0xffff;
	v0 =	vmax.f32 v57, v0;
	v2 =	vsel vm0, v53, v2  }
0x5db: {  	vm7 =	veq.f32 v58, v0;
	vm8 =	vgt.u32 v2, v15  }
0x5dc: {  	vm9 =	vgt.f32 v58, v0;
	vm0 =	vmand vm7, vm8  }
0x5dd: {  	vm0 =	vmor vm9, vm0  }
0x5de: {  	v60 =	vld.idx.msk [tilespmem:v18+s16+$0x0], $0xffff;
	v0 =	vmax.f32 v58, v0;
	v2 =	vsel vm0, v15, v2  }
0x5df: {  	vm10 =	veq.f32 v59, v0;
	vm11 =	vgt.u32 v2, v32  }
0x5e0: {  	vm12 =	vgt.f32 v59, v0;
	vm0 =	vmand vm10, vm11  }
0x5e1: {  	v63 =	vld [tilespmem:$0x1FEE0];
	vm0 =	vmor vm12, vm0  }
0x5e2: {  	v0 =	vmax.f32 v59, v0;
	v61 =	vsel vm0, v32, v2  }
0x5e3: {  	s19 =	simm.s32 $0x0;
	vm13 =	veq.f32 v60, v0;
	vm14 =	vgt.u32 v61, v18;
	v1 =	vand.u32 $0x1F, v61  }
0x5e4: {  	s18 =	sand.u32 $0x180, s19;
	vm15 =	vgt.f32 v60, v0;
	vm0 =	vmand vm13, vm14;
	v62 =	vcvt.s32.f32 v1  }
0x5e5: {  	s19 =	sand.u32 $0x70, s19;
	s18 =	sadd.s32 s18, s14;
	vm0 =	vmor vm15, vm0  }
0x5e6: {  	s17 =	simm.s32 $0x10;
	s18 =	sadd.s32 s19, s18;
	v35 =	vsel vm0, v63, v62  }
.LBB2_20:
0x5e7: {  	v7 =	vld [tilespmem:$0x1FE10]  }
0x5e8: {  	v8 =	vld [tilespmem:$0x1FE00];
	_ =	sdelay $0x5  }
0x5e9: {  	[tilespmem:s18+$0x200] =	vst v35;
	s16 =	sadd.s32 $0x200, s16  }
0x5ea: {  	v0 =	vld.idx.msk [tilespmem:v7+s16+$0x0], $0xffff  }
0x5eb: {  	v1 =	vld.idx.msk [tilespmem:v8+s16+$0x0], $0xffff  }
0x5ec: {  	v2 =	vld.idx.msk [tilespmem:v9+s16+$0x0], $0xffff  }
0x5ed: {  	v3 =	vld.idx.msk [tilespmem:v10+s16+$0x0], $0xffff  }
0x5ee: {  	v4 =	vld.idx.msk [tilespmem:v11+s16+$0x0], $0xffff  }
0x5ef: {  	v5 =	vld.idx.msk [tilespmem:v12+s16+$0x0], $0xffff  }
0x5f0: {  	vm0 =	vgt.f32 v1, v0;
	v0 =	vmax.f32 v1, v0  }
0x5f1: {  	v6 =	vld.idx.msk [tilespmem:v45+s16+$0x0], $0xffff;
	v7 =	vsel vm0, v8, v7;
	vm8 =	vgt.f32 v2, v0;
	v0 =	vmax.f32 v2, v0  }
0x5f2: {  	v7 =	vsel vm8, v9, v7;
	vm9 =	vgt.f32 v3, v0;
	v0 =	vmax.f32 v3, v0  }
0x5f3: {  	v7 =	vsel vm9, v10, v7;
	vm10 =	vgt.f32 v4, v0;
	v0 =	vmax.f32 v4, v0  }
0x5f4: {  	v7 =	vsel vm10, v11, v7;
	vm11 =	vgt.f32 v5, v0  }
0x5f5: {  	v36 =	vld.idx.msk [tilespmem:v47+s16+$0x0], $0xffff;
	v0 =	vmax.f32 v5, v0;
	v7 =	vsel vm11, v12, v7  }
0x5f6: {  	vm12 =	veq.f32 v6, v0;
	vm1 =	vgt.u32 v7, v45  }
0x5f7: {  	vm2 =	vgt.f32 v6, v0;
	vm0 =	vmand vm12, vm1  }
0x5f8: {  	vm0 =	vmor vm2, vm0  }
0x5f9: {  	v37 =	vld.idx.msk [tilespmem:v48+s16+$0x0], $0xffff;
	v8 =	vmax.f32 v6, v0;
	v7 =	vsel vm0, v45, v7  }
0x5fa: {  	vm13 =	veq.f32 v36, v8;
	vm14 =	vgt.u32 v7, v47  }
0x5fb: {  	vm15 =	vgt.f32 v36, v8;
	vm0 =	vmand vm13, vm14  }
0x5fc: {  	vm0 =	vmor vm15, vm0  }
0x5fd: {  	v38 =	vld.idx.msk [tilespmem:v51+s16+$0x0], $0xffff;
	v10 =	vmax.f32 v36, v8;
	v7 =	vsel vm0, v47, v7  }
0x5fe: {  	vm4 =	veq.f32 v37, v10;
	vm5 =	vgt.u32 v7, v48  }
0x5ff: {  	vm6 =	vgt.f32 v37, v10;
	vm0 =	vmand vm4, vm5  }
0x600: {  	vm0 =	vmor vm6, vm0  }
0x601: {  	v4 =	vld.idx.msk [tilespmem:v42+s16+$0x0], $0xffff;
	v39 =	vmax.f32 v37, v10;
	v7 =	vsel vm0, v48, v7  }
0x602: {  	vm7 =	veq.f32 v38, v39;
	vm8 =	vgt.u32 v7, v51  }
0x603: {  	vm9 =	vgt.f32 v38, v39;
	vm0 =	vmand vm7, vm8  }
0x604: {  	vm0 =	vmor vm9, vm0  }
0x605: {  	v5 =	vld.idx.msk [tilespmem:v31+s16+$0x0], $0xffff;
	v12 =	vmax.f32 v38, v39;
	v46 =	vsel vm0, v51, v7  }
0x606: {  	vm10 =	veq.f32 v4, v12;
	vm11 =	vgt.u32 v46, v42  }
0x607: {  	vm12 =	vgt.f32 v4, v12;
	vm0 =	vmand vm10, vm11  }
0x608: {  	vm0 =	vmor vm12, vm0  }
0x609: {  	v9 =	vld.idx.msk [tilespmem:v16+s16+$0x0], $0xffff;
	v14 =	vmax.f32 v4, v12;
	v0 =	vsel vm0, v42, v46  }
0x60a: {  	vm13 =	veq.f32 v5, v14;
	vm14 =	vgt.u32 v0, v31  }
0x60b: {  	vm15 =	vgt.f32 v5, v14;
	vm0 =	vmand vm13, vm14  }
0x60c: {  	vm0 =	vmor vm15, vm0  }
0x60d: {  	v11 =	vld.idx.msk [tilespmem:v17+s16+$0x0], $0xffff;
	v33 =	vmax.f32 v5, v14;
	v0 =	vsel vm0, v31, v0  }
0x60e: {  	vm4 =	veq.f32 v9, v33;
	vm5 =	vgt.u32 v0, v16  }
0x60f: {  	vm6 =	vgt.f32 v9, v33;
	vm0 =	vmand vm4, vm5  }
0x610: {  	vm0 =	vmor vm6, vm0  }
0x611: {  	v6 =	vld.idx.msk [tilespmem:v19+s16+$0x0], $0xffff;
	v1 =	vmax.f32 v9, v33;
	v0 =	vsel vm0, v16, v0  }
0x612: {  	vm7 =	veq.f32 v11, v1;
	vm8 =	vgt.u32 v0, v17  }
0x613: {  	vm9 =	vgt.f32 v11, v1;
	vm0 =	vmand vm7, vm8  }
0x614: {  	vm0 =	vmor vm9, vm0  }
0x615: {  	v13 =	vld.idx.msk [tilespmem:v34+s16+$0x0], $0xffff;
	v8 =	vmax.f32 v11, v1;
	v0 =	vsel vm0, v17, v0  }
0x616: {  	vm10 =	veq.f32 v6, v8;
	vm11 =	vgt.u32 v0, v19  }
0x617: {  	vm12 =	vgt.f32 v6, v8;
	vm0 =	vmand vm10, vm11  }
0x618: {  	vm0 =	vmor vm12, vm0  }
0x619: {  	v60 =	vld.idx.msk [tilespmem:v22+s16+$0x0], $0xffff;
	v34 =	vmax.f32 v6, v8;
	v0 =	vsel vm0, v19, v0  }
0x61a: {  	vm13 =	veq.f32 v13, v34;
	vm14 =	vgt.u32 v0, v20  }
0x61b: {  	vm15 =	vgt.f32 v13, v34;
	vm0 =	vmand vm13, vm14  }
0x61c: {  	vm0 =	vmor vm15, vm0  }
0x61d: {  	v58 =	vld.idx.msk [tilespmem:v23+s16+$0x0], $0xffff;
	v62 =	vmax.f32 v13, v34;
	v0 =	vsel vm0, v20, v0  }
0x61e: {  	vm4 =	veq.f32 v60, v62;
	vm5 =	vgt.u32 v0, v22  }
0x61f: {  	vm6 =	vgt.f32 v60, v62;
	vm0 =	vmand vm4, vm5  }
0x620: {  	vm0 =	vmor vm6, vm0  }
0x621: {  	v57 =	vld.idx.msk [tilespmem:v24+s16+$0x0], $0xffff;
	v2 =	vmax.f32 v60, v62;
	v0 =	vsel vm0, v22, v0  }
0x622: {  	vm7 =	veq.f32 v58, v2;
	vm8 =	vgt.u32 v0, v23  }
0x623: {  	vm9 =	vgt.f32 v58, v2;
	vm0 =	vmand vm7, vm8  }
0x624: {  	vm0 =	vmor vm9, vm0  }
0x625: {  	v55 =	vld.idx.msk [tilespmem:v25+s16+$0x0], $0xffff;
	v10 =	vmax.f32 v58, v2;
	v0 =	vsel vm0, v23, v0  }
0x626: {  	vm10 =	veq.f32 v57, v10;
	vm11 =	vgt.u32 v0, v24  }
0x627: {  	vm12 =	vgt.f32 v57, v10;
	vm0 =	vmand vm10, vm11  }
0x628: {  	vm0 =	vmor vm12, vm0  }
0x629: {  	v52 =	vld.idx.msk [tilespmem:v26+s16+$0x0], $0xffff;
	v63 =	vmax.f32 v57, v10;
	v0 =	vsel vm0, v24, v0  }
0x62a: {  	vm13 =	veq.f32 v55, v63;
	vm14 =	vgt.u32 v0, v25  }
0x62b: {  	vm15 =	vgt.f32 v55, v63;
	vm0 =	vmand vm13, vm14  }
0x62c: {  	vm0 =	vmor vm15, vm0  }
0x62d: {  	v50 =	vld.idx.msk [tilespmem:v27+s16+$0x0], $0xffff;
	v61 =	vmax.f32 v55, v63;
	v0 =	vsel vm0, v25, v0  }
0x62e: {  	vm4 =	veq.f32 v52, v61;
	vm5 =	vgt.u32 v0, v26  }
0x62f: {  	vm6 =	vgt.f32 v52, v61;
	vm0 =	vmand vm4, vm5  }
0x630: {  	vm0 =	vmor vm6, vm0  }
0x631: {  	v49 =	vld.idx.msk [tilespmem:v28+s16+$0x0], $0xffff;
	v59 =	vmax.f32 v52, v61;
	v0 =	vsel vm0, v26, v0  }
0x632: {  	v47 =	vld.idx.msk [tilespmem:v54+s16+$0x0], $0xffff;
	vm7 =	veq.f32 v50, v59;
	vm8 =	vgt.u32 v0, v27  }
0x633: {  	vm9 =	vgt.f32 v50, v59;
	vm0 =	vmand vm7, vm8  }
0x634: {  	v45 =	vld.idx.msk [tilespmem:v56+s16+$0x0], $0xffff;
	vm0 =	vmor vm9, vm0  }
0x635: {  	v56 =	vmax.f32 v50, v59;
	v61 =	vld [tilespmem:$0x1FF30];
	v0 =	vsel vm0, v27, v0  }
0x636: {  	v54 =	vmax.f32 v49, v56;
	vm10 =	veq.f32 v49, v56;
	vm11 =	vgt.u32 v0, v28  }
0x637: {  	v38 =	vld.idx.msk [tilespmem:v53+s16+$0x0], $0xffff;
	v53 =	vmax.f32 v47, v54;
	vm12 =	vgt.f32 v49, v56;
	vm0 =	vmand vm10, vm11  }
0x638: {  	vm13 =	veq.f32 v47, v54;
	vm15 =	vgt.f32 v47, v54;
	v54 =	vld [tilespmem:$0x1FF30];
	vm0 =	vmor vm12, vm0  }
0x639: {  	v56 =	vld [tilespmem:$0x1FF40];
	v0 =	vsel vm0, v28, v0  }
0x63a: {  	vm14 =	vgt.u32 v0, v61  }
0x63b: {  	vm0 =	vmand vm13, vm14  }
0x63c: {  	vm0 =	vmor vm15, vm0  }
0x63d: {  	v43 =	vld.idx.msk [tilespmem:v29+s16+$0x0], $0xffff;
	v0 =	vsel vm0, v54, v0  }
0x63e: {  	vm4 =	veq.f32 v45, v53;
	vm5 =	vgt.u32 v0, v56  }
0x63f: {  	vm6 =	vgt.f32 v45, v53;
	vm0 =	vmand vm4, vm5  }
0x640: {  	vm0 =	vmor vm6, vm0  }
0x641: {  	v41 =	vld.idx.msk [tilespmem:v30+s16+$0x0], $0xffff;
	v51 =	vmax.f32 v45, v53;
	v0 =	vsel vm0, v56, v0  }
0x642: {  	vm7 =	veq.f32 v43, v51;
	vm8 =	vgt.u32 v0, v29  }
0x643: {  	vm9 =	vgt.f32 v43, v51;
	vm0 =	vmand vm7, vm8  }
0x644: {  	vm0 =	vmor vm9, vm0  }
0x645: {  	v39 =	vld.idx.msk [tilespmem:v21+s16+$0x0], $0xffff;
	v4 =	vmax.f32 v43, v51;
	v0 =	vsel vm0, v29, v0  }
0x646: {  	vm10 =	veq.f32 v41, v4;
	vm11 =	vgt.u32 v0, v30  }
0x647: {  	vm12 =	vgt.f32 v41, v4;
	vm0 =	vmand vm10, vm11  }
0x648: {  	vm0 =	vmor vm12, vm0  }
0x649: {  	v46 =	vmax.f32 v41, v4;
	v53 =	vld [tilespmem:$0x1FEC0];
	v0 =	vsel vm0, v30, v0  }
0x64a: {  	vm13 =	veq.f32 v39, v46;
	vm14 =	vgt.u32 v0, v21  }
0x64b: {  	vm15 =	vgt.f32 v39, v46;
	vm0 =	vmand vm13, vm14  }
0x64c: {  	vm0 =	vmor vm15, vm0  }
0x64d: {  	v36 =	vld.idx.msk [tilespmem:v15+s16+$0x0], $0xffff;
	v44 =	vmax.f32 v39, v46;
	v0 =	vsel vm0, v21, v0  }
0x64e: {  	vm4 =	veq.f32 v38, v44;
	vm5 =	vgt.u32 v0, v53  }
0x64f: {  	vm6 =	vgt.f32 v38, v44;
	vm0 =	vmand vm4, vm5  }
0x650: {  	vm0 =	vmor vm6, vm0  }
0x651: {  	v35 =	vld.idx.msk [tilespmem:v32+s16+$0x0], $0xffff;
	v7 =	vmax.f32 v38, v44;
	v0 =	vsel vm0, v53, v0  }
0x652: {  	vm7 =	veq.f32 v36, v7;
	vm8 =	vgt.u32 v0, v15  }
0x653: {  	v12 =	vld [tilespmem:$0x1FE60];
	vm9 =	vgt.f32 v36, v7;
	vm0 =	vmand vm7, vm8  }
0x654: {  	v9 =	vld [tilespmem:$0x1FE30];
	vm0 =	vmor vm9, vm0  }
0x655: {  	v40 =	vmax.f32 v36, v7;
	v62 =	vld.idx.msk [tilespmem:v18+s16+$0x0], $0xffff;
	v0 =	vsel vm0, v15, v0  }
0x656: {  	v48 =	vld [tilespmem:$0x1FE90];
	vm10 =	veq.f32 v35, v40;
	vm11 =	vgt.u32 v0, v32  }
0x657: {  	v11 =	vld [tilespmem:$0x1FE50];
	vm12 =	vgt.f32 v35, v40;
	vm0 =	vmand vm10, vm11  }
0x658: {  	p1 =	sne.s32 s17, $0x1F0;
	v63 =	vld [tilespmem:$0x1FEE0];
	vm0 =	vmor vm12, vm0  }
.Ltmp9:
0x659: {  	v42 =	vld [tilespmem:$0x1FEB0];
	v37 =	vmax.f32 v35, v40;
	v0 =	vsel vm0, v32, v0;
	(pc) =	sbr.rel @p1 .LBB2_20-.Ltmp9, $4  }
0x65a: {  	s18 =	smov.u32 s17;
	v10 =	vld [tilespmem:$0x1FE40];
	vm13 =	veq.f32 v62, v37;
	vm14 =	vgt.u32 v0, v18;
	v0 =	vand.u32 $0x1F, v0  }
0x65b: {  	s19 =	sand.u32 $0x180, s18;
	v47 =	vld [tilespmem:$0x1FE80];
	vm15 =	vgt.f32 v62, v37;
	vm0 =	vmand vm13, vm14;
	v0 =	vcvt.s32.f32 v0  }
0x65c: {  	s18 =	sand.u32 $0x70, s18;
	s19 =	sadd.s32 s19, s14;
	v45 =	vld [tilespmem:$0x1FE70];
	vm0 =	vmor vm15, vm0  }
0x65d: {  	s17 =	sadd.s32 $0x10, s17;
	s18 =	sadd.s32 s18, s19;
	v34 =	vmov v20;
	v51 =	vld [tilespmem:$0x1FEA0];
	v35 =	vsel vm0, v63, v0  }
0x65e: {  	s16 =	sadd.s32 @!p0 s15, s23  }
0x65f: {  	s17 =	simm.s32 @!p0 $0x80;
	s16 =	sshrl.u32 @!p0 s16, $0x3  }
0x660: {  	[tilespmem:s18+$0x200] =	vst v35;
	s18 =	simm.s32 @!p0 $0x400;
	s19 =	simm.s32 @!p0 $0x4000;
	s16 =	sadd.s32 @!p0 s5, s16  }
0x661: {  	[tilespmem:s19], [sflag:$0x2] =	stream.strided.gather @!p0 [hbm4b:s16+s17], $0x4000, s18, s17, $0x38;
	[tilespmem:$0x16080] =	vst v63  }
0x662: {  	_ =	swait.ge [sflag:s6], $0x4000  }
0x663: {  	v14 =	vld [tilespmem:$0x1FE10]  }
0x664: {  	v13 =	vld [tilespmem:$0x1FE00];
	_ =	sdelay $0x4  }
0x665: {  	[sflag:s6] =	ssyncset.done $0x0  }
0x666: {  	s16 =	simm.s32 $0x8000;
	[sflag:s6] =	ssyncadd.s32 $0xFFFFC000  }
0x667: {  	v0 =	vld.idx.msk [tilespmem:v14+s16+$0x0], $0xffff  }
0x668: {  	v1 =	vld.idx.msk [tilespmem:v13+s16+$0x0], $0xffff  }
0x669: {  	v2 =	vld.idx.msk [tilespmem:v9+s16+$0x0], $0xffff  }
0x66a: {  	v3 =	vld.idx.msk [tilespmem:v10+s16+$0x0], $0xffff  }
0x66b: {  	v4 =	vld.idx.msk [tilespmem:v11+s16+$0x0], $0xffff  }
0x66c: {  	v5 =	vld.idx.msk [tilespmem:v12+s16+$0x0], $0xffff  }
0x66d: {  	vm0 =	vgt.f32 v1, v0;
	v0 =	vmax.f32 v1, v0  }
0x66e: {  	v58 =	vld.idx.msk [tilespmem:v45+s16+$0x0], $0xffff;
	vm1 =	vgt.f32 v2, v0;
	v0 =	vmax.f32 v2, v0;
	v59 =	vsel vm0, v13, v14  }
0x66f: {  	vm8 =	vgt.f32 v3, v0;
	v0 =	vmax.f32 v3, v0;
	v2 =	vsel vm1, v9, v59  }
0x670: {  	vm9 =	vgt.f32 v4, v0;
	v0 =	vmax.f32 v4, v0;
	v2 =	vsel vm8, v10, v2  }
0x671: {  	v2 =	vsel vm9, v11, v2;
	vm10 =	vgt.f32 v5, v0  }
0x672: {  	v60 =	vld.idx.msk [tilespmem:v47+s16+$0x0], $0xffff;
	v0 =	vmax.f32 v5, v0;
	v2 =	vsel vm10, v12, v2  }
0x673: {  	vm11 =	veq.f32 v58, v0;
	vm12 =	vgt.u32 v2, v45  }
0x674: {  	vm2 =	vgt.f32 v58, v0;
	vm0 =	vmand vm11, vm12  }
0x675: {  	vm0 =	vmor vm2, vm0  }
0x676: {  	v61 =	vld.idx.msk [tilespmem:v48+s16+$0x0], $0xffff;
	v0 =	vmax.f32 v58, v0;
	v2 =	vsel vm0, v45, v2  }
0x677: {  	vm13 =	veq.f32 v60, v0;
	vm14 =	vgt.u32 v2, v47  }
0x678: {  	vm15 =	vgt.f32 v60, v0;
	vm0 =	vmand vm13, vm14  }
0x679: {  	vm0 =	vmor vm15, vm0  }
0x67a: {  	v62 =	vld.idx.msk [tilespmem:v51+s16+$0x0], $0xffff;
	v0 =	vmax.f32 v60, v0;
	v2 =	vsel vm0, v47, v2  }
0x67b: {  	vm4 =	veq.f32 v61, v0;
	vm5 =	vgt.u32 v2, v48  }
0x67c: {  	vm6 =	vgt.f32 v61, v0;
	vm0 =	vmand vm4, vm5  }
0x67d: {  	vm0 =	vmor vm6, vm0  }
0x67e: {  	v63 =	vld.idx.msk [tilespmem:v42+s16+$0x0], $0xffff;
	v0 =	vmax.f32 v61, v0;
	v2 =	vsel vm0, v48, v2  }
0x67f: {  	vm7 =	veq.f32 v62, v0;
	vm8 =	vgt.u32 v2, v51  }
0x680: {  	vm9 =	vgt.f32 v62, v0;
	vm0 =	vmand vm7, vm8  }
0x681: {  	vm0 =	vmor vm9, vm0  }
0x682: {  	v6 =	vld.idx.msk [tilespmem:v31+s16+$0x0], $0xffff;
	v0 =	vmax.f32 v62, v0;
	v2 =	vsel vm0, v51, v2  }
0x683: {  	vm10 =	veq.f32 v63, v0;
	vm11 =	vgt.u32 v2, v42  }
0x684: {  	vm12 =	vgt.f32 v63, v0;
	vm0 =	vmand vm10, vm11  }
0x685: {  	vm0 =	vmor vm12, vm0  }
0x686: {  	v7 =	vld.idx.msk [tilespmem:v16+s16+$0x0], $0xffff;
	v0 =	vmax.f32 v63, v0;
	v2 =	vsel vm0, v42, v2  }
0x687: {  	vm13 =	veq.f32 v6, v0;
	vm14 =	vgt.u32 v2, v31  }
0x688: {  	vm15 =	vgt.f32 v6, v0;
	vm0 =	vmand vm13, vm14  }
0x689: {  	vm0 =	vmor vm15, vm0  }
0x68a: {  	v33 =	vld.idx.msk [tilespmem:v17+s16+$0x0], $0xffff;
	v0 =	vmax.f32 v6, v0;
	v2 =	vsel vm0, v31, v2  }
0x68b: {  	vm4 =	veq.f32 v7, v0;
	vm5 =	vgt.u32 v2, v16  }
0x68c: {  	vm6 =	vgt.f32 v7, v0;
	vm0 =	vmand vm4, vm5  }
0x68d: {  	vm0 =	vmor vm6, vm0  }
0x68e: {  	v35 =	vld.idx.msk [tilespmem:v19+s16+$0x0], $0xffff;
	v0 =	vmax.f32 v7, v0;
	v2 =	vsel vm0, v16, v2  }
0x68f: {  	vm7 =	veq.f32 v33, v0;
	vm8 =	vgt.u32 v2, v17  }
0x690: {  	vm9 =	vgt.f32 v33, v0;
	vm0 =	vmand vm7, vm8  }
0x691: {  	vm0 =	vmor vm9, vm0  }
0x692: {  	v36 =	vld.idx.msk [tilespmem:v34+s16+$0x0], $0xffff;
	v0 =	vmax.f32 v33, v0;
	v2 =	vsel vm0, v17, v2  }
0x693: {  	vm10 =	veq.f32 v35, v0;
	vm11 =	vgt.u32 v2, v19  }
0x694: {  	vm12 =	vgt.f32 v35, v0;
	vm0 =	vmand vm10, vm11  }
0x695: {  	vm0 =	vmor vm12, vm0  }
0x696: {  	v37 =	vld.idx.msk [tilespmem:v22+s16+$0x0], $0xffff;
	v0 =	vmax.f32 v35, v0;
	v2 =	vsel vm0, v19, v2  }
0x697: {  	vm13 =	veq.f32 v36, v0;
	vm14 =	vgt.u32 v2, v34  }
0x698: {  	vm15 =	vgt.f32 v36, v0;
	vm0 =	vmand vm13, vm14  }
0x699: {  	vm0 =	vmor vm15, vm0  }
0x69a: {  	v38 =	vld.idx.msk [tilespmem:v23+s16+$0x0], $0xffff;
	v0 =	vmax.f32 v36, v0;
	v2 =	vsel vm0, v34, v2  }
0x69b: {  	vm4 =	veq.f32 v37, v0;
	vm5 =	vgt.u32 v2, v22  }
0x69c: {  	vm6 =	vgt.f32 v37, v0;
	vm0 =	vmand vm4, vm5  }
0x69d: {  	vm0 =	vmor vm6, vm0  }
0x69e: {  	v39 =	vld.idx.msk [tilespmem:v24+s16+$0x0], $0xffff;
	v0 =	vmax.f32 v37, v0;
	v2 =	vsel vm0, v22, v2  }
0x69f: {  	vm7 =	veq.f32 v38, v0;
	vm8 =	vgt.u32 v2, v23  }
0x6a0: {  	vm9 =	vgt.f32 v38, v0;
	vm0 =	vmand vm7, vm8  }
0x6a1: {  	vm0 =	vmor vm9, vm0  }
0x6a2: {  	v40 =	vld.idx.msk [tilespmem:v25+s16+$0x0], $0xffff;
	v0 =	vmax.f32 v38, v0;
	v2 =	vsel vm0, v23, v2  }
0x6a3: {  	vm10 =	veq.f32 v39, v0;
	vm11 =	vgt.u32 v2, v24  }
0x6a4: {  	vm12 =	vgt.f32 v39, v0;
	vm0 =	vmand vm10, vm11  }
0x6a5: {  	vm0 =	vmor vm12, vm0  }
0x6a6: {  	v41 =	vld.idx.msk [tilespmem:v26+s16+$0x0], $0xffff;
	v0 =	vmax.f32 v39, v0;
	v2 =	vsel vm0, v24, v2  }
0x6a7: {  	vm13 =	veq.f32 v40, v0;
	vm14 =	vgt.u32 v2, v25  }
0x6a8: {  	vm15 =	vgt.f32 v40, v0;
	vm0 =	vmand vm13, vm14  }
0x6a9: {  	vm0 =	vmor vm15, vm0  }
0x6aa: {  	v43 =	vld.idx.msk [tilespmem:v27+s16+$0x0], $0xffff;
	v0 =	vmax.f32 v40, v0;
	v2 =	vsel vm0, v25, v2  }
0x6ab: {  	vm4 =	veq.f32 v41, v0;
	vm5 =	vgt.u32 v2, v26  }
0x6ac: {  	vm6 =	vgt.f32 v41, v0;
	vm0 =	vmand vm4, vm5  }
0x6ad: {  	vm0 =	vmor vm6, vm0  }
0x6ae: {  	v44 =	vld.idx.msk [tilespmem:v28+s16+$0x0], $0xffff;
	v0 =	vmax.f32 v41, v0;
	v2 =	vsel vm0, v26, v2  }
0x6af: {  	vm7 =	veq.f32 v43, v0;
	vm8 =	vgt.u32 v2, v27  }
0x6b0: {  	vm9 =	vgt.f32 v43, v0;
	vm0 =	vmand vm7, vm8  }
0x6b1: {  	vm0 =	vmor vm9, vm0  }
0x6b2: {  	v46 =	vld.idx.msk [tilespmem:v54+s16+$0x0], $0xffff;
	v0 =	vmax.f32 v43, v0;
	v2 =	vsel vm0, v27, v2  }
0x6b3: {  	vm10 =	veq.f32 v44, v0;
	vm11 =	vgt.u32 v2, v28  }
0x6b4: {  	vm12 =	vgt.f32 v44, v0;
	vm0 =	vmand vm10, vm11  }
0x6b5: {  	vm0 =	vmor vm12, vm0  }
0x6b6: {  	v49 =	vld.idx.msk [tilespmem:v56+s16+$0x0], $0xffff;
	v0 =	vmax.f32 v44, v0;
	v2 =	vsel vm0, v28, v2  }
0x6b7: {  	vm13 =	veq.f32 v46, v0;
	vm14 =	vgt.u32 v2, v54  }
0x6b8: {  	vm15 =	vgt.f32 v46, v0;
	vm0 =	vmand vm13, vm14  }
0x6b9: {  	vm0 =	vmor vm15, vm0  }
0x6ba: {  	v50 =	vld.idx.msk [tilespmem:v29+s16+$0x0], $0xffff;
	v0 =	vmax.f32 v46, v0;
	v2 =	vsel vm0, v54, v2  }
0x6bb: {  	vm4 =	veq.f32 v49, v0;
	vm5 =	vgt.u32 v2, v56  }
0x6bc: {  	vm6 =	vgt.f32 v49, v0;
	vm0 =	vmand vm4, vm5  }
0x6bd: {  	vm0 =	vmor vm6, vm0  }
0x6be: {  	v52 =	vld.idx.msk [tilespmem:v30+s16+$0x0], $0xffff;
	v0 =	vmax.f32 v49, v0;
	v2 =	vsel vm0, v56, v2  }
0x6bf: {  	vm7 =	veq.f32 v50, v0;
	vm8 =	vgt.u32 v2, v29  }
0x6c0: {  	vm9 =	vgt.f32 v50, v0;
	vm0 =	vmand vm7, vm8  }
0x6c1: {  	vm0 =	vmor vm9, vm0  }
0x6c2: {  	v55 =	vld.idx.msk [tilespmem:v21+s16+$0x0], $0xffff;
	v0 =	vmax.f32 v50, v0;
	v2 =	vsel vm0, v29, v2  }
0x6c3: {  	vm10 =	veq.f32 v52, v0;
	vm11 =	vgt.u32 v2, v30  }
0x6c4: {  	vm12 =	vgt.f32 v52, v0;
	vm0 =	vmand vm10, vm11  }
0x6c5: {  	vm0 =	vmor vm12, vm0  }
0x6c6: {  	v57 =	vld.idx.msk [tilespmem:v53+s16+$0x0], $0xffff;
	v0 =	vmax.f32 v52, v0;
	v2 =	vsel vm0, v30, v2  }
0x6c7: {  	vm13 =	veq.f32 v55, v0;
	vm14 =	vgt.u32 v2, v21  }
0x6c8: {  	vm15 =	vgt.f32 v55, v0;
	vm0 =	vmand vm13, vm14  }
0x6c9: {  	vm0 =	vmor vm15, vm0  }
0x6ca: {  	v58 =	vld.idx.msk [tilespmem:v15+s16+$0x0], $0xffff;
	v0 =	vmax.f32 v55, v0;
	v2 =	vsel vm0, v21, v2  }
0x6cb: {  	vm4 =	veq.f32 v57, v0;
	vm5 =	vgt.u32 v2, v53  }
0x6cc: {  	vm6 =	vgt.f32 v57, v0;
	vm0 =	vmand vm4, vm5  }
0x6cd: {  	vm0 =	vmor vm6, vm0  }
0x6ce: {  	v59 =	vld.idx.msk [tilespmem:v32+s16+$0x0], $0xffff;
	v0 =	vmax.f32 v57, v0;
	v2 =	vsel vm0, v53, v2  }
0x6cf: {  	vm7 =	veq.f32 v58, v0;
	vm8 =	vgt.u32 v2, v15  }
0x6d0: {  	vm9 =	vgt.f32 v58, v0;
	vm0 =	vmand vm7, vm8  }
0x6d1: {  	vm0 =	vmor vm9, vm0  }
0x6d2: {  	v60 =	vld.idx.msk [tilespmem:v18+s16+$0x0], $0xffff;
	v0 =	vmax.f32 v58, v0;
	v2 =	vsel vm0, v15, v2  }
0x6d3: {  	vm10 =	veq.f32 v59, v0;
	vm11 =	vgt.u32 v2, v32  }
0x6d4: {  	vm12 =	vgt.f32 v59, v0;
	vm0 =	vmand vm10, vm11  }
0x6d5: {  	v63 =	vld [tilespmem:$0x1FEE0];
	vm0 =	vmor vm12, vm0  }
0x6d6: {  	v0 =	vmax.f32 v59, v0;
	v61 =	vsel vm0, v32, v2  }
0x6d7: {  	s19 =	simm.s32 $0x0;
	vm13 =	veq.f32 v60, v0;
	vm14 =	vgt.u32 v61, v18;
	v1 =	vand.u32 $0x1F, v61  }
0x6d8: {  	s18 =	sand.u32 $0x180, s19;
	vm15 =	vgt.f32 v60, v0;
	vm0 =	vmand vm13, vm14;
	v62 =	vcvt.s32.f32 v1  }
0x6d9: {  	s19 =	sand.u32 $0x70, s19;
	s18 =	sadd.s32 s18, s14;
	vm0 =	vmor vm15, vm0  }
0x6da: {  	s17 =	simm.s32 $0x10;
	s18 =	sadd.s32 s19, s18;
	v35 =	vsel vm0, v63, v62  }
.LBB2_22:
0x6db: {  	v7 =	vld [tilespmem:$0x1FE10]  }
0x6dc: {  	v8 =	vld [tilespmem:$0x1FE00];
	_ =	sdelay $0x5  }
0x6dd: {  	[tilespmem:s18+$0x400] =	vst v35;
	s16 =	sadd.s32 $0x200, s16  }
0x6de: {  	v0 =	vld.idx.msk [tilespmem:v7+s16+$0x0], $0xffff  }
0x6df: {  	v1 =	vld.idx.msk [tilespmem:v8+s16+$0x0], $0xffff  }
0x6e0: {  	v2 =	vld.idx.msk [tilespmem:v9+s16+$0x0], $0xffff  }
0x6e1: {  	v3 =	vld.idx.msk [tilespmem:v10+s16+$0x0], $0xffff  }
0x6e2: {  	v4 =	vld.idx.msk [tilespmem:v11+s16+$0x0], $0xffff  }
0x6e3: {  	v5 =	vld.idx.msk [tilespmem:v12+s16+$0x0], $0xffff  }
0x6e4: {  	vm0 =	vgt.f32 v1, v0;
	v0 =	vmax.f32 v1, v0  }
0x6e5: {  	v6 =	vld.idx.msk [tilespmem:v45+s16+$0x0], $0xffff;
	v7 =	vsel vm0, v8, v7;
	vm8 =	vgt.f32 v2, v0;
	v0 =	vmax.f32 v2, v0  }
0x6e6: {  	v7 =	vsel vm8, v9, v7;
	vm9 =	vgt.f32 v3, v0;
	v0 =	vmax.f32 v3, v0  }
0x6e7: {  	v7 =	vsel vm9, v10, v7;
	vm10 =	vgt.f32 v4, v0;
	v0 =	vmax.f32 v4, v0  }
0x6e8: {  	v7 =	vsel vm10, v11, v7;
	vm11 =	vgt.f32 v5, v0  }
0x6e9: {  	v36 =	vld.idx.msk [tilespmem:v47+s16+$0x0], $0xffff;
	v0 =	vmax.f32 v5, v0;
	v7 =	vsel vm11, v12, v7  }
0x6ea: {  	vm12 =	veq.f32 v6, v0;
	vm1 =	vgt.u32 v7, v45  }
0x6eb: {  	vm2 =	vgt.f32 v6, v0;
	vm0 =	vmand vm12, vm1  }
0x6ec: {  	vm0 =	vmor vm2, vm0  }
0x6ed: {  	v37 =	vld.idx.msk [tilespmem:v48+s16+$0x0], $0xffff;
	v8 =	vmax.f32 v6, v0;
	v7 =	vsel vm0, v45, v7  }
0x6ee: {  	vm13 =	veq.f32 v36, v8;
	vm14 =	vgt.u32 v7, v47  }
0x6ef: {  	vm15 =	vgt.f32 v36, v8;
	vm0 =	vmand vm13, vm14  }
0x6f0: {  	vm0 =	vmor vm15, vm0  }
0x6f1: {  	v38 =	vld.idx.msk [tilespmem:v51+s16+$0x0], $0xffff;
	v10 =	vmax.f32 v36, v8;
	v7 =	vsel vm0, v47, v7  }
0x6f2: {  	vm4 =	veq.f32 v37, v10;
	vm5 =	vgt.u32 v7, v48  }
0x6f3: {  	vm6 =	vgt.f32 v37, v10;
	vm0 =	vmand vm4, vm5  }
0x6f4: {  	vm0 =	vmor vm6, vm0  }
0x6f5: {  	v4 =	vld.idx.msk [tilespmem:v42+s16+$0x0], $0xffff;
	v39 =	vmax.f32 v37, v10;
	v7 =	vsel vm0, v48, v7  }
0x6f6: {  	vm7 =	veq.f32 v38, v39;
	vm8 =	vgt.u32 v7, v51  }
0x6f7: {  	vm9 =	vgt.f32 v38, v39;
	vm0 =	vmand vm7, vm8  }
0x6f8: {  	vm0 =	vmor vm9, vm0  }
0x6f9: {  	v5 =	vld.idx.msk [tilespmem:v31+s16+$0x0], $0xffff;
	v12 =	vmax.f32 v38, v39;
	v46 =	vsel vm0, v51, v7  }
0x6fa: {  	vm10 =	veq.f32 v4, v12;
	vm11 =	vgt.u32 v46, v42  }
0x6fb: {  	vm12 =	vgt.f32 v4, v12;
	vm0 =	vmand vm10, vm11  }
0x6fc: {  	vm0 =	vmor vm12, vm0  }
0x6fd: {  	v9 =	vld.idx.msk [tilespmem:v16+s16+$0x0], $0xffff;
	v14 =	vmax.f32 v4, v12;
	v0 =	vsel vm0, v42, v46  }
0x6fe: {  	vm13 =	veq.f32 v5, v14;
	vm14 =	vgt.u32 v0, v31  }
0x6ff: {  	vm15 =	vgt.f32 v5, v14;
	vm0 =	vmand vm13, vm14  }
0x700: {  	vm0 =	vmor vm15, vm0  }
0x701: {  	v11 =	vld.idx.msk [tilespmem:v17+s16+$0x0], $0xffff;
	v33 =	vmax.f32 v5, v14;
	v0 =	vsel vm0, v31, v0  }
0x702: {  	vm4 =	veq.f32 v9, v33;
	vm5 =	vgt.u32 v0, v16  }
0x703: {  	vm6 =	vgt.f32 v9, v33;
	vm0 =	vmand vm4, vm5  }
0x704: {  	vm0 =	vmor vm6, vm0  }
0x705: {  	v6 =	vld.idx.msk [tilespmem:v19+s16+$0x0], $0xffff;
	v1 =	vmax.f32 v9, v33;
	v0 =	vsel vm0, v16, v0  }
0x706: {  	vm7 =	veq.f32 v11, v1;
	vm8 =	vgt.u32 v0, v17  }
0x707: {  	vm9 =	vgt.f32 v11, v1;
	vm0 =	vmand vm7, vm8  }
0x708: {  	vm0 =	vmor vm9, vm0  }
0x709: {  	v13 =	vld.idx.msk [tilespmem:v34+s16+$0x0], $0xffff;
	v8 =	vmax.f32 v11, v1;
	v0 =	vsel vm0, v17, v0  }
0x70a: {  	vm10 =	veq.f32 v6, v8;
	vm11 =	vgt.u32 v0, v19  }
0x70b: {  	vm12 =	vgt.f32 v6, v8;
	vm0 =	vmand vm10, vm11  }
0x70c: {  	vm0 =	vmor vm12, vm0  }
0x70d: {  	v60 =	vld.idx.msk [tilespmem:v22+s16+$0x0], $0xffff;
	v34 =	vmax.f32 v6, v8;
	v0 =	vsel vm0, v19, v0  }
0x70e: {  	vm13 =	veq.f32 v13, v34;
	vm14 =	vgt.u32 v0, v20  }
0x70f: {  	vm15 =	vgt.f32 v13, v34;
	vm0 =	vmand vm13, vm14  }
0x710: {  	vm0 =	vmor vm15, vm0  }
0x711: {  	v58 =	vld.idx.msk [tilespmem:v23+s16+$0x0], $0xffff;
	v62 =	vmax.f32 v13, v34;
	v0 =	vsel vm0, v20, v0  }
0x712: {  	vm4 =	veq.f32 v60, v62;
	vm5 =	vgt.u32 v0, v22  }
0x713: {  	vm6 =	vgt.f32 v60, v62;
	vm0 =	vmand vm4, vm5  }
0x714: {  	vm0 =	vmor vm6, vm0  }
0x715: {  	v57 =	vld.idx.msk [tilespmem:v24+s16+$0x0], $0xffff;
	v2 =	vmax.f32 v60, v62;
	v0 =	vsel vm0, v22, v0  }
0x716: {  	vm7 =	veq.f32 v58, v2;
	vm8 =	vgt.u32 v0, v23  }
0x717: {  	vm9 =	vgt.f32 v58, v2;
	vm0 =	vmand vm7, vm8  }
0x718: {  	vm0 =	vmor vm9, vm0  }
0x719: {  	v55 =	vld.idx.msk [tilespmem:v25+s16+$0x0], $0xffff;
	v10 =	vmax.f32 v58, v2;
	v0 =	vsel vm0, v23, v0  }
0x71a: {  	vm10 =	veq.f32 v57, v10;
	vm11 =	vgt.u32 v0, v24  }
0x71b: {  	vm12 =	vgt.f32 v57, v10;
	vm0 =	vmand vm10, vm11  }
0x71c: {  	vm0 =	vmor vm12, vm0  }
0x71d: {  	v52 =	vld.idx.msk [tilespmem:v26+s16+$0x0], $0xffff;
	v63 =	vmax.f32 v57, v10;
	v0 =	vsel vm0, v24, v0  }
0x71e: {  	vm13 =	veq.f32 v55, v63;
	vm14 =	vgt.u32 v0, v25  }
0x71f: {  	vm15 =	vgt.f32 v55, v63;
	vm0 =	vmand vm13, vm14  }
0x720: {  	vm0 =	vmor vm15, vm0  }
0x721: {  	v50 =	vld.idx.msk [tilespmem:v27+s16+$0x0], $0xffff;
	v61 =	vmax.f32 v55, v63;
	v0 =	vsel vm0, v25, v0  }
0x722: {  	vm4 =	veq.f32 v52, v61;
	vm5 =	vgt.u32 v0, v26  }
0x723: {  	vm6 =	vgt.f32 v52, v61;
	vm0 =	vmand vm4, vm5  }
0x724: {  	vm0 =	vmor vm6, vm0  }
0x725: {  	v49 =	vld.idx.msk [tilespmem:v28+s16+$0x0], $0xffff;
	v59 =	vmax.f32 v52, v61;
	v0 =	vsel vm0, v26, v0  }
0x726: {  	v47 =	vld.idx.msk [tilespmem:v54+s16+$0x0], $0xffff;
	vm7 =	veq.f32 v50, v59;
	vm8 =	vgt.u32 v0, v27  }
0x727: {  	vm9 =	vgt.f32 v50, v59;
	vm0 =	vmand vm7, vm8  }
0x728: {  	v45 =	vld.idx.msk [tilespmem:v56+s16+$0x0], $0xffff;
	vm0 =	vmor vm9, vm0  }
0x729: {  	v56 =	vmax.f32 v50, v59;
	v61 =	vld [tilespmem:$0x1FF30];
	v0 =	vsel vm0, v27, v0  }
0x72a: {  	v54 =	vmax.f32 v49, v56;
	vm10 =	veq.f32 v49, v56;
	vm11 =	vgt.u32 v0, v28  }
0x72b: {  	v38 =	vld.idx.msk [tilespmem:v53+s16+$0x0], $0xffff;
	v53 =	vmax.f32 v47, v54;
	vm12 =	vgt.f32 v49, v56;
	vm0 =	vmand vm10, vm11  }
0x72c: {  	vm13 =	veq.f32 v47, v54;
	vm15 =	vgt.f32 v47, v54;
	v54 =	vld [tilespmem:$0x1FF30];
	vm0 =	vmor vm12, vm0  }
0x72d: {  	v56 =	vld [tilespmem:$0x1FF40];
	v0 =	vsel vm0, v28, v0  }
0x72e: {  	vm14 =	vgt.u32 v0, v61  }
0x72f: {  	vm0 =	vmand vm13, vm14  }
0x730: {  	vm0 =	vmor vm15, vm0  }
0x731: {  	v43 =	vld.idx.msk [tilespmem:v29+s16+$0x0], $0xffff;
	v0 =	vsel vm0, v54, v0  }
0x732: {  	vm4 =	veq.f32 v45, v53;
	vm5 =	vgt.u32 v0, v56  }
0x733: {  	vm6 =	vgt.f32 v45, v53;
	vm0 =	vmand vm4, vm5  }
0x734: {  	vm0 =	vmor vm6, vm0  }
0x735: {  	v41 =	vld.idx.msk [tilespmem:v30+s16+$0x0], $0xffff;
	v51 =	vmax.f32 v45, v53;
	v0 =	vsel vm0, v56, v0  }
0x736: {  	vm7 =	veq.f32 v43, v51;
	vm8 =	vgt.u32 v0, v29  }
0x737: {  	vm9 =	vgt.f32 v43, v51;
	vm0 =	vmand vm7, vm8  }
0x738: {  	vm0 =	vmor vm9, vm0  }
0x739: {  	v39 =	vld.idx.msk [tilespmem:v21+s16+$0x0], $0xffff;
	v4 =	vmax.f32 v43, v51;
	v0 =	vsel vm0, v29, v0  }
0x73a: {  	vm10 =	veq.f32 v41, v4;
	vm11 =	vgt.u32 v0, v30  }
0x73b: {  	vm12 =	vgt.f32 v41, v4;
	vm0 =	vmand vm10, vm11  }
0x73c: {  	vm0 =	vmor vm12, vm0  }
0x73d: {  	v46 =	vmax.f32 v41, v4;
	v53 =	vld [tilespmem:$0x1FEC0];
	v0 =	vsel vm0, v30, v0  }
0x73e: {  	vm13 =	veq.f32 v39, v46;
	vm14 =	vgt.u32 v0, v21  }
0x73f: {  	vm15 =	vgt.f32 v39, v46;
	vm0 =	vmand vm13, vm14  }
0x740: {  	vm0 =	vmor vm15, vm0  }
0x741: {  	v36 =	vld.idx.msk [tilespmem:v15+s16+$0x0], $0xffff;
	v44 =	vmax.f32 v39, v46;
	v0 =	vsel vm0, v21, v0  }
0x742: {  	vm4 =	veq.f32 v38, v44;
	vm5 =	vgt.u32 v0, v53  }
0x743: {  	vm6 =	vgt.f32 v38, v44;
	vm0 =	vmand vm4, vm5  }
0x744: {  	vm0 =	vmor vm6, vm0  }
0x745: {  	v35 =	vld.idx.msk [tilespmem:v32+s16+$0x0], $0xffff;
	v7 =	vmax.f32 v38, v44;
	v0 =	vsel vm0, v53, v0  }
0x746: {  	vm7 =	veq.f32 v36, v7;
	vm8 =	vgt.u32 v0, v15  }
0x747: {  	v12 =	vld [tilespmem:$0x1FE60];
	vm9 =	vgt.f32 v36, v7;
	vm0 =	vmand vm7, vm8  }
0x748: {  	v9 =	vld [tilespmem:$0x1FE30];
	vm0 =	vmor vm9, vm0  }
0x749: {  	v40 =	vmax.f32 v36, v7;
	v62 =	vld.idx.msk [tilespmem:v18+s16+$0x0], $0xffff;
	v0 =	vsel vm0, v15, v0  }
0x74a: {  	v48 =	vld [tilespmem:$0x1FE90];
	vm10 =	veq.f32 v35, v40;
	vm11 =	vgt.u32 v0, v32  }
0x74b: {  	v11 =	vld [tilespmem:$0x1FE50];
	vm12 =	vgt.f32 v35, v40;
	vm0 =	vmand vm10, vm11  }
0x74c: {  	p1 =	sne.s32 s17, $0x1F0;
	v63 =	vld [tilespmem:$0x1FEE0];
	vm0 =	vmor vm12, vm0  }
.Ltmp10:
0x74d: {  	v42 =	vld [tilespmem:$0x1FEB0];
	v37 =	vmax.f32 v35, v40;
	v0 =	vsel vm0, v32, v0;
	(pc) =	sbr.rel @p1 .LBB2_22-.Ltmp10, $4  }
0x74e: {  	s18 =	smov.u32 s17;
	v10 =	vld [tilespmem:$0x1FE40];
	vm13 =	veq.f32 v62, v37;
	vm14 =	vgt.u32 v0, v18;
	v0 =	vand.u32 $0x1F, v0  }
0x74f: {  	s19 =	sand.u32 $0x180, s18;
	v47 =	vld [tilespmem:$0x1FE80];
	vm15 =	vgt.f32 v62, v37;
	vm0 =	vmand vm13, vm14;
	v0 =	vcvt.s32.f32 v0  }
0x750: {  	s18 =	sand.u32 $0x70, s18;
	s19 =	sadd.s32 s19, s14;
	v45 =	vld [tilespmem:$0x1FE70];
	vm0 =	vmor vm15, vm0  }
0x751: {  	s17 =	sadd.s32 $0x10, s17;
	s18 =	sadd.s32 s18, s19;
	v34 =	vmov v20;
	v51 =	vld [tilespmem:$0x1FEA0];
	v35 =	vsel vm0, v63, v0  }
0x752: {  	s16 =	sadd.s32 @!p0 s15, s24  }
0x753: {  	s17 =	simm.s32 @!p0 $0x80;
	s16 =	sshrl.u32 @!p0 s16, $0x3  }
0x754: {  	[tilespmem:s18+$0x400] =	vst v35;
	s18 =	simm.s32 @!p0 $0x400;
	s19 =	simm.s32 @!p0 $0x8000;
	s16 =	sadd.s32 @!p0 s5, s16  }
0x755: {  	[tilespmem:s19], [sflag:$0x3] =	stream.strided.gather @!p0 [hbm4b:s16+s17], $0x4000, s18, s17, $0x38;
	[tilespmem:$0x16080] =	vst v63  }
0x756: {  	_ =	swait.ge [sflag:s1], $0x4000  }
0x757: {  	v14 =	vld [tilespmem:$0x1FE10]  }
0x758: {  	v13 =	vld [tilespmem:$0x1FE00];
	_ =	sdelay $0x4  }
0x759: {  	[sflag:s1] =	ssyncset.done $0x0  }
0x75a: {  	s16 =	simm.s32 $0xC000;
	[sflag:s1] =	ssyncadd.s32 $0xFFFFC000  }
0x75b: {  	v0 =	vld.idx.msk [tilespmem:v14+s16+$0x0], $0xffff  }
0x75c: {  	v1 =	vld.idx.msk [tilespmem:v13+s16+$0x0], $0xffff  }
0x75d: {  	v2 =	vld.idx.msk [tilespmem:v9+s16+$0x0], $0xffff  }
0x75e: {  	v3 =	vld.idx.msk [tilespmem:v10+s16+$0x0], $0xffff  }
0x75f: {  	v4 =	vld.idx.msk [tilespmem:v11+s16+$0x0], $0xffff  }
0x760: {  	v5 =	vld.idx.msk [tilespmem:v12+s16+$0x0], $0xffff  }
0x761: {  	vm0 =	vgt.f32 v1, v0;
	v0 =	vmax.f32 v1, v0  }
0x762: {  	v58 =	vld.idx.msk [tilespmem:v45+s16+$0x0], $0xffff;
	vm1 =	vgt.f32 v2, v0;
	v0 =	vmax.f32 v2, v0;
	v59 =	vsel vm0, v13, v14  }
0x763: {  	vm8 =	vgt.f32 v3, v0;
	v0 =	vmax.f32 v3, v0;
	v2 =	vsel vm1, v9, v59  }
0x764: {  	vm9 =	vgt.f32 v4, v0;
	v0 =	vmax.f32 v4, v0;
	v2 =	vsel vm8, v10, v2  }
0x765: {  	v2 =	vsel vm9, v11, v2;
	vm10 =	vgt.f32 v5, v0  }
0x766: {  	v60 =	vld.idx.msk [tilespmem:v47+s16+$0x0], $0xffff;
	v0 =	vmax.f32 v5, v0;
	v2 =	vsel vm10, v12, v2  }
0x767: {  	vm11 =	veq.f32 v58, v0;
	vm12 =	vgt.u32 v2, v45  }
0x768: {  	vm2 =	vgt.f32 v58, v0;
	vm0 =	vmand vm11, vm12  }
0x769: {  	vm0 =	vmor vm2, vm0  }
0x76a: {  	v61 =	vld.idx.msk [tilespmem:v48+s16+$0x0], $0xffff;
	v0 =	vmax.f32 v58, v0;
	v2 =	vsel vm0, v45, v2  }
0x76b: {  	vm13 =	veq.f32 v60, v0;
	vm14 =	vgt.u32 v2, v47  }
0x76c: {  	vm15 =	vgt.f32 v60, v0;
	vm0 =	vmand vm13, vm14  }
0x76d: {  	vm0 =	vmor vm15, vm0  }
0x76e: {  	v62 =	vld.idx.msk [tilespmem:v51+s16+$0x0], $0xffff;
	v0 =	vmax.f32 v60, v0;
	v2 =	vsel vm0, v47, v2  }
0x76f: {  	vm4 =	veq.f32 v61, v0;
	vm5 =	vgt.u32 v2, v48  }
0x770: {  	vm6 =	vgt.f32 v61, v0;
	vm0 =	vmand vm4, vm5  }
0x771: {  	vm0 =	vmor vm6, vm0  }
0x772: {  	v63 =	vld.idx.msk [tilespmem:v42+s16+$0x0], $0xffff;
	v0 =	vmax.f32 v61, v0;
	v2 =	vsel vm0, v48, v2  }
0x773: {  	vm7 =	veq.f32 v62, v0;
	vm8 =	vgt.u32 v2, v51  }
0x774: {  	vm9 =	vgt.f32 v62, v0;
	vm0 =	vmand vm7, vm8  }
0x775: {  	vm0 =	vmor vm9, vm0  }
0x776: {  	v6 =	vld.idx.msk [tilespmem:v31+s16+$0x0], $0xffff;
	v0 =	vmax.f32 v62, v0;
	v2 =	vsel vm0, v51, v2  }
0x777: {  	vm10 =	veq.f32 v63, v0;
	vm11 =	vgt.u32 v2, v42  }
0x778: {  	vm12 =	vgt.f32 v63, v0;
	vm0 =	vmand vm10, vm11  }
0x779: {  	vm0 =	vmor vm12, vm0  }
0x77a: {  	v7 =	vld.idx.msk [tilespmem:v16+s16+$0x0], $0xffff;
	v0 =	vmax.f32 v63, v0;
	v2 =	vsel vm0, v42, v2  }
0x77b: {  	vm13 =	veq.f32 v6, v0;
	vm14 =	vgt.u32 v2, v31  }
0x77c: {  	vm15 =	vgt.f32 v6, v0;
	vm0 =	vmand vm13, vm14  }
0x77d: {  	vm0 =	vmor vm15, vm0  }
0x77e: {  	v33 =	vld.idx.msk [tilespmem:v17+s16+$0x0], $0xffff;
	v0 =	vmax.f32 v6, v0;
	v2 =	vsel vm0, v31, v2  }
0x77f: {  	vm4 =	veq.f32 v7, v0;
	vm5 =	vgt.u32 v2, v16  }
0x780: {  	vm6 =	vgt.f32 v7, v0;
	vm0 =	vmand vm4, vm5  }
0x781: {  	vm0 =	vmor vm6, vm0  }
0x782: {  	v35 =	vld.idx.msk [tilespmem:v19+s16+$0x0], $0xffff;
	v0 =	vmax.f32 v7, v0;
	v2 =	vsel vm0, v16, v2  }
0x783: {  	vm7 =	veq.f32 v33, v0;
	vm8 =	vgt.u32 v2, v17  }
0x784: {  	vm9 =	vgt.f32 v33, v0;
	vm0 =	vmand vm7, vm8  }
0x785: {  	vm0 =	vmor vm9, vm0  }
0x786: {  	v36 =	vld.idx.msk [tilespmem:v34+s16+$0x0], $0xffff;
	v0 =	vmax.f32 v33, v0;
	v2 =	vsel vm0, v17, v2  }
0x787: {  	vm10 =	veq.f32 v35, v0;
	vm11 =	vgt.u32 v2, v19  }
0x788: {  	vm12 =	vgt.f32 v35, v0;
	vm0 =	vmand vm10, vm11  }
0x789: {  	vm0 =	vmor vm12, vm0  }
0x78a: {  	v37 =	vld.idx.msk [tilespmem:v22+s16+$0x0], $0xffff;
	v0 =	vmax.f32 v35, v0;
	v2 =	vsel vm0, v19, v2  }
0x78b: {  	vm13 =	veq.f32 v36, v0;
	vm14 =	vgt.u32 v2, v34  }
0x78c: {  	vm15 =	vgt.f32 v36, v0;
	vm0 =	vmand vm13, vm14  }
0x78d: {  	vm0 =	vmor vm15, vm0  }
0x78e: {  	v38 =	vld.idx.msk [tilespmem:v23+s16+$0x0], $0xffff;
	v0 =	vmax.f32 v36, v0;
	v2 =	vsel vm0, v34, v2  }
0x78f: {  	vm4 =	veq.f32 v37, v0;
	vm5 =	vgt.u32 v2, v22  }
0x790: {  	vm6 =	vgt.f32 v37, v0;
	vm0 =	vmand vm4, vm5  }
0x791: {  	vm0 =	vmor vm6, vm0  }
0x792: {  	v39 =	vld.idx.msk [tilespmem:v24+s16+$0x0], $0xffff;
	v0 =	vmax.f32 v37, v0;
	v2 =	vsel vm0, v22, v2  }
0x793: {  	vm7 =	veq.f32 v38, v0;
	vm8 =	vgt.u32 v2, v23  }
0x794: {  	vm9 =	vgt.f32 v38, v0;
	vm0 =	vmand vm7, vm8  }
0x795: {  	vm0 =	vmor vm9, vm0  }
0x796: {  	v40 =	vld.idx.msk [tilespmem:v25+s16+$0x0], $0xffff;
	v0 =	vmax.f32 v38, v0;
	v2 =	vsel vm0, v23, v2  }
0x797: {  	vm10 =	veq.f32 v39, v0;
	vm11 =	vgt.u32 v2, v24  }
0x798: {  	vm12 =	vgt.f32 v39, v0;
	vm0 =	vmand vm10, vm11  }
0x799: {  	vm0 =	vmor vm12, vm0  }
0x79a: {  	v41 =	vld.idx.msk [tilespmem:v26+s16+$0x0], $0xffff;
	v0 =	vmax.f32 v39, v0;
	v2 =	vsel vm0, v24, v2  }
0x79b: {  	vm13 =	veq.f32 v40, v0;
	vm14 =	vgt.u32 v2, v25  }
0x79c: {  	vm15 =	vgt.f32 v40, v0;
	vm0 =	vmand vm13, vm14  }
0x79d: {  	vm0 =	vmor vm15, vm0  }
0x79e: {  	v43 =	vld.idx.msk [tilespmem:v27+s16+$0x0], $0xffff;
	v0 =	vmax.f32 v40, v0;
	v2 =	vsel vm0, v25, v2  }
0x79f: {  	vm4 =	veq.f32 v41, v0;
	vm5 =	vgt.u32 v2, v26  }
0x7a0: {  	vm6 =	vgt.f32 v41, v0;
	vm0 =	vmand vm4, vm5  }
0x7a1: {  	vm0 =	vmor vm6, vm0  }
0x7a2: {  	v44 =	vld.idx.msk [tilespmem:v28+s16+$0x0], $0xffff;
	v0 =	vmax.f32 v41, v0;
	v2 =	vsel vm0, v26, v2  }
0x7a3: {  	vm7 =	veq.f32 v43, v0;
	vm8 =	vgt.u32 v2, v27  }
0x7a4: {  	vm9 =	vgt.f32 v43, v0;
	vm0 =	vmand vm7, vm8  }
0x7a5: {  	vm0 =	vmor vm9, vm0  }
0x7a6: {  	v46 =	vld.idx.msk [tilespmem:v54+s16+$0x0], $0xffff;
	v0 =	vmax.f32 v43, v0;
	v2 =	vsel vm0, v27, v2  }
0x7a7: {  	vm10 =	veq.f32 v44, v0;
	vm11 =	vgt.u32 v2, v28  }
0x7a8: {  	vm12 =	vgt.f32 v44, v0;
	vm0 =	vmand vm10, vm11  }
0x7a9: {  	vm0 =	vmor vm12, vm0  }
0x7aa: {  	v49 =	vld.idx.msk [tilespmem:v56+s16+$0x0], $0xffff;
	v0 =	vmax.f32 v44, v0;
	v2 =	vsel vm0, v28, v2  }
0x7ab: {  	vm13 =	veq.f32 v46, v0;
	vm14 =	vgt.u32 v2, v54  }
0x7ac: {  	vm15 =	vgt.f32 v46, v0;
	vm0 =	vmand vm13, vm14  }
0x7ad: {  	vm0 =	vmor vm15, vm0  }
0x7ae: {  	v50 =	vld.idx.msk [tilespmem:v29+s16+$0x0], $0xffff;
	v0 =	vmax.f32 v46, v0;
	v2 =	vsel vm0, v54, v2  }
0x7af: {  	vm4 =	veq.f32 v49, v0;
	vm5 =	vgt.u32 v2, v56  }
0x7b0: {  	vm6 =	vgt.f32 v49, v0;
	vm0 =	vmand vm4, vm5  }
0x7b1: {  	vm0 =	vmor vm6, vm0  }
0x7b2: {  	v52 =	vld.idx.msk [tilespmem:v30+s16+$0x0], $0xffff;
	v0 =	vmax.f32 v49, v0;
	v2 =	vsel vm0, v56, v2  }
0x7b3: {  	vm7 =	veq.f32 v50, v0;
	vm8 =	vgt.u32 v2, v29  }
0x7b4: {  	vm9 =	vgt.f32 v50, v0;
	vm0 =	vmand vm7, vm8  }
0x7b5: {  	vm0 =	vmor vm9, vm0  }
0x7b6: {  	v55 =	vld.idx.msk [tilespmem:v21+s16+$0x0], $0xffff;
	v0 =	vmax.f32 v50, v0;
	v2 =	vsel vm0, v29, v2  }
0x7b7: {  	vm10 =	veq.f32 v52, v0;
	vm11 =	vgt.u32 v2, v30  }
0x7b8: {  	vm12 =	vgt.f32 v52, v0;
	vm0 =	vmand vm10, vm11  }
0x7b9: {  	vm0 =	vmor vm12, vm0  }
0x7ba: {  	v57 =	vld.idx.msk [tilespmem:v53+s16+$0x0], $0xffff;
	v0 =	vmax.f32 v52, v0;
	v2 =	vsel vm0, v30, v2  }
0x7bb: {  	vm13 =	veq.f32 v55, v0;
	vm14 =	vgt.u32 v2, v21  }
0x7bc: {  	vm15 =	vgt.f32 v55, v0;
	vm0 =	vmand vm13, vm14  }
0x7bd: {  	vm0 =	vmor vm15, vm0  }
0x7be: {  	v58 =	vld.idx.msk [tilespmem:v15+s16+$0x0], $0xffff;
	v0 =	vmax.f32 v55, v0;
	v2 =	vsel vm0, v21, v2  }
0x7bf: {  	vm4 =	veq.f32 v57, v0;
	vm5 =	vgt.u32 v2, v53  }
0x7c0: {  	vm6 =	vgt.f32 v57, v0;
	vm0 =	vmand vm4, vm5  }
0x7c1: {  	vm0 =	vmor vm6, vm0  }
0x7c2: {  	v59 =	vld.idx.msk [tilespmem:v32+s16+$0x0], $0xffff;
	v0 =	vmax.f32 v57, v0;
	v2 =	vsel vm0, v53, v2  }
0x7c3: {  	vm7 =	veq.f32 v58, v0;
	vm8 =	vgt.u32 v2, v15  }
0x7c4: {  	vm9 =	vgt.f32 v58, v0;
	vm0 =	vmand vm7, vm8  }
0x7c5: {  	vm0 =	vmor vm9, vm0  }
0x7c6: {  	v60 =	vld.idx.msk [tilespmem:v18+s16+$0x0], $0xffff;
	v0 =	vmax.f32 v58, v0;
	v2 =	vsel vm0, v15, v2  }
0x7c7: {  	vm10 =	veq.f32 v59, v0;
	vm11 =	vgt.u32 v2, v32  }
0x7c8: {  	vm12 =	vgt.f32 v59, v0;
	vm0 =	vmand vm10, vm11  }
0x7c9: {  	v63 =	vld [tilespmem:$0x1FEE0];
	vm0 =	vmor vm12, vm0  }
0x7ca: {  	v0 =	vmax.f32 v59, v0;
	v61 =	vsel vm0, v32, v2  }
0x7cb: {  	s19 =	simm.s32 $0x0;
	vm13 =	veq.f32 v60, v0;
	vm14 =	vgt.u32 v61, v18;
	v1 =	vand.u32 $0x1F, v61  }
0x7cc: {  	s18 =	sand.u32 $0x180, s19;
	vm15 =	vgt.f32 v60, v0;
	vm0 =	vmand vm13, vm14;
	v62 =	vcvt.s32.f32 v1  }
0x7cd: {  	s19 =	sand.u32 $0x70, s19;
	s18 =	sadd.s32 s18, s14;
	vm0 =	vmor vm15, vm0  }
0x7ce: {  	s17 =	simm.s32 $0x10;
	s18 =	sadd.s32 s19, s18;
	v35 =	vsel vm0, v63, v62  }
.LBB2_24:
0x7cf: {  	v7 =	vld [tilespmem:$0x1FE10]  }
0x7d0: {  	v8 =	vld [tilespmem:$0x1FE00];
	_ =	sdelay $0x5  }
0x7d1: {  	[tilespmem:s18+$0x600] =	vst v35;
	s16 =	sadd.s32 $0x200, s16  }
0x7d2: {  	v0 =	vld.idx.msk [tilespmem:v7+s16+$0x0], $0xffff  }
0x7d3: {  	v1 =	vld.idx.msk [tilespmem:v8+s16+$0x0], $0xffff  }
0x7d4: {  	v2 =	vld.idx.msk [tilespmem:v9+s16+$0x0], $0xffff  }
0x7d5: {  	v3 =	vld.idx.msk [tilespmem:v10+s16+$0x0], $0xffff  }
0x7d6: {  	v4 =	vld.idx.msk [tilespmem:v11+s16+$0x0], $0xffff  }
0x7d7: {  	v5 =	vld.idx.msk [tilespmem:v12+s16+$0x0], $0xffff  }
0x7d8: {  	vm0 =	vgt.f32 v1, v0;
	v0 =	vmax.f32 v1, v0  }
0x7d9: {  	v6 =	vld.idx.msk [tilespmem:v45+s16+$0x0], $0xffff;
	v7 =	vsel vm0, v8, v7;
	vm8 =	vgt.f32 v2, v0;
	v0 =	vmax.f32 v2, v0  }
0x7da: {  	v7 =	vsel vm8, v9, v7;
	vm9 =	vgt.f32 v3, v0;
	v0 =	vmax.f32 v3, v0  }
0x7db: {  	v7 =	vsel vm9, v10, v7;
	vm10 =	vgt.f32 v4, v0;
	v0 =	vmax.f32 v4, v0  }
0x7dc: {  	v7 =	vsel vm10, v11, v7;
	vm11 =	vgt.f32 v5, v0  }
0x7dd: {  	v36 =	vld.idx.msk [tilespmem:v47+s16+$0x0], $0xffff;
	v0 =	vmax.f32 v5, v0;
	v7 =	vsel vm11, v12, v7  }
0x7de: {  	vm12 =	veq.f32 v6, v0;
	vm1 =	vgt.u32 v7, v45  }
0x7df: {  	vm2 =	vgt.f32 v6, v0;
	vm0 =	vmand vm12, vm1  }
0x7e0: {  	vm0 =	vmor vm2, vm0  }
0x7e1: {  	v37 =	vld.idx.msk [tilespmem:v48+s16+$0x0], $0xffff;
	v8 =	vmax.f32 v6, v0;
	v7 =	vsel vm0, v45, v7  }
0x7e2: {  	vm13 =	veq.f32 v36, v8;
	vm14 =	vgt.u32 v7, v47  }
0x7e3: {  	vm15 =	vgt.f32 v36, v8;
	vm0 =	vmand vm13, vm14  }
0x7e4: {  	vm0 =	vmor vm15, vm0  }
0x7e5: {  	v38 =	vld.idx.msk [tilespmem:v51+s16+$0x0], $0xffff;
	v10 =	vmax.f32 v36, v8;
	v7 =	vsel vm0, v47, v7  }
0x7e6: {  	vm4 =	veq.f32 v37, v10;
	vm5 =	vgt.u32 v7, v48  }
0x7e7: {  	vm6 =	vgt.f32 v37, v10;
	vm0 =	vmand vm4, vm5  }
0x7e8: {  	vm0 =	vmor vm6, vm0  }
0x7e9: {  	v4 =	vld.idx.msk [tilespmem:v42+s16+$0x0], $0xffff;
	v39 =	vmax.f32 v37, v10;
	v7 =	vsel vm0, v48, v7  }
0x7ea: {  	vm7 =	veq.f32 v38, v39;
	vm8 =	vgt.u32 v7, v51  }
0x7eb: {  	vm9 =	vgt.f32 v38, v39;
	vm0 =	vmand vm7, vm8  }
0x7ec: {  	vm0 =	vmor vm9, vm0  }
0x7ed: {  	v5 =	vld.idx.msk [tilespmem:v31+s16+$0x0], $0xffff;
	v12 =	vmax.f32 v38, v39;
	v46 =	vsel vm0, v51, v7  }
0x7ee: {  	vm10 =	veq.f32 v4, v12;
	vm11 =	vgt.u32 v46, v42  }
0x7ef: {  	vm12 =	vgt.f32 v4, v12;
	vm0 =	vmand vm10, vm11  }
0x7f0: {  	vm0 =	vmor vm12, vm0  }
0x7f1: {  	v9 =	vld.idx.msk [tilespmem:v16+s16+$0x0], $0xffff;
	v14 =	vmax.f32 v4, v12;
	v0 =	vsel vm0, v42, v46  }
0x7f2: {  	vm13 =	veq.f32 v5, v14;
	vm14 =	vgt.u32 v0, v31  }
0x7f3: {  	vm15 =	vgt.f32 v5, v14;
	vm0 =	vmand vm13, vm14  }
0x7f4: {  	vm0 =	vmor vm15, vm0  }
0x7f5: {  	v11 =	vld.idx.msk [tilespmem:v17+s16+$0x0], $0xffff;
	v33 =	vmax.f32 v5, v14;
	v0 =	vsel vm0, v31, v0  }
0x7f6: {  	vm4 =	veq.f32 v9, v33;
	vm5 =	vgt.u32 v0, v16  }
0x7f7: {  	vm6 =	vgt.f32 v9, v33;
	vm0 =	vmand vm4, vm5  }
0x7f8: {  	vm0 =	vmor vm6, vm0  }
0x7f9: {  	v6 =	vld.idx.msk [tilespmem:v19+s16+$0x0], $0xffff;
	v1 =	vmax.f32 v9, v33;
	v0 =	vsel vm0, v16, v0  }
0x7fa: {  	vm7 =	veq.f32 v11, v1;
	vm8 =	vgt.u32 v0, v17  }
0x7fb: {  	vm9 =	vgt.f32 v11, v1;
	vm0 =	vmand vm7, vm8  }
0x7fc: {  	vm0 =	vmor vm9, vm0  }
0x7fd: {  	v13 =	vld.idx.msk [tilespmem:v34+s16+$0x0], $0xffff;
	v8 =	vmax.f32 v11, v1;
	v0 =	vsel vm0, v17, v0  }
0x7fe: {  	vm10 =	veq.f32 v6, v8;
	vm11 =	vgt.u32 v0, v19  }
0x7ff: {  	vm12 =	vgt.f32 v6, v8;
	vm0 =	vmand vm10, vm11  }
0x800: {  	vm0 =	vmor vm12, vm0  }
0x801: {  	v60 =	vld.idx.msk [tilespmem:v22+s16+$0x0], $0xffff;
	v34 =	vmax.f32 v6, v8;
	v0 =	vsel vm0, v19, v0  }
0x802: {  	vm13 =	veq.f32 v13, v34;
	vm14 =	vgt.u32 v0, v20  }
0x803: {  	vm15 =	vgt.f32 v13, v34;
	vm0 =	vmand vm13, vm14  }
0x804: {  	vm0 =	vmor vm15, vm0  }
0x805: {  	v58 =	vld.idx.msk [tilespmem:v23+s16+$0x0], $0xffff;
	v62 =	vmax.f32 v13, v34;
	v0 =	vsel vm0, v20, v0  }
0x806: {  	vm4 =	veq.f32 v60, v62;
	vm5 =	vgt.u32 v0, v22  }
0x807: {  	vm6 =	vgt.f32 v60, v62;
	vm0 =	vmand vm4, vm5  }
0x808: {  	vm0 =	vmor vm6, vm0  }
0x809: {  	v57 =	vld.idx.msk [tilespmem:v24+s16+$0x0], $0xffff;
	v2 =	vmax.f32 v60, v62;
	v0 =	vsel vm0, v22, v0  }
0x80a: {  	vm7 =	veq.f32 v58, v2;
	vm8 =	vgt.u32 v0, v23  }
0x80b: {  	vm9 =	vgt.f32 v58, v2;
	vm0 =	vmand vm7, vm8  }
0x80c: {  	vm0 =	vmor vm9, vm0  }
0x80d: {  	v55 =	vld.idx.msk [tilespmem:v25+s16+$0x0], $0xffff;
	v10 =	vmax.f32 v58, v2;
	v0 =	vsel vm0, v23, v0  }
0x80e: {  	vm10 =	veq.f32 v57, v10;
	vm11 =	vgt.u32 v0, v24  }
0x80f: {  	vm12 =	vgt.f32 v57, v10;
	vm0 =	vmand vm10, vm11  }
0x810: {  	vm0 =	vmor vm12, vm0  }
0x811: {  	v52 =	vld.idx.msk [tilespmem:v26+s16+$0x0], $0xffff;
	v63 =	vmax.f32 v57, v10;
	v0 =	vsel vm0, v24, v0  }
0x812: {  	vm13 =	veq.f32 v55, v63;
	vm14 =	vgt.u32 v0, v25  }
0x813: {  	vm15 =	vgt.f32 v55, v63;
	vm0 =	vmand vm13, vm14  }
0x814: {  	vm0 =	vmor vm15, vm0  }
0x815: {  	v50 =	vld.idx.msk [tilespmem:v27+s16+$0x0], $0xffff;
	v61 =	vmax.f32 v55, v63;
	v0 =	vsel vm0, v25, v0  }
0x816: {  	vm4 =	veq.f32 v52, v61;
	vm5 =	vgt.u32 v0, v26  }
0x817: {  	vm6 =	vgt.f32 v52, v61;
	vm0 =	vmand vm4, vm5  }
0x818: {  	vm0 =	vmor vm6, vm0  }
0x819: {  	v49 =	vld.idx.msk [tilespmem:v28+s16+$0x0], $0xffff;
	v59 =	vmax.f32 v52, v61;
	v0 =	vsel vm0, v26, v0  }
0x81a: {  	v47 =	vld.idx.msk [tilespmem:v54+s16+$0x0], $0xffff;
	vm7 =	veq.f32 v50, v59;
	vm8 =	vgt.u32 v0, v27  }
0x81b: {  	vm9 =	vgt.f32 v50, v59;
	vm0 =	vmand vm7, vm8  }
0x81c: {  	v45 =	vld.idx.msk [tilespmem:v56+s16+$0x0], $0xffff;
	vm0 =	vmor vm9, vm0  }
0x81d: {  	v56 =	vmax.f32 v50, v59;
	v61 =	vld [tilespmem:$0x1FF30];
	v0 =	vsel vm0, v27, v0  }
0x81e: {  	v54 =	vmax.f32 v49, v56;
	vm10 =	veq.f32 v49, v56;
	vm11 =	vgt.u32 v0, v28  }
0x81f: {  	v38 =	vld.idx.msk [tilespmem:v53+s16+$0x0], $0xffff;
	v53 =	vmax.f32 v47, v54;
	vm12 =	vgt.f32 v49, v56;
	vm0 =	vmand vm10, vm11  }
0x820: {  	vm13 =	veq.f32 v47, v54;
	vm15 =	vgt.f32 v47, v54;
	v54 =	vld [tilespmem:$0x1FF30];
	vm0 =	vmor vm12, vm0  }
0x821: {  	v56 =	vld [tilespmem:$0x1FF40];
	v0 =	vsel vm0, v28, v0  }
0x822: {  	vm14 =	vgt.u32 v0, v61  }
0x823: {  	vm0 =	vmand vm13, vm14  }
0x824: {  	vm0 =	vmor vm15, vm0  }
0x825: {  	v43 =	vld.idx.msk [tilespmem:v29+s16+$0x0], $0xffff;
	v0 =	vsel vm0, v54, v0  }
0x826: {  	vm4 =	veq.f32 v45, v53;
	vm5 =	vgt.u32 v0, v56  }
0x827: {  	vm6 =	vgt.f32 v45, v53;
	vm0 =	vmand vm4, vm5  }
0x828: {  	vm0 =	vmor vm6, vm0  }
0x829: {  	v41 =	vld.idx.msk [tilespmem:v30+s16+$0x0], $0xffff;
	v51 =	vmax.f32 v45, v53;
	v0 =	vsel vm0, v56, v0  }
0x82a: {  	vm7 =	veq.f32 v43, v51;
	vm8 =	vgt.u32 v0, v29  }
0x82b: {  	vm9 =	vgt.f32 v43, v51;
	vm0 =	vmand vm7, vm8  }
0x82c: {  	vm0 =	vmor vm9, vm0  }
0x82d: {  	v39 =	vld.idx.msk [tilespmem:v21+s16+$0x0], $0xffff;
	v4 =	vmax.f32 v43, v51;
	v0 =	vsel vm0, v29, v0  }
0x82e: {  	vm10 =	veq.f32 v41, v4;
	vm11 =	vgt.u32 v0, v30  }
0x82f: {  	vm12 =	vgt.f32 v41, v4;
	vm0 =	vmand vm10, vm11  }
0x830: {  	vm0 =	vmor vm12, vm0  }
0x831: {  	v46 =	vmax.f32 v41, v4;
	v53 =	vld [tilespmem:$0x1FEC0];
	v0 =	vsel vm0, v30, v0  }
0x832: {  	vm13 =	veq.f32 v39, v46;
	vm14 =	vgt.u32 v0, v21  }
0x833: {  	vm15 =	vgt.f32 v39, v46;
	vm0 =	vmand vm13, vm14  }
0x834: {  	vm0 =	vmor vm15, vm0  }
0x835: {  	v36 =	vld.idx.msk [tilespmem:v15+s16+$0x0], $0xffff;
	v44 =	vmax.f32 v39, v46;
	v0 =	vsel vm0, v21, v0  }
0x836: {  	vm4 =	veq.f32 v38, v44;
	vm5 =	vgt.u32 v0, v53  }
0x837: {  	vm6 =	vgt.f32 v38, v44;
	vm0 =	vmand vm4, vm5  }
0x838: {  	vm0 =	vmor vm6, vm0  }
0x839: {  	v35 =	vld.idx.msk [tilespmem:v32+s16+$0x0], $0xffff;
	v7 =	vmax.f32 v38, v44;
	v0 =	vsel vm0, v53, v0  }
0x83a: {  	vm7 =	veq.f32 v36, v7;
	vm8 =	vgt.u32 v0, v15  }
0x83b: {  	v12 =	vld [tilespmem:$0x1FE60];
	vm9 =	vgt.f32 v36, v7;
	vm0 =	vmand vm7, vm8  }
0x83c: {  	v9 =	vld [tilespmem:$0x1FE30];
	vm0 =	vmor vm9, vm0  }
0x83d: {  	v40 =	vmax.f32 v36, v7;
	v62 =	vld.idx.msk [tilespmem:v18+s16+$0x0], $0xffff;
	v0 =	vsel vm0, v15, v0  }
0x83e: {  	v48 =	vld [tilespmem:$0x1FE90];
	vm10 =	veq.f32 v35, v40;
	vm11 =	vgt.u32 v0, v32  }
0x83f: {  	v11 =	vld [tilespmem:$0x1FE50];
	vm12 =	vgt.f32 v35, v40;
	vm0 =	vmand vm10, vm11  }
0x840: {  	p1 =	sne.s32 s17, $0x1F0;
	v63 =	vld [tilespmem:$0x1FEE0];
	vm0 =	vmor vm12, vm0  }
.Ltmp11:
0x841: {  	v42 =	vld [tilespmem:$0x1FEB0];
	v37 =	vmax.f32 v35, v40;
	v0 =	vsel vm0, v32, v0;
	(pc) =	sbr.rel @p1 .LBB2_24-.Ltmp11, $4  }
0x842: {  	s18 =	smov.u32 s17;
	v10 =	vld [tilespmem:$0x1FE40];
	vm13 =	veq.f32 v62, v37;
	vm14 =	vgt.u32 v0, v18;
	v0 =	vand.u32 $0x1F, v0  }
0x843: {  	s19 =	sand.u32 $0x180, s18;
	v47 =	vld [tilespmem:$0x1FE80];
	vm15 =	vgt.f32 v62, v37;
	vm0 =	vmand vm13, vm14;
	v0 =	vcvt.s32.f32 v0  }
0x844: {  	s18 =	sand.u32 $0x70, s18;
	s19 =	sadd.s32 s19, s14;
	v45 =	vld [tilespmem:$0x1FE70];
	vm0 =	vmor vm15, vm0  }
0x845: {  	s17 =	sadd.s32 $0x10, s17;
	s18 =	sadd.s32 s18, s19;
	v34 =	vmov v20;
	v51 =	vld [tilespmem:$0x1FEA0];
	v35 =	vsel vm0, v63, v0  }
.Ltmp12:
0x846: {  	(pc) =	sbr.rel @p0 .LBB2_27-.Ltmp12, $3  }
0x847: {  	_ =	sdelay $0x1  }
0x848: {  	v8 =	vmov v22;
	v58 =	vmov v23  }
0x849: {  	v57 =	vmovc v24;
	v55 =	vmovc v25;
	v52 =	vmov v26;
	v50 =	vmov v27;
	v49 =	vmov v28;
	[tilespmem:s18+$0x600] =	vst v35  }
.Ltmp13:
0x84a: {  	(pc) =	sbr.rel .LBB2_17-.Ltmp13, $4  }
0x84b: {  	s14 =	sadd.s32 s15, s25  }
0x84c: {  	v31 =	vld [tilespmem:$0x1FEF0];
	s14 =	sshrl.u32 s14, $0x3  }
0x84d: {  	s8 =	sadd.s32 $0x1, s8;
	v16 =	vld [tilespmem:$0x1FF00];
	s14 =	sadd.s32 s5, s14  }
0x84e: {  	v17 =	vld [tilespmem:$0x1FF10];
	[tilespmem:s2], [sflag:$0x4] =	stream.strided.gather [hbm4b:s14+s31], $0x4000, s3, s31, $0x38  }
.LBB2_27:
0x84f: {  	s7 =	simm.s32 $0x12000  }
0x850: {  	[tilespmem:s7], [sflag:$0x5] =	stream.strided.gather [hbm4b:s21+s31], $0x2000, s3, s31, $0x38;
	[tilespmem:$0x16080] =	vst v63  }
0x851: {  	_ =	swait.ge [sflag:s29], $0x2000  }
0x852: {  	[sflag:s29] =	ssyncset.done $0x0  }
0x853: {  	s8 =	simm.s32 $0x0;
	v3 =	vld [tilespmem:$0x1FEF0];
	[sflag:s29] =	ssyncadd.s32 $0xFFFFE000  }
0x854: {  	v36 =	vld [tilespmem:s8+$0x10000]  }
0x855: {  	v37 =	vld [tilespmem:s8+$0x12000]  }
0x856: {  	v4 =	vld [tilespmem:$0x1FF00]  }
0x857: {  	v38 =	vld [tilespmem:s8+$0x14000]  }
0x858: {  	v35 =	vimm.f32 $0.0e+00;
	s7 =	simm.s32 $0x40;
	v5 =	vld [tilespmem:$0x1FF10]  }
.LBB2_28:
0x859: {  	s8 =	sshra.s32 s7, $0x2;
	p0 =	sne.s32 s7, $0x7FC0  }
.Ltmp14:
0x85a: {  	s7 =	sadd.s32 $0x40, s7;
	v0 =	vsub.f32 v36, v37;
	v36 =	vld [tilespmem:s8+$0x10000];
	(pc) =	sbr.rel @p0 .LBB2_28-.Ltmp14, $4  }
0x85b: {  	v37 =	vld [tilespmem:s8+$0x12000]  }
0x85c: {  	v0 =	vmul.f32 v38, v0  }
0x85d: {  	v38 =	vld [tilespmem:s8+$0x14000]  }
0x85e: {  	v35 =	vadd.f32 v0, v35  }
0x85f: {  	_ = 	snop  }
0x860: {  	v0 =	vsub.f32 v36, v37;
	_ =	sdelay $0x1  }
0x861: {  	v0 =	vmul.f32 v38, v0;
	_ =	sdelay $0x1  }
0x862: {  	v0 =	vadd.f32 v0, v35;
	_ =	sdelay $0x1  }
0x863: {  	(xrf2) =	vadd.scan.msk.f32 $0xffff, v0;
	_ =	sdelay $0x9  }
0x864: {  	v0, _, _ =	vpop (xrf2)  }
0x865: {  	v0 =	vmul.f32 $1.442695020e+00, v0;
	_ =	sdelay $0x1  }
0x866: {  	v0 =	vbroadcast v0, $0xF;
	_ =	sdelay $0x1  }
0x867: {  	(erf) = vpow2.f32 v0;
	v0 =	vld [tilespmem:$0x1FDF0];
	_ =	sdelay $0x7  }
0x868: {  	v0 =	vld.idx.msk [tilespmem:v0+s30+$0x0], $0xffff;
	_ =	sdelay $0x2  }
0x869: {  	v15 =	vld [tilespmem:$0x1FEE0]  }
0x86a: {  	s7 =	simm.s32 $0x0;
	v6 =	vld [tilespmem:$0x1FF20];
	v1 =	vpop (erf)  }
0x86b: {  	s8 =	simm.s32 $0x40;
	v35 =	vld [tilespmem:s7+$0x12000];
	vm0 =	vgt.f32 v1, v0  }
.LBB2_30:
0x86c: {  	p0 =	sne.s32 s8, $0x7FC0;
	v0 =	vld [tilespmem:s7+$0x10000];
	_ =	sdelay $0x1  }
.Ltmp15:
0x86d: {  	(pc) =	sbr.rel @p0 .LBB2_30-.Ltmp15, $3  }
0x86e: {  	_ =	sdelay $0x1  }
0x86f: {  	s14 =	sshra.s32 s8, $0x2;
	v0 =	vsel vm0, v0, v35  }
0x870: {  	s8 =	sadd.s32 $0x40, s8;
	v35 =	vld [tilespmem:s14+$0x12000];
	[tilespmem:s7+$0x10000] =	vst v0;
	s7 =	smov.u32 s14  }
0x871: {  	v0 =	vld [tilespmem:s7+$0x10000];
	_ =	sdelay $0x3  }
0x872: {  	s9 =	sadd.s32 $0x1, s9  }
0x873: {  	p0 =	sne.s32 s9, s26;
	v0 =	vsel vm0, v0, v35  }
.Ltmp16:
0x874: {  	s19 =	simm.s32 $0x10000;
	[tilespmem:s7+$0x10000] =	vst v0;
	(pc) =	sbr.rel @p0 .LBB2_1-.Ltmp16, $4  }
0x875: {  	[hbm4b:s22+s31] =	stream.strided.scatter [tilespmem:s19], [sflag:$0x5], $0x2000, s3, s31, $0x38;
	[tilespmem:$0x16080] =	vst v63  }
0x876: {  	_ =	swait.ge [sflag:s29], $0x2000  }
0x877: {  	[sflag:s29] =	ssyncset.done $0x0  }
0x878: {  	v31 =	vld [tilespmem:$0x1FED0];
	[sflag:s29] =	ssyncadd.s32 $0xFFFFE000  }
0x879: {  	_ =	sfence.sel $0x180000  }
0x87a: {  	[bflag:$0x0] =	sbarrier.arrive $0xFFFF  }
0x87b: {  	_ =	strace $0x90000047  }
0x87c: {  	s0 =	stileid.u32;
	[bflag:$0x2] =	sbarrier.arrive $0xFFFF  }
0x87d: {  	p0 =	sne.s32 s0, $0x0;
	s0 =	rddreg [dreg:$0x5]  }
0x87e: {  	s0 =	sadd.s32 @!p0 $0x100000, s0  }
0x87f: {  	[sflag:s0] =	ssyncadd.tile.s32 @!p0 $0x1;
	_ =	shalt  }
.Lfunc_end2:
_tile_overlayer_lowered:
.L_overlay_start_2:
0x880: {  	(tag) =	ssettag $0x2  }
0x881: {  	s0 =	rddreg [dreg:$0x0];
	s2 =	stileid.u32  }
0x882: {  	s1 =	rddreg [dreg:$0x1];
	p0 =	sne.s32 s2, $0x0  }
0x883: {  	s3 =	rddreg [dreg:$0x2];
	[bflag:$0x3] =	sbarrier.arrive $0xFFFF;
	s2 =	simm.s32 @!p0 $0x1C05  }
0x884: {  	[timem:s3], [sflag:s2] =	dma.local @!p0 [hbm:s0], s1  }
0x885: {  	s0 =	simm.s32 @!p0 $0x5  }
0x886: {  	_ =	swait.ge @!p0 [sflag:s0], s1  }
0x887: {  	s1 =	ssub.s32 @!p0 $0x0, s1;
	[sflag:s0] =	ssyncset.done @!p0 $0x0  }
0x888: {  	[sflag:s0] =	ssyncadd.s32 @!p0 s1  }
0x889: {  	[bflag:$0x3] =	sbarrier.arrive $0xFFFF  }
0x88a: {  	_ =	shalt  }

</sc_bundles>
